<compile_context>
chip_gen: v7x
topology: tpu7x:2x2x1
jax: 0.10.2.dev20260603
libtpu: 0.0.44.dev20260713+nightly
codegen_flags: <defaults>
</compile_context>

<pallas_src>
import functools

import jax
import jax.numpy as jnp
from jax import lax
from jax.experimental import pallas as pl
from jax.experimental.pallas import tpu as pltpu
from jax.experimental.pallas import tpu_sc as plsc

_NW = 32
_L = 16
_EPB = 120
_NBLK = 41


def _project_body(m_ref, b_ref, o_ref):
    o_ref[...] = jnp.dot(
        m_ref[...], b_ref[...], preferred_element_type=jnp.float32)


def _project(mesh_signal, blog, n, blk_m):
    nc = blog.shape[1]
    return pl.pallas_call(
        _project_body,
        grid=(pl.cdiv(n, blk_m),),
        in_specs=[
            pl.BlockSpec((blk_m, mesh_signal.shape[1]), lambda i: (i, 0)),
            pl.BlockSpec(blog.shape, lambda i: (0, 0)),
        ],
        out_specs=pl.BlockSpec((blk_m, nc), lambda i: (i, 0)),
        out_shape=jax.ShapeDtypeStruct((n, nc), jnp.float32),
    )(mesh_signal, blog)


def _make_sc_kernel(n, nv_t):
    mesh = plsc.VectorSubcoreMesh(
        core_axis_name="c", subcore_axis_name="s",
        num_cores=2, num_subcores=16)

    ne2 = nv_t * 128

    @functools.partial(
        pl.kernel,
        out_type=jax.ShapeDtypeStruct((n * 32,), jnp.float32),
        mesh=mesh,
        compiler_params=pltpu.CompilerParams(
            needs_layout_passes=False, use_tc_tiling_on_sc=False),
        scratch_types=[
            pltpu.VMEM((ne2,), jnp.int32),
            pltpu.VMEM((ne2,), jnp.float32),
            pltpu.VMEM((128, 32), jnp.float32),
            pltpu.VMEM((128, 32), jnp.float32),
            pltpu.VMEM((128, 32), jnp.float32),
            pltpu.VMEM((128, 32), jnp.float32),
            pltpu.VMEM((128, 32), jnp.float32),
            pltpu.VMEM((128, 32), jnp.float32),
            pltpu.VMEM((32,), jnp.float32),
            pltpu.VMEM((nv_t * 32,), jnp.float32),
            pltpu.SemaphoreType.DMA,
            pltpu.SemaphoreType.DMA,
            pltpu.SemaphoreType.DMA,
            pltpu.SemaphoreType.DMA,
            pltpu.SemaphoreType.DMA,
            pltpu.SemaphoreType.DMA,
        ],
    )
    def sc_kernel(tab, flath, wh, biash, out,
                  flatb, wsb, g_a, g_b, g_c, g_d, g_e, g_f, biasb, outb,
                  sem_a, sem_b, sem_c, sem_d, sem_e, sem_f):
        wid = lax.axis_index("s") * 2 + lax.axis_index("c")
        g0 = lax.min(wid * nv_t, n - nv_t)

        pltpu.sync_copy(flath.at[pl.ds(g0 * 128, ne2)], flatb)
        pltpu.sync_copy(wh.at[pl.ds(g0 * 128, ne2)], wsb)
        pltpu.sync_copy(biash, biasb)

        bias_a = biasb[pl.ds(0, _L)]
        bias_b = biasb[pl.ds(_L, _L)]
        zero = jnp.zeros((_L,), jnp.float32)

        for gbuf0 in (g_a, g_b, g_c, g_d, g_e, g_f):
            for e0 in range(_EPB + 1, 128):
                gbuf0[e0, pl.ds(0, _L)] = jnp.zeros((_L,), jnp.float32)
                gbuf0[e0, pl.ds(_L, _L)] = jnp.zeros((_L,), jnp.float32)

        def fire(vl, gbuf, sem):
            pltpu.async_copy(
                tab.at[flatb.at[pl.ds(vl * 128, _EPB + 1)]],
                gbuf.at[pl.ds(0, _EPB + 1)], sem)

        def wait(vl, gbuf, sem):
            pltpu.make_async_copy(
                tab.at[flatb.at[pl.ds(vl * 128, _EPB + 1)]],
                gbuf.at[pl.ds(0, _EPB + 1)], sem).wait()

        def accumulate(vl, gbuf):
            base = vl * 128

            def acc_body(j, carry):
                accs = list(carry)
                wb = lax.broadcast(base + 8 * j, (_L,))
                for u in range(8):
                    e = j * 8 + u
                    wv = plsc.load_gather(wsb, [wb + u])
                    r0 = gbuf[e, pl.ds(0, _L)]
                    r1 = gbuf[e, pl.ds(_L, _L)]
                    k = 2 * (u % 4)
                    accs[k] = accs[k] + wv * r0
                    accs[k + 1] = accs[k + 1] + wv * r1
                return tuple(accs)

            init = (bias_a, bias_b) + (zero,) * 6
            accs = lax.fori_loop(0, 16, acc_body, init)
            acc_a = (accs[0] + accs[2]) + (accs[4] + accs[6])
            acc_b = (accs[1] + accs[3]) + (accs[5] + accs[7])
            outb[pl.ds(vl * 32, _L)] = jnp.maximum(acc_a, zero)
            outb[pl.ds(vl * 32 + _L, _L)] = jnp.maximum(acc_b, zero)

        bufs = ((g_a, sem_a), (g_b, sem_b), (g_c, sem_c), (g_d, sem_d),
                (g_e, sem_e), (g_f, sem_f))
        nb = len(bufs)
        for b in range(nb - 1):
            fire(b, *bufs[b])

        def round_body(vr, _):
            vl = vr * nb
            for b in range(nb):
                nxt = vl + b + nb - 1

                @pl.when(nxt < nv_t)
                def _():
                    fire(nxt, *bufs[(b + nb - 1) % nb])

                wait(vl + b, *bufs[b])
                accumulate(vl + b, bufs[b][0])
            return 0

        lax.fori_loop(0, nv_t // nb, round_body, 0)

        for b in range(nv_t % nb):
            vl = (nv_t // nb) * nb + b
            wait(vl, *bufs[b])
            accumulate(vl, bufs[b][0])

        pltpu.sync_copy(outb, out.at[pl.ds(g0 * 32, nv_t * 32)])

    return sc_kernel


def _prep(mesh_signal, bary_coordinates, neighbor_weights, self_weights,
          bias):
    n, f = mesh_signal.shape
    t, r, a, _ = neighbor_weights.shape
    nj = a // 2
    nra = r * a
    assert nra * 3 == _EPB and nj * t == 32 and nra + 1 == _NBLK

    nv_t = 4 * ((n + 4 * _NW - 1) // (4 * _NW))

    wrot = jnp.stack(
        [jnp.roll(neighbor_weights, -2 * j, axis=2) for j in range(nj)],
        axis=0)
    bn = wrot.transpose(4, 2, 3, 0, 1).reshape(f, nra, nj * t)
    bc = jnp.tile(self_weights[:, 0, :], (nj, 1)).T[:, None, :]
    blog = jnp.concatenate([bn, bc], axis=1).reshape(f, _NBLK * 32)
    bias32 = jnp.tile(bias, (nj,))

    pat = jnp.repeat(jnp.arange(nra, dtype=jnp.int32), 3)
    flat2 = bary_coordinates[..., 0].astype(jnp.int32).reshape(n, _EPB)
    flat2 = flat2 * _NBLK + pat[None, :]
    center = (jnp.arange(n, dtype=jnp.int32) * _NBLK + (_NBLK - 1))[:, None]
    flatx = jnp.concatenate(
        [flat2, center, jnp.zeros((n, 7), jnp.int32)], axis=1)
    flatx = flatx.reshape(n * 128)
    wsx = jnp.concatenate(
        [bary_coordinates[..., 1].reshape(n, _EPB),
         jnp.ones((n, 1), jnp.float32),
         jnp.zeros((n, 7), jnp.float32)], axis=1).reshape(n * 128)
    return blog, bias32, flatx, wsx, n, nj, t, nv_t


def kernel(mesh_signal, bary_coordinates, neighbor_weights, self_weights,
           bias):
    blog, bias32, flatx, wsx, n, nj, t, nv_t = _prep(
        mesh_signal, bary_coordinates, neighbor_weights, self_weights, bias)

    p = _project(mesh_signal, blog, n, 1000)
    tab = p.reshape(n * _NBLK, nj * t)

    sck = _make_sc_kernel(n, nv_t)
    out_flat = sck(tab, flatx, wsx, bias32)

    return out_flat.reshape(n, nj, t)

# --- scband reference (transcript-rebuilt; emitter-appended) ---
"""Pipeline reference for scband-conv-intrinsic-17102559772777 (READ-ONLY COPY).

The authoritative reference and input builder live on the scoring server;
editing this copy changes nothing except your own understanding.
"""

import jax, jax.numpy as jnp
import numpy as np

N = 10000   # n_vertices
R = 5       # n_radial
A = 8       # n_angular
F = 128     # feature_dim
T = 8       # amt_templates
DELTA = 2   # rotation_delta


def setup_inputs(seed: int = 0) -> dict:
    key = jax.random.key(seed)
    k1, k2, k3, k4, k5 = jax.random.split(key, 5)
    mesh_signal = jax.random.normal(k1, (N, F), dtype=jnp.float32)
    # barycentric coordinates: [..., 0] holds vertex indices (as float), [..., 1] holds weights
    idx = jax.random.randint(k2, (N, R, A, 3), 0, N).astype(jnp.float32)
    w = jax.random.uniform(k3, (N, R, A, 3), dtype=jnp.float32)
    w = w / jnp.sum(w, axis=-1, keepdims=True)
    bary_coordinates = jnp.stack([idx, w], axis=-1)  # (N, R, A, 3, 2)
    # learned parameters (include_prior=False, so no prior kernel tensor is needed)
    neighbor_weights = jax.random.normal(k4, (T, R, A, F), dtype=jnp.float32) * 0.05
    self_weights = jax.random.normal(k5, (T, 1, F), dtype=jnp.float32) * 0.05
    bias = jnp.zeros((T,), dtype=jnp.float32)
    return {
        "mesh_signal": mesh_signal,
        "bary_coordinates": bary_coordinates,
        "neighbor_weights": neighbor_weights,
        "self_weights": self_weights,
        "bias": bias,
    }


def reference(mesh_signal, bary_coordinates, neighbor_weights, self_weights, bias):
    # conv_center: einsum('tef,kf->ket')
    conv_center = jnp.einsum('tef,kf->ket', self_weights, mesh_signal)  # (N, 1, T)
    # _signal_retrieval: gather + barycentric interpolation
    idx = bary_coordinates[..., 0].astype(jnp.int32)          # (N, R, A, 3)
    gathered = jnp.take(mesh_signal, idx, axis=0)             # (N, R, A, 3, F)
    interpolations = jnp.sum(bary_coordinates[..., 1][..., None] * gathered, axis=-2)  # (N, R, A, F)
    # include_prior=False -> patch operator returns interpolations directly
    orientations = list(range(0, A, DELTA))
    convs = [
        jnp.einsum('traf,kraf->kt', neighbor_weights, jnp.roll(interpolations, shift=o, axis=2))
        for o in orientations
    ]
    conv_neighbor = jnp.stack(convs, axis=1)                  # (N, n_rot, T)
    return jax.nn.relu(conv_center + conv_neighbor + bias)

if __name__ == "__main__":
    import jax
    _d = setup_inputs()
    print(jax.jit(kernel)(*tuple(_d.values())))

</pallas_src>

<mosaic_0001>
#map = affine_map<(d0, d1) -> (0, 0)>
#map1 = affine_map<(d0, d1) -> (0)>
module attributes {stable_mosaic.version = 14 : i64} {
  func.func @sc_kernel(%arg0: i32, %arg1: i32, %arg2: memref<410000x32xf32, #tpu.memory_space<hbm>>, %arg3: memref<1280000xi32, #tpu.memory_space<hbm>>, %arg4: memref<1280000xf32, #tpu.memory_space<hbm>>, %arg5: memref<32xf32, #tpu.memory_space<hbm>>, %arg6: memref<320000xf32, #tpu.memory_space<hbm>>, %arg7: memref<40448xi32, #tpu.memory_space<vmem>>, %arg8: memref<40448xf32, #tpu.memory_space<vmem>>, %arg9: memref<128x32xf32, #tpu.memory_space<vmem>>, %arg10: memref<128x32xf32, #tpu.memory_space<vmem>>, %arg11: memref<128x32xf32, #tpu.memory_space<vmem>>, %arg12: memref<128x32xf32, #tpu.memory_space<vmem>>, %arg13: memref<128x32xf32, #tpu.memory_space<vmem>>, %arg14: memref<128x32xf32, #tpu.memory_space<vmem>>, %arg15: memref<32xf32, #tpu.memory_space<vmem>>, %arg16: memref<10112xf32, #tpu.memory_space<vmem>>, %arg17: memref<!tpu.dma_semaphore, #tpu.memory_space<semaphore_mem>>, %arg18: memref<!tpu.dma_semaphore, #tpu.memory_space<semaphore_mem>>, %arg19: memref<!tpu.dma_semaphore, #tpu.memory_space<semaphore_mem>>, %arg20: memref<!tpu.dma_semaphore, #tpu.memory_space<semaphore_mem>>, %arg21: memref<!tpu.dma_semaphore, #tpu.memory_space<semaphore_mem>>, %arg22: memref<!tpu.dma_semaphore, #tpu.memory_space<semaphore_mem>>) attributes {dimension_semantics = [#tpu.dimension_semantics<core_parallel>, #tpu.dimension_semantics<subcore_parallel>], iteration_bounds = array<i64: 2, 16>, scalar_prefetch = 0 : i64, scratch_operands = 16 : i64, tpu.core_type = #tpu.core_type<sc_vector_subcore>, window_params = [{transform_indices = #map}, {transform_indices = #map1}, {transform_indices = #map1}, {transform_indices = #map1}, {transform_indices = #map1}]} {
    %mul3A = arith.constant 2 : i32
    %mul3A_0 = arith.muli %arg1, %mul3A : i32
    %add3A = arith.addi %mul3A_0, %arg0 : i32
    %mul3A_1 = arith.constant 316 : i32
    %mul3A_2 = arith.muli %add3A, %mul3A_1 : i32
    %min3A = arith.constant 9684 : i32
    %min3A_3 = arith.minsi %mul3A_2, %min3A : i32
    %mul3A_4 = arith.constant 128 : i32
    %mul3A_5 = arith.muli %min3A_3, %mul3A_4 : i32
    "tpu.region"() ({
      %run_scoped3A = tpu.sem_alloc : memref<!tpu.dma_semaphore, #tpu.memory_space<semaphore_mem>>
      %dma_start3A_664 = tpu.memref_slice %arg3[%mul3A_5] : memref<1280000xi32, #tpu.memory_space<hbm>> -> memref<40448xi32, #tpu.memory_space<hbm>>
      %dma_start3A_665 = tpu.memref_slice %arg3[%mul3A_5] : memref<1280000xi32, #tpu.memory_space<hbm>> -> memref<40448xi32, #tpu.memory_space<hbm>>
      tpu.enqueue_dma source(%dma_start3A_665 : memref<40448xi32, #tpu.memory_space<hbm>>) target(%arg7 : memref<40448xi32, #tpu.memory_space<vmem>>) target_semaphore(%run_scoped3A : memref<!tpu.dma_semaphore, #tpu.memory_space<semaphore_mem>>)
      %dma_wait3A_666 = tpu.memref_slice %arg3[%mul3A_5] : memref<1280000xi32, #tpu.memory_space<hbm>> -> memref<40448xi32, #tpu.memory_space<hbm>>
      %dma_wait3A_667 = tpu.memref_slice %arg3[%mul3A_5] : memref<1280000xi32, #tpu.memory_space<hbm>> -> memref<40448xi32, #tpu.memory_space<hbm>>
      tpu.wait_dma2 semaphore(%run_scoped3A : memref<!tpu.dma_semaphore, #tpu.memory_space<semaphore_mem>>) src(%dma_wait3A_667 : memref<40448xi32, #tpu.memory_space<hbm>>) dst(%arg7 : memref<40448xi32, #tpu.memory_space<vmem>>)
      tpu.yield
    }) : () -> ()
    %mul3A_6 = arith.constant 128 : i32
    %mul3A_7 = arith.muli %min3A_3, %mul3A_6 : i32
    "tpu.region"() ({
      %run_scoped3A = tpu.sem_alloc : memref<!tpu.dma_semaphore, #tpu.memory_space<semaphore_mem>>
      %dma_start3A_664 = tpu.memref_slice %arg4[%mul3A_7] : memref<1280000xf32, #tpu.memory_space<hbm>> -> memref<40448xf32, #tpu.memory_space<hbm>>
      %dma_start3A_665 = tpu.memref_slice %arg4[%mul3A_7] : memref<1280000xf32, #tpu.memory_space<hbm>> -> memref<40448xf32, #tpu.memory_space<hbm>>
      tpu.enqueue_dma source(%dma_start3A_665 : memref<40448xf32, #tpu.memory_space<hbm>>) target(%arg8 : memref<40448xf32, #tpu.memory_space<vmem>>) target_semaphore(%run_scoped3A : memref<!tpu.dma_semaphore, #tpu.memory_space<semaphore_mem>>)
      %dma_wait3A_666 = tpu.memref_slice %arg4[%mul3A_7] : memref<1280000xf32, #tpu.memory_space<hbm>> -> memref<40448xf32, #tpu.memory_space<hbm>>
      %dma_wait3A_667 = tpu.memref_slice %arg4[%mul3A_7] : memref<1280000xf32, #tpu.memory_space<hbm>> -> memref<40448xf32, #tpu.memory_space<hbm>>
      tpu.wait_dma2 semaphore(%run_scoped3A : memref<!tpu.dma_semaphore, #tpu.memory_space<semaphore_mem>>) src(%dma_wait3A_667 : memref<40448xf32, #tpu.memory_space<hbm>>) dst(%arg8 : memref<40448xf32, #tpu.memory_space<vmem>>)
      tpu.yield
    }) : () -> ()
    "tpu.region"() ({
      %run_scoped3A = tpu.sem_alloc : memref<!tpu.dma_semaphore, #tpu.memory_space<semaphore_mem>>
      tpu.enqueue_dma source(%arg5 : memref<32xf32, #tpu.memory_space<hbm>>) target(%arg15 : memref<32xf32, #tpu.memory_space<vmem>>) target_semaphore(%run_scoped3A : memref<!tpu.dma_semaphore, #tpu.memory_space<semaphore_mem>>)
      tpu.wait_dma2 semaphore(%run_scoped3A : memref<!tpu.dma_semaphore, #tpu.memory_space<semaphore_mem>>) src(%arg5 : memref<32xf32, #tpu.memory_space<hbm>>) dst(%arg15 : memref<32xf32, #tpu.memory_space<vmem>>)
      tpu.yield
    }) : () -> ()
    %get3A = arith.constant 0 : index
    %get3A_8 = tpu.vector_load %arg15[%get3A] {strides = array<i32>} : memref<32xf32, #tpu.memory_space<vmem>>, vector<16xf32>,
    %get3A_9 = arith.constant 16 : index
    %get3A_10 = tpu.vector_load %arg15[%get3A_9] {strides = array<i32>} : memref<32xf32, #tpu.memory_space<vmem>>, vector<16xf32>,
    %broadcast_in_dim3A = arith.constant 0.000000e+00 : f32
    %broadcast_in_dim3A_11 = vector.broadcast %broadcast_in_dim3A : f32 to vector<16xf32>
    %broadcast_in_dim3A_12 = arith.constant 0.000000e+00 : f32
    %broadcast_in_dim3A_13 = vector.broadcast %broadcast_in_dim3A_12 : f32 to vector<16xf32>
    %swap3A = arith.constant 121 : i32
    %swap3A_14 = arith.index_cast %swap3A : i32 to index
    %swap3A_15 = arith.constant 0 : index
    %swap3A_16 = tpu.vector_load %arg9[%swap3A_14, %swap3A_15] {strides = array<i32>} : memref<128x32xf32, #tpu.memory_space<vmem>>, vector<16xf32>,
    tpu.vector_store %arg9[%swap3A_14, %swap3A_15], %broadcast_in_dim3A_13 {strides = array<i32>} : memref<128x32xf32, #tpu.memory_space<vmem>>, vector<16xf32>,
    %broadcast_in_dim3A_17 = arith.constant 0.000000e+00 : f32
    %broadcast_in_dim3A_18 = vector.broadcast %broadcast_in_dim3A_17 : f32 to vector<16xf32>
    %swap3A_19 = arith.constant 121 : i32
    %swap3A_20 = arith.index_cast %swap3A_19 : i32 to index
    %swap3A_21 = arith.constant 16 : index
    %swap3A_22 = tpu.vector_load %arg9[%swap3A_20, %swap3A_21] {strides = array<i32>} : memref<128x32xf32, #tpu.memory_space<vmem>>, vector<16xf32>,
    tpu.vector_store %arg9[%swap3A_20, %swap3A_21], %broadcast_in_dim3A_18 {strides = array<i32>} : memref<128x32xf32, #tpu.memory_space<vmem>>, vector<16xf32>,
    %broadcast_in_dim3A_23 = arith.constant 0.000000e+00 : f32
    %broadcast_in_dim3A_24 = vector.broadcast %broadcast_in_dim3A_23 : f32 to vector<16xf32>
    %swap3A_25 = arith.constant 122 : i32
    %swap3A_26 = arith.index_cast %swap3A_25 : i32 to index
    %swap3A_27 = arith.constant 0 : index
    %swap3A_28 = tpu.vector_load %arg9[%swap3A_26, %swap3A_27] {strides = array<i32>} : memref<128x32xf32, #tpu.memory_space<vmem>>, vector<16xf32>,
    tpu.vector_store %arg9[%swap3A_26, %swap3A_27], %broadcast_in_dim3A_24 {strides = array<i32>} : memref<128x32xf32, #tpu.memory_space<vmem>>, vector<16xf32>,
    %broadcast_in_dim3A_29 = arith.constant 0.000000e+00 : f32
    %broadcast_in_dim3A_30 = vector.broadcast %broadcast_in_dim3A_29 : f32 to vector<16xf32>
    %swap3A_31 = arith.constant 122 : i32
    %swap3A_32 = arith.index_cast %swap3A_31 : i32 to index
    %swap3A_33 = arith.constant 16 : index
    %swap3A_34 = tpu.vector_load %arg9[%swap3A_32, %swap3A_33] {strides = array<i32>} : memref<128x32xf32, #tpu.memory_space<vmem>>, vector<16xf32>,
    tpu.vector_store %arg9[%swap3A_32, %swap3A_33], %broadcast_in_dim3A_30 {strides = array<i32>} : memref<128x32xf32, #tpu.memory_space<vmem>>, vector<16xf32>,
    %broadcast_in_dim3A_35 = arith.constant 0.000000e+00 : f32
    %broadcast_in_dim3A_36 = vector.broadcast %broadcast_in_dim3A_35 : f32 to vector<16xf32>
    %swap3A_37 = arith.constant 123 : i32
    %swap3A_38 = arith.index_cast %swap3A_37 : i32 to index
    %swap3A_39 = arith.constant 0 : index
    %swap3A_40 = tpu.vector_load %arg9[%swap3A_38, %swap3A_39] {strides = array<i32>} : memref<128x32xf32, #tpu.memory_space<vmem>>, vector<16xf32>,
    tpu.vector_store %arg9[%swap3A_38, %swap3A_39], %broadcast_in_dim3A_36 {strides = array<i32>} : memref<128x32xf32, #tpu.memory_space<vmem>>, vector<16xf32>,
    %broadcast_in_dim3A_41 = arith.constant 0.000000e+00 : f32
    %broadcast_in_dim3A_42 = vector.broadcast %broadcast_in_dim3A_41 : f32 to vector<16xf32>
    %swap3A_43 = arith.constant 123 : i32
    %swap3A_44 = arith.index_cast %swap3A_43 : i32 to index
    %swap3A_45 = arith.constant 16 : index
    %swap3A_46 = tpu.vector_load %arg9[%swap3A_44, %swap3A_45] {strides = array<i32>} : memref<128x32xf32, #tpu.memory_space<vmem>>, vector<16xf32>,
    tpu.vector_store %arg9[%swap3A_44, %swap3A_45], %broadcast_in_dim3A_42 {strides = array<i32>} : memref<128x32xf32, #tpu.memory_space<vmem>>, vector<16xf32>,
    %broadcast_in_dim3A_47 = arith.constant 0.000000e+00 : f32
    %broadcast_in_dim3A_48 = vector.broadcast %broadcast_in_dim3A_47 : f32 to vector<16xf32>
    %swap3A_49 = arith.constant 124 : i32
    %swap3A_50 = arith.index_cast %swap3A_49 : i32 to index
    %swap3A_51 = arith.constant 0 : index
    %swap3A_52 = tpu.vector_load %arg9[%swap3A_50, %swap3A_51] {strides = array<i32>} : memref<128x32xf32, #tpu.memory_space<vmem>>, vector<16xf32>,
    tpu.vector_store %arg9[%swap3A_50, %swap3A_51], %broadcast_in_dim3A_48 {strides = array<i32>} : memref<128x32xf32, #tpu.memory_space<vmem>>, vector<16xf32>,
    %broadcast_in_dim3A_53 = arith.constant 0.000000e+00 : f32
    %broadcast_in_dim3A_54 = vector.broadcast %broadcast_in_dim3A_53 : f32 to vector<16xf32>
    %swap3A_55 = arith.constant 124 : i32
    %swap3A_56 = arith.index_cast %swap3A_55 : i32 to index
    %swap3A_57 = arith.constant 16 : index
    %swap3A_58 = tpu.vector_load %arg9[%swap3A_56, %swap3A_57] {strides = array<i32>} : memref<128x32xf32, #tpu.memory_space<vmem>>, vector<16xf32>,
    tpu.vector_store %arg9[%swap3A_56, %swap3A_57], %broadcast_in_dim3A_54 {strides = array<i32>} : memref<128x32xf32, #tpu.memory_space<vmem>>, vector<16xf32>,
    %broadcast_in_dim3A_59 = arith.constant 0.000000e+00 : f32
    %broadcast_in_dim3A_60 = vector.broadcast %broadcast_in_dim3A_59 : f32 to vector<16xf32>
    %swap3A_61 = arith.constant 125 : i32
    %swap3A_62 = arith.index_cast %swap3A_61 : i32 to index
    %swap3A_63 = arith.constant 0 : index
    %swap3A_64 = tpu.vector_load %arg9[%swap3A_62, %swap3A_63] {strides = array<i32>} : memref<128x32xf32, #tpu.memory_space<vmem>>, vector<16xf32>,
    tpu.vector_store %arg9[%swap3A_62, %swap3A_63], %broadcast_in_dim3A_60 {strides = array<i32>} : memref<128x32xf32, #tpu.memory_space<vmem>>, vector<16xf32>,
    %broadcast_in_dim3A_65 = arith.constant 0.000000e+00 : f32
    %broadcast_in_dim3A_66 = vector.broadcast %broadcast_in_dim3A_65 : f32 to vector<16xf32>
    %swap3A_67 = arith.constant 125 : i32
    %swap3A_68 = arith.index_cast %swap3A_67 : i32 to index
    %swap3A_69 = arith.constant 16 : index
    %swap3A_70 = tpu.vector_load %arg9[%swap3A_68, %swap3A_69] {strides = array<i32>} : memref<128x32xf32, #tpu.memory_space<vmem>>, vector<16xf32>,
    tpu.vector_store %arg9[%swap3A_68, %swap3A_69], %broadcast_in_dim3A_66 {strides = array<i32>} : memref<128x32xf32, #tpu.memory_space<vmem>>, vector<16xf32>,
    %broadcast_in_dim3A_71 = arith.constant 0.000000e+00 : f32
    %broadcast_in_dim3A_72 = vector.broadcast %broadcast_in_dim3A_71 : f32 to vector<16xf32>
    %swap3A_73 = arith.constant 126 : i32
    %swap3A_74 = arith.index_cast %swap3A_73 : i32 to index
    %swap3A_75 = arith.constant 0 : index
    %swap3A_76 = tpu.vector_load %arg9[%swap3A_74, %swap3A_75] {strides = array<i32>} : memref<128x32xf32, #tpu.memory_space<vmem>>, vector<16xf32>,
    tpu.vector_store %arg9[%swap3A_74, %swap3A_75], %broadcast_in_dim3A_72 {strides = array<i32>} : memref<128x32xf32, #tpu.memory_space<vmem>>, vector<16xf32>,
    %broadcast_in_dim3A_77 = arith.constant 0.000000e+00 : f32
    %broadcast_in_dim3A_78 = vector.broadcast %broadcast_in_dim3A_77 : f32 to vector<16xf32>
    %swap3A_79 = arith.constant 126 : i32
    %swap3A_80 = arith.index_cast %swap3A_79 : i32 to index
    %swap3A_81 = arith.constant 16 : index
    %swap3A_82 = tpu.vector_load %arg9[%swap3A_80, %swap3A_81] {strides = array<i32>} : memref<128x32xf32, #tpu.memory_space<vmem>>, vector<16xf32>,
    tpu.vector_store %arg9[%swap3A_80, %swap3A_81], %broadcast_in_dim3A_78 {strides = array<i32>} : memref<128x32xf32, #tpu.memory_space<vmem>>, vector<16xf32>,
    %broadcast_in_dim3A_83 = arith.constant 0.000000e+00 : f32
    %broadcast_in_dim3A_84 = vector.broadcast %broadcast_in_dim3A_83 : f32 to vector<16xf32>
    %swap3A_85 = arith.constant 127 : i32
    %swap3A_86 = arith.index_cast %swap3A_85 : i32 to index
    %swap3A_87 = arith.constant 0 : index
    %swap3A_88 = tpu.vector_load %arg9[%swap3A_86, %swap3A_87] {strides = array<i32>} : memref<128x32xf32, #tpu.memory_space<vmem>>, vector<16xf32>,
    tpu.vector_store %arg9[%swap3A_86, %swap3A_87], %broadcast_in_dim3A_84 {strides = array<i32>} : memref<128x32xf32, #tpu.memory_space<vmem>>, vector<16xf32>,
    %broadcast_in_dim3A_89 = arith.constant 0.000000e+00 : f32
    %broadcast_in_dim3A_90 = vector.broadcast %broadcast_in_dim3A_89 : f32 to vector<16xf32>
    %swap3A_91 = arith.constant 127 : i32
    %swap3A_92 = arith.index_cast %swap3A_91 : i32 to index
    %swap3A_93 = arith.constant 16 : index
    %swap3A_94 = tpu.vector_load %arg9[%swap3A_92, %swap3A_93] {strides = array<i32>} : memref<128x32xf32, #tpu.memory_space<vmem>>, vector<16xf32>,
    tpu.vector_store %arg9[%swap3A_92, %swap3A_93], %broadcast_in_dim3A_90 {strides = array<i32>} : memref<128x32xf32, #tpu.memory_space<vmem>>, vector<16xf32>,
    %broadcast_in_dim3A_95 = arith.constant 0.000000e+00 : f32
    %broadcast_in_dim3A_96 = vector.broadcast %broadcast_in_dim3A_95 : f32 to vector<16xf32>
    %swap3A_97 = arith.constant 121 : i32
    %swap3A_98 = arith.index_cast %swap3A_97 : i32 to index
    %swap3A_99 = arith.constant 0 : index
    %swap3A_100 = tpu.vector_load %arg10[%swap3A_98, %swap3A_99] {strides = array<i32>} : memref<128x32xf32, #tpu.memory_space<vmem>>, vector<16xf32>,
    tpu.vector_store %arg10[%swap3A_98, %swap3A_99], %broadcast_in_dim3A_96 {strides = array<i32>} : memref<128x32xf32, #tpu.memory_space<vmem>>, vector<16xf32>,
    %broadcast_in_dim3A_101 = arith.constant 0.000000e+00 : f32
    %broadcast_in_dim3A_102 = vector.broadcast %broadcast_in_dim3A_101 : f32 to vector<16xf32>
    %swap3A_103 = arith.constant 121 : i32
    %swap3A_104 = arith.index_cast %swap3A_103 : i32 to index
    %swap3A_105 = arith.constant 16 : index
    %swap3A_106 = tpu.vector_load %arg10[%swap3A_104, %swap3A_105] {strides = array<i32>} : memref<128x32xf32, #tpu.memory_space<vmem>>, vector<16xf32>,
    tpu.vector_store %arg10[%swap3A_104, %swap3A_105], %broadcast_in_dim3A_102 {strides = array<i32>} : memref<128x32xf32, #tpu.memory_space<vmem>>, vector<16xf32>,
    %broadcast_in_dim3A_107 = arith.constant 0.000000e+00 : f32
    %broadcast_in_dim3A_108 = vector.broadcast %broadcast_in_dim3A_107 : f32 to vector<16xf32>
    %swap3A_109 = arith.constant 122 : i32
    %swap3A_110 = arith.index_cast %swap3A_109 : i32 to index
    %swap3A_111 = arith.constant 0 : index
    %swap3A_112 = tpu.vector_load %arg10[%swap3A_110, %swap3A_111] {strides = array<i32>} : memref<128x32xf32, #tpu.memory_space<vmem>>, vector<16xf32>,
    tpu.vector_store %arg10[%swap3A_110, %swap3A_111], %broadcast_in_dim3A_108 {strides = array<i32>} : memref<128x32xf32, #tpu.memory_space<vmem>>, vector<16xf32>,
    %broadcast_in_dim3A_113 = arith.constant 0.000000e+00 : f32
    %broadcast_in_dim3A_114 = vector.broadcast %broadcast_in_dim3A_113 : f32 to vector<16xf32>
    %swap3A_115 = arith.constant 122 : i32
    %swap3A_116 = arith.index_cast %swap3A_115 : i32 to index
    %swap3A_117 = arith.constant 16 : index
    %swap3A_118 = tpu.vector_load %arg10[%swap3A_116, %swap3A_117] {strides = array<i32>} : memref<128x32xf32, #tpu.memory_space<vmem>>, vector<16xf32>,
    tpu.vector_store %arg10[%swap3A_116, %swap3A_117], %broadcast_in_dim3A_114 {strides = array<i32>} : memref<128x32xf32, #tpu.memory_space<vmem>>, vector<16xf32>,
    %broadcast_in_dim3A_119 = arith.constant 0.000000e+00 : f32
    %broadcast_in_dim3A_120 = vector.broadcast %broadcast_in_dim3A_119 : f32 to vector<16xf32>
    %swap3A_121 = arith.constant 123 : i32
    %swap3A_122 = arith.index_cast %swap3A_121 : i32 to index
    %swap3A_123 = arith.constant 0 : index
    %swap3A_124 = tpu.vector_load %arg10[%swap3A_122, %swap3A_123] {strides = array<i32>} : memref<128x32xf32, #tpu.memory_space<vmem>>, vector<16xf32>,
    tpu.vector_store %arg10[%swap3A_122, %swap3A_123], %broadcast_in_dim3A_120 {strides = array<i32>} : memref<128x32xf32, #tpu.memory_space<vmem>>, vector<16xf32>,
    %broadcast_in_dim3A_125 = arith.constant 0.000000e+00 : f32
    %broadcast_in_dim3A_126 = vector.broadcast %broadcast_in_dim3A_125 : f32 to vector<16xf32>
    %swap3A_127 = arith.constant 123 : i32
    %swap3A_128 = arith.index_cast %swap3A_127 : i32 to index
    %swap3A_129 = arith.constant 16 : index
    %swap3A_130 = tpu.vector_load %arg10[%swap3A_128, %swap3A_129] {strides = array<i32>} : memref<128x32xf32, #tpu.memory_space<vmem>>, vector<16xf32>,
    tpu.vector_store %arg10[%swap3A_128, %swap3A_129], %broadcast_in_dim3A_126 {strides = array<i32>} : memref<128x32xf32, #tpu.memory_space<vmem>>, vector<16xf32>,
    %broadcast_in_dim3A_131 = arith.constant 0.000000e+00 : f32
    %broadcast_in_dim3A_132 = vector.broadcast %broadcast_in_dim3A_131 : f32 to vector<16xf32>
    %swap3A_133 = arith.constant 124 : i32
    %swap3A_134 = arith.index_cast %swap3A_133 : i32 to index
    %swap3A_135 = arith.constant 0 : index
    %swap3A_136 = tpu.vector_load %arg10[%swap3A_134, %swap3A_135] {strides = array<i32>} : memref<128x32xf32, #tpu.memory_space<vmem>>, vector<16xf32>,
    tpu.vector_store %arg10[%swap3A_134, %swap3A_135], %broadcast_in_dim3A_132 {strides = array<i32>} : memref<128x32xf32, #tpu.memory_space<vmem>>, vector<16xf32>,
    %broadcast_in_dim3A_137 = arith.constant 0.000000e+00 : f32
    %broadcast_in_dim3A_138 = vector.broadcast %broadcast_in_dim3A_137 : f32 to vector<16xf32>
    %swap3A_139 = arith.constant 124 : i32
    %swap3A_140 = arith.index_cast %swap3A_139 : i32 to index
    %swap3A_141 = arith.constant 16 : index
    %swap3A_142 = tpu.vector_load %arg10[%swap3A_140, %swap3A_141] {strides = array<i32>} : memref<128x32xf32, #tpu.memory_space<vmem>>, vector<16xf32>,
    tpu.vector_store %arg10[%swap3A_140, %swap3A_141], %broadcast_in_dim3A_138 {strides = array<i32>} : memref<128x32xf32, #tpu.memory_space<vmem>>, vector<16xf32>,
    %broadcast_in_dim3A_143 = arith.constant 0.000000e+00 : f32
    %broadcast_in_dim3A_144 = vector.broadcast %broadcast_in_dim3A_143 : f32 to vector<16xf32>
    %swap3A_145 = arith.constant 125 : i32
    %swap3A_146 = arith.index_cast %swap3A_145 : i32 to index
    %swap3A_147 = arith.constant 0 : index
    %swap3A_148 = tpu.vector_load %arg10[%swap3A_146, %swap3A_147] {strides = array<i32>} : memref<128x32xf32, #tpu.memory_space<vmem>>, vector<16xf32>,
    tpu.vector_store %arg10[%swap3A_146, %swap3A_147], %broadcast_in_dim3A_144 {strides = array<i32>} : memref<128x32xf32, #tpu.memory_space<vmem>>, vector<16xf32>,
    %broadcast_in_dim3A_149 = arith.constant 0.000000e+00 : f32
    %broadcast_in_dim3A_150 = vector.broadcast %broadcast_in_dim3A_149 : f32 to vector<16xf32>
    %swap3A_151 = arith.constant 125 : i32
    %swap3A_152 = arith.index_cast %swap3A_151 : i32 to index
    %swap3A_153 = arith.constant 16 : index
    %swap3A_154 = tpu.vector_load %arg10[%swap3A_152, %swap3A_153] {strides = array<i32>} : memref<128x32xf32, #tpu.memory_space<vmem>>, vector<16xf32>,
    tpu.vector_store %arg10[%swap3A_152, %swap3A_153], %broadcast_in_dim3A_150 {strides = array<i32>} : memref<128x32xf32, #tpu.memory_space<vmem>>, vector<16xf32>,
    %broadcast_in_dim3A_155 = arith.constant 0.000000e+00 : f32
    %broadcast_in_dim3A_156 = vector.broadcast %broadcast_in_dim3A_155 : f32 to vector<16xf32>
    %swap3A_157 = arith.constant 126 : i32
    %swap3A_158 = arith.index_cast %swap3A_157 : i32 to index
    %swap3A_159 = arith.constant 0 : index
    %swap3A_160 = tpu.vector_load %arg10[%swap3A_158, %swap3A_159] {strides = array<i32>} : memref<128x32xf32, #tpu.memory_space<vmem>>, vector<16xf32>,
    tpu.vector_store %arg10[%swap3A_158, %swap3A_159], %broadcast_in_dim3A_156 {strides = array<i32>} : memref<128x32xf32, #tpu.memory_space<vmem>>, vector<16xf32>,
    %broadcast_in_dim3A_161 = arith.constant 0.000000e+00 : f32
    %broadcast_in_dim3A_162 = vector.broadcast %broadcast_in_dim3A_161 : f32 to vector<16xf32>
    %swap3A_163 = arith.constant 126 : i32
    %swap3A_164 = arith.index_cast %swap3A_163 : i32 to index
    %swap3A_165 = arith.constant 16 : index
    %swap3A_166 = tpu.vector_load %arg10[%swap3A_164, %swap3A_165] {strides = array<i32>} : memref<128x32xf32, #tpu.memory_space<vmem>>, vector<16xf32>,
    tpu.vector_store %arg10[%swap3A_164, %swap3A_165], %broadcast_in_dim3A_162 {strides = array<i32>} : memref<128x32xf32, #tpu.memory_space<vmem>>, vector<16xf32>,
    %broadcast_in_dim3A_167 = arith.constant 0.000000e+00 : f32
    %broadcast_in_dim3A_168 = vector.broadcast %broadcast_in_dim3A_167 : f32 to vector<16xf32>
    %swap3A_169 = arith.constant 127 : i32
    %swap3A_170 = arith.index_cast %swap3A_169 : i32 to index
    %swap3A_171 = arith.constant 0 : index
    %swap3A_172 = tpu.vector_load %arg10[%swap3A_170, %swap3A_171] {strides = array<i32>} : memref<128x32xf32, #tpu.memory_space<vmem>>, vector<16xf32>,
    tpu.vector_store %arg10[%swap3A_170, %swap3A_171], %broadcast_in_dim3A_168 {strides = array<i32>} : memref<128x32xf32, #tpu.memory_space<vmem>>, vector<16xf32>,
    %broadcast_in_dim3A_173 = arith.constant 0.000000e+00 : f32
    %broadcast_in_dim3A_174 = vector.broadcast %broadcast_in_dim3A_173 : f32 to vector<16xf32>
    %swap3A_175 = arith.constant 127 : i32
    %swap3A_176 = arith.index_cast %swap3A_175 : i32 to index
    %swap3A_177 = arith.constant 16 : index
    %swap3A_178 = tpu.vector_load %arg10[%swap3A_176, %swap3A_177] {strides = array<i32>} : memref<128x32xf32, #tpu.memory_space<vmem>>, vector<16xf32>,
    tpu.vector_store %arg10[%swap3A_176, %swap3A_177], %broadcast_in_dim3A_174 {strides = array<i32>} : memref<128x32xf32, #tpu.memory_space<vmem>>, vector<16xf32>,
    %broadcast_in_dim3A_179 = arith.constant 0.000000e+00 : f32
    %broadcast_in_dim3A_180 = vector.broadcast %broadcast_in_dim3A_179 : f32 to vector<16xf32>
    %swap3A_181 = arith.constant 121 : i32
    %swap3A_182 = arith.index_cast %swap3A_181 : i32 to index
    %swap3A_183 = arith.constant 0 : index
    %swap3A_184 = tpu.vector_load %arg11[%swap3A_182, %swap3A_183] {strides = array<i32>} : memref<128x32xf32, #tpu.memory_space<vmem>>, vector<16xf32>,
    tpu.vector_store %arg11[%swap3A_182, %swap3A_183], %broadcast_in_dim3A_180 {strides = array<i32>} : memref<128x32xf32, #tpu.memory_space<vmem>>, vector<16xf32>,
    %broadcast_in_dim3A_185 = arith.constant 0.000000e+00 : f32
    %broadcast_in_dim3A_186 = vector.broadcast %broadcast_in_dim3A_185 : f32 to vector<16xf32>
    %swap3A_187 = arith.constant 121 : i32
    %swap3A_188 = arith.index_cast %swap3A_187 : i32 to index
    %swap3A_189 = arith.constant 16 : index
    %swap3A_190 = tpu.vector_load %arg11[%swap3A_188, %swap3A_189] {strides = array<i32>} : memref<128x32xf32, #tpu.memory_space<vmem>>, vector<16xf32>,
    tpu.vector_store %arg11[%swap3A_188, %swap3A_189], %broadcast_in_dim3A_186 {strides = array<i32>} : memref<128x32xf32, #tpu.memory_space<vmem>>, vector<16xf32>,
    %broadcast_in_dim3A_191 = arith.constant 0.000000e+00 : f32
    %broadcast_in_dim3A_192 = vector.broadcast %broadcast_in_dim3A_191 : f32 to vector<16xf32>
    %swap3A_193 = arith.constant 122 : i32
    %swap3A_194 = arith.index_cast %swap3A_193 : i32 to index
    %swap3A_195 = arith.constant 0 : index
    %swap3A_196 = tpu.vector_load %arg11[%swap3A_194, %swap3A_195] {strides = array<i32>} : memref<128x32xf32, #tpu.memory_space<vmem>>, vector<16xf32>,
    tpu.vector_store %arg11[%swap3A_194, %swap3A_195], %broadcast_in_dim3A_192 {strides = array<i32>} : memref<128x32xf32, #tpu.memory_space<vmem>>, vector<16xf32>,
    %broadcast_in_dim3A_197 = arith.constant 0.000000e+00 : f32
    %broadcast_in_dim3A_198 = vector.broadcast %broadcast_in_dim3A_197 : f32 to vector<16xf32>
    %swap3A_199 = arith.constant 122 : i32
    %swap3A_200 = arith.index_cast %swap3A_199 : i32 to index
    %swap3A_201 = arith.constant 16 : index
    %swap3A_202 = tpu.vector_load %arg11[%swap3A_200, %swap3A_201] {strides = array<i32>} : memref<128x32xf32, #tpu.memory_space<vmem>>, vector<16xf32>,
    tpu.vector_store %arg11[%swap3A_200, %swap3A_201], %broadcast_in_dim3A_198 {strides = array<i32>} : memref<128x32xf32, #tpu.memory_space<vmem>>, vector<16xf32>,
    %broadcast_in_dim3A_203 = arith.constant 0.000000e+00 : f32
    %broadcast_in_dim3A_204 = vector.broadcast %broadcast_in_dim3A_203 : f32 to vector<16xf32>
    %swap3A_205 = arith.constant 123 : i32
    %swap3A_206 = arith.index_cast %swap3A_205 : i32 to index
    %swap3A_207 = arith.constant 0 : index
    %swap3A_208 = tpu.vector_load %arg11[%swap3A_206, %swap3A_207] {strides = array<i32>} : memref<128x32xf32, #tpu.memory_space<vmem>>, vector<16xf32>,
    tpu.vector_store %arg11[%swap3A_206, %swap3A_207], %broadcast_in_dim3A_204 {strides = array<i32>} : memref<128x32xf32, #tpu.memory_space<vmem>>, vector<16xf32>,
    %broadcast_in_dim3A_209 = arith.constant 0.000000e+00 : f32
    %broadcast_in_dim3A_210 = vector.broadcast %broadcast_in_dim3A_209 : f32 to vector<16xf32>
    %swap3A_211 = arith.constant 123 : i32
    %swap3A_212 = arith.index_cast %swap3A_211 : i32 to index
    %swap3A_213 = arith.constant 16 : index
    %swap3A_214 = tpu.vector_load %arg11[%swap3A_212, %swap3A_213] {strides = array<i32>} : memref<128x32xf32, #tpu.memory_space<vmem>>, vector<16xf32>,
    tpu.vector_store %arg11[%swap3A_212, %swap3A_213], %broadcast_in_dim3A_210 {strides = array<i32>} : memref<128x32xf32, #tpu.memory_space<vmem>>, vector<16xf32>,
    %broadcast_in_dim3A_215 = arith.constant 0.000000e+00 : f32
    %broadcast_in_dim3A_216 = vector.broadcast %broadcast_in_dim3A_215 : f32 to vector<16xf32>
    %swap3A_217 = arith.constant 124 : i32
    %swap3A_218 = arith.index_cast %swap3A_217 : i32 to index
    %swap3A_219 = arith.constant 0 : index
    %swap3A_220 = tpu.vector_load %arg11[%swap3A_218, %swap3A_219] {strides = array<i32>} : memref<128x32xf32, #tpu.memory_space<vmem>>, vector<16xf32>,
    tpu.vector_store %arg11[%swap3A_218, %swap3A_219], %broadcast_in_dim3A_216 {strides = array<i32>} : memref<128x32xf32, #tpu.memory_space<vmem>>, vector<16xf32>,
    %broadcast_in_dim3A_221 = arith.constant 0.000000e+00 : f32
    %broadcast_in_dim3A_222 = vector.broadcast %broadcast_in_dim3A_221 : f32 to vector<16xf32>
    %swap3A_223 = arith.constant 124 : i32
    %swap3A_224 = arith.index_cast %swap3A_223 : i32 to index
    %swap3A_225 = arith.constant 16 : index
    %swap3A_226 = tpu.vector_load %arg11[%swap3A_224, %swap3A_225] {strides = array<i32>} : memref<128x32xf32, #tpu.memory_space<vmem>>, vector<16xf32>,
    tpu.vector_store %arg11[%swap3A_224, %swap3A_225], %broadcast_in_dim3A_222 {strides = array<i32>} : memref<128x32xf32, #tpu.memory_space<vmem>>, vector<16xf32>,
    %broadcast_in_dim3A_227 = arith.constant 0.000000e+00 : f32
    %broadcast_in_dim3A_228 = vector.broadcast %broadcast_in_dim3A_227 : f32 to vector<16xf32>
    %swap3A_229 = arith.constant 125 : i32
    %swap3A_230 = arith.index_cast %swap3A_229 : i32 to index
    %swap3A_231 = arith.constant 0 : index
    %swap3A_232 = tpu.vector_load %arg11[%swap3A_230, %swap3A_231] {strides = array<i32>} : memref<128x32xf32, #tpu.memory_space<vmem>>, vector<16xf32>,
    tpu.vector_store %arg11[%swap3A_230, %swap3A_231], %broadcast_in_dim3A_228 {strides = array<i32>} : memref<128x32xf32, #tpu.memory_space<vmem>>, vector<16xf32>,
    %broadcast_in_dim3A_233 = arith.constant 0.000000e+00 : f32
    %broadcast_in_dim3A_234 = vector.broadcast %broadcast_in_dim3A_233 : f32 to vector<16xf32>
    %swap3A_235 = arith.constant 125 : i32
    %swap3A_236 = arith.index_cast %swap3A_235 : i32 to index
    %swap3A_237 = arith.constant 16 : index
    %swap3A_238 = tpu.vector_load %arg11[%swap3A_236, %swap3A_237] {strides = array<i32>} : memref<128x32xf32, #tpu.memory_space<vmem>>, vector<16xf32>,
    tpu.vector_store %arg11[%swap3A_236, %swap3A_237], %broadcast_in_dim3A_234 {strides = array<i32>} : memref<128x32xf32, #tpu.memory_space<vmem>>, vector<16xf32>,
    %broadcast_in_dim3A_239 = arith.constant 0.000000e+00 : f32
    %broadcast_in_dim3A_240 = vector.broadcast %broadcast_in_dim3A_239 : f32 to vector<16xf32>
    %swap3A_241 = arith.constant 126 : i32
    %swap3A_242 = arith.index_cast %swap3A_241 : i32 to index
    %swap3A_243 = arith.constant 0 : index
    %swap3A_244 = tpu.vector_load %arg11[%swap3A_242, %swap3A_243] {strides = array<i32>} : memref<128x32xf32, #tpu.memory_space<vmem>>, vector<16xf32>,
    tpu.vector_store %arg11[%swap3A_242, %swap3A_243], %broadcast_in_dim3A_240 {strides = array<i32>} : memref<128x32xf32, #tpu.memory_space<vmem>>, vector<16xf32>,
    %broadcast_in_dim3A_245 = arith.constant 0.000000e+00 : f32
    %broadcast_in_dim3A_246 = vector.broadcast %broadcast_in_dim3A_245 : f32 to vector<16xf32>
    %swap3A_247 = arith.constant 126 : i32
    %swap3A_248 = arith.index_cast %swap3A_247 : i32 to index
    %swap3A_249 = arith.constant 16 : index
    %swap3A_250 = tpu.vector_load %arg11[%swap3A_248, %swap3A_249] {strides = array<i32>} : memref<128x32xf32, #tpu.memory_space<vmem>>, vector<16xf32>,
    tpu.vector_store %arg11[%swap3A_248, %swap3A_249], %broadcast_in_dim3A_246 {strides = array<i32>} : memref<128x32xf32, #tpu.memory_space<vmem>>, vector<16xf32>,
    %broadcast_in_dim3A_251 = arith.constant 0.000000e+00 : f32
    %broadcast_in_dim3A_252 = vector.broadcast %broadcast_in_dim3A_251 : f32 to vector<16xf32>
    %swap3A_253 = arith.constant 127 : i32
    %swap3A_254 = arith.index_cast %swap3A_253 : i32 to index
    %swap3A_255 = arith.constant 0 : index
    %swap3A_256 = tpu.vector_load %arg11[%swap3A_254, %swap3A_255] {strides = array<i32>} : memref<128x32xf32, #tpu.memory_space<vmem>>, vector<16xf32>,
    tpu.vector_store %arg11[%swap3A_254, %swap3A_255], %broadcast_in_dim3A_252 {strides = array<i32>} : memref<128x32xf32, #tpu.memory_space<vmem>>, vector<16xf32>,
    %broadcast_in_dim3A_257 = arith.constant 0.000000e+00 : f32
    %broadcast_in_dim3A_258 = vector.broadcast %broadcast_in_dim3A_257 : f32 to vector<16xf32>
    %swap3A_259 = arith.constant 127 : i32
    %swap3A_260 = arith.index_cast %swap3A_259 : i32 to index
    %swap3A_261 = arith.constant 16 : index
    %swap3A_262 = tpu.vector_load %arg11[%swap3A_260, %swap3A_261] {strides = array<i32>} : memref<128x32xf32, #tpu.memory_space<vmem>>, vector<16xf32>,
    tpu.vector_store %arg11[%swap3A_260, %swap3A_261], %broadcast_in_dim3A_258 {strides = array<i32>} : memref<128x32xf32, #tpu.memory_space<vmem>>, vector<16xf32>,
    %broadcast_in_dim3A_263 = arith.constant 0.000000e+00 : f32
    %broadcast_in_dim3A_264 = vector.broadcast %broadcast_in_dim3A_263 : f32 to vector<16xf32>
    %swap3A_265 = arith.constant 121 : i32
    %swap3A_266 = arith.index_cast %swap3A_265 : i32 to index
    %swap3A_267 = arith.constant 0 : index
    %swap3A_268 = tpu.vector_load %arg12[%swap3A_266, %swap3A_267] {strides = array<i32>} : memref<128x32xf32, #tpu.memory_space<vmem>>, vector<16xf32>,
    tpu.vector_store %arg12[%swap3A_266, %swap3A_267], %broadcast_in_dim3A_264 {strides = array<i32>} : memref<128x32xf32, #tpu.memory_space<vmem>>, vector<16xf32>,
    %broadcast_in_dim3A_269 = arith.constant 0.000000e+00 : f32
    %broadcast_in_dim3A_270 = vector.broadcast %broadcast_in_dim3A_269 : f32 to vector<16xf32>
    %swap3A_271 = arith.constant 121 : i32
    %swap3A_272 = arith.index_cast %swap3A_271 : i32 to index
    %swap3A_273 = arith.constant 16 : index
    %swap3A_274 = tpu.vector_load %arg12[%swap3A_272, %swap3A_273] {strides = array<i32>} : memref<128x32xf32, #tpu.memory_space<vmem>>, vector<16xf32>,
    tpu.vector_store %arg12[%swap3A_272, %swap3A_273], %broadcast_in_dim3A_270 {strides = array<i32>} : memref<128x32xf32, #tpu.memory_space<vmem>>, vector<16xf32>,
    %broadcast_in_dim3A_275 = arith.constant 0.000000e+00 : f32
    %broadcast_in_dim3A_276 = vector.broadcast %broadcast_in_dim3A_275 : f32 to vector<16xf32>
    %swap3A_277 = arith.constant 122 : i32
    %swap3A_278 = arith.index_cast %swap3A_277 : i32 to index
    %swap3A_279 = arith.constant 0 : index
    %swap3A_280 = tpu.vector_load %arg12[%swap3A_278, %swap3A_279] {strides = array<i32>} : memref<128x32xf32, #tpu.memory_space<vmem>>, vector<16xf32>,
    tpu.vector_store %arg12[%swap3A_278, %swap3A_279], %broadcast_in_dim3A_276 {strides = array<i32>} : memref<128x32xf32, #tpu.memory_space<vmem>>, vector<16xf32>,
    %broadcast_in_dim3A_281 = arith.constant 0.000000e+00 : f32
    %broadcast_in_dim3A_282 = vector.broadcast %broadcast_in_dim3A_281 : f32 to vector<16xf32>
    %swap3A_283 = arith.constant 122 : i32
    %swap3A_284 = arith.index_cast %swap3A_283 : i32 to index
    %swap3A_285 = arith.constant 16 : index
    %swap3A_286 = tpu.vector_load %arg12[%swap3A_284, %swap3A_285] {strides = array<i32>} : memref<128x32xf32, #tpu.memory_space<vmem>>, vector<16xf32>,
    tpu.vector_store %arg12[%swap3A_284, %swap3A_285], %broadcast_in_dim3A_282 {strides = array<i32>} : memref<128x32xf32, #tpu.memory_space<vmem>>, vector<16xf32>,
    %broadcast_in_dim3A_287 = arith.constant 0.000000e+00 : f32
    %broadcast_in_dim3A_288 = vector.broadcast %broadcast_in_dim3A_287 : f32 to vector<16xf32>
    %swap3A_289 = arith.constant 123 : i32
    %swap3A_290 = arith.index_cast %swap3A_289 : i32 to index
    %swap3A_291 = arith.constant 0 : index
    %swap3A_292 = tpu.vector_load %arg12[%swap3A_290, %swap3A_291] {strides = array<i32>} : memref<128x32xf32, #tpu.memory_space<vmem>>, vector<16xf32>,
    tpu.vector_store %arg12[%swap3A_290, %swap3A_291], %broadcast_in_dim3A_288 {strides = array<i32>} : memref<128x32xf32, #tpu.memory_space<vmem>>, vector<16xf32>,
    %broadcast_in_dim3A_293 = arith.constant 0.000000e+00 : f32
    %broadcast_in_dim3A_294 = vector.broadcast %broadcast_in_dim3A_293 : f32 to vector<16xf32>
    %swap3A_295 = arith.constant 123 : i32
    %swap3A_296 = arith.index_cast %swap3A_295 : i32 to index
    %swap3A_297 = arith.constant 16 : index
    %swap3A_298 = tpu.vector_load %arg12[%swap3A_296, %swap3A_297] {strides = array<i32>} : memref<128x32xf32, #tpu.memory_space<vmem>>, vector<16xf32>,
    tpu.vector_store %arg12[%swap3A_296, %swap3A_297], %broadcast_in_dim3A_294 {strides = array<i32>} : memref<128x32xf32, #tpu.memory_space<vmem>>, vector<16xf32>,
    %broadcast_in_dim3A_299 = arith.constant 0.000000e+00 : f32
    %broadcast_in_dim3A_300 = vector.broadcast %broadcast_in_dim3A_299 : f32 to vector<16xf32>
    %swap3A_301 = arith.constant 124 : i32
    %swap3A_302 = arith.index_cast %swap3A_301 : i32 to index
    %swap3A_303 = arith.constant 0 : index
    %swap3A_304 = tpu.vector_load %arg12[%swap3A_302, %swap3A_303] {strides = array<i32>} : memref<128x32xf32, #tpu.memory_space<vmem>>, vector<16xf32>,
    tpu.vector_store %arg12[%swap3A_302, %swap3A_303], %broadcast_in_dim3A_300 {strides = array<i32>} : memref<128x32xf32, #tpu.memory_space<vmem>>, vector<16xf32>,
    %broadcast_in_dim3A_305 = arith.constant 0.000000e+00 : f32
    %broadcast_in_dim3A_306 = vector.broadcast %broadcast_in_dim3A_305 : f32 to vector<16xf32>
    %swap3A_307 = arith.constant 124 : i32
    %swap3A_308 = arith.index_cast %swap3A_307 : i32 to index
    %swap3A_309 = arith.constant 16 : index
    %swap3A_310 = tpu.vector_load %arg12[%swap3A_308, %swap3A_309] {strides = array<i32>} : memref<128x32xf32, #tpu.memory_space<vmem>>, vector<16xf32>,
    tpu.vector_store %arg12[%swap3A_308, %swap3A_309], %broadcast_in_dim3A_306 {strides = array<i32>} : memref<128x32xf32, #tpu.memory_space<vmem>>, vector<16xf32>,
    %broadcast_in_dim3A_311 = arith.constant 0.000000e+00 : f32
    %broadcast_in_dim3A_312 = vector.broadcast %broadcast_in_dim3A_311 : f32 to vector<16xf32>
    %swap3A_313 = arith.constant 125 : i32
    %swap3A_314 = arith.index_cast %swap3A_313 : i32 to index
    %swap3A_315 = arith.constant 0 : index
    %swap3A_316 = tpu.vector_load %arg12[%swap3A_314, %swap3A_315] {strides = array<i32>} : memref<128x32xf32, #tpu.memory_space<vmem>>, vector<16xf32>,
    tpu.vector_store %arg12[%swap3A_314, %swap3A_315], %broadcast_in_dim3A_312 {strides = array<i32>} : memref<128x32xf32, #tpu.memory_space<vmem>>, vector<16xf32>,
    %broadcast_in_dim3A_317 = arith.constant 0.000000e+00 : f32
    %broadcast_in_dim3A_318 = vector.broadcast %broadcast_in_dim3A_317 : f32 to vector<16xf32>
    %swap3A_319 = arith.constant 125 : i32
    %swap3A_320 = arith.index_cast %swap3A_319 : i32 to index
    %swap3A_321 = arith.constant 16 : index
    %swap3A_322 = tpu.vector_load %arg12[%swap3A_320, %swap3A_321] {strides = array<i32>} : memref<128x32xf32, #tpu.memory_space<vmem>>, vector<16xf32>,
    tpu.vector_store %arg12[%swap3A_320, %swap3A_321], %broadcast_in_dim3A_318 {strides = array<i32>} : memref<128x32xf32, #tpu.memory_space<vmem>>, vector<16xf32>,
    %broadcast_in_dim3A_323 = arith.constant 0.000000e+00 : f32
    %broadcast_in_dim3A_324 = vector.broadcast %broadcast_in_dim3A_323 : f32 to vector<16xf32>
    %swap3A_325 = arith.constant 126 : i32
    %swap3A_326 = arith.index_cast %swap3A_325 : i32 to index
    %swap3A_327 = arith.constant 0 : index
    %swap3A_328 = tpu.vector_load %arg12[%swap3A_326, %swap3A_327] {strides = array<i32>} : memref<128x32xf32, #tpu.memory_space<vmem>>, vector<16xf32>,
    tpu.vector_store %arg12[%swap3A_326, %swap3A_327], %broadcast_in_dim3A_324 {strides = array<i32>} : memref<128x32xf32, #tpu.memory_space<vmem>>, vector<16xf32>,
    %broadcast_in_dim3A_329 = arith.constant 0.000000e+00 : f32
    %broadcast_in_dim3A_330 = vector.broadcast %broadcast_in_dim3A_329 : f32 to vector<16xf32>
    %swap3A_331 = arith.constant 126 : i32
    %swap3A_332 = arith.index_cast %swap3A_331 : i32 to index
    %swap3A_333 = arith.constant 16 : index
    %swap3A_334 = tpu.vector_load %arg12[%swap3A_332, %swap3A_333] {strides = array<i32>} : memref<128x32xf32, #tpu.memory_space<vmem>>, vector<16xf32>,
    tpu.vector_store %arg12[%swap3A_332, %swap3A_333], %broadcast_in_dim3A_330 {strides = array<i32>} : memref<128x32xf32, #tpu.memory_space<vmem>>, vector<16xf32>,
    %broadcast_in_dim3A_335 = arith.constant 0.000000e+00 : f32
    %broadcast_in_dim3A_336 = vector.broadcast %broadcast_in_dim3A_335 : f32 to vector<16xf32>
    %swap3A_337 = arith.constant 127 : i32
    %swap3A_338 = arith.index_cast %swap3A_337 : i32 to index
    %swap3A_339 = arith.constant 0 : index
    %swap3A_340 = tpu.vector_load %arg12[%swap3A_338, %swap3A_339] {strides = array<i32>} : memref<128x32xf32, #tpu.memory_space<vmem>>, vector<16xf32>,
    tpu.vector_store %arg12[%swap3A_338, %swap3A_339], %broadcast_in_dim3A_336 {strides = array<i32>} : memref<128x32xf32, #tpu.memory_space<vmem>>, vector<16xf32>,
    %broadcast_in_dim3A_341 = arith.constant 0.000000e+00 : f32
    %broadcast_in_dim3A_342 = vector.broadcast %broadcast_in_dim3A_341 : f32 to vector<16xf32>
    %swap3A_343 = arith.constant 127 : i32
    %swap3A_344 = arith.index_cast %swap3A_343 : i32 to index
    %swap3A_345 = arith.constant 16 : index
    %swap3A_346 = tpu.vector_load %arg12[%swap3A_344, %swap3A_345] {strides = array<i32>} : memref<128x32xf32, #tpu.memory_space<vmem>>, vector<16xf32>,
    tpu.vector_store %arg12[%swap3A_344, %swap3A_345], %broadcast_in_dim3A_342 {strides = array<i32>} : memref<128x32xf32, #tpu.memory_space<vmem>>, vector<16xf32>,
    %broadcast_in_dim3A_347 = arith.constant 0.000000e+00 : f32
    %broadcast_in_dim3A_348 = vector.broadcast %broadcast_in_dim3A_347 : f32 to vector<16xf32>
    %swap3A_349 = arith.constant 121 : i32
    %swap3A_350 = arith.index_cast %swap3A_349 : i32 to index
    %swap3A_351 = arith.constant 0 : index
    %swap3A_352 = tpu.vector_load %arg13[%swap3A_350, %swap3A_351] {strides = array<i32>} : memref<128x32xf32, #tpu.memory_space<vmem>>, vector<16xf32>,
    tpu.vector_store %arg13[%swap3A_350, %swap3A_351], %broadcast_in_dim3A_348 {strides = array<i32>} : memref<128x32xf32, #tpu.memory_space<vmem>>, vector<16xf32>,
    %broadcast_in_dim3A_353 = arith.constant 0.000000e+00 : f32
    %broadcast_in_dim3A_354 = vector.broadcast %broadcast_in_dim3A_353 : f32 to vector<16xf32>
    %swap3A_355 = arith.constant 121 : i32
    %swap3A_356 = arith.index_cast %swap3A_355 : i32 to index
    %swap3A_357 = arith.constant 16 : index
    %swap3A_358 = tpu.vector_load %arg13[%swap3A_356, %swap3A_357] {strides = array<i32>} : memref<128x32xf32, #tpu.memory_space<vmem>>, vector<16xf32>,
    tpu.vector_store %arg13[%swap3A_356, %swap3A_357], %broadcast_in_dim3A_354 {strides = array<i32>} : memref<128x32xf32, #tpu.memory_space<vmem>>, vector<16xf32>,
    %broadcast_in_dim3A_359 = arith.constant 0.000000e+00 : f32
    %broadcast_in_dim3A_360 = vector.broadcast %broadcast_in_dim3A_359 : f32 to vector<16xf32>
    %swap3A_361 = arith.constant 122 : i32
    %swap3A_362 = arith.index_cast %swap3A_361 : i32 to index
    %swap3A_363 = arith.constant 0 : index
    %swap3A_364 = tpu.vector_load %arg13[%swap3A_362, %swap3A_363] {strides = array<i32>} : memref<128x32xf32, #tpu.memory_space<vmem>>, vector<16xf32>,
    tpu.vector_store %arg13[%swap3A_362, %swap3A_363], %broadcast_in_dim3A_360 {strides = array<i32>} : memref<128x32xf32, #tpu.memory_space<vmem>>, vector<16xf32>,
    %broadcast_in_dim3A_365 = arith.constant 0.000000e+00 : f32
    %broadcast_in_dim3A_366 = vector.broadcast %broadcast_in_dim3A_365 : f32 to vector<16xf32>
    %swap3A_367 = arith.constant 122 : i32
    %swap3A_368 = arith.index_cast %swap3A_367 : i32 to index
    %swap3A_369 = arith.constant 16 : index
    %swap3A_370 = tpu.vector_load %arg13[%swap3A_368, %swap3A_369] {strides = array<i32>} : memref<128x32xf32, #tpu.memory_space<vmem>>, vector<16xf32>,
    tpu.vector_store %arg13[%swap3A_368, %swap3A_369], %broadcast_in_dim3A_366 {strides = array<i32>} : memref<128x32xf32, #tpu.memory_space<vmem>>, vector<16xf32>,
    %broadcast_in_dim3A_371 = arith.constant 0.000000e+00 : f32
    %broadcast_in_dim3A_372 = vector.broadcast %broadcast_in_dim3A_371 : f32 to vector<16xf32>
    %swap3A_373 = arith.constant 123 : i32
    %swap3A_374 = arith.index_cast %swap3A_373 : i32 to index
    %swap3A_375 = arith.constant 0 : index
    %swap3A_376 = tpu.vector_load %arg13[%swap3A_374, %swap3A_375] {strides = array<i32>} : memref<128x32xf32, #tpu.memory_space<vmem>>, vector<16xf32>,
    tpu.vector_store %arg13[%swap3A_374, %swap3A_375], %broadcast_in_dim3A_372 {strides = array<i32>} : memref<128x32xf32, #tpu.memory_space<vmem>>, vector<16xf32>,
    %broadcast_in_dim3A_377 = arith.constant 0.000000e+00 : f32
    %broadcast_in_dim3A_378 = vector.broadcast %broadcast_in_dim3A_377 : f32 to vector<16xf32>
    %swap3A_379 = arith.constant 123 : i32
    %swap3A_380 = arith.index_cast %swap3A_379 : i32 to index
    %swap3A_381 = arith.constant 16 : index
    %swap3A_382 = tpu.vector_load %arg13[%swap3A_380, %swap3A_381] {strides = array<i32>} : memref<128x32xf32, #tpu.memory_space<vmem>>, vector<16xf32>,
    tpu.vector_store %arg13[%swap3A_380, %swap3A_381], %broadcast_in_dim3A_378 {strides = array<i32>} : memref<128x32xf32, #tpu.memory_space<vmem>>, vector<16xf32>,
    %broadcast_in_dim3A_383 = arith.constant 0.000000e+00 : f32
    %broadcast_in_dim3A_384 = vector.broadcast %broadcast_in_dim3A_383 : f32 to vector<16xf32>
    %swap3A_385 = arith.constant 124 : i32
    %swap3A_386 = arith.index_cast %swap3A_385 : i32 to index
    %swap3A_387 = arith.constant 0 : index
    %swap3A_388 = tpu.vector_load %arg13[%swap3A_386, %swap3A_387] {strides = array<i32>} : memref<128x32xf32, #tpu.memory_space<vmem>>, vector<16xf32>,
    tpu.vector_store %arg13[%swap3A_386, %swap3A_387], %broadcast_in_dim3A_384 {strides = array<i32>} : memref<128x32xf32, #tpu.memory_space<vmem>>, vector<16xf32>,
    %broadcast_in_dim3A_389 = arith.constant 0.000000e+00 : f32
    %broadcast_in_dim3A_390 = vector.broadcast %broadcast_in_dim3A_389 : f32 to vector<16xf32>
    %swap3A_391 = arith.constant 124 : i32
    %swap3A_392 = arith.index_cast %swap3A_391 : i32 to index
    %swap3A_393 = arith.constant 16 : index
    %swap3A_394 = tpu.vector_load %arg13[%swap3A_392, %swap3A_393] {strides = array<i32>} : memref<128x32xf32, #tpu.memory_space<vmem>>, vector<16xf32>,
    tpu.vector_store %arg13[%swap3A_392, %swap3A_393], %broadcast_in_dim3A_390 {strides = array<i32>} : memref<128x32xf32, #tpu.memory_space<vmem>>, vector<16xf32>,
    %broadcast_in_dim3A_395 = arith.constant 0.000000e+00 : f32
    %broadcast_in_dim3A_396 = vector.broadcast %broadcast_in_dim3A_395 : f32 to vector<16xf32>
    %swap3A_397 = arith.constant 125 : i32
    %swap3A_398 = arith.index_cast %swap3A_397 : i32 to index
    %swap3A_399 = arith.constant 0 : index
    %swap3A_400 = tpu.vector_load %arg13[%swap3A_398, %swap3A_399] {strides = array<i32>} : memref<128x32xf32, #tpu.memory_space<vmem>>, vector<16xf32>,
    tpu.vector_store %arg13[%swap3A_398, %swap3A_399], %broadcast_in_dim3A_396 {strides = array<i32>} : memref<128x32xf32, #tpu.memory_space<vmem>>, vector<16xf32>,
    %broadcast_in_dim3A_401 = arith.constant 0.000000e+00 : f32
    %broadcast_in_dim3A_402 = vector.broadcast %broadcast_in_dim3A_401 : f32 to vector<16xf32>
    %swap3A_403 = arith.constant 125 : i32
    %swap3A_404 = arith.index_cast %swap3A_403 : i32 to index
    %swap3A_405 = arith.constant 16 : index
    %swap3A_406 = tpu.vector_load %arg13[%swap3A_404, %swap3A_405] {strides = array<i32>} : memref<128x32xf32, #tpu.memory_space<vmem>>, vector<16xf32>,
    tpu.vector_store %arg13[%swap3A_404, %swap3A_405], %broadcast_in_dim3A_402 {strides = array<i32>} : memref<128x32xf32, #tpu.memory_space<vmem>>, vector<16xf32>,
    %broadcast_in_dim3A_407 = arith.constant 0.000000e+00 : f32
    %broadcast_in_dim3A_408 = vector.broadcast %broadcast_in_dim3A_407 : f32 to vector<16xf32>
    %swap3A_409 = arith.constant 126 : i32
    %swap3A_410 = arith.index_cast %swap3A_409 : i32 to index
    %swap3A_411 = arith.constant 0 : index
    %swap3A_412 = tpu.vector_load %arg13[%swap3A_410, %swap3A_411] {strides = array<i32>} : memref<128x32xf32, #tpu.memory_space<vmem>>, vector<16xf32>,
    tpu.vector_store %arg13[%swap3A_410, %swap3A_411], %broadcast_in_dim3A_408 {strides = array<i32>} : memref<128x32xf32, #tpu.memory_space<vmem>>, vector<16xf32>,
    %broadcast_in_dim3A_413 = arith.constant 0.000000e+00 : f32
    %broadcast_in_dim3A_414 = vector.broadcast %broadcast_in_dim3A_413 : f32 to vector<16xf32>
    %swap3A_415 = arith.constant 126 : i32
    %swap3A_416 = arith.index_cast %swap3A_415 : i32 to index
    %swap3A_417 = arith.constant 16 : index
    %swap3A_418 = tpu.vector_load %arg13[%swap3A_416, %swap3A_417] {strides = array<i32>} : memref<128x32xf32, #tpu.memory_space<vmem>>, vector<16xf32>,
    tpu.vector_store %arg13[%swap3A_416, %swap3A_417], %broadcast_in_dim3A_414 {strides = array<i32>} : memref<128x32xf32, #tpu.memory_space<vmem>>, vector<16xf32>,
    %broadcast_in_dim3A_419 = arith.constant 0.000000e+00 : f32
    %broadcast_in_dim3A_420 = vector.broadcast %broadcast_in_dim3A_419 : f32 to vector<16xf32>
    %swap3A_421 = arith.constant 127 : i32
    %swap3A_422 = arith.index_cast %swap3A_421 : i32 to index
    %swap3A_423 = arith.constant 0 : index
    %swap3A_424 = tpu.vector_load %arg13[%swap3A_422, %swap3A_423] {strides = array<i32>} : memref<128x32xf32, #tpu.memory_space<vmem>>, vector<16xf32>,
    tpu.vector_store %arg13[%swap3A_422, %swap3A_423], %broadcast_in_dim3A_420 {strides = array<i32>} : memref<128x32xf32, #tpu.memory_space<vmem>>, vector<16xf32>,
    %broadcast_in_dim3A_425 = arith.constant 0.000000e+00 : f32
    %broadcast_in_dim3A_426 = vector.broadcast %broadcast_in_dim3A_425 : f32 to vector<16xf32>
    %swap3A_427 = arith.constant 127 : i32
    %swap3A_428 = arith.index_cast %swap3A_427 : i32 to index
    %swap3A_429 = arith.constant 16 : index
    %swap3A_430 = tpu.vector_load %arg13[%swap3A_428, %swap3A_429] {strides = array<i32>} : memref<128x32xf32, #tpu.memory_space<vmem>>, vector<16xf32>,
    tpu.vector_store %arg13[%swap3A_428, %swap3A_429], %broadcast_in_dim3A_426 {strides = array<i32>} : memref<128x32xf32, #tpu.memory_space<vmem>>, vector<16xf32>,
    %broadcast_in_dim3A_431 = arith.constant 0.000000e+00 : f32
    %broadcast_in_dim3A_432 = vector.broadcast %broadcast_in_dim3A_431 : f32 to vector<16xf32>
    %swap3A_433 = arith.constant 121 : i32
    %swap3A_434 = arith.index_cast %swap3A_433 : i32 to index
    %swap3A_435 = arith.constant 0 : index
    %swap3A_436 = tpu.vector_load %arg14[%swap3A_434, %swap3A_435] {strides = array<i32>} : memref<128x32xf32, #tpu.memory_space<vmem>>, vector<16xf32>,
    tpu.vector_store %arg14[%swap3A_434, %swap3A_435], %broadcast_in_dim3A_432 {strides = array<i32>} : memref<128x32xf32, #tpu.memory_space<vmem>>, vector<16xf32>,
    %broadcast_in_dim3A_437 = arith.constant 0.000000e+00 : f32
    %broadcast_in_dim3A_438 = vector.broadcast %broadcast_in_dim3A_437 : f32 to vector<16xf32>
    %swap3A_439 = arith.constant 121 : i32
    %swap3A_440 = arith.index_cast %swap3A_439 : i32 to index
    %swap3A_441 = arith.constant 16 : index
    %swap3A_442 = tpu.vector_load %arg14[%swap3A_440, %swap3A_441] {strides = array<i32>} : memref<128x32xf32, #tpu.memory_space<vmem>>, vector<16xf32>,
    tpu.vector_store %arg14[%swap3A_440, %swap3A_441], %broadcast_in_dim3A_438 {strides = array<i32>} : memref<128x32xf32, #tpu.memory_space<vmem>>, vector<16xf32>,
    %broadcast_in_dim3A_443 = arith.constant 0.000000e+00 : f32
    %broadcast_in_dim3A_444 = vector.broadcast %broadcast_in_dim3A_443 : f32 to vector<16xf32>
    %swap3A_445 = arith.constant 122 : i32
    %swap3A_446 = arith.index_cast %swap3A_445 : i32 to index
    %swap3A_447 = arith.constant 0 : index
    %swap3A_448 = tpu.vector_load %arg14[%swap3A_446, %swap3A_447] {strides = array<i32>} : memref<128x32xf32, #tpu.memory_space<vmem>>, vector<16xf32>,
    tpu.vector_store %arg14[%swap3A_446, %swap3A_447], %broadcast_in_dim3A_444 {strides = array<i32>} : memref<128x32xf32, #tpu.memory_space<vmem>>, vector<16xf32>,
    %broadcast_in_dim3A_449 = arith.constant 0.000000e+00 : f32
    %broadcast_in_dim3A_450 = vector.broadcast %broadcast_in_dim3A_449 : f32 to vector<16xf32>
    %swap3A_451 = arith.constant 122 : i32
    %swap3A_452 = arith.index_cast %swap3A_451 : i32 to index
    %swap3A_453 = arith.constant 16 : index
    %swap3A_454 = tpu.vector_load %arg14[%swap3A_452, %swap3A_453] {strides = array<i32>} : memref<128x32xf32, #tpu.memory_space<vmem>>, vector<16xf32>,
    tpu.vector_store %arg14[%swap3A_452, %swap3A_453], %broadcast_in_dim3A_450 {strides = array<i32>} : memref<128x32xf32, #tpu.memory_space<vmem>>, vector<16xf32>,
    %broadcast_in_dim3A_455 = arith.constant 0.000000e+00 : f32
    %broadcast_in_dim3A_456 = vector.broadcast %broadcast_in_dim3A_455 : f32 to vector<16xf32>
    %swap3A_457 = arith.constant 123 : i32
    %swap3A_458 = arith.index_cast %swap3A_457 : i32 to index
    %swap3A_459 = arith.constant 0 : index
    %swap3A_460 = tpu.vector_load %arg14[%swap3A_458, %swap3A_459] {strides = array<i32>} : memref<128x32xf32, #tpu.memory_space<vmem>>, vector<16xf32>,
    tpu.vector_store %arg14[%swap3A_458, %swap3A_459], %broadcast_in_dim3A_456 {strides = array<i32>} : memref<128x32xf32, #tpu.memory_space<vmem>>, vector<16xf32>,
    %broadcast_in_dim3A_461 = arith.constant 0.000000e+00 : f32
    %broadcast_in_dim3A_462 = vector.broadcast %broadcast_in_dim3A_461 : f32 to vector<16xf32>
    %swap3A_463 = arith.constant 123 : i32
    %swap3A_464 = arith.index_cast %swap3A_463 : i32 to index
    %swap3A_465 = arith.constant 16 : index
    %swap3A_466 = tpu.vector_load %arg14[%swap3A_464, %swap3A_465] {strides = array<i32>} : memref<128x32xf32, #tpu.memory_space<vmem>>, vector<16xf32>,
    tpu.vector_store %arg14[%swap3A_464, %swap3A_465], %broadcast_in_dim3A_462 {strides = array<i32>} : memref<128x32xf32, #tpu.memory_space<vmem>>, vector<16xf32>,
    %broadcast_in_dim3A_467 = arith.constant 0.000000e+00 : f32
    %broadcast_in_dim3A_468 = vector.broadcast %broadcast_in_dim3A_467 : f32 to vector<16xf32>
    %swap3A_469 = arith.constant 124 : i32
    %swap3A_470 = arith.index_cast %swap3A_469 : i32 to index
    %swap3A_471 = arith.constant 0 : index
    %swap3A_472 = tpu.vector_load %arg14[%swap3A_470, %swap3A_471] {strides = array<i32>} : memref<128x32xf32, #tpu.memory_space<vmem>>, vector<16xf32>,
    tpu.vector_store %arg14[%swap3A_470, %swap3A_471], %broadcast_in_dim3A_468 {strides = array<i32>} : memref<128x32xf32, #tpu.memory_space<vmem>>, vector<16xf32>,
    %broadcast_in_dim3A_473 = arith.constant 0.000000e+00 : f32
    %broadcast_in_dim3A_474 = vector.broadcast %broadcast_in_dim3A_473 : f32 to vector<16xf32>
    %swap3A_475 = arith.constant 124 : i32
    %swap3A_476 = arith.index_cast %swap3A_475 : i32 to index
    %swap3A_477 = arith.constant 16 : index
    %swap3A_478 = tpu.vector_load %arg14[%swap3A_476, %swap3A_477] {strides = array<i32>} : memref<128x32xf32, #tpu.memory_space<vmem>>, vector<16xf32>,
    tpu.vector_store %arg14[%swap3A_476, %swap3A_477], %broadcast_in_dim3A_474 {strides = array<i32>} : memref<128x32xf32, #tpu.memory_space<vmem>>, vector<16xf32>,
    %broadcast_in_dim3A_479 = arith.constant 0.000000e+00 : f32
    %broadcast_in_dim3A_480 = vector.broadcast %broadcast_in_dim3A_479 : f32 to vector<16xf32>
    %swap3A_481 = arith.constant 125 : i32
    %swap3A_482 = arith.index_cast %swap3A_481 : i32 to index
    %swap3A_483 = arith.constant 0 : index
    %swap3A_484 = tpu.vector_load %arg14[%swap3A_482, %swap3A_483] {strides = array<i32>} : memref<128x32xf32, #tpu.memory_space<vmem>>, vector<16xf32>,
    tpu.vector_store %arg14[%swap3A_482, %swap3A_483], %broadcast_in_dim3A_480 {strides = array<i32>} : memref<128x32xf32, #tpu.memory_space<vmem>>, vector<16xf32>,
    %broadcast_in_dim3A_485 = arith.constant 0.000000e+00 : f32
    %broadcast_in_dim3A_486 = vector.broadcast %broadcast_in_dim3A_485 : f32 to vector<16xf32>
    %swap3A_487 = arith.constant 125 : i32
    %swap3A_488 = arith.index_cast %swap3A_487 : i32 to index
    %swap3A_489 = arith.constant 16 : index
    %swap3A_490 = tpu.vector_load %arg14[%swap3A_488, %swap3A_489] {strides = array<i32>} : memref<128x32xf32, #tpu.memory_space<vmem>>, vector<16xf32>,
    tpu.vector_store %arg14[%swap3A_488, %swap3A_489], %broadcast_in_dim3A_486 {strides = array<i32>} : memref<128x32xf32, #tpu.memory_space<vmem>>, vector<16xf32>,
    %broadcast_in_dim3A_491 = arith.constant 0.000000e+00 : f32
    %broadcast_in_dim3A_492 = vector.broadcast %broadcast_in_dim3A_491 : f32 to vector<16xf32>
    %swap3A_493 = arith.constant 126 : i32
    %swap3A_494 = arith.index_cast %swap3A_493 : i32 to index
    %swap3A_495 = arith.constant 0 : index
    %swap3A_496 = tpu.vector_load %arg14[%swap3A_494, %swap3A_495] {strides = array<i32>} : memref<128x32xf32, #tpu.memory_space<vmem>>, vector<16xf32>,
    tpu.vector_store %arg14[%swap3A_494, %swap3A_495], %broadcast_in_dim3A_492 {strides = array<i32>} : memref<128x32xf32, #tpu.memory_space<vmem>>, vector<16xf32>,
    %broadcast_in_dim3A_497 = arith.constant 0.000000e+00 : f32
    %broadcast_in_dim3A_498 = vector.broadcast %broadcast_in_dim3A_497 : f32 to vector<16xf32>
    %swap3A_499 = arith.constant 126 : i32
    %swap3A_500 = arith.index_cast %swap3A_499 : i32 to index
    %swap3A_501 = arith.constant 16 : index
    %swap3A_502 = tpu.vector_load %arg14[%swap3A_500, %swap3A_501] {strides = array<i32>} : memref<128x32xf32, #tpu.memory_space<vmem>>, vector<16xf32>,
    tpu.vector_store %arg14[%swap3A_500, %swap3A_501], %broadcast_in_dim3A_498 {strides = array<i32>} : memref<128x32xf32, #tpu.memory_space<vmem>>, vector<16xf32>,
    %broadcast_in_dim3A_503 = arith.constant 0.000000e+00 : f32
    %broadcast_in_dim3A_504 = vector.broadcast %broadcast_in_dim3A_503 : f32 to vector<16xf32>
    %swap3A_505 = arith.constant 127 : i32
    %swap3A_506 = arith.index_cast %swap3A_505 : i32 to index
    %swap3A_507 = arith.constant 0 : index
    %swap3A_508 = tpu.vector_load %arg14[%swap3A_506, %swap3A_507] {strides = array<i32>} : memref<128x32xf32, #tpu.memory_space<vmem>>, vector<16xf32>,
    tpu.vector_store %arg14[%swap3A_506, %swap3A_507], %broadcast_in_dim3A_504 {strides = array<i32>} : memref<128x32xf32, #tpu.memory_space<vmem>>, vector<16xf32>,
    %broadcast_in_dim3A_509 = arith.constant 0.000000e+00 : f32
    %broadcast_in_dim3A_510 = vector.broadcast %broadcast_in_dim3A_509 : f32 to vector<16xf32>
    %swap3A_511 = arith.constant 127 : i32
    %swap3A_512 = arith.index_cast %swap3A_511 : i32 to index
    %swap3A_513 = arith.constant 16 : index
    %swap3A_514 = tpu.vector_load %arg14[%swap3A_512, %swap3A_513] {strides = array<i32>} : memref<128x32xf32, #tpu.memory_space<vmem>>, vector<16xf32>,
    tpu.vector_store %arg14[%swap3A_512, %swap3A_513], %broadcast_in_dim3A_510 {strides = array<i32>} : memref<128x32xf32, #tpu.memory_space<vmem>>, vector<16xf32>,
    %dma_start3A = arith.constant 0 : i32
    %dma_start3A_515 = arith.constant 0 : i32
    %dma_start3A_516 = tpu.memref_slice %arg9[%dma_start3A, %dma_start3A_515] : memref<128x32xf32, #tpu.memory_space<vmem>> -> memref<121x32xf32, #tpu.memory_space<vmem>>
    %dma_start3A_517 = arith.constant 0 : i32
    %dma_start3A_518 = tpu.memref_slice %arg7[%dma_start3A_517] : memref<40448xi32, #tpu.memory_space<vmem>> -> memref<121xi32, #tpu.memory_space<vmem>>
    %dma_start3A_519 = arith.constant 0 : i32
    %dma_start3A_520 = arith.constant 0 : i32
    %dma_start3A_521 = tpu.memref_slice %arg2[%dma_start3A_519, %dma_start3A_520] : memref<410000x32xf32, #tpu.memory_space<hbm>> -> memref<410000x32xf32, #tpu.memory_space<hbm>>
    tpu.enqueue_indirect_dma source(%dma_start3A_521 : memref<410000x32xf32, #tpu.memory_space<hbm>>) target(%dma_start3A_516 : memref<121x32xf32, #tpu.memory_space<vmem>>) offsets(%dma_start3A_518 : memref<121xi32, #tpu.memory_space<vmem>>) semaphore(%arg17 : memref<!tpu.dma_semaphore, #tpu.memory_space<semaphore_mem>>)
    %dma_start3A_522 = arith.constant 0 : i32
    %dma_start3A_523 = arith.constant 0 : i32
    %dma_start3A_524 = tpu.memref_slice %arg10[%dma_start3A_522, %dma_start3A_523] : memref<128x32xf32, #tpu.memory_space<vmem>> -> memref<121x32xf32, #tpu.memory_space<vmem>>
    %dma_start3A_525 = arith.constant 128 : i32
    %dma_start3A_526 = tpu.memref_slice %arg7[%dma_start3A_525] : memref<40448xi32, #tpu.memory_space<vmem>> -> memref<121xi32, #tpu.memory_space<vmem>>
    %dma_start3A_527 = arith.constant 0 : i32
    %dma_start3A_528 = arith.constant 0 : i32
    %dma_start3A_529 = tpu.memref_slice %arg2[%dma_start3A_527, %dma_start3A_528] : memref<410000x32xf32, #tpu.memory_space<hbm>> -> memref<410000x32xf32, #tpu.memory_space<hbm>>
    tpu.enqueue_indirect_dma source(%dma_start3A_529 : memref<410000x32xf32, #tpu.memory_space<hbm>>) target(%dma_start3A_524 : memref<121x32xf32, #tpu.memory_space<vmem>>) offsets(%dma_start3A_526 : memref<121xi32, #tpu.memory_space<vmem>>) semaphore(%arg18 : memref<!tpu.dma_semaphore, #tpu.memory_space<semaphore_mem>>)
    %dma_start3A_530 = arith.constant 0 : i32
    %dma_start3A_531 = arith.constant 0 : i32
    %dma_start3A_532 = tpu.memref_slice %arg11[%dma_start3A_530, %dma_start3A_531] : memref<128x32xf32, #tpu.memory_space<vmem>> -> memref<121x32xf32, #tpu.memory_space<vmem>>
    %dma_start3A_533 = arith.constant 256 : i32
    %dma_start3A_534 = tpu.memref_slice %arg7[%dma_start3A_533] : memref<40448xi32, #tpu.memory_space<vmem>> -> memref<121xi32, #tpu.memory_space<vmem>>
    %dma_start3A_535 = arith.constant 0 : i32
    %dma_start3A_536 = arith.constant 0 : i32
    %dma_start3A_537 = tpu.memref_slice %arg2[%dma_start3A_535, %dma_start3A_536] : memref<410000x32xf32, #tpu.memory_space<hbm>> -> memref<410000x32xf32, #tpu.memory_space<hbm>>
    tpu.enqueue_indirect_dma source(%dma_start3A_537 : memref<410000x32xf32, #tpu.memory_space<hbm>>) target(%dma_start3A_532 : memref<121x32xf32, #tpu.memory_space<vmem>>) offsets(%dma_start3A_534 : memref<121xi32, #tpu.memory_space<vmem>>) semaphore(%arg19 : memref<!tpu.dma_semaphore, #tpu.memory_space<semaphore_mem>>)
    %dma_start3A_538 = arith.constant 0 : i32
    %dma_start3A_539 = arith.constant 0 : i32
    %dma_start3A_540 = tpu.memref_slice %arg12[%dma_start3A_538, %dma_start3A_539] : memref<128x32xf32, #tpu.memory_space<vmem>> -> memref<121x32xf32, #tpu.memory_space<vmem>>
    %dma_start3A_541 = arith.constant 384 : i32
    %dma_start3A_542 = tpu.memref_slice %arg7[%dma_start3A_541] : memref<40448xi32, #tpu.memory_space<vmem>> -> memref<121xi32, #tpu.memory_space<vmem>>
    %dma_start3A_543 = arith.constant 0 : i32
    %dma_start3A_544 = arith.constant 0 : i32
    %dma_start3A_545 = tpu.memref_slice %arg2[%dma_start3A_543, %dma_start3A_544] : memref<410000x32xf32, #tpu.memory_space<hbm>> -> memref<410000x32xf32, #tpu.memory_space<hbm>>
    tpu.enqueue_indirect_dma source(%dma_start3A_545 : memref<410000x32xf32, #tpu.memory_space<hbm>>) target(%dma_start3A_540 : memref<121x32xf32, #tpu.memory_space<vmem>>) offsets(%dma_start3A_542 : memref<121xi32, #tpu.memory_space<vmem>>) semaphore(%arg20 : memref<!tpu.dma_semaphore, #tpu.memory_space<semaphore_mem>>)
    %dma_start3A_546 = arith.constant 0 : i32
    %dma_start3A_547 = arith.constant 0 : i32
    %dma_start3A_548 = tpu.memref_slice %arg13[%dma_start3A_546, %dma_start3A_547] : memref<128x32xf32, #tpu.memory_space<vmem>> -> memref<121x32xf32, #tpu.memory_space<vmem>>
    %dma_start3A_549 = arith.constant 512 : i32
    %dma_start3A_550 = tpu.memref_slice %arg7[%dma_start3A_549] : memref<40448xi32, #tpu.memory_space<vmem>> -> memref<121xi32, #tpu.memory_space<vmem>>
    %dma_start3A_551 = arith.constant 0 : i32
    %dma_start3A_552 = arith.constant 0 : i32
    %dma_start3A_553 = tpu.memref_slice %arg2[%dma_start3A_551, %dma_start3A_552] : memref<410000x32xf32, #tpu.memory_space<hbm>> -> memref<410000x32xf32, #tpu.memory_space<hbm>>
    tpu.enqueue_indirect_dma source(%dma_start3A_553 : memref<410000x32xf32, #tpu.memory_space<hbm>>) target(%dma_start3A_548 : memref<121x32xf32, #tpu.memory_space<vmem>>) offsets(%dma_start3A_550 : memref<121xi32, #tpu.memory_space<vmem>>) semaphore(%arg21 : memref<!tpu.dma_semaphore, #tpu.memory_space<semaphore_mem>>)
    %scan3A = arith.constant 0 : i32
    %scan3A_554 = arith.constant 0 : i32
    %scan3A_555 = arith.constant 52 : i32
    %scan3A_556 = arith.addi %scan3A_554, %scan3A_555 : i32
    %scan3A_557 = arith.constant 1 : i32
    %scan3A_558 = scf.for %scan3A_664 = %scan3A_554 to %scan3A_556 step %scan3A_557 iter_args(%scan3A_665 = %scan3A) -> (i32)  : i32 {
      %mul3A_666 = arith.constant 6 : i32
      %mul3A_667 = arith.muli %scan3A_664, %mul3A_666 : i32
      %add3A_668 = arith.constant 0 : i32
      %add3A_669 = arith.addi %mul3A_667, %add3A_668 : i32
      %add3A_670 = arith.constant 6 : i32
      %add3A_671 = arith.addi %add3A_669, %add3A_670 : i32
      %sub3A = arith.constant 1 : i32
      %sub3A_672 = arith.subi %add3A_671, %sub3A : i32
      %lt3A = arith.constant 316 : i32
      %lt3A_673 = arith.cmpi slt, %sub3A_672, %lt3A : i32
      %convert_element_type3A = arith.extui %lt3A_673 : i1 to i32
      %cond3A = arith.constant 0 : i32
      %cond3A_674 = arith.cmpi ne, %convert_element_type3A, %cond3A : i32
      scf.if %cond3A_674 {
        %mul3A_965 = arith.constant 128 : i32
        %mul3A_966 = arith.muli %sub3A_672, %mul3A_965 : i32
        %dma_start3A_967 = arith.constant 0 : i32
        %dma_start3A_968 = arith.constant 0 : i32
        %dma_start3A_969 = tpu.memref_slice %arg14[%dma_start3A_967, %dma_start3A_968] : memref<128x32xf32, #tpu.memory_space<vmem>> -> memref<121x32xf32, #tpu.memory_space<vmem>>
        %dma_start3A_970 = tpu.memref_slice %arg7[%mul3A_966] : memref<40448xi32, #tpu.memory_space<vmem>> -> memref<121xi32, #tpu.memory_space<vmem>>
        %dma_start3A_971 = arith.constant 0 : i32
        %dma_start3A_972 = arith.constant 0 : i32
        %dma_start3A_973 = tpu.memref_slice %arg2[%dma_start3A_971, %dma_start3A_972] : memref<410000x32xf32, #tpu.memory_space<hbm>> -> memref<410000x32xf32, #tpu.memory_space<hbm>>
        tpu.enqueue_indirect_dma source(%dma_start3A_973 : memref<410000x32xf32, #tpu.memory_space<hbm>>) target(%dma_start3A_969 : memref<121x32xf32, #tpu.memory_space<vmem>>) offsets(%dma_start3A_970 : memref<121xi32, #tpu.memory_space<vmem>>) semaphore(%arg22 : memref<!tpu.dma_semaphore, #tpu.memory_space<semaphore_mem>>)
      } else {
      }
      %add3A_675 = arith.constant 0 : i32
      %add3A_676 = arith.addi %mul3A_667, %add3A_675 : i32
      %mul3A_677 = arith.constant 128 : i32
      %mul3A_678 = arith.muli %add3A_676, %mul3A_677 : i32
      %dma_wait3A_679 = arith.constant 0 : i32
      %dma_wait3A_680 = arith.constant 0 : i32
      %dma_wait3A_681 = tpu.memref_slice %arg9[%dma_wait3A_679, %dma_wait3A_680] : memref<128x32xf32, #tpu.memory_space<vmem>> -> memref<121x32xf32, #tpu.memory_space<vmem>>
      %dma_wait3A_682 = tpu.memref_slice %arg7[%mul3A_678] : memref<40448xi32, #tpu.memory_space<vmem>> -> memref<121xi32, #tpu.memory_space<vmem>>
      %dma_wait3A_683 = arith.constant 0 : i32
      %dma_wait3A_684 = arith.constant 0 : i32
      %dma_wait3A_685 = tpu.memref_slice %arg2[%dma_wait3A_683, %dma_wait3A_684] : memref<410000x32xf32, #tpu.memory_space<hbm>> -> memref<410000x32xf32, #tpu.memory_space<hbm>>
      tpu.wait_indirect_dma semaphore(%arg17 : memref<!tpu.dma_semaphore, #tpu.memory_space<semaphore_mem>>) src(%dma_wait3A_685 : memref<410000x32xf32, #tpu.memory_space<hbm>>) dst(%dma_wait3A_681 : memref<121x32xf32, #tpu.memory_space<vmem>>)
      %add3A_686 = arith.constant 0 : i32
      %add3A_687 = arith.addi %mul3A_667, %add3A_686 : i32
      %mul3A_688 = arith.constant 128 : i32
      %mul3A_689 = arith.muli %add3A_687, %mul3A_688 : i32
      %scan3A_690 = arith.constant 0 : i32
      %scan3A_691 = arith.constant 16 : i32
      %scan3A_692 = arith.addi %scan3A_690, %scan3A_691 : i32
      %scan3A_693 = arith.constant 1 : i32
      %scan3A_694:8 = scf.for %scan3A_965 = %scan3A_690 to %scan3A_692 step %scan3A_693 iter_args(%scan3A_966 = %get3A_8, %scan3A_967 = %get3A_10, %scan3A_968 = %broadcast_in_dim3A_11, %scan3A_969 = %broadcast_in_dim3A_11, %scan3A_970 = %broadcast_in_dim3A_11, %scan3A_971 = %broadcast_in_dim3A_11, %scan3A_972 = %broadcast_in_dim3A_11, %scan3A_973 = %broadcast_in_dim3A_11) -> (vector<16xf32>, vector<16xf32>, vector<16xf32>, vector<16xf32>, vector<16xf32>, vector<16xf32>, vector<16xf32>, vector<16xf32>)  : i32 {
        %mul3A_974 = arith.constant 8 : i32
        %mul3A_975 = arith.muli %mul3A_974, %scan3A_965 : i32
        %add3A_976 = arith.addi %mul3A_689, %mul3A_975 : i32
        %broadcast_in_dim3A_977 = vector.broadcast %add3A_976 : i32 to vector<16xi32>
        %mul3A_978 = arith.constant 8 : i32
        %mul3A_979 = arith.muli %scan3A_965, %mul3A_978 : i32
        %add3A_980 = arith.constant 0 : i32
        %add3A_981 = arith.addi %mul3A_979, %add3A_980 : i32
        %add3A_982 = arith.constant 0 : i32
        %add3A_983 = vector.broadcast %add3A_982 : i32 to vector<16xi32>
        %add3A_984 = arith.addi %broadcast_in_dim3A_977, %add3A_983 : vector<16xi32>
        %gather3A = tpu.vector_load_idx %arg8[%add3A_984] : memref<40448xf32, #tpu.memory_space<vmem>>[vector<16xi32>], vector<16xf32>,
        %get3A_985 = arith.index_cast %add3A_981 : i32 to index
        %get3A_986 = arith.constant 0 : index
        %get3A_987 = tpu.vector_load %arg9[%get3A_985, %get3A_986] {strides = array<i32>} : memref<128x32xf32, #tpu.memory_space<vmem>>, vector<16xf32>,
        %get3A_988 = arith.index_cast %add3A_981 : i32 to index
        %get3A_989 = arith.constant 16 : index
        %get3A_990 = tpu.vector_load %arg9[%get3A_988, %get3A_989] {strides = array<i32>} : memref<128x32xf32, #tpu.memory_space<vmem>>, vector<16xf32>,
        %mul3A_991 = arith.mulf %gather3A, %get3A_987 : vector<16xf32>
        %add3A_992 = arith.addf %scan3A_966, %mul3A_991 : vector<16xf32>
        %mul3A_993 = arith.mulf %gather3A, %get3A_990 : vector<16xf32>
        %add3A_994 = arith.addf %scan3A_967, %mul3A_993 : vector<16xf32>
        %mul3A_995 = arith.constant 8 : i32
        %mul3A_996 = arith.muli %scan3A_965, %mul3A_995 : i32
        %add3A_997 = arith.constant 1 : i32
        %add3A_998 = arith.addi %mul3A_996, %add3A_997 : i32
        %add3A_999 = arith.constant 1 : i32
        %add3A_1000 = vector.broadcast %add3A_999 : i32 to vector<16xi32>
        %add3A_1001 = arith.addi %broadcast_in_dim3A_977, %add3A_1000 : vector<16xi32>
        %gather3A_1002 = tpu.vector_load_idx %arg8[%add3A_1001] : memref<40448xf32, #tpu.memory_space<vmem>>[vector<16xi32>], vector<16xf32>,
        %get3A_1003 = arith.index_cast %add3A_998 : i32 to index
        %get3A_1004 = arith.constant 0 : index
        %get3A_1005 = tpu.vector_load %arg9[%get3A_1003, %get3A_1004] {strides = array<i32>} : memref<128x32xf32, #tpu.memory_space<vmem>>, vector<16xf32>,
        %get3A_1006 = arith.index_cast %add3A_998 : i32 to index
        %get3A_1007 = arith.constant 16 : index
        %get3A_1008 = tpu.vector_load %arg9[%get3A_1006, %get3A_1007] {strides = array<i32>} : memref<128x32xf32, #tpu.memory_space<vmem>>, vector<16xf32>,
        %mul3A_1009 = arith.mulf %gather3A_1002, %get3A_1005 : vector<16xf32>
        %add3A_1010 = arith.addf %scan3A_968, %mul3A_1009 : vector<16xf32>
        %mul3A_1011 = arith.mulf %gather3A_1002, %get3A_1008 : vector<16xf32>
        %add3A_1012 = arith.addf %scan3A_969, %mul3A_1011 : vector<16xf32>
        %mul3A_1013 = arith.constant 8 : i32
        %mul3A_1014 = arith.muli %scan3A_965, %mul3A_1013 : i32
        %add3A_1015 = arith.constant 2 : i32
        %add3A_1016 = arith.addi %mul3A_1014, %add3A_1015 : i32
        %add3A_1017 = arith.constant 2 : i32
        %add3A_1018 = vector.broadcast %add3A_1017 : i32 to vector<16xi32>
        %add3A_1019 = arith.addi %broadcast_in_dim3A_977, %add3A_1018 : vector<16xi32>
        %gather3A_1020 = tpu.vector_load_idx %arg8[%add3A_1019] : memref<40448xf32, #tpu.memory_space<vmem>>[vector<16xi32>], vector<16xf32>,
        %get3A_1021 = arith.index_cast %add3A_1016 : i32 to index
        %get3A_1022 = arith.constant 0 : index
        %get3A_1023 = tpu.vector_load %arg9[%get3A_1021, %get3A_1022] {strides = array<i32>} : memref<128x32xf32, #tpu.memory_space<vmem>>, vector<16xf32>,
        %get3A_1024 = arith.index_cast %add3A_1016 : i32 to index
        %get3A_1025 = arith.constant 16 : index
        %get3A_1026 = tpu.vector_load %arg9[%get3A_1024, %get3A_1025] {strides = array<i32>} : memref<128x32xf32, #tpu.memory_space<vmem>>, vector<16xf32>,
        %mul3A_1027 = arith.mulf %gather3A_1020, %get3A_1023 : vector<16xf32>
        %add3A_1028 = arith.addf %scan3A_970, %mul3A_1027 : vector<16xf32>
        %mul3A_1029 = arith.mulf %gather3A_1020, %get3A_1026 : vector<16xf32>
        %add3A_1030 = arith.addf %scan3A_971, %mul3A_1029 : vector<16xf32>
        %mul3A_1031 = arith.constant 8 : i32
        %mul3A_1032 = arith.muli %scan3A_965, %mul3A_1031 : i32
        %add3A_1033 = arith.constant 3 : i32
        %add3A_1034 = arith.addi %mul3A_1032, %add3A_1033 : i32
        %add3A_1035 = arith.constant 3 : i32
        %add3A_1036 = vector.broadcast %add3A_1035 : i32 to vector<16xi32>
        %add3A_1037 = arith.addi %broadcast_in_dim3A_977, %add3A_1036 : vector<16xi32>
        %gather3A_1038 = tpu.vector_load_idx %arg8[%add3A_1037] : memref<40448xf32, #tpu.memory_space<vmem>>[vector<16xi32>], vector<16xf32>,
        %get3A_1039 = arith.index_cast %add3A_1034 : i32 to index
        %get3A_1040 = arith.constant 0 : index
        %get3A_1041 = tpu.vector_load %arg9[%get3A_1039, %get3A_1040] {strides = array<i32>} : memref<128x32xf32, #tpu.memory_space<vmem>>, vector<16xf32>,
        %get3A_1042 = arith.index_cast %add3A_1034 : i32 to index
        %get3A_1043 = arith.constant 16 : index
        %get3A_1044 = tpu.vector_load %arg9[%get3A_1042, %get3A_1043] {strides = array<i32>} : memref<128x32xf32, #tpu.memory_space<vmem>>, vector<16xf32>,
        %mul3A_1045 = arith.mulf %gather3A_1038, %get3A_1041 : vector<16xf32>
        %add3A_1046 = arith.addf %scan3A_972, %mul3A_1045 : vector<16xf32>
        %mul3A_1047 = arith.mulf %gather3A_1038, %get3A_1044 : vector<16xf32>
        %add3A_1048 = arith.addf %scan3A_973, %mul3A_1047 : vector<16xf32>
        %mul3A_1049 = arith.constant 8 : i32
        %mul3A_1050 = arith.muli %scan3A_965, %mul3A_1049 : i32
        %add3A_1051 = arith.constant 4 : i32
        %add3A_1052 = arith.addi %mul3A_1050, %add3A_1051 : i32
        %add3A_1053 = arith.constant 4 : i32
        %add3A_1054 = vector.broadcast %add3A_1053 : i32 to vector<16xi32>
        %add3A_1055 = arith.addi %broadcast_in_dim3A_977, %add3A_1054 : vector<16xi32>
        %gather3A_1056 = tpu.vector_load_idx %arg8[%add3A_1055] : memref<40448xf32, #tpu.memory_space<vmem>>[vector<16xi32>], vector<16xf32>,
        %get3A_1057 = arith.index_cast %add3A_1052 : i32 to index
        %get3A_1058 = arith.constant 0 : index
        %get3A_1059 = tpu.vector_load %arg9[%get3A_1057, %get3A_1058] {strides = array<i32>} : memref<128x32xf32, #tpu.memory_space<vmem>>, vector<16xf32>,
        %get3A_1060 = arith.index_cast %add3A_1052 : i32 to index
        %get3A_1061 = arith.constant 16 : index
        %get3A_1062 = tpu.vector_load %arg9[%get3A_1060, %get3A_1061] {strides = array<i32>} : memref<128x32xf32, #tpu.memory_space<vmem>>, vector<16xf32>,
        %mul3A_1063 = arith.mulf %gather3A_1056, %get3A_1059 : vector<16xf32>
        %add3A_1064 = arith.addf %add3A_992, %mul3A_1063 : vector<16xf32>
        %mul3A_1065 = arith.mulf %gather3A_1056, %get3A_1062 : vector<16xf32>
        %add3A_1066 = arith.addf %add3A_994, %mul3A_1065 : vector<16xf32>
        %mul3A_1067 = arith.constant 8 : i32
        %mul3A_1068 = arith.muli %scan3A_965, %mul3A_1067 : i32
        %add3A_1069 = arith.constant 5 : i32
        %add3A_1070 = arith.addi %mul3A_1068, %add3A_1069 : i32
        %add3A_1071 = arith.constant 5 : i32
        %add3A_1072 = vector.broadcast %add3A_1071 : i32 to vector<16xi32>
        %add3A_1073 = arith.addi %broadcast_in_dim3A_977, %add3A_1072 : vector<16xi32>
        %gather3A_1074 = tpu.vector_load_idx %arg8[%add3A_1073] : memref<40448xf32, #tpu.memory_space<vmem>>[vector<16xi32>], vector<16xf32>,
        %get3A_1075 = arith.index_cast %add3A_1070 : i32 to index
        %get3A_1076 = arith.constant 0 : index
        %get3A_1077 = tpu.vector_load %arg9[%get3A_1075, %get3A_1076] {strides = array<i32>} : memref<128x32xf32, #tpu.memory_space<vmem>>, vector<16xf32>,
        %get3A_1078 = arith.index_cast %add3A_1070 : i32 to index
        %get3A_1079 = arith.constant 16 : index
        %get3A_1080 = tpu.vector_load %arg9[%get3A_1078, %get3A_1079] {strides = array<i32>} : memref<128x32xf32, #tpu.memory_space<vmem>>, vector<16xf32>,
        %mul3A_1081 = arith.mulf %gather3A_1074, %get3A_1077 : vector<16xf32>
        %add3A_1082 = arith.addf %add3A_1010, %mul3A_1081 : vector<16xf32>
        %mul3A_1083 = arith.mulf %gather3A_1074, %get3A_1080 : vector<16xf32>
        %add3A_1084 = arith.addf %add3A_1012, %mul3A_1083 : vector<16xf32>
        %mul3A_1085 = arith.constant 8 : i32
        %mul3A_1086 = arith.muli %scan3A_965, %mul3A_1085 : i32
        %add3A_1087 = arith.constant 6 : i32
        %add3A_1088 = arith.addi %mul3A_1086, %add3A_1087 : i32
        %add3A_1089 = arith.constant 6 : i32
        %add3A_1090 = vector.broadcast %add3A_1089 : i32 to vector<16xi32>
        %add3A_1091 = arith.addi %broadcast_in_dim3A_977, %add3A_1090 : vector<16xi32>
        %gather3A_1092 = tpu.vector_load_idx %arg8[%add3A_1091] : memref<40448xf32, #tpu.memory_space<vmem>>[vector<16xi32>], vector<16xf32>,
        %get3A_1093 = arith.index_cast %add3A_1088 : i32 to index
        %get3A_1094 = arith.constant 0 : index
        %get3A_1095 = tpu.vector_load %arg9[%get3A_1093, %get3A_1094] {strides = array<i32>} : memref<128x32xf32, #tpu.memory_space<vmem>>, vector<16xf32>,
        %get3A_1096 = arith.index_cast %add3A_1088 : i32 to index
        %get3A_1097 = arith.constant 16 : index
        %get3A_1098 = tpu.vector_load %arg9[%get3A_1096, %get3A_1097] {strides = array<i32>} : memref<128x32xf32, #tpu.memory_space<vmem>>, vector<16xf32>,
        %mul3A_1099 = arith.mulf %gather3A_1092, %get3A_1095 : vector<16xf32>
        %add3A_1100 = arith.addf %add3A_1028, %mul3A_1099 : vector<16xf32>
        %mul3A_1101 = arith.mulf %gather3A_1092, %get3A_1098 : vector<16xf32>
        %add3A_1102 = arith.addf %add3A_1030, %mul3A_1101 : vector<16xf32>
        %mul3A_1103 = arith.constant 8 : i32
        %mul3A_1104 = arith.muli %scan3A_965, %mul3A_1103 : i32
        %add3A_1105 = arith.constant 7 : i32
        %add3A_1106 = arith.addi %mul3A_1104, %add3A_1105 : i32
        %add3A_1107 = arith.constant 7 : i32
        %add3A_1108 = vector.broadcast %add3A_1107 : i32 to vector<16xi32>
        %add3A_1109 = arith.addi %broadcast_in_dim3A_977, %add3A_1108 : vector<16xi32>
        %gather3A_1110 = tpu.vector_load_idx %arg8[%add3A_1109] : memref<40448xf32, #tpu.memory_space<vmem>>[vector<16xi32>], vector<16xf32>,
        %get3A_1111 = arith.index_cast %add3A_1106 : i32 to index
        %get3A_1112 = arith.constant 0 : index
        %get3A_1113 = tpu.vector_load %arg9[%get3A_1111, %get3A_1112] {strides = array<i32>} : memref<128x32xf32, #tpu.memory_space<vmem>>, vector<16xf32>,
        %get3A_1114 = arith.index_cast %add3A_1106 : i32 to index
        %get3A_1115 = arith.constant 16 : index
        %get3A_1116 = tpu.vector_load %arg9[%get3A_1114, %get3A_1115] {strides = array<i32>} : memref<128x32xf32, #tpu.memory_space<vmem>>, vector<16xf32>,
        %mul3A_1117 = arith.mulf %gather3A_1110, %get3A_1113 : vector<16xf32>
        %add3A_1118 = arith.addf %add3A_1046, %mul3A_1117 : vector<16xf32>
        %mul3A_1119 = arith.mulf %gather3A_1110, %get3A_1116 : vector<16xf32>
        %add3A_1120 = arith.addf %add3A_1048, %mul3A_1119 : vector<16xf32>
        scf.yield %add3A_1064, %add3A_1066, %add3A_1082, %add3A_1084, %add3A_1100, %add3A_1102, %add3A_1118, %add3A_1120 : vector<16xf32>, vector<16xf32>, vector<16xf32>, vector<16xf32>, vector<16xf32>, vector<16xf32>, vector<16xf32>, vector<16xf32>
      }
      %scan3A_695 = arith.constant 16 : i32
      %add3A_696 = arith.addf %scan3A_694#0, %scan3A_694#2 : vector<16xf32>
      %add3A_697 = arith.addf %scan3A_694#4, %scan3A_694#6 : vector<16xf32>
      %add3A_698 = arith.addf %add3A_696, %add3A_697 : vector<16xf32>
      %add3A_699 = arith.addf %scan3A_694#1, %scan3A_694#3 : vector<16xf32>
      %add3A_700 = arith.addf %scan3A_694#5, %scan3A_694#7 : vector<16xf32>
      %add3A_701 = arith.addf %add3A_699, %add3A_700 : vector<16xf32>
      %max3A_702 = arith.maximumf %add3A_698, %broadcast_in_dim3A_11 : vector<16xf32>
      %mul3A_703 = arith.constant 32 : i32
      %mul3A_704 = arith.muli %add3A_687, %mul3A_703 : i32
      %swap3A_705 = arith.index_cast %mul3A_704 : i32 to index
      %swap3A_706 = tpu.vector_load %arg16[%swap3A_705] {strides = array<i32>} : memref<10112xf32, #tpu.memory_space<vmem>>, vector<16xf32>,
      tpu.vector_store %arg16[%swap3A_705], %max3A_702 {strides = array<i32>} : memref<10112xf32, #tpu.memory_space<vmem>>, vector<16xf32>,
      %max3A_707 = arith.maximumf %add3A_701, %broadcast_in_dim3A_11 : vector<16xf32>
      %mul3A_708 = arith.constant 32 : i32
      %mul3A_709 = arith.muli %add3A_687, %mul3A_708 : i32
      %add3A_710 = arith.constant 16 : i32
      %add3A_711 = arith.addi %mul3A_709, %add3A_710 : i32
      %swap3A_712 = arith.index_cast %add3A_711 : i32 to index
      %swap3A_713 = tpu.vector_load %arg16[%swap3A_712] {strides = array<i32>} : memref<10112xf32, #tpu.memory_space<vmem>>, vector<16xf32>,
      tpu.vector_store %arg16[%swap3A_712], %max3A_707 {strides = array<i32>} : memref<10112xf32, #tpu.memory_space<vmem>>, vector<16xf32>,
      %add3A_714 = arith.constant 1 : i32
      %add3A_715 = arith.addi %mul3A_667, %add3A_714 : i32
      %add3A_716 = arith.constant 6 : i32
      %add3A_717 = arith.addi %add3A_715, %add3A_716 : i32
      %sub3A_718 = arith.constant 1 : i32
      %sub3A_719 = arith.subi %add3A_717, %sub3A_718 : i32
      %lt3A_720 = arith.constant 316 : i32
      %lt3A_721 = arith.cmpi slt, %sub3A_719, %lt3A_720 : i32
      %convert_element_type3A_722 = arith.extui %lt3A_721 : i1 to i32
      %cond3A_723 = arith.constant 0 : i32
      %cond3A_724 = arith.cmpi ne, %convert_element_type3A_722, %cond3A_723 : i32
      scf.if %cond3A_724 {
        %mul3A_965 = arith.constant 128 : i32
        %mul3A_966 = arith.muli %sub3A_719, %mul3A_965 : i32
        %dma_start3A_967 = arith.constant 0 : i32
        %dma_start3A_968 = arith.constant 0 : i32
        %dma_start3A_969 = tpu.memref_slice %arg9[%dma_start3A_967, %dma_start3A_968] : memref<128x32xf32, #tpu.memory_space<vmem>> -> memref<121x32xf32, #tpu.memory_space<vmem>>
        %dma_start3A_970 = tpu.memref_slice %arg7[%mul3A_966] : memref<40448xi32, #tpu.memory_space<vmem>> -> memref<121xi32, #tpu.memory_space<vmem>>
        %dma_start3A_971 = arith.constant 0 : i32
        %dma_start3A_972 = arith.constant 0 : i32
        %dma_start3A_973 = tpu.memref_slice %arg2[%dma_start3A_971, %dma_start3A_972] : memref<410000x32xf32, #tpu.memory_space<hbm>> -> memref<410000x32xf32, #tpu.memory_space<hbm>>
        tpu.enqueue_indirect_dma source(%dma_start3A_973 : memref<410000x32xf32, #tpu.memory_space<hbm>>) target(%dma_start3A_969 : memref<121x32xf32, #tpu.memory_space<vmem>>) offsets(%dma_start3A_970 : memref<121xi32, #tpu.memory_space<vmem>>) semaphore(%arg17 : memref<!tpu.dma_semaphore, #tpu.memory_space<semaphore_mem>>)
      } else {
      }
      %add3A_725 = arith.constant 1 : i32
      %add3A_726 = arith.addi %mul3A_667, %add3A_725 : i32
      %mul3A_727 = arith.constant 128 : i32
      %mul3A_728 = arith.muli %add3A_726, %mul3A_727 : i32
      %dma_wait3A_729 = arith.constant 0 : i32
      %dma_wait3A_730 = arith.constant 0 : i32
      %dma_wait3A_731 = tpu.memref_slice %arg10[%dma_wait3A_729, %dma_wait3A_730] : memref<128x32xf32, #tpu.memory_space<vmem>> -> memref<121x32xf32, #tpu.memory_space<vmem>>
      %dma_wait3A_732 = tpu.memref_slice %arg7[%mul3A_728] : memref<40448xi32, #tpu.memory_space<vmem>> -> memref<121xi32, #tpu.memory_space<vmem>>
      %dma_wait3A_733 = arith.constant 0 : i32
      %dma_wait3A_734 = arith.constant 0 : i32
      %dma_wait3A_735 = tpu.memref_slice %arg2[%dma_wait3A_733, %dma_wait3A_734] : memref<410000x32xf32, #tpu.memory_space<hbm>> -> memref<410000x32xf32, #tpu.memory_space<hbm>>
      tpu.wait_indirect_dma semaphore(%arg18 : memref<!tpu.dma_semaphore, #tpu.memory_space<semaphore_mem>>) src(%dma_wait3A_735 : memref<410000x32xf32, #tpu.memory_space<hbm>>) dst(%dma_wait3A_731 : memref<121x32xf32, #tpu.memory_space<vmem>>)
      %add3A_736 = arith.constant 1 : i32
      %add3A_737 = arith.addi %mul3A_667, %add3A_736 : i32
      %mul3A_738 = arith.constant 128 : i32
      %mul3A_739 = arith.muli %add3A_737, %mul3A_738 : i32
      %scan3A_740 = arith.constant 0 : i32
      %scan3A_741 = arith.constant 16 : i32
      %scan3A_742 = arith.addi %scan3A_740, %scan3A_741 : i32
      %scan3A_743 = arith.constant 1 : i32
      %scan3A_744:8 = scf.for %scan3A_965 = %scan3A_740 to %scan3A_742 step %scan3A_743 iter_args(%scan3A_966 = %get3A_8, %scan3A_967 = %get3A_10, %scan3A_968 = %broadcast_in_dim3A_11, %scan3A_969 = %broadcast_in_dim3A_11, %scan3A_970 = %broadcast_in_dim3A_11, %scan3A_971 = %broadcast_in_dim3A_11, %scan3A_972 = %broadcast_in_dim3A_11, %scan3A_973 = %broadcast_in_dim3A_11) -> (vector<16xf32>, vector<16xf32>, vector<16xf32>, vector<16xf32>, vector<16xf32>, vector<16xf32>, vector<16xf32>, vector<16xf32>)  : i32 {
        %mul3A_974 = arith.constant 8 : i32
        %mul3A_975 = arith.muli %mul3A_974, %scan3A_965 : i32
        %add3A_976 = arith.addi %mul3A_739, %mul3A_975 : i32
        %broadcast_in_dim3A_977 = vector.broadcast %add3A_976 : i32 to vector<16xi32>
        %mul3A_978 = arith.constant 8 : i32
        %mul3A_979 = arith.muli %scan3A_965, %mul3A_978 : i32
        %add3A_980 = arith.constant 0 : i32
        %add3A_981 = arith.addi %mul3A_979, %add3A_980 : i32
        %add3A_982 = arith.constant 0 : i32
        %add3A_983 = vector.broadcast %add3A_982 : i32 to vector<16xi32>
        %add3A_984 = arith.addi %broadcast_in_dim3A_977, %add3A_983 : vector<16xi32>
        %gather3A = tpu.vector_load_idx %arg8[%add3A_984] : memref<40448xf32, #tpu.memory_space<vmem>>[vector<16xi32>], vector<16xf32>,
        %get3A_985 = arith.index_cast %add3A_981 : i32 to index
        %get3A_986 = arith.constant 0 : index
        %get3A_987 = tpu.vector_load %arg10[%get3A_985, %get3A_986] {strides = array<i32>} : memref<128x32xf32, #tpu.memory_space<vmem>>, vector<16xf32>,
        %get3A_988 = arith.index_cast %add3A_981 : i32 to index
        %get3A_989 = arith.constant 16 : index
        %get3A_990 = tpu.vector_load %arg10[%get3A_988, %get3A_989] {strides = array<i32>} : memref<128x32xf32, #tpu.memory_space<vmem>>, vector<16xf32>,
        %mul3A_991 = arith.mulf %gather3A, %get3A_987 : vector<16xf32>
        %add3A_992 = arith.addf %scan3A_966, %mul3A_991 : vector<16xf32>
        %mul3A_993 = arith.mulf %gather3A, %get3A_990 : vector<16xf32>
        %add3A_994 = arith.addf %scan3A_967, %mul3A_993 : vector<16xf32>
        %mul3A_995 = arith.constant 8 : i32
        %mul3A_996 = arith.muli %scan3A_965, %mul3A_995 : i32
        %add3A_997 = arith.constant 1 : i32
        %add3A_998 = arith.addi %mul3A_996, %add3A_997 : i32
        %add3A_999 = arith.constant 1 : i32
        %add3A_1000 = vector.broadcast %add3A_999 : i32 to vector<16xi32>
        %add3A_1001 = arith.addi %broadcast_in_dim3A_977, %add3A_1000 : vector<16xi32>
        %gather3A_1002 = tpu.vector_load_idx %arg8[%add3A_1001] : memref<40448xf32, #tpu.memory_space<vmem>>[vector<16xi32>], vector<16xf32>,
        %get3A_1003 = arith.index_cast %add3A_998 : i32 to index
        %get3A_1004 = arith.constant 0 : index
        %get3A_1005 = tpu.vector_load %arg10[%get3A_1003, %get3A_1004] {strides = array<i32>} : memref<128x32xf32, #tpu.memory_space<vmem>>, vector<16xf32>,
        %get3A_1006 = arith.index_cast %add3A_998 : i32 to index
        %get3A_1007 = arith.constant 16 : index
        %get3A_1008 = tpu.vector_load %arg10[%get3A_1006, %get3A_1007] {strides = array<i32>} : memref<128x32xf32, #tpu.memory_space<vmem>>, vector<16xf32>,
        %mul3A_1009 = arith.mulf %gather3A_1002, %get3A_1005 : vector<16xf32>
        %add3A_1010 = arith.addf %scan3A_968, %mul3A_1009 : vector<16xf32>
        %mul3A_1011 = arith.mulf %gather3A_1002, %get3A_1008 : vector<16xf32>
        %add3A_1012 = arith.addf %scan3A_969, %mul3A_1011 : vector<16xf32>
        %mul3A_1013 = arith.constant 8 : i32
        %mul3A_1014 = arith.muli %scan3A_965, %mul3A_1013 : i32
        %add3A_1015 = arith.constant 2 : i32
        %add3A_1016 = arith.addi %mul3A_1014, %add3A_1015 : i32
        %add3A_1017 = arith.constant 2 : i32
        %add3A_1018 = vector.broadcast %add3A_1017 : i32 to vector<16xi32>
        %add3A_1019 = arith.addi %broadcast_in_dim3A_977, %add3A_1018 : vector<16xi32>
        %gather3A_1020 = tpu.vector_load_idx %arg8[%add3A_1019] : memref<40448xf32, #tpu.memory_space<vmem>>[vector<16xi32>], vector<16xf32>,
        %get3A_1021 = arith.index_cast %add3A_1016 : i32 to index
        %get3A_1022 = arith.constant 0 : index
        %get3A_1023 = tpu.vector_load %arg10[%get3A_1021, %get3A_1022] {strides = array<i32>} : memref<128x32xf32, #tpu.memory_space<vmem>>, vector<16xf32>,
        %get3A_1024 = arith.index_cast %add3A_1016 : i32 to index
        %get3A_1025 = arith.constant 16 : index
        %get3A_1026 = tpu.vector_load %arg10[%get3A_1024, %get3A_1025] {strides = array<i32>} : memref<128x32xf32, #tpu.memory_space<vmem>>, vector<16xf32>,
        %mul3A_1027 = arith.mulf %gather3A_1020, %get3A_1023 : vector<16xf32>
        %add3A_1028 = arith.addf %scan3A_970, %mul3A_1027 : vector<16xf32>
        %mul3A_1029 = arith.mulf %gather3A_1020, %get3A_1026 : vector<16xf32>
        %add3A_1030 = arith.addf %scan3A_971, %mul3A_1029 : vector<16xf32>
        %mul3A_1031 = arith.constant 8 : i32
        %mul3A_1032 = arith.muli %scan3A_965, %mul3A_1031 : i32
        %add3A_1033 = arith.constant 3 : i32
        %add3A_1034 = arith.addi %mul3A_1032, %add3A_1033 : i32
        %add3A_1035 = arith.constant 3 : i32
        %add3A_1036 = vector.broadcast %add3A_1035 : i32 to vector<16xi32>
        %add3A_1037 = arith.addi %broadcast_in_dim3A_977, %add3A_1036 : vector<16xi32>
        %gather3A_1038 = tpu.vector_load_idx %arg8[%add3A_1037] : memref<40448xf32, #tpu.memory_space<vmem>>[vector<16xi32>], vector<16xf32>,
        %get3A_1039 = arith.index_cast %add3A_1034 : i32 to index
        %get3A_1040 = arith.constant 0 : index
        %get3A_1041 = tpu.vector_load %arg10[%get3A_1039, %get3A_1040] {strides = array<i32>} : memref<128x32xf32, #tpu.memory_space<vmem>>, vector<16xf32>,
        %get3A_1042 = arith.index_cast %add3A_1034 : i32 to index
        %get3A_1043 = arith.constant 16 : index
        %get3A_1044 = tpu.vector_load %arg10[%get3A_1042, %get3A_1043] {strides = array<i32>} : memref<128x32xf32, #tpu.memory_space<vmem>>, vector<16xf32>,
        %mul3A_1045 = arith.mulf %gather3A_1038, %get3A_1041 : vector<16xf32>
        %add3A_1046 = arith.addf %scan3A_972, %mul3A_1045 : vector<16xf32>
        %mul3A_1047 = arith.mulf %gather3A_1038, %get3A_1044 : vector<16xf32>
        %add3A_1048 = arith.addf %scan3A_973, %mul3A_1047 : vector<16xf32>
        %mul3A_1049 = arith.constant 8 : i32
        %mul3A_1050 = arith.muli %scan3A_965, %mul3A_1049 : i32
        %add3A_1051 = arith.constant 4 : i32
        %add3A_1052 = arith.addi %mul3A_1050, %add3A_1051 : i32
        %add3A_1053 = arith.constant 4 : i32
        %add3A_1054 = vector.broadcast %add3A_1053 : i32 to vector<16xi32>
        %add3A_1055 = arith.addi %broadcast_in_dim3A_977, %add3A_1054 : vector<16xi32>
        %gather3A_1056 = tpu.vector_load_idx %arg8[%add3A_1055] : memref<40448xf32, #tpu.memory_space<vmem>>[vector<16xi32>], vector<16xf32>,
        %get3A_1057 = arith.index_cast %add3A_1052 : i32 to index
        %get3A_1058 = arith.constant 0 : index
        %get3A_1059 = tpu.vector_load %arg10[%get3A_1057, %get3A_1058] {strides = array<i32>} : memref<128x32xf32, #tpu.memory_space<vmem>>, vector<16xf32>,
        %get3A_1060 = arith.index_cast %add3A_1052 : i32 to index
        %get3A_1061 = arith.constant 16 : index
        %get3A_1062 = tpu.vector_load %arg10[%get3A_1060, %get3A_1061] {strides = array<i32>} : memref<128x32xf32, #tpu.memory_space<vmem>>, vector<16xf32>,
        %mul3A_1063 = arith.mulf %gather3A_1056, %get3A_1059 : vector<16xf32>
        %add3A_1064 = arith.addf %add3A_992, %mul3A_1063 : vector<16xf32>
        %mul3A_1065 = arith.mulf %gather3A_1056, %get3A_1062 : vector<16xf32>
        %add3A_1066 = arith.addf %add3A_994, %mul3A_1065 : vector<16xf32>
        %mul3A_1067 = arith.constant 8 : i32
        %mul3A_1068 = arith.muli %scan3A_965, %mul3A_1067 : i32
        %add3A_1069 = arith.constant 5 : i32
        %add3A_1070 = arith.addi %mul3A_1068, %add3A_1069 : i32
        %add3A_1071 = arith.constant 5 : i32
        %add3A_1072 = vector.broadcast %add3A_1071 : i32 to vector<16xi32>
        %add3A_1073 = arith.addi %broadcast_in_dim3A_977, %add3A_1072 : vector<16xi32>
        %gather3A_1074 = tpu.vector_load_idx %arg8[%add3A_1073] : memref<40448xf32, #tpu.memory_space<vmem>>[vector<16xi32>], vector<16xf32>,
        %get3A_1075 = arith.index_cast %add3A_1070 : i32 to index
        %get3A_1076 = arith.constant 0 : index
        %get3A_1077 = tpu.vector_load %arg10[%get3A_1075, %get3A_1076] {strides = array<i32>} : memref<128x32xf32, #tpu.memory_space<vmem>>, vector<16xf32>,
        %get3A_1078 = arith.index_cast %add3A_1070 : i32 to index
        %get3A_1079 = arith.constant 16 : index
        %get3A_1080 = tpu.vector_load %arg10[%get3A_1078, %get3A_1079] {strides = array<i32>} : memref<128x32xf32, #tpu.memory_space<vmem>>, vector<16xf32>,
        %mul3A_1081 = arith.mulf %gather3A_1074, %get3A_1077 : vector<16xf32>
        %add3A_1082 = arith.addf %add3A_1010, %mul3A_1081 : vector<16xf32>
        %mul3A_1083 = arith.mulf %gather3A_1074, %get3A_1080 : vector<16xf32>
        %add3A_1084 = arith.addf %add3A_1012, %mul3A_1083 : vector<16xf32>
        %mul3A_1085 = arith.constant 8 : i32
        %mul3A_1086 = arith.muli %scan3A_965, %mul3A_1085 : i32
        %add3A_1087 = arith.constant 6 : i32
        %add3A_1088 = arith.addi %mul3A_1086, %add3A_1087 : i32
        %add3A_1089 = arith.constant 6 : i32
        %add3A_1090 = vector.broadcast %add3A_1089 : i32 to vector<16xi32>
        %add3A_1091 = arith.addi %broadcast_in_dim3A_977, %add3A_1090 : vector<16xi32>
        %gather3A_1092 = tpu.vector_load_idx %arg8[%add3A_1091] : memref<40448xf32, #tpu.memory_space<vmem>>[vector<16xi32>], vector<16xf32>,
        %get3A_1093 = arith.index_cast %add3A_1088 : i32 to index
        %get3A_1094 = arith.constant 0 : index
        %get3A_1095 = tpu.vector_load %arg10[%get3A_1093, %get3A_1094] {strides = array<i32>} : memref<128x32xf32, #tpu.memory_space<vmem>>, vector<16xf32>,
        %get3A_1096 = arith.index_cast %add3A_1088 : i32 to index
        %get3A_1097 = arith.constant 16 : index
        %get3A_1098 = tpu.vector_load %arg10[%get3A_1096, %get3A_1097] {strides = array<i32>} : memref<128x32xf32, #tpu.memory_space<vmem>>, vector<16xf32>,
        %mul3A_1099 = arith.mulf %gather3A_1092, %get3A_1095 : vector<16xf32>
        %add3A_1100 = arith.addf %add3A_1028, %mul3A_1099 : vector<16xf32>
        %mul3A_1101 = arith.mulf %gather3A_1092, %get3A_1098 : vector<16xf32>
        %add3A_1102 = arith.addf %add3A_1030, %mul3A_1101 : vector<16xf32>
        %mul3A_1103 = arith.constant 8 : i32
        %mul3A_1104 = arith.muli %scan3A_965, %mul3A_1103 : i32
        %add3A_1105 = arith.constant 7 : i32
        %add3A_1106 = arith.addi %mul3A_1104, %add3A_1105 : i32
        %add3A_1107 = arith.constant 7 : i32
        %add3A_1108 = vector.broadcast %add3A_1107 : i32 to vector<16xi32>
        %add3A_1109 = arith.addi %broadcast_in_dim3A_977, %add3A_1108 : vector<16xi32>
        %gather3A_1110 = tpu.vector_load_idx %arg8[%add3A_1109] : memref<40448xf32, #tpu.memory_space<vmem>>[vector<16xi32>], vector<16xf32>,
        %get3A_1111 = arith.index_cast %add3A_1106 : i32 to index
        %get3A_1112 = arith.constant 0 : index
        %get3A_1113 = tpu.vector_load %arg10[%get3A_1111, %get3A_1112] {strides = array<i32>} : memref<128x32xf32, #tpu.memory_space<vmem>>, vector<16xf32>,
        %get3A_1114 = arith.index_cast %add3A_1106 : i32 to index
        %get3A_1115 = arith.constant 16 : index
        %get3A_1116 = tpu.vector_load %arg10[%get3A_1114, %get3A_1115] {strides = array<i32>} : memref<128x32xf32, #tpu.memory_space<vmem>>, vector<16xf32>,
        %mul3A_1117 = arith.mulf %gather3A_1110, %get3A_1113 : vector<16xf32>
        %add3A_1118 = arith.addf %add3A_1046, %mul3A_1117 : vector<16xf32>
        %mul3A_1119 = arith.mulf %gather3A_1110, %get3A_1116 : vector<16xf32>
        %add3A_1120 = arith.addf %add3A_1048, %mul3A_1119 : vector<16xf32>
        scf.yield %add3A_1064, %add3A_1066, %add3A_1082, %add3A_1084, %add3A_1100, %add3A_1102, %add3A_1118, %add3A_1120 : vector<16xf32>, vector<16xf32>, vector<16xf32>, vector<16xf32>, vector<16xf32>, vector<16xf32>, vector<16xf32>, vector<16xf32>
      }
      %scan3A_745 = arith.constant 16 : i32
      %add3A_746 = arith.addf %scan3A_744#0, %scan3A_744#2 : vector<16xf32>
      %add3A_747 = arith.addf %scan3A_744#4, %scan3A_744#6 : vector<16xf32>
      %add3A_748 = arith.addf %add3A_746, %add3A_747 : vector<16xf32>
      %add3A_749 = arith.addf %scan3A_744#1, %scan3A_744#3 : vector<16xf32>
      %add3A_750 = arith.addf %scan3A_744#5, %scan3A_744#7 : vector<16xf32>
      %add3A_751 = arith.addf %add3A_749, %add3A_750 : vector<16xf32>
      %max3A_752 = arith.maximumf %add3A_748, %broadcast_in_dim3A_11 : vector<16xf32>
      %mul3A_753 = arith.constant 32 : i32
      %mul3A_754 = arith.muli %add3A_737, %mul3A_753 : i32
      %swap3A_755 = arith.index_cast %mul3A_754 : i32 to index
      %swap3A_756 = tpu.vector_load %arg16[%swap3A_755] {strides = array<i32>} : memref<10112xf32, #tpu.memory_space<vmem>>, vector<16xf32>,
      tpu.vector_store %arg16[%swap3A_755], %max3A_752 {strides = array<i32>} : memref<10112xf32, #tpu.memory_space<vmem>>, vector<16xf32>,
      %max3A_757 = arith.maximumf %add3A_751, %broadcast_in_dim3A_11 : vector<16xf32>
      %mul3A_758 = arith.constant 32 : i32
      %mul3A_759 = arith.muli %add3A_737, %mul3A_758 : i32
      %add3A_760 = arith.constant 16 : i32
      %add3A_761 = arith.addi %mul3A_759, %add3A_760 : i32
      %swap3A_762 = arith.index_cast %add3A_761 : i32 to index
      %swap3A_763 = tpu.vector_load %arg16[%swap3A_762] {strides = array<i32>} : memref<10112xf32, #tpu.memory_space<vmem>>, vector<16xf32>,
      tpu.vector_store %arg16[%swap3A_762], %max3A_757 {strides = array<i32>} : memref<10112xf32, #tpu.memory_space<vmem>>, vector<16xf32>,
      %add3A_764 = arith.constant 2 : i32
      %add3A_765 = arith.addi %mul3A_667, %add3A_764 : i32
      %add3A_766 = arith.constant 6 : i32
      %add3A_767 = arith.addi %add3A_765, %add3A_766 : i32
      %sub3A_768 = arith.constant 1 : i32
      %sub3A_769 = arith.subi %add3A_767, %sub3A_768 : i32
      %lt3A_770 = arith.constant 316 : i32
      %lt3A_771 = arith.cmpi slt, %sub3A_769, %lt3A_770 : i32
      %convert_element_type3A_772 = arith.extui %lt3A_771 : i1 to i32
      %cond3A_773 = arith.constant 0 : i32
      %cond3A_774 = arith.cmpi ne, %convert_element_type3A_772, %cond3A_773 : i32
      scf.if %cond3A_774 {
        %mul3A_965 = arith.constant 128 : i32
        %mul3A_966 = arith.muli %sub3A_769, %mul3A_965 : i32
        %dma_start3A_967 = arith.constant 0 : i32
        %dma_start3A_968 = arith.constant 0 : i32
        %dma_start3A_969 = tpu.memref_slice %arg10[%dma_start3A_967, %dma_start3A_968] : memref<128x32xf32, #tpu.memory_space<vmem>> -> memref<121x32xf32, #tpu.memory_space<vmem>>
        %dma_start3A_970 = tpu.memref_slice %arg7[%mul3A_966] : memref<40448xi32, #tpu.memory_space<vmem>> -> memref<121xi32, #tpu.memory_space<vmem>>
        %dma_start3A_971 = arith.constant 0 : i32
        %dma_start3A_972 = arith.constant 0 : i32
        %dma_start3A_973 = tpu.memref_slice %arg2[%dma_start3A_971, %dma_start3A_972] : memref<410000x32xf32, #tpu.memory_space<hbm>> -> memref<410000x32xf32, #tpu.memory_space<hbm>>
        tpu.enqueue_indirect_dma source(%dma_start3A_973 : memref<410000x32xf32, #tpu.memory_space<hbm>>) target(%dma_start3A_969 : memref<121x32xf32, #tpu.memory_space<vmem>>) offsets(%dma_start3A_970 : memref<121xi32, #tpu.memory_space<vmem>>) semaphore(%arg18 : memref<!tpu.dma_semaphore, #tpu.memory_space<semaphore_mem>>)
      } else {
      }
      %add3A_775 = arith.constant 2 : i32
      %add3A_776 = arith.addi %mul3A_667, %add3A_775 : i32
      %mul3A_777 = arith.constant 128 : i32
      %mul3A_778 = arith.muli %add3A_776, %mul3A_777 : i32
      %dma_wait3A_779 = arith.constant 0 : i32
      %dma_wait3A_780 = arith.constant 0 : i32
      %dma_wait3A_781 = tpu.memref_slice %arg11[%dma_wait3A_779, %dma_wait3A_780] : memref<128x32xf32, #tpu.memory_space<vmem>> -> memref<121x32xf32, #tpu.memory_space<vmem>>
      %dma_wait3A_782 = tpu.memref_slice %arg7[%mul3A_778] : memref<40448xi32, #tpu.memory_space<vmem>> -> memref<121xi32, #tpu.memory_space<vmem>>
      %dma_wait3A_783 = arith.constant 0 : i32
      %dma_wait3A_784 = arith.constant 0 : i32
      %dma_wait3A_785 = tpu.memref_slice %arg2[%dma_wait3A_783, %dma_wait3A_784] : memref<410000x32xf32, #tpu.memory_space<hbm>> -> memref<410000x32xf32, #tpu.memory_space<hbm>>
      tpu.wait_indirect_dma semaphore(%arg19 : memref<!tpu.dma_semaphore, #tpu.memory_space<semaphore_mem>>) src(%dma_wait3A_785 : memref<410000x32xf32, #tpu.memory_space<hbm>>) dst(%dma_wait3A_781 : memref<121x32xf32, #tpu.memory_space<vmem>>)
      %add3A_786 = arith.constant 2 : i32
      %add3A_787 = arith.addi %mul3A_667, %add3A_786 : i32
      %mul3A_788 = arith.constant 128 : i32
      %mul3A_789 = arith.muli %add3A_787, %mul3A_788 : i32
      %scan3A_790 = arith.constant 0 : i32
      %scan3A_791 = arith.constant 16 : i32
      %scan3A_792 = arith.addi %scan3A_790, %scan3A_791 : i32
      %scan3A_793 = arith.constant 1 : i32
      %scan3A_794:8 = scf.for %scan3A_965 = %scan3A_790 to %scan3A_792 step %scan3A_793 iter_args(%scan3A_966 = %get3A_8, %scan3A_967 = %get3A_10, %scan3A_968 = %broadcast_in_dim3A_11, %scan3A_969 = %broadcast_in_dim3A_11, %scan3A_970 = %broadcast_in_dim3A_11, %scan3A_971 = %broadcast_in_dim3A_11, %scan3A_972 = %broadcast_in_dim3A_11, %scan3A_973 = %broadcast_in_dim3A_11) -> (vector<16xf32>, vector<16xf32>, vector<16xf32>, vector<16xf32>, vector<16xf32>, vector<16xf32>, vector<16xf32>, vector<16xf32>)  : i32 {
        %mul3A_974 = arith.constant 8 : i32
        %mul3A_975 = arith.muli %mul3A_974, %scan3A_965 : i32
        %add3A_976 = arith.addi %mul3A_789, %mul3A_975 : i32
        %broadcast_in_dim3A_977 = vector.broadcast %add3A_976 : i32 to vector<16xi32>
        %mul3A_978 = arith.constant 8 : i32
        %mul3A_979 = arith.muli %scan3A_965, %mul3A_978 : i32
        %add3A_980 = arith.constant 0 : i32
        %add3A_981 = arith.addi %mul3A_979, %add3A_980 : i32
        %add3A_982 = arith.constant 0 : i32
        %add3A_983 = vector.broadcast %add3A_982 : i32 to vector<16xi32>
        %add3A_984 = arith.addi %broadcast_in_dim3A_977, %add3A_983 : vector<16xi32>
        %gather3A = tpu.vector_load_idx %arg8[%add3A_984] : memref<40448xf32, #tpu.memory_space<vmem>>[vector<16xi32>], vector<16xf32>,
        %get3A_985 = arith.index_cast %add3A_981 : i32 to index
        %get3A_986 = arith.constant 0 : index
        %get3A_987 = tpu.vector_load %arg11[%get3A_985, %get3A_986] {strides = array<i32>} : memref<128x32xf32, #tpu.memory_space<vmem>>, vector<16xf32>,
        %get3A_988 = arith.index_cast %add3A_981 : i32 to index
        %get3A_989 = arith.constant 16 : index
        %get3A_990 = tpu.vector_load %arg11[%get3A_988, %get3A_989] {strides = array<i32>} : memref<128x32xf32, #tpu.memory_space<vmem>>, vector<16xf32>,
        %mul3A_991 = arith.mulf %gather3A, %get3A_987 : vector<16xf32>
        %add3A_992 = arith.addf %scan3A_966, %mul3A_991 : vector<16xf32>
        %mul3A_993 = arith.mulf %gather3A, %get3A_990 : vector<16xf32>
        %add3A_994 = arith.addf %scan3A_967, %mul3A_993 : vector<16xf32>
        %mul3A_995 = arith.constant 8 : i32
        %mul3A_996 = arith.muli %scan3A_965, %mul3A_995 : i32
        %add3A_997 = arith.constant 1 : i32
        %add3A_998 = arith.addi %mul3A_996, %add3A_997 : i32
        %add3A_999 = arith.constant 1 : i32
        %add3A_1000 = vector.broadcast %add3A_999 : i32 to vector<16xi32>
        %add3A_1001 = arith.addi %broadcast_in_dim3A_977, %add3A_1000 : vector<16xi32>
        %gather3A_1002 = tpu.vector_load_idx %arg8[%add3A_1001] : memref<40448xf32, #tpu.memory_space<vmem>>[vector<16xi32>], vector<16xf32>,
        %get3A_1003 = arith.index_cast %add3A_998 : i32 to index
        %get3A_1004 = arith.constant 0 : index
        %get3A_1005 = tpu.vector_load %arg11[%get3A_1003, %get3A_1004] {strides = array<i32>} : memref<128x32xf32, #tpu.memory_space<vmem>>, vector<16xf32>,
        %get3A_1006 = arith.index_cast %add3A_998 : i32 to index
        %get3A_1007 = arith.constant 16 : index
        %get3A_1008 = tpu.vector_load %arg11[%get3A_1006, %get3A_1007] {strides = array<i32>} : memref<128x32xf32, #tpu.memory_space<vmem>>, vector<16xf32>,
        %mul3A_1009 = arith.mulf %gather3A_1002, %get3A_1005 : vector<16xf32>
        %add3A_1010 = arith.addf %scan3A_968, %mul3A_1009 : vector<16xf32>
        %mul3A_1011 = arith.mulf %gather3A_1002, %get3A_1008 : vector<16xf32>
        %add3A_1012 = arith.addf %scan3A_969, %mul3A_1011 : vector<16xf32>
        %mul3A_1013 = arith.constant 8 : i32
        %mul3A_1014 = arith.muli %scan3A_965, %mul3A_1013 : i32
        %add3A_1015 = arith.constant 2 : i32
        %add3A_1016 = arith.addi %mul3A_1014, %add3A_1015 : i32
        %add3A_1017 = arith.constant 2 : i32
        %add3A_1018 = vector.broadcast %add3A_1017 : i32 to vector<16xi32>
        %add3A_1019 = arith.addi %broadcast_in_dim3A_977, %add3A_1018 : vector<16xi32>
        %gather3A_1020 = tpu.vector_load_idx %arg8[%add3A_1019] : memref<40448xf32, #tpu.memory_space<vmem>>[vector<16xi32>], vector<16xf32>,
        %get3A_1021 = arith.index_cast %add3A_1016 : i32 to index
        %get3A_1022 = arith.constant 0 : index
        %get3A_1023 = tpu.vector_load %arg11[%get3A_1021, %get3A_1022] {strides = array<i32>} : memref<128x32xf32, #tpu.memory_space<vmem>>, vector<16xf32>,
        %get3A_1024 = arith.index_cast %add3A_1016 : i32 to index
        %get3A_1025 = arith.constant 16 : index
        %get3A_1026 = tpu.vector_load %arg11[%get3A_1024, %get3A_1025] {strides = array<i32>} : memref<128x32xf32, #tpu.memory_space<vmem>>, vector<16xf32>,
        %mul3A_1027 = arith.mulf %gather3A_1020, %get3A_1023 : vector<16xf32>
        %add3A_1028 = arith.addf %scan3A_970, %mul3A_1027 : vector<16xf32>
        %mul3A_1029 = arith.mulf %gather3A_1020, %get3A_1026 : vector<16xf32>
        %add3A_1030 = arith.addf %scan3A_971, %mul3A_1029 : vector<16xf32>
        %mul3A_1031 = arith.constant 8 : i32
        %mul3A_1032 = arith.muli %scan3A_965, %mul3A_1031 : i32
        %add3A_1033 = arith.constant 3 : i32
        %add3A_1034 = arith.addi %mul3A_1032, %add3A_1033 : i32
        %add3A_1035 = arith.constant 3 : i32
        %add3A_1036 = vector.broadcast %add3A_1035 : i32 to vector<16xi32>
        %add3A_1037 = arith.addi %broadcast_in_dim3A_977, %add3A_1036 : vector<16xi32>
        %gather3A_1038 = tpu.vector_load_idx %arg8[%add3A_1037] : memref<40448xf32, #tpu.memory_space<vmem>>[vector<16xi32>], vector<16xf32>,
        %get3A_1039 = arith.index_cast %add3A_1034 : i32 to index
        %get3A_1040 = arith.constant 0 : index
        %get3A_1041 = tpu.vector_load %arg11[%get3A_1039, %get3A_1040] {strides = array<i32>} : memref<128x32xf32, #tpu.memory_space<vmem>>, vector<16xf32>,
        %get3A_1042 = arith.index_cast %add3A_1034 : i32 to index
        %get3A_1043 = arith.constant 16 : index
        %get3A_1044 = tpu.vector_load %arg11[%get3A_1042, %get3A_1043] {strides = array<i32>} : memref<128x32xf32, #tpu.memory_space<vmem>>, vector<16xf32>,
        %mul3A_1045 = arith.mulf %gather3A_1038, %get3A_1041 : vector<16xf32>
        %add3A_1046 = arith.addf %scan3A_972, %mul3A_1045 : vector<16xf32>
        %mul3A_1047 = arith.mulf %gather3A_1038, %get3A_1044 : vector<16xf32>
        %add3A_1048 = arith.addf %scan3A_973, %mul3A_1047 : vector<16xf32>
        %mul3A_1049 = arith.constant 8 : i32
        %mul3A_1050 = arith.muli %scan3A_965, %mul3A_1049 : i32
        %add3A_1051 = arith.constant 4 : i32
        %add3A_1052 = arith.addi %mul3A_1050, %add3A_1051 : i32
        %add3A_1053 = arith.constant 4 : i32
        %add3A_1054 = vector.broadcast %add3A_1053 : i32 to vector<16xi32>
        %add3A_1055 = arith.addi %broadcast_in_dim3A_977, %add3A_1054 : vector<16xi32>
        %gather3A_1056 = tpu.vector_load_idx %arg8[%add3A_1055] : memref<40448xf32, #tpu.memory_space<vmem>>[vector<16xi32>], vector<16xf32>,
        %get3A_1057 = arith.index_cast %add3A_1052 : i32 to index
        %get3A_1058 = arith.constant 0 : index
        %get3A_1059 = tpu.vector_load %arg11[%get3A_1057, %get3A_1058] {strides = array<i32>} : memref<128x32xf32, #tpu.memory_space<vmem>>, vector<16xf32>,
        %get3A_1060 = arith.index_cast %add3A_1052 : i32 to index
        %get3A_1061 = arith.constant 16 : index
        %get3A_1062 = tpu.vector_load %arg11[%get3A_1060, %get3A_1061] {strides = array<i32>} : memref<128x32xf32, #tpu.memory_space<vmem>>, vector<16xf32>,
        %mul3A_1063 = arith.mulf %gather3A_1056, %get3A_1059 : vector<16xf32>
        %add3A_1064 = arith.addf %add3A_992, %mul3A_1063 : vector<16xf32>
        %mul3A_1065 = arith.mulf %gather3A_1056, %get3A_1062 : vector<16xf32>
        %add3A_1066 = arith.addf %add3A_994, %mul3A_1065 : vector<16xf32>
        %mul3A_1067 = arith.constant 8 : i32
        %mul3A_1068 = arith.muli %scan3A_965, %mul3A_1067 : i32
        %add3A_1069 = arith.constant 5 : i32
        %add3A_1070 = arith.addi %mul3A_1068, %add3A_1069 : i32
        %add3A_1071 = arith.constant 5 : i32
        %add3A_1072 = vector.broadcast %add3A_1071 : i32 to vector<16xi32>
        %add3A_1073 = arith.addi %broadcast_in_dim3A_977, %add3A_1072 : vector<16xi32>
        %gather3A_1074 = tpu.vector_load_idx %arg8[%add3A_1073] : memref<40448xf32, #tpu.memory_space<vmem>>[vector<16xi32>], vector<16xf32>,
        %get3A_1075 = arith.index_cast %add3A_1070 : i32 to index
        %get3A_1076 = arith.constant 0 : index
        %get3A_1077 = tpu.vector_load %arg11[%get3A_1075, %get3A_1076] {strides = array<i32>} : memref<128x32xf32, #tpu.memory_space<vmem>>, vector<16xf32>,
        %get3A_1078 = arith.index_cast %add3A_1070 : i32 to index
        %get3A_1079 = arith.constant 16 : index
        %get3A_1080 = tpu.vector_load %arg11[%get3A_1078, %get3A_1079] {strides = array<i32>} : memref<128x32xf32, #tpu.memory_space<vmem>>, vector<16xf32>,
        %mul3A_1081 = arith.mulf %gather3A_1074, %get3A_1077 : vector<16xf32>
        %add3A_1082 = arith.addf %add3A_1010, %mul3A_1081 : vector<16xf32>
        %mul3A_1083 = arith.mulf %gather3A_1074, %get3A_1080 : vector<16xf32>
        %add3A_1084 = arith.addf %add3A_1012, %mul3A_1083 : vector<16xf32>
        %mul3A_1085 = arith.constant 8 : i32
        %mul3A_1086 = arith.muli %scan3A_965, %mul3A_1085 : i32
        %add3A_1087 = arith.constant 6 : i32
        %add3A_1088 = arith.addi %mul3A_1086, %add3A_1087 : i32
        %add3A_1089 = arith.constant 6 : i32
        %add3A_1090 = vector.broadcast %add3A_1089 : i32 to vector<16xi32>
        %add3A_1091 = arith.addi %broadcast_in_dim3A_977, %add3A_1090 : vector<16xi32>
        %gather3A_1092 = tpu.vector_load_idx %arg8[%add3A_1091] : memref<40448xf32, #tpu.memory_space<vmem>>[vector<16xi32>], vector<16xf32>,
        %get3A_1093 = arith.index_cast %add3A_1088 : i32 to index
        %get3A_1094 = arith.constant 0 : index
        %get3A_1095 = tpu.vector_load %arg11[%get3A_1093, %get3A_1094] {strides = array<i32>} : memref<128x32xf32, #tpu.memory_space<vmem>>, vector<16xf32>,
        %get3A_1096 = arith.index_cast %add3A_1088 : i32 to index
        %get3A_1097 = arith.constant 16 : index
        %get3A_1098 = tpu.vector_load %arg11[%get3A_1096, %get3A_1097] {strides = array<i32>} : memref<128x32xf32, #tpu.memory_space<vmem>>, vector<16xf32>,
        %mul3A_1099 = arith.mulf %gather3A_1092, %get3A_1095 : vector<16xf32>
        %add3A_1100 = arith.addf %add3A_1028, %mul3A_1099 : vector<16xf32>
        %mul3A_1101 = arith.mulf %gather3A_1092, %get3A_1098 : vector<16xf32>
        %add3A_1102 = arith.addf %add3A_1030, %mul3A_1101 : vector<16xf32>
        %mul3A_1103 = arith.constant 8 : i32
        %mul3A_1104 = arith.muli %scan3A_965, %mul3A_1103 : i32
        %add3A_1105 = arith.constant 7 : i32
        %add3A_1106 = arith.addi %mul3A_1104, %add3A_1105 : i32
        %add3A_1107 = arith.constant 7 : i32
        %add3A_1108 = vector.broadcast %add3A_1107 : i32 to vector<16xi32>
        %add3A_1109 = arith.addi %broadcast_in_dim3A_977, %add3A_1108 : vector<16xi32>
        %gather3A_1110 = tpu.vector_load_idx %arg8[%add3A_1109] : memref<40448xf32, #tpu.memory_space<vmem>>[vector<16xi32>], vector<16xf32>,
        %get3A_1111 = arith.index_cast %add3A_1106 : i32 to index
        %get3A_1112 = arith.constant 0 : index
        %get3A_1113 = tpu.vector_load %arg11[%get3A_1111, %get3A_1112] {strides = array<i32>} : memref<128x32xf32, #tpu.memory_space<vmem>>, vector<16xf32>,
        %get3A_1114 = arith.index_cast %add3A_1106 : i32 to index
        %get3A_1115 = arith.constant 16 : index
        %get3A_1116 = tpu.vector_load %arg11[%get3A_1114, %get3A_1115] {strides = array<i32>} : memref<128x32xf32, #tpu.memory_space<vmem>>, vector<16xf32>,
        %mul3A_1117 = arith.mulf %gather3A_1110, %get3A_1113 : vector<16xf32>
        %add3A_1118 = arith.addf %add3A_1046, %mul3A_1117 : vector<16xf32>
        %mul3A_1119 = arith.mulf %gather3A_1110, %get3A_1116 : vector<16xf32>
        %add3A_1120 = arith.addf %add3A_1048, %mul3A_1119 : vector<16xf32>
        scf.yield %add3A_1064, %add3A_1066, %add3A_1082, %add3A_1084, %add3A_1100, %add3A_1102, %add3A_1118, %add3A_1120 : vector<16xf32>, vector<16xf32>, vector<16xf32>, vector<16xf32>, vector<16xf32>, vector<16xf32>, vector<16xf32>, vector<16xf32>
      }
      %scan3A_795 = arith.constant 16 : i32
      %add3A_796 = arith.addf %scan3A_794#0, %scan3A_794#2 : vector<16xf32>
      %add3A_797 = arith.addf %scan3A_794#4, %scan3A_794#6 : vector<16xf32>
      %add3A_798 = arith.addf %add3A_796, %add3A_797 : vector<16xf32>
      %add3A_799 = arith.addf %scan3A_794#1, %scan3A_794#3 : vector<16xf32>
      %add3A_800 = arith.addf %scan3A_794#5, %scan3A_794#7 : vector<16xf32>
      %add3A_801 = arith.addf %add3A_799, %add3A_800 : vector<16xf32>
      %max3A_802 = arith.maximumf %add3A_798, %broadcast_in_dim3A_11 : vector<16xf32>
      %mul3A_803 = arith.constant 32 : i32
      %mul3A_804 = arith.muli %add3A_787, %mul3A_803 : i32
      %swap3A_805 = arith.index_cast %mul3A_804 : i32 to index
      %swap3A_806 = tpu.vector_load %arg16[%swap3A_805] {strides = array<i32>} : memref<10112xf32, #tpu.memory_space<vmem>>, vector<16xf32>,
      tpu.vector_store %arg16[%swap3A_805], %max3A_802 {strides = array<i32>} : memref<10112xf32, #tpu.memory_space<vmem>>, vector<16xf32>,
      %max3A_807 = arith.maximumf %add3A_801, %broadcast_in_dim3A_11 : vector<16xf32>
      %mul3A_808 = arith.constant 32 : i32
      %mul3A_809 = arith.muli %add3A_787, %mul3A_808 : i32
      %add3A_810 = arith.constant 16 : i32
      %add3A_811 = arith.addi %mul3A_809, %add3A_810 : i32
      %swap3A_812 = arith.index_cast %add3A_811 : i32 to index
      %swap3A_813 = tpu.vector_load %arg16[%swap3A_812] {strides = array<i32>} : memref<10112xf32, #tpu.memory_space<vmem>>, vector<16xf32>,
      tpu.vector_store %arg16[%swap3A_812], %max3A_807 {strides = array<i32>} : memref<10112xf32, #tpu.memory_space<vmem>>, vector<16xf32>,
      %add3A_814 = arith.constant 3 : i32
      %add3A_815 = arith.addi %mul3A_667, %add3A_814 : i32
      %add3A_816 = arith.constant 6 : i32
      %add3A_817 = arith.addi %add3A_815, %add3A_816 : i32
      %sub3A_818 = arith.constant 1 : i32
      %sub3A_819 = arith.subi %add3A_817, %sub3A_818 : i32
      %lt3A_820 = arith.constant 316 : i32
      %lt3A_821 = arith.cmpi slt, %sub3A_819, %lt3A_820 : i32
      %convert_element_type3A_822 = arith.extui %lt3A_821 : i1 to i32
      %cond3A_823 = arith.constant 0 : i32
      %cond3A_824 = arith.cmpi ne, %convert_element_type3A_822, %cond3A_823 : i32
      scf.if %cond3A_824 {
        %mul3A_965 = arith.constant 128 : i32
        %mul3A_966 = arith.muli %sub3A_819, %mul3A_965 : i32
        %dma_start3A_967 = arith.constant 0 : i32
        %dma_start3A_968 = arith.constant 0 : i32
        %dma_start3A_969 = tpu.memref_slice %arg11[%dma_start3A_967, %dma_start3A_968] : memref<128x32xf32, #tpu.memory_space<vmem>> -> memref<121x32xf32, #tpu.memory_space<vmem>>
        %dma_start3A_970 = tpu.memref_slice %arg7[%mul3A_966] : memref<40448xi32, #tpu.memory_space<vmem>> -> memref<121xi32, #tpu.memory_space<vmem>>
        %dma_start3A_971 = arith.constant 0 : i32
        %dma_start3A_972 = arith.constant 0 : i32
        %dma_start3A_973 = tpu.memref_slice %arg2[%dma_start3A_971, %dma_start3A_972] : memref<410000x32xf32, #tpu.memory_space<hbm>> -> memref<410000x32xf32, #tpu.memory_space<hbm>>
        tpu.enqueue_indirect_dma source(%dma_start3A_973 : memref<410000x32xf32, #tpu.memory_space<hbm>>) target(%dma_start3A_969 : memref<121x32xf32, #tpu.memory_space<vmem>>) offsets(%dma_start3A_970 : memref<121xi32, #tpu.memory_space<vmem>>) semaphore(%arg19 : memref<!tpu.dma_semaphore, #tpu.memory_space<semaphore_mem>>)
      } else {
      }
      %add3A_825 = arith.constant 3 : i32
      %add3A_826 = arith.addi %mul3A_667, %add3A_825 : i32
      %mul3A_827 = arith.constant 128 : i32
      %mul3A_828 = arith.muli %add3A_826, %mul3A_827 : i32
      %dma_wait3A_829 = arith.constant 0 : i32
      %dma_wait3A_830 = arith.constant 0 : i32
      %dma_wait3A_831 = tpu.memref_slice %arg12[%dma_wait3A_829, %dma_wait3A_830] : memref<128x32xf32, #tpu.memory_space<vmem>> -> memref<121x32xf32, #tpu.memory_space<vmem>>
      %dma_wait3A_832 = tpu.memref_slice %arg7[%mul3A_828] : memref<40448xi32, #tpu.memory_space<vmem>> -> memref<121xi32, #tpu.memory_space<vmem>>
      %dma_wait3A_833 = arith.constant 0 : i32
      %dma_wait3A_834 = arith.constant 0 : i32
      %dma_wait3A_835 = tpu.memref_slice %arg2[%dma_wait3A_833, %dma_wait3A_834] : memref<410000x32xf32, #tpu.memory_space<hbm>> -> memref<410000x32xf32, #tpu.memory_space<hbm>>
      tpu.wait_indirect_dma semaphore(%arg20 : memref<!tpu.dma_semaphore, #tpu.memory_space<semaphore_mem>>) src(%dma_wait3A_835 : memref<410000x32xf32, #tpu.memory_space<hbm>>) dst(%dma_wait3A_831 : memref<121x32xf32, #tpu.memory_space<vmem>>)
      %add3A_836 = arith.constant 3 : i32
      %add3A_837 = arith.addi %mul3A_667, %add3A_836 : i32
      %mul3A_838 = arith.constant 128 : i32
      %mul3A_839 = arith.muli %add3A_837, %mul3A_838 : i32
      %scan3A_840 = arith.constant 0 : i32
      %scan3A_841 = arith.constant 16 : i32
      %scan3A_842 = arith.addi %scan3A_840, %scan3A_841 : i32
      %scan3A_843 = arith.constant 1 : i32
      %scan3A_844:8 = scf.for %scan3A_965 = %scan3A_840 to %scan3A_842 step %scan3A_843 iter_args(%scan3A_966 = %get3A_8, %scan3A_967 = %get3A_10, %scan3A_968 = %broadcast_in_dim3A_11, %scan3A_969 = %broadcast_in_dim3A_11, %scan3A_970 = %broadcast_in_dim3A_11, %scan3A_971 = %broadcast_in_dim3A_11, %scan3A_972 = %broadcast_in_dim3A_11, %scan3A_973 = %broadcast_in_dim3A_11) -> (vector<16xf32>, vector<16xf32>, vector<16xf32>, vector<16xf32>, vector<16xf32>, vector<16xf32>, vector<16xf32>, vector<16xf32>)  : i32 {
        %mul3A_974 = arith.constant 8 : i32
        %mul3A_975 = arith.muli %mul3A_974, %scan3A_965 : i32
        %add3A_976 = arith.addi %mul3A_839, %mul3A_975 : i32
        %broadcast_in_dim3A_977 = vector.broadcast %add3A_976 : i32 to vector<16xi32>
        %mul3A_978 = arith.constant 8 : i32
        %mul3A_979 = arith.muli %scan3A_965, %mul3A_978 : i32
        %add3A_980 = arith.constant 0 : i32
        %add3A_981 = arith.addi %mul3A_979, %add3A_980 : i32
        %add3A_982 = arith.constant 0 : i32
        %add3A_983 = vector.broadcast %add3A_982 : i32 to vector<16xi32>
        %add3A_984 = arith.addi %broadcast_in_dim3A_977, %add3A_983 : vector<16xi32>
        %gather3A = tpu.vector_load_idx %arg8[%add3A_984] : memref<40448xf32, #tpu.memory_space<vmem>>[vector<16xi32>], vector<16xf32>,
        %get3A_985 = arith.index_cast %add3A_981 : i32 to index
        %get3A_986 = arith.constant 0 : index
        %get3A_987 = tpu.vector_load %arg12[%get3A_985, %get3A_986] {strides = array<i32>} : memref<128x32xf32, #tpu.memory_space<vmem>>, vector<16xf32>,
        %get3A_988 = arith.index_cast %add3A_981 : i32 to index
        %get3A_989 = arith.constant 16 : index
        %get3A_990 = tpu.vector_load %arg12[%get3A_988, %get3A_989] {strides = array<i32>} : memref<128x32xf32, #tpu.memory_space<vmem>>, vector<16xf32>,
        %mul3A_991 = arith.mulf %gather3A, %get3A_987 : vector<16xf32>
        %add3A_992 = arith.addf %scan3A_966, %mul3A_991 : vector<16xf32>
        %mul3A_993 = arith.mulf %gather3A, %get3A_990 : vector<16xf32>
        %add3A_994 = arith.addf %scan3A_967, %mul3A_993 : vector<16xf32>
        %mul3A_995 = arith.constant 8 : i32
        %mul3A_996 = arith.muli %scan3A_965, %mul3A_995 : i32
        %add3A_997 = arith.constant 1 : i32
        %add3A_998 = arith.addi %mul3A_996, %add3A_997 : i32
        %add3A_999 = arith.constant 1 : i32
        %add3A_1000 = vector.broadcast %add3A_999 : i32 to vector<16xi32>
        %add3A_1001 = arith.addi %broadcast_in_dim3A_977, %add3A_1000 : vector<16xi32>
        %gather3A_1002 = tpu.vector_load_idx %arg8[%add3A_1001] : memref<40448xf32, #tpu.memory_space<vmem>>[vector<16xi32>], vector<16xf32>,
        %get3A_1003 = arith.index_cast %add3A_998 : i32 to index
        %get3A_1004 = arith.constant 0 : index
        %get3A_1005 = tpu.vector_load %arg12[%get3A_1003, %get3A_1004] {strides = array<i32>} : memref<128x32xf32, #tpu.memory_space<vmem>>, vector<16xf32>,
        %get3A_1006 = arith.index_cast %add3A_998 : i32 to index
        %get3A_1007 = arith.constant 16 : index
        %get3A_1008 = tpu.vector_load %arg12[%get3A_1006, %get3A_1007] {strides = array<i32>} : memref<128x32xf32, #tpu.memory_space<vmem>>, vector<16xf32>,
        %mul3A_1009 = arith.mulf %gather3A_1002, %get3A_1005 : vector<16xf32>
        %add3A_1010 = arith.addf %scan3A_968, %mul3A_1009 : vector<16xf32>
        %mul3A_1011 = arith.mulf %gather3A_1002, %get3A_1008 : vector<16xf32>
        %add3A_1012 = arith.addf %scan3A_969, %mul3A_1011 : vector<16xf32>
        %mul3A_1013 = arith.constant 8 : i32
        %mul3A_1014 = arith.muli %scan3A_965, %mul3A_1013 : i32
        %add3A_1015 = arith.constant 2 : i32
        %add3A_1016 = arith.addi %mul3A_1014, %add3A_1015 : i32
        %add3A_1017 = arith.constant 2 : i32
        %add3A_1018 = vector.broadcast %add3A_1017 : i32 to vector<16xi32>
        %add3A_1019 = arith.addi %broadcast_in_dim3A_977, %add3A_1018 : vector<16xi32>
        %gather3A_1020 = tpu.vector_load_idx %arg8[%add3A_1019] : memref<40448xf32, #tpu.memory_space<vmem>>[vector<16xi32>], vector<16xf32>,
        %get3A_1021 = arith.index_cast %add3A_1016 : i32 to index
        %get3A_1022 = arith.constant 0 : index
        %get3A_1023 = tpu.vector_load %arg12[%get3A_1021, %get3A_1022] {strides = array<i32>} : memref<128x32xf32, #tpu.memory_space<vmem>>, vector<16xf32>,
        %get3A_1024 = arith.index_cast %add3A_1016 : i32 to index
        %get3A_1025 = arith.constant 16 : index
        %get3A_1026 = tpu.vector_load %arg12[%get3A_1024, %get3A_1025] {strides = array<i32>} : memref<128x32xf32, #tpu.memory_space<vmem>>, vector<16xf32>,
        %mul3A_1027 = arith.mulf %gather3A_1020, %get3A_1023 : vector<16xf32>
        %add3A_1028 = arith.addf %scan3A_970, %mul3A_1027 : vector<16xf32>
        %mul3A_1029 = arith.mulf %gather3A_1020, %get3A_1026 : vector<16xf32>
        %add3A_1030 = arith.addf %scan3A_971, %mul3A_1029 : vector<16xf32>
        %mul3A_1031 = arith.constant 8 : i32
        %mul3A_1032 = arith.muli %scan3A_965, %mul3A_1031 : i32
        %add3A_1033 = arith.constant 3 : i32
        %add3A_1034 = arith.addi %mul3A_1032, %add3A_1033 : i32
        %add3A_1035 = arith.constant 3 : i32
        %add3A_1036 = vector.broadcast %add3A_1035 : i32 to vector<16xi32>
        %add3A_1037 = arith.addi %broadcast_in_dim3A_977, %add3A_1036 : vector<16xi32>
        %gather3A_1038 = tpu.vector_load_idx %arg8[%add3A_1037] : memref<40448xf32, #tpu.memory_space<vmem>>[vector<16xi32>], vector<16xf32>,
        %get3A_1039 = arith.index_cast %add3A_1034 : i32 to index
        %get3A_1040 = arith.constant 0 : index
        %get3A_1041 = tpu.vector_load %arg12[%get3A_1039, %get3A_1040] {strides = array<i32>} : memref<128x32xf32, #tpu.memory_space<vmem>>, vector<16xf32>,
        %get3A_1042 = arith.index_cast %add3A_1034 : i32 to index
        %get3A_1043 = arith.constant 16 : index
        %get3A_1044 = tpu.vector_load %arg12[%get3A_1042, %get3A_1043] {strides = array<i32>} : memref<128x32xf32, #tpu.memory_space<vmem>>, vector<16xf32>,
        %mul3A_1045 = arith.mulf %gather3A_1038, %get3A_1041 : vector<16xf32>
        %add3A_1046 = arith.addf %scan3A_972, %mul3A_1045 : vector<16xf32>
        %mul3A_1047 = arith.mulf %gather3A_1038, %get3A_1044 : vector<16xf32>
        %add3A_1048 = arith.addf %scan3A_973, %mul3A_1047 : vector<16xf32>
        %mul3A_1049 = arith.constant 8 : i32
        %mul3A_1050 = arith.muli %scan3A_965, %mul3A_1049 : i32
        %add3A_1051 = arith.constant 4 : i32
        %add3A_1052 = arith.addi %mul3A_1050, %add3A_1051 : i32
        %add3A_1053 = arith.constant 4 : i32
        %add3A_1054 = vector.broadcast %add3A_1053 : i32 to vector<16xi32>
        %add3A_1055 = arith.addi %broadcast_in_dim3A_977, %add3A_1054 : vector<16xi32>
        %gather3A_1056 = tpu.vector_load_idx %arg8[%add3A_1055] : memref<40448xf32, #tpu.memory_space<vmem>>[vector<16xi32>], vector<16xf32>,
        %get3A_1057 = arith.index_cast %add3A_1052 : i32 to index
        %get3A_1058 = arith.constant 0 : index
        %get3A_1059 = tpu.vector_load %arg12[%get3A_1057, %get3A_1058] {strides = array<i32>} : memref<128x32xf32, #tpu.memory_space<vmem>>, vector<16xf32>,
        %get3A_1060 = arith.index_cast %add3A_1052 : i32 to index
        %get3A_1061 = arith.constant 16 : index
        %get3A_1062 = tpu.vector_load %arg12[%get3A_1060, %get3A_1061] {strides = array<i32>} : memref<128x32xf32, #tpu.memory_space<vmem>>, vector<16xf32>,
        %mul3A_1063 = arith.mulf %gather3A_1056, %get3A_1059 : vector<16xf32>
        %add3A_1064 = arith.addf %add3A_992, %mul3A_1063 : vector<16xf32>
        %mul3A_1065 = arith.mulf %gather3A_1056, %get3A_1062 : vector<16xf32>
        %add3A_1066 = arith.addf %add3A_994, %mul3A_1065 : vector<16xf32>
        %mul3A_1067 = arith.constant 8 : i32
        %mul3A_1068 = arith.muli %scan3A_965, %mul3A_1067 : i32
        %add3A_1069 = arith.constant 5 : i32
        %add3A_1070 = arith.addi %mul3A_1068, %add3A_1069 : i32
        %add3A_1071 = arith.constant 5 : i32
        %add3A_1072 = vector.broadcast %add3A_1071 : i32 to vector<16xi32>
        %add3A_1073 = arith.addi %broadcast_in_dim3A_977, %add3A_1072 : vector<16xi32>
        %gather3A_1074 = tpu.vector_load_idx %arg8[%add3A_1073] : memref<40448xf32, #tpu.memory_space<vmem>>[vector<16xi32>], vector<16xf32>,
        %get3A_1075 = arith.index_cast %add3A_1070 : i32 to index
        %get3A_1076 = arith.constant 0 : index
        %get3A_1077 = tpu.vector_load %arg12[%get3A_1075, %get3A_1076] {strides = array<i32>} : memref<128x32xf32, #tpu.memory_space<vmem>>, vector<16xf32>,
        %get3A_1078 = arith.index_cast %add3A_1070 : i32 to index
        %get3A_1079 = arith.constant 16 : index
        %get3A_1080 = tpu.vector_load %arg12[%get3A_1078, %get3A_1079] {strides = array<i32>} : memref<128x32xf32, #tpu.memory_space<vmem>>, vector<16xf32>,
        %mul3A_1081 = arith.mulf %gather3A_1074, %get3A_1077 : vector<16xf32>
        %add3A_1082 = arith.addf %add3A_1010, %mul3A_1081 : vector<16xf32>
        %mul3A_1083 = arith.mulf %gather3A_1074, %get3A_1080 : vector<16xf32>
        %add3A_1084 = arith.addf %add3A_1012, %mul3A_1083 : vector<16xf32>
        %mul3A_1085 = arith.constant 8 : i32
        %mul3A_1086 = arith.muli %scan3A_965, %mul3A_1085 : i32
        %add3A_1087 = arith.constant 6 : i32
        %add3A_1088 = arith.addi %mul3A_1086, %add3A_1087 : i32
        %add3A_1089 = arith.constant 6 : i32
        %add3A_1090 = vector.broadcast %add3A_1089 : i32 to vector<16xi32>
        %add3A_1091 = arith.addi %broadcast_in_dim3A_977, %add3A_1090 : vector<16xi32>
        %gather3A_1092 = tpu.vector_load_idx %arg8[%add3A_1091] : memref<40448xf32, #tpu.memory_space<vmem>>[vector<16xi32>], vector<16xf32>,
        %get3A_1093 = arith.index_cast %add3A_1088 : i32 to index
        %get3A_1094 = arith.constant 0 : index
        %get3A_1095 = tpu.vector_load %arg12[%get3A_1093, %get3A_1094] {strides = array<i32>} : memref<128x32xf32, #tpu.memory_space<vmem>>, vector<16xf32>,
        %get3A_1096 = arith.index_cast %add3A_1088 : i32 to index
        %get3A_1097 = arith.constant 16 : index
        %get3A_1098 = tpu.vector_load %arg12[%get3A_1096, %get3A_1097] {strides = array<i32>} : memref<128x32xf32, #tpu.memory_space<vmem>>, vector<16xf32>,
        %mul3A_1099 = arith.mulf %gather3A_1092, %get3A_1095 : vector<16xf32>
        %add3A_1100 = arith.addf %add3A_1028, %mul3A_1099 : vector<16xf32>
        %mul3A_1101 = arith.mulf %gather3A_1092, %get3A_1098 : vector<16xf32>
        %add3A_1102 = arith.addf %add3A_1030, %mul3A_1101 : vector<16xf32>
        %mul3A_1103 = arith.constant 8 : i32
        %mul3A_1104 = arith.muli %scan3A_965, %mul3A_1103 : i32
        %add3A_1105 = arith.constant 7 : i32
        %add3A_1106 = arith.addi %mul3A_1104, %add3A_1105 : i32
        %add3A_1107 = arith.constant 7 : i32
        %add3A_1108 = vector.broadcast %add3A_1107 : i32 to vector<16xi32>
        %add3A_1109 = arith.addi %broadcast_in_dim3A_977, %add3A_1108 : vector<16xi32>
        %gather3A_1110 = tpu.vector_load_idx %arg8[%add3A_1109] : memref<40448xf32, #tpu.memory_space<vmem>>[vector<16xi32>], vector<16xf32>,
        %get3A_1111 = arith.index_cast %add3A_1106 : i32 to index
        %get3A_1112 = arith.constant 0 : index
        %get3A_1113 = tpu.vector_load %arg12[%get3A_1111, %get3A_1112] {strides = array<i32>} : memref<128x32xf32, #tpu.memory_space<vmem>>, vector<16xf32>,
        %get3A_1114 = arith.index_cast %add3A_1106 : i32 to index
        %get3A_1115 = arith.constant 16 : index
        %get3A_1116 = tpu.vector_load %arg12[%get3A_1114, %get3A_1115] {strides = array<i32>} : memref<128x32xf32, #tpu.memory_space<vmem>>, vector<16xf32>,
        %mul3A_1117 = arith.mulf %gather3A_1110, %get3A_1113 : vector<16xf32>
        %add3A_1118 = arith.addf %add3A_1046, %mul3A_1117 : vector<16xf32>
        %mul3A_1119 = arith.mulf %gather3A_1110, %get3A_1116 : vector<16xf32>
        %add3A_1120 = arith.addf %add3A_1048, %mul3A_1119 : vector<16xf32>
        scf.yield %add3A_1064, %add3A_1066, %add3A_1082, %add3A_1084, %add3A_1100, %add3A_1102, %add3A_1118, %add3A_1120 : vector<16xf32>, vector<16xf32>, vector<16xf32>, vector<16xf32>, vector<16xf32>, vector<16xf32>, vector<16xf32>, vector<16xf32>
      }
      %scan3A_845 = arith.constant 16 : i32
      %add3A_846 = arith.addf %scan3A_844#0, %scan3A_844#2 : vector<16xf32>
      %add3A_847 = arith.addf %scan3A_844#4, %scan3A_844#6 : vector<16xf32>
      %add3A_848 = arith.addf %add3A_846, %add3A_847 : vector<16xf32>
      %add3A_849 = arith.addf %scan3A_844#1, %scan3A_844#3 : vector<16xf32>
      %add3A_850 = arith.addf %scan3A_844#5, %scan3A_844#7 : vector<16xf32>
      %add3A_851 = arith.addf %add3A_849, %add3A_850 : vector<16xf32>
      %max3A_852 = arith.maximumf %add3A_848, %broadcast_in_dim3A_11 : vector<16xf32>
      %mul3A_853 = arith.constant 32 : i32
      %mul3A_854 = arith.muli %add3A_837, %mul3A_853 : i32
      %swap3A_855 = arith.index_cast %mul3A_854 : i32 to index
      %swap3A_856 = tpu.vector_load %arg16[%swap3A_855] {strides = array<i32>} : memref<10112xf32, #tpu.memory_space<vmem>>, vector<16xf32>,
      tpu.vector_store %arg16[%swap3A_855], %max3A_852 {strides = array<i32>} : memref<10112xf32, #tpu.memory_space<vmem>>, vector<16xf32>,
      %max3A_857 = arith.maximumf %add3A_851, %broadcast_in_dim3A_11 : vector<16xf32>
      %mul3A_858 = arith.constant 32 : i32
      %mul3A_859 = arith.muli %add3A_837, %mul3A_858 : i32
      %add3A_860 = arith.constant 16 : i32
      %add3A_861 = arith.addi %mul3A_859, %add3A_860 : i32
      %swap3A_862 = arith.index_cast %add3A_861 : i32 to index
      %swap3A_863 = tpu.vector_load %arg16[%swap3A_862] {strides = array<i32>} : memref<10112xf32, #tpu.memory_space<vmem>>, vector<16xf32>,
      tpu.vector_store %arg16[%swap3A_862], %max3A_857 {strides = array<i32>} : memref<10112xf32, #tpu.memory_space<vmem>>, vector<16xf32>,
      %add3A_864 = arith.constant 4 : i32
      %add3A_865 = arith.addi %mul3A_667, %add3A_864 : i32
      %add3A_866 = arith.constant 6 : i32
      %add3A_867 = arith.addi %add3A_865, %add3A_866 : i32
      %sub3A_868 = arith.constant 1 : i32
      %sub3A_869 = arith.subi %add3A_867, %sub3A_868 : i32
      %lt3A_870 = arith.constant 316 : i32
      %lt3A_871 = arith.cmpi slt, %sub3A_869, %lt3A_870 : i32
      %convert_element_type3A_872 = arith.extui %lt3A_871 : i1 to i32
      %cond3A_873 = arith.constant 0 : i32
      %cond3A_874 = arith.cmpi ne, %convert_element_type3A_872, %cond3A_873 : i32
      scf.if %cond3A_874 {
        %mul3A_965 = arith.constant 128 : i32
        %mul3A_966 = arith.muli %sub3A_869, %mul3A_965 : i32
        %dma_start3A_967 = arith.constant 0 : i32
        %dma_start3A_968 = arith.constant 0 : i32
        %dma_start3A_969 = tpu.memref_slice %arg12[%dma_start3A_967, %dma_start3A_968] : memref<128x32xf32, #tpu.memory_space<vmem>> -> memref<121x32xf32, #tpu.memory_space<vmem>>
        %dma_start3A_970 = tpu.memref_slice %arg7[%mul3A_966] : memref<40448xi32, #tpu.memory_space<vmem>> -> memref<121xi32, #tpu.memory_space<vmem>>
        %dma_start3A_971 = arith.constant 0 : i32
        %dma_start3A_972 = arith.constant 0 : i32
        %dma_start3A_973 = tpu.memref_slice %arg2[%dma_start3A_971, %dma_start3A_972] : memref<410000x32xf32, #tpu.memory_space<hbm>> -> memref<410000x32xf32, #tpu.memory_space<hbm>>
        tpu.enqueue_indirect_dma source(%dma_start3A_973 : memref<410000x32xf32, #tpu.memory_space<hbm>>) target(%dma_start3A_969 : memref<121x32xf32, #tpu.memory_space<vmem>>) offsets(%dma_start3A_970 : memref<121xi32, #tpu.memory_space<vmem>>) semaphore(%arg20 : memref<!tpu.dma_semaphore, #tpu.memory_space<semaphore_mem>>)
      } else {
      }
      %add3A_875 = arith.constant 4 : i32
      %add3A_876 = arith.addi %mul3A_667, %add3A_875 : i32
      %mul3A_877 = arith.constant 128 : i32
      %mul3A_878 = arith.muli %add3A_876, %mul3A_877 : i32
      %dma_wait3A_879 = arith.constant 0 : i32
      %dma_wait3A_880 = arith.constant 0 : i32
      %dma_wait3A_881 = tpu.memref_slice %arg13[%dma_wait3A_879, %dma_wait3A_880] : memref<128x32xf32, #tpu.memory_space<vmem>> -> memref<121x32xf32, #tpu.memory_space<vmem>>
      %dma_wait3A_882 = tpu.memref_slice %arg7[%mul3A_878] : memref<40448xi32, #tpu.memory_space<vmem>> -> memref<121xi32, #tpu.memory_space<vmem>>
      %dma_wait3A_883 = arith.constant 0 : i32
      %dma_wait3A_884 = arith.constant 0 : i32
      %dma_wait3A_885 = tpu.memref_slice %arg2[%dma_wait3A_883, %dma_wait3A_884] : memref<410000x32xf32, #tpu.memory_space<hbm>> -> memref<410000x32xf32, #tpu.memory_space<hbm>>
      tpu.wait_indirect_dma semaphore(%arg21 : memref<!tpu.dma_semaphore, #tpu.memory_space<semaphore_mem>>) src(%dma_wait3A_885 : memref<410000x32xf32, #tpu.memory_space<hbm>>) dst(%dma_wait3A_881 : memref<121x32xf32, #tpu.memory_space<vmem>>)
      %add3A_886 = arith.constant 4 : i32
      %add3A_887 = arith.addi %mul3A_667, %add3A_886 : i32
      %mul3A_888 = arith.constant 128 : i32
      %mul3A_889 = arith.muli %add3A_887, %mul3A_888 : i32
      %scan3A_890 = arith.constant 0 : i32
      %scan3A_891 = arith.constant 16 : i32
      %scan3A_892 = arith.addi %scan3A_890, %scan3A_891 : i32
      %scan3A_893 = arith.constant 1 : i32
      %scan3A_894:8 = scf.for %scan3A_965 = %scan3A_890 to %scan3A_892 step %scan3A_893 iter_args(%scan3A_966 = %get3A_8, %scan3A_967 = %get3A_10, %scan3A_968 = %broadcast_in_dim3A_11, %scan3A_969 = %broadcast_in_dim3A_11, %scan3A_970 = %broadcast_in_dim3A_11, %scan3A_971 = %broadcast_in_dim3A_11, %scan3A_972 = %broadcast_in_dim3A_11, %scan3A_973 = %broadcast_in_dim3A_11) -> (vector<16xf32>, vector<16xf32>, vector<16xf32>, vector<16xf32>, vector<16xf32>, vector<16xf32>, vector<16xf32>, vector<16xf32>)  : i32 {
        %mul3A_974 = arith.constant 8 : i32
        %mul3A_975 = arith.muli %mul3A_974, %scan3A_965 : i32
        %add3A_976 = arith.addi %mul3A_889, %mul3A_975 : i32
        %broadcast_in_dim3A_977 = vector.broadcast %add3A_976 : i32 to vector<16xi32>
        %mul3A_978 = arith.constant 8 : i32
        %mul3A_979 = arith.muli %scan3A_965, %mul3A_978 : i32
        %add3A_980 = arith.constant 0 : i32
        %add3A_981 = arith.addi %mul3A_979, %add3A_980 : i32
        %add3A_982 = arith.constant 0 : i32
        %add3A_983 = vector.broadcast %add3A_982 : i32 to vector<16xi32>
        %add3A_984 = arith.addi %broadcast_in_dim3A_977, %add3A_983 : vector<16xi32>
        %gather3A = tpu.vector_load_idx %arg8[%add3A_984] : memref<40448xf32, #tpu.memory_space<vmem>>[vector<16xi32>], vector<16xf32>,
        %get3A_985 = arith.index_cast %add3A_981 : i32 to index
        %get3A_986 = arith.constant 0 : index
        %get3A_987 = tpu.vector_load %arg13[%get3A_985, %get3A_986] {strides = array<i32>} : memref<128x32xf32, #tpu.memory_space<vmem>>, vector<16xf32>,
        %get3A_988 = arith.index_cast %add3A_981 : i32 to index
        %get3A_989 = arith.constant 16 : index
        %get3A_990 = tpu.vector_load %arg13[%get3A_988, %get3A_989] {strides = array<i32>} : memref<128x32xf32, #tpu.memory_space<vmem>>, vector<16xf32>,
        %mul3A_991 = arith.mulf %gather3A, %get3A_987 : vector<16xf32>
        %add3A_992 = arith.addf %scan3A_966, %mul3A_991 : vector<16xf32>
        %mul3A_993 = arith.mulf %gather3A, %get3A_990 : vector<16xf32>
        %add3A_994 = arith.addf %scan3A_967, %mul3A_993 : vector<16xf32>
        %mul3A_995 = arith.constant 8 : i32
        %mul3A_996 = arith.muli %scan3A_965, %mul3A_995 : i32
        %add3A_997 = arith.constant 1 : i32
        %add3A_998 = arith.addi %mul3A_996, %add3A_997 : i32
        %add3A_999 = arith.constant 1 : i32
        %add3A_1000 = vector.broadcast %add3A_999 : i32 to vector<16xi32>
        %add3A_1001 = arith.addi %broadcast_in_dim3A_977, %add3A_1000 : vector<16xi32>
        %gather3A_1002 = tpu.vector_load_idx %arg8[%add3A_1001] : memref<40448xf32, #tpu.memory_space<vmem>>[vector<16xi32>], vector<16xf32>,
        %get3A_1003 = arith.index_cast %add3A_998 : i32 to index
        %get3A_1004 = arith.constant 0 : index
        %get3A_1005 = tpu.vector_load %arg13[%get3A_1003, %get3A_1004] {strides = array<i32>} : memref<128x32xf32, #tpu.memory_space<vmem>>, vector<16xf32>,
        %get3A_1006 = arith.index_cast %add3A_998 : i32 to index
        %get3A_1007 = arith.constant 16 : index
        %get3A_1008 = tpu.vector_load %arg13[%get3A_1006, %get3A_1007] {strides = array<i32>} : memref<128x32xf32, #tpu.memory_space<vmem>>, vector<16xf32>,
        %mul3A_1009 = arith.mulf %gather3A_1002, %get3A_1005 : vector<16xf32>
        %add3A_1010 = arith.addf %scan3A_968, %mul3A_1009 : vector<16xf32>
        %mul3A_1011 = arith.mulf %gather3A_1002, %get3A_1008 : vector<16xf32>
        %add3A_1012 = arith.addf %scan3A_969, %mul3A_1011 : vector<16xf32>
        %mul3A_1013 = arith.constant 8 : i32
        %mul3A_1014 = arith.muli %scan3A_965, %mul3A_1013 : i32
        %add3A_1015 = arith.constant 2 : i32
        %add3A_1016 = arith.addi %mul3A_1014, %add3A_1015 : i32
        %add3A_1017 = arith.constant 2 : i32
        %add3A_1018 = vector.broadcast %add3A_1017 : i32 to vector<16xi32>
        %add3A_1019 = arith.addi %broadcast_in_dim3A_977, %add3A_1018 : vector<16xi32>
        %gather3A_1020 = tpu.vector_load_idx %arg8[%add3A_1019] : memref<40448xf32, #tpu.memory_space<vmem>>[vector<16xi32>], vector<16xf32>,
        %get3A_1021 = arith.index_cast %add3A_1016 : i32 to index
        %get3A_1022 = arith.constant 0 : index
        %get3A_1023 = tpu.vector_load %arg13[%get3A_1021, %get3A_1022] {strides = array<i32>} : memref<128x32xf32, #tpu.memory_space<vmem>>, vector<16xf32>,
        %get3A_1024 = arith.index_cast %add3A_1016 : i32 to index
        %get3A_1025 = arith.constant 16 : index
        %get3A_1026 = tpu.vector_load %arg13[%get3A_1024, %get3A_1025] {strides = array<i32>} : memref<128x32xf32, #tpu.memory_space<vmem>>, vector<16xf32>,
        %mul3A_1027 = arith.mulf %gather3A_1020, %get3A_1023 : vector<16xf32>
        %add3A_1028 = arith.addf %scan3A_970, %mul3A_1027 : vector<16xf32>
        %mul3A_1029 = arith.mulf %gather3A_1020, %get3A_1026 : vector<16xf32>
        %add3A_1030 = arith.addf %scan3A_971, %mul3A_1029 : vector<16xf32>
        %mul3A_1031 = arith.constant 8 : i32
        %mul3A_1032 = arith.muli %scan3A_965, %mul3A_1031 : i32
        %add3A_1033 = arith.constant 3 : i32
        %add3A_1034 = arith.addi %mul3A_1032, %add3A_1033 : i32
        %add3A_1035 = arith.constant 3 : i32
        %add3A_1036 = vector.broadcast %add3A_1035 : i32 to vector<16xi32>
        %add3A_1037 = arith.addi %broadcast_in_dim3A_977, %add3A_1036 : vector<16xi32>
        %gather3A_1038 = tpu.vector_load_idx %arg8[%add3A_1037] : memref<40448xf32, #tpu.memory_space<vmem>>[vector<16xi32>], vector<16xf32>,
        %get3A_1039 = arith.index_cast %add3A_1034 : i32 to index
        %get3A_1040 = arith.constant 0 : index
        %get3A_1041 = tpu.vector_load %arg13[%get3A_1039, %get3A_1040] {strides = array<i32>} : memref<128x32xf32, #tpu.memory_space<vmem>>, vector<16xf32>,
        %get3A_1042 = arith.index_cast %add3A_1034 : i32 to index
        %get3A_1043 = arith.constant 16 : index
        %get3A_1044 = tpu.vector_load %arg13[%get3A_1042, %get3A_1043] {strides = array<i32>} : memref<128x32xf32, #tpu.memory_space<vmem>>, vector<16xf32>,
        %mul3A_1045 = arith.mulf %gather3A_1038, %get3A_1041 : vector<16xf32>
        %add3A_1046 = arith.addf %scan3A_972, %mul3A_1045 : vector<16xf32>
        %mul3A_1047 = arith.mulf %gather3A_1038, %get3A_1044 : vector<16xf32>
        %add3A_1048 = arith.addf %scan3A_973, %mul3A_1047 : vector<16xf32>
        %mul3A_1049 = arith.constant 8 : i32
        %mul3A_1050 = arith.muli %scan3A_965, %mul3A_1049 : i32
        %add3A_1051 = arith.constant 4 : i32
        %add3A_1052 = arith.addi %mul3A_1050, %add3A_1051 : i32
        %add3A_1053 = arith.constant 4 : i32
        %add3A_1054 = vector.broadcast %add3A_1053 : i32 to vector<16xi32>
        %add3A_1055 = arith.addi %broadcast_in_dim3A_977, %add3A_1054 : vector<16xi32>
        %gather3A_1056 = tpu.vector_load_idx %arg8[%add3A_1055] : memref<40448xf32, #tpu.memory_space<vmem>>[vector<16xi32>], vector<16xf32>,
        %get3A_1057 = arith.index_cast %add3A_1052 : i32 to index
        %get3A_1058 = arith.constant 0 : index
        %get3A_1059 = tpu.vector_load %arg13[%get3A_1057, %get3A_1058] {strides = array<i32>} : memref<128x32xf32, #tpu.memory_space<vmem>>, vector<16xf32>,
        %get3A_1060 = arith.index_cast %add3A_1052 : i32 to index
        %get3A_1061 = arith.constant 16 : index
        %get3A_1062 = tpu.vector_load %arg13[%get3A_1060, %get3A_1061] {strides = array<i32>} : memref<128x32xf32, #tpu.memory_space<vmem>>, vector<16xf32>,
        %mul3A_1063 = arith.mulf %gather3A_1056, %get3A_1059 : vector<16xf32>
        %add3A_1064 = arith.addf %add3A_992, %mul3A_1063 : vector<16xf32>
        %mul3A_1065 = arith.mulf %gather3A_1056, %get3A_1062 : vector<16xf32>
        %add3A_1066 = arith.addf %add3A_994, %mul3A_1065 : vector<16xf32>
        %mul3A_1067 = arith.constant 8 : i32
        %mul3A_1068 = arith.muli %scan3A_965, %mul3A_1067 : i32
        %add3A_1069 = arith.constant 5 : i32
        %add3A_1070 = arith.addi %mul3A_1068, %add3A_1069 : i32
        %add3A_1071 = arith.constant 5 : i32
        %add3A_1072 = vector.broadcast %add3A_1071 : i32 to vector<16xi32>
        %add3A_1073 = arith.addi %broadcast_in_dim3A_977, %add3A_1072 : vector<16xi32>
        %gather3A_1074 = tpu.vector_load_idx %arg8[%add3A_1073] : memref<40448xf32, #tpu.memory_space<vmem>>[vector<16xi32>], vector<16xf32>,
        %get3A_1075 = arith.index_cast %add3A_1070 : i32 to index
        %get3A_1076 = arith.constant 0 : index
        %get3A_1077 = tpu.vector_load %arg13[%get3A_1075, %get3A_1076] {strides = array<i32>} : memref<128x32xf32, #tpu.memory_space<vmem>>, vector<16xf32>,
        %get3A_1078 = arith.index_cast %add3A_1070 : i32 to index
        %get3A_1079 = arith.constant 16 : index
        %get3A_1080 = tpu.vector_load %arg13[%get3A_1078, %get3A_1079] {strides = array<i32>} : memref<128x32xf32, #tpu.memory_space<vmem>>, vector<16xf32>,
        %mul3A_1081 = arith.mulf %gather3A_1074, %get3A_1077 : vector<16xf32>
        %add3A_1082 = arith.addf %add3A_1010, %mul3A_1081 : vector<16xf32>
        %mul3A_1083 = arith.mulf %gather3A_1074, %get3A_1080 : vector<16xf32>
        %add3A_1084 = arith.addf %add3A_1012, %mul3A_1083 : vector<16xf32>
        %mul3A_1085 = arith.constant 8 : i32
        %mul3A_1086 = arith.muli %scan3A_965, %mul3A_1085 : i32
        %add3A_1087 = arith.constant 6 : i32
        %add3A_1088 = arith.addi %mul3A_1086, %add3A_1087 : i32
        %add3A_1089 = arith.constant 6 : i32
        %add3A_1090 = vector.broadcast %add3A_1089 : i32 to vector<16xi32>
        %add3A_1091 = arith.addi %broadcast_in_dim3A_977, %add3A_1090 : vector<16xi32>
        %gather3A_1092 = tpu.vector_load_idx %arg8[%add3A_1091] : memref<40448xf32, #tpu.memory_space<vmem>>[vector<16xi32>], vector<16xf32>,
        %get3A_1093 = arith.index_cast %add3A_1088 : i32 to index
        %get3A_1094 = arith.constant 0 : index
        %get3A_1095 = tpu.vector_load %arg13[%get3A_1093, %get3A_1094] {strides = array<i32>} : memref<128x32xf32, #tpu.memory_space<vmem>>, vector<16xf32>,
        %get3A_1096 = arith.index_cast %add3A_1088 : i32 to index
        %get3A_1097 = arith.constant 16 : index
        %get3A_1098 = tpu.vector_load %arg13[%get3A_1096, %get3A_1097] {strides = array<i32>} : memref<128x32xf32, #tpu.memory_space<vmem>>, vector<16xf32>,
        %mul3A_1099 = arith.mulf %gather3A_1092, %get3A_1095 : vector<16xf32>
        %add3A_1100 = arith.addf %add3A_1028, %mul3A_1099 : vector<16xf32>
        %mul3A_1101 = arith.mulf %gather3A_1092, %get3A_1098 : vector<16xf32>
        %add3A_1102 = arith.addf %add3A_1030, %mul3A_1101 : vector<16xf32>
        %mul3A_1103 = arith.constant 8 : i32
        %mul3A_1104 = arith.muli %scan3A_965, %mul3A_1103 : i32
        %add3A_1105 = arith.constant 7 : i32
        %add3A_1106 = arith.addi %mul3A_1104, %add3A_1105 : i32
        %add3A_1107 = arith.constant 7 : i32
        %add3A_1108 = vector.broadcast %add3A_1107 : i32 to vector<16xi32>
        %add3A_1109 = arith.addi %broadcast_in_dim3A_977, %add3A_1108 : vector<16xi32>
        %gather3A_1110 = tpu.vector_load_idx %arg8[%add3A_1109] : memref<40448xf32, #tpu.memory_space<vmem>>[vector<16xi32>], vector<16xf32>,
        %get3A_1111 = arith.index_cast %add3A_1106 : i32 to index
        %get3A_1112 = arith.constant 0 : index
        %get3A_1113 = tpu.vector_load %arg13[%get3A_1111, %get3A_1112] {strides = array<i32>} : memref<128x32xf32, #tpu.memory_space<vmem>>, vector<16xf32>,
        %get3A_1114 = arith.index_cast %add3A_1106 : i32 to index
        %get3A_1115 = arith.constant 16 : index
        %get3A_1116 = tpu.vector_load %arg13[%get3A_1114, %get3A_1115] {strides = array<i32>} : memref<128x32xf32, #tpu.memory_space<vmem>>, vector<16xf32>,
        %mul3A_1117 = arith.mulf %gather3A_1110, %get3A_1113 : vector<16xf32>
        %add3A_1118 = arith.addf %add3A_1046, %mul3A_1117 : vector<16xf32>
        %mul3A_1119 = arith.mulf %gather3A_1110, %get3A_1116 : vector<16xf32>
        %add3A_1120 = arith.addf %add3A_1048, %mul3A_1119 : vector<16xf32>
        scf.yield %add3A_1064, %add3A_1066, %add3A_1082, %add3A_1084, %add3A_1100, %add3A_1102, %add3A_1118, %add3A_1120 : vector<16xf32>, vector<16xf32>, vector<16xf32>, vector<16xf32>, vector<16xf32>, vector<16xf32>, vector<16xf32>, vector<16xf32>
      }
      %scan3A_895 = arith.constant 16 : i32
      %add3A_896 = arith.addf %scan3A_894#0, %scan3A_894#2 : vector<16xf32>
      %add3A_897 = arith.addf %scan3A_894#4, %scan3A_894#6 : vector<16xf32>
      %add3A_898 = arith.addf %add3A_896, %add3A_897 : vector<16xf32>
      %add3A_899 = arith.addf %scan3A_894#1, %scan3A_894#3 : vector<16xf32>
      %add3A_900 = arith.addf %scan3A_894#5, %scan3A_894#7 : vector<16xf32>
      %add3A_901 = arith.addf %add3A_899, %add3A_900 : vector<16xf32>
      %max3A_902 = arith.maximumf %add3A_898, %broadcast_in_dim3A_11 : vector<16xf32>
      %mul3A_903 = arith.constant 32 : i32
      %mul3A_904 = arith.muli %add3A_887, %mul3A_903 : i32
      %swap3A_905 = arith.index_cast %mul3A_904 : i32 to index
      %swap3A_906 = tpu.vector_load %arg16[%swap3A_905] {strides = array<i32>} : memref<10112xf32, #tpu.memory_space<vmem>>, vector<16xf32>,
      tpu.vector_store %arg16[%swap3A_905], %max3A_902 {strides = array<i32>} : memref<10112xf32, #tpu.memory_space<vmem>>, vector<16xf32>,
      %max3A_907 = arith.maximumf %add3A_901, %broadcast_in_dim3A_11 : vector<16xf32>
      %mul3A_908 = arith.constant 32 : i32
      %mul3A_909 = arith.muli %add3A_887, %mul3A_908 : i32
      %add3A_910 = arith.constant 16 : i32
      %add3A_911 = arith.addi %mul3A_909, %add3A_910 : i32
      %swap3A_912 = arith.index_cast %add3A_911 : i32 to index
      %swap3A_913 = tpu.vector_load %arg16[%swap3A_912] {strides = array<i32>} : memref<10112xf32, #tpu.memory_space<vmem>>, vector<16xf32>,
      tpu.vector_store %arg16[%swap3A_912], %max3A_907 {strides = array<i32>} : memref<10112xf32, #tpu.memory_space<vmem>>, vector<16xf32>,
      %add3A_914 = arith.constant 5 : i32
      %add3A_915 = arith.addi %mul3A_667, %add3A_914 : i32
      %add3A_916 = arith.constant 6 : i32
      %add3A_917 = arith.addi %add3A_915, %add3A_916 : i32
      %sub3A_918 = arith.constant 1 : i32
      %sub3A_919 = arith.subi %add3A_917, %sub3A_918 : i32
      %lt3A_920 = arith.constant 316 : i32
      %lt3A_921 = arith.cmpi slt, %sub3A_919, %lt3A_920 : i32
      %convert_element_type3A_922 = arith.extui %lt3A_921 : i1 to i32
      %cond3A_923 = arith.constant 0 : i32
      %cond3A_924 = arith.cmpi ne, %convert_element_type3A_922, %cond3A_923 : i32
      scf.if %cond3A_924 {
        %mul3A_965 = arith.constant 128 : i32
        %mul3A_966 = arith.muli %sub3A_919, %mul3A_965 : i32
        %dma_start3A_967 = arith.constant 0 : i32
        %dma_start3A_968 = arith.constant 0 : i32
        %dma_start3A_969 = tpu.memref_slice %arg13[%dma_start3A_967, %dma_start3A_968] : memref<128x32xf32, #tpu.memory_space<vmem>> -> memref<121x32xf32, #tpu.memory_space<vmem>>
        %dma_start3A_970 = tpu.memref_slice %arg7[%mul3A_966] : memref<40448xi32, #tpu.memory_space<vmem>> -> memref<121xi32, #tpu.memory_space<vmem>>
        %dma_start3A_971 = arith.constant 0 : i32
        %dma_start3A_972 = arith.constant 0 : i32
        %dma_start3A_973 = tpu.memref_slice %arg2[%dma_start3A_971, %dma_start3A_972] : memref<410000x32xf32, #tpu.memory_space<hbm>> -> memref<410000x32xf32, #tpu.memory_space<hbm>>
        tpu.enqueue_indirect_dma source(%dma_start3A_973 : memref<410000x32xf32, #tpu.memory_space<hbm>>) target(%dma_start3A_969 : memref<121x32xf32, #tpu.memory_space<vmem>>) offsets(%dma_start3A_970 : memref<121xi32, #tpu.memory_space<vmem>>) semaphore(%arg21 : memref<!tpu.dma_semaphore, #tpu.memory_space<semaphore_mem>>)
      } else {
      }
      %add3A_925 = arith.constant 5 : i32
      %add3A_926 = arith.addi %mul3A_667, %add3A_925 : i32
      %mul3A_927 = arith.constant 128 : i32
      %mul3A_928 = arith.muli %add3A_926, %mul3A_927 : i32
      %dma_wait3A_929 = arith.constant 0 : i32
      %dma_wait3A_930 = arith.constant 0 : i32
      %dma_wait3A_931 = tpu.memref_slice %arg14[%dma_wait3A_929, %dma_wait3A_930] : memref<128x32xf32, #tpu.memory_space<vmem>> -> memref<121x32xf32, #tpu.memory_space<vmem>>
      %dma_wait3A_932 = tpu.memref_slice %arg7[%mul3A_928] : memref<40448xi32, #tpu.memory_space<vmem>> -> memref<121xi32, #tpu.memory_space<vmem>>
      %dma_wait3A_933 = arith.constant 0 : i32
      %dma_wait3A_934 = arith.constant 0 : i32
      %dma_wait3A_935 = tpu.memref_slice %arg2[%dma_wait3A_933, %dma_wait3A_934] : memref<410000x32xf32, #tpu.memory_space<hbm>> -> memref<410000x32xf32, #tpu.memory_space<hbm>>
      tpu.wait_indirect_dma semaphore(%arg22 : memref<!tpu.dma_semaphore, #tpu.memory_space<semaphore_mem>>) src(%dma_wait3A_935 : memref<410000x32xf32, #tpu.memory_space<hbm>>) dst(%dma_wait3A_931 : memref<121x32xf32, #tpu.memory_space<vmem>>)
      %add3A_936 = arith.constant 5 : i32
      %add3A_937 = arith.addi %mul3A_667, %add3A_936 : i32
      %mul3A_938 = arith.constant 128 : i32
      %mul3A_939 = arith.muli %add3A_937, %mul3A_938 : i32
      %scan3A_940 = arith.constant 0 : i32
      %scan3A_941 = arith.constant 16 : i32
      %scan3A_942 = arith.addi %scan3A_940, %scan3A_941 : i32
      %scan3A_943 = arith.constant 1 : i32
      %scan3A_944:8 = scf.for %scan3A_965 = %scan3A_940 to %scan3A_942 step %scan3A_943 iter_args(%scan3A_966 = %get3A_8, %scan3A_967 = %get3A_10, %scan3A_968 = %broadcast_in_dim3A_11, %scan3A_969 = %broadcast_in_dim3A_11, %scan3A_970 = %broadcast_in_dim3A_11, %scan3A_971 = %broadcast_in_dim3A_11, %scan3A_972 = %broadcast_in_dim3A_11, %scan3A_973 = %broadcast_in_dim3A_11) -> (vector<16xf32>, vector<16xf32>, vector<16xf32>, vector<16xf32>, vector<16xf32>, vector<16xf32>, vector<16xf32>, vector<16xf32>)  : i32 {
        %mul3A_974 = arith.constant 8 : i32
        %mul3A_975 = arith.muli %mul3A_974, %scan3A_965 : i32
        %add3A_976 = arith.addi %mul3A_939, %mul3A_975 : i32
        %broadcast_in_dim3A_977 = vector.broadcast %add3A_976 : i32 to vector<16xi32>
        %mul3A_978 = arith.constant 8 : i32
        %mul3A_979 = arith.muli %scan3A_965, %mul3A_978 : i32
        %add3A_980 = arith.constant 0 : i32
        %add3A_981 = arith.addi %mul3A_979, %add3A_980 : i32
        %add3A_982 = arith.constant 0 : i32
        %add3A_983 = vector.broadcast %add3A_982 : i32 to vector<16xi32>
        %add3A_984 = arith.addi %broadcast_in_dim3A_977, %add3A_983 : vector<16xi32>
        %gather3A = tpu.vector_load_idx %arg8[%add3A_984] : memref<40448xf32, #tpu.memory_space<vmem>>[vector<16xi32>], vector<16xf32>,
        %get3A_985 = arith.index_cast %add3A_981 : i32 to index
        %get3A_986 = arith.constant 0 : index
        %get3A_987 = tpu.vector_load %arg14[%get3A_985, %get3A_986] {strides = array<i32>} : memref<128x32xf32, #tpu.memory_space<vmem>>, vector<16xf32>,
        %get3A_988 = arith.index_cast %add3A_981 : i32 to index
        %get3A_989 = arith.constant 16 : index
        %get3A_990 = tpu.vector_load %arg14[%get3A_988, %get3A_989] {strides = array<i32>} : memref<128x32xf32, #tpu.memory_space<vmem>>, vector<16xf32>,
        %mul3A_991 = arith.mulf %gather3A, %get3A_987 : vector<16xf32>
        %add3A_992 = arith.addf %scan3A_966, %mul3A_991 : vector<16xf32>
        %mul3A_993 = arith.mulf %gather3A, %get3A_990 : vector<16xf32>
        %add3A_994 = arith.addf %scan3A_967, %mul3A_993 : vector<16xf32>
        %mul3A_995 = arith.constant 8 : i32
        %mul3A_996 = arith.muli %scan3A_965, %mul3A_995 : i32
        %add3A_997 = arith.constant 1 : i32
        %add3A_998 = arith.addi %mul3A_996, %add3A_997 : i32
        %add3A_999 = arith.constant 1 : i32
        %add3A_1000 = vector.broadcast %add3A_999 : i32 to vector<16xi32>
        %add3A_1001 = arith.addi %broadcast_in_dim3A_977, %add3A_1000 : vector<16xi32>
        %gather3A_1002 = tpu.vector_load_idx %arg8[%add3A_1001] : memref<40448xf32, #tpu.memory_space<vmem>>[vector<16xi32>], vector<16xf32>,
        %get3A_1003 = arith.index_cast %add3A_998 : i32 to index
        %get3A_1004 = arith.constant 0 : index
        %get3A_1005 = tpu.vector_load %arg14[%get3A_1003, %get3A_1004] {strides = array<i32>} : memref<128x32xf32, #tpu.memory_space<vmem>>, vector<16xf32>,
        %get3A_1006 = arith.index_cast %add3A_998 : i32 to index
        %get3A_1007 = arith.constant 16 : index
        %get3A_1008 = tpu.vector_load %arg14[%get3A_1006, %get3A_1007] {strides = array<i32>} : memref<128x32xf32, #tpu.memory_space<vmem>>, vector<16xf32>,
        %mul3A_1009 = arith.mulf %gather3A_1002, %get3A_1005 : vector<16xf32>
        %add3A_1010 = arith.addf %scan3A_968, %mul3A_1009 : vector<16xf32>
        %mul3A_1011 = arith.mulf %gather3A_1002, %get3A_1008 : vector<16xf32>
        %add3A_1012 = arith.addf %scan3A_969, %mul3A_1011 : vector<16xf32>
        %mul3A_1013 = arith.constant 8 : i32
        %mul3A_1014 = arith.muli %scan3A_965, %mul3A_1013 : i32
        %add3A_1015 = arith.constant 2 : i32
        %add3A_1016 = arith.addi %mul3A_1014, %add3A_1015 : i32
        %add3A_1017 = arith.constant 2 : i32
        %add3A_1018 = vector.broadcast %add3A_1017 : i32 to vector<16xi32>
        %add3A_1019 = arith.addi %broadcast_in_dim3A_977, %add3A_1018 : vector<16xi32>
        %gather3A_1020 = tpu.vector_load_idx %arg8[%add3A_1019] : memref<40448xf32, #tpu.memory_space<vmem>>[vector<16xi32>], vector<16xf32>,
        %get3A_1021 = arith.index_cast %add3A_1016 : i32 to index
        %get3A_1022 = arith.constant 0 : index
        %get3A_1023 = tpu.vector_load %arg14[%get3A_1021, %get3A_1022] {strides = array<i32>} : memref<128x32xf32, #tpu.memory_space<vmem>>, vector<16xf32>,
        %get3A_1024 = arith.index_cast %add3A_1016 : i32 to index
        %get3A_1025 = arith.constant 16 : index
        %get3A_1026 = tpu.vector_load %arg14[%get3A_1024, %get3A_1025] {strides = array<i32>} : memref<128x32xf32, #tpu.memory_space<vmem>>, vector<16xf32>,
        %mul3A_1027 = arith.mulf %gather3A_1020, %get3A_1023 : vector<16xf32>
        %add3A_1028 = arith.addf %scan3A_970, %mul3A_1027 : vector<16xf32>
        %mul3A_1029 = arith.mulf %gather3A_1020, %get3A_1026 : vector<16xf32>
        %add3A_1030 = arith.addf %scan3A_971, %mul3A_1029 : vector<16xf32>
        %mul3A_1031 = arith.constant 8 : i32
        %mul3A_1032 = arith.muli %scan3A_965, %mul3A_1031 : i32
        %add3A_1033 = arith.constant 3 : i32
        %add3A_1034 = arith.addi %mul3A_1032, %add3A_1033 : i32
        %add3A_1035 = arith.constant 3 : i32
        %add3A_1036 = vector.broadcast %add3A_1035 : i32 to vector<16xi32>
        %add3A_1037 = arith.addi %broadcast_in_dim3A_977, %add3A_1036 : vector<16xi32>
        %gather3A_1038 = tpu.vector_load_idx %arg8[%add3A_1037] : memref<40448xf32, #tpu.memory_space<vmem>>[vector<16xi32>], vector<16xf32>,
        %get3A_1039 = arith.index_cast %add3A_1034 : i32 to index
        %get3A_1040 = arith.constant 0 : index
        %get3A_1041 = tpu.vector_load %arg14[%get3A_1039, %get3A_1040] {strides = array<i32>} : memref<128x32xf32, #tpu.memory_space<vmem>>, vector<16xf32>,
        %get3A_1042 = arith.index_cast %add3A_1034 : i32 to index
        %get3A_1043 = arith.constant 16 : index
        %get3A_1044 = tpu.vector_load %arg14[%get3A_1042, %get3A_1043] {strides = array<i32>} : memref<128x32xf32, #tpu.memory_space<vmem>>, vector<16xf32>,
        %mul3A_1045 = arith.mulf %gather3A_1038, %get3A_1041 : vector<16xf32>
        %add3A_1046 = arith.addf %scan3A_972, %mul3A_1045 : vector<16xf32>
        %mul3A_1047 = arith.mulf %gather3A_1038, %get3A_1044 : vector<16xf32>
        %add3A_1048 = arith.addf %scan3A_973, %mul3A_1047 : vector<16xf32>
        %mul3A_1049 = arith.constant 8 : i32
        %mul3A_1050 = arith.muli %scan3A_965, %mul3A_1049 : i32
        %add3A_1051 = arith.constant 4 : i32
        %add3A_1052 = arith.addi %mul3A_1050, %add3A_1051 : i32
        %add3A_1053 = arith.constant 4 : i32
        %add3A_1054 = vector.broadcast %add3A_1053 : i32 to vector<16xi32>
        %add3A_1055 = arith.addi %broadcast_in_dim3A_977, %add3A_1054 : vector<16xi32>
        %gather3A_1056 = tpu.vector_load_idx %arg8[%add3A_1055] : memref<40448xf32, #tpu.memory_space<vmem>>[vector<16xi32>], vector<16xf32>,
        %get3A_1057 = arith.index_cast %add3A_1052 : i32 to index
        %get3A_1058 = arith.constant 0 : index
        %get3A_1059 = tpu.vector_load %arg14[%get3A_1057, %get3A_1058] {strides = array<i32>} : memref<128x32xf32, #tpu.memory_space<vmem>>, vector<16xf32>,
        %get3A_1060 = arith.index_cast %add3A_1052 : i32 to index
        %get3A_1061 = arith.constant 16 : index
        %get3A_1062 = tpu.vector_load %arg14[%get3A_1060, %get3A_1061] {strides = array<i32>} : memref<128x32xf32, #tpu.memory_space<vmem>>, vector<16xf32>,
        %mul3A_1063 = arith.mulf %gather3A_1056, %get3A_1059 : vector<16xf32>
        %add3A_1064 = arith.addf %add3A_992, %mul3A_1063 : vector<16xf32>
        %mul3A_1065 = arith.mulf %gather3A_1056, %get3A_1062 : vector<16xf32>
        %add3A_1066 = arith.addf %add3A_994, %mul3A_1065 : vector<16xf32>
        %mul3A_1067 = arith.constant 8 : i32
        %mul3A_1068 = arith.muli %scan3A_965, %mul3A_1067 : i32
        %add3A_1069 = arith.constant 5 : i32
        %add3A_1070 = arith.addi %mul3A_1068, %add3A_1069 : i32
        %add3A_1071 = arith.constant 5 : i32
        %add3A_1072 = vector.broadcast %add3A_1071 : i32 to vector<16xi32>
        %add3A_1073 = arith.addi %broadcast_in_dim3A_977, %add3A_1072 : vector<16xi32>
        %gather3A_1074 = tpu.vector_load_idx %arg8[%add3A_1073] : memref<40448xf32, #tpu.memory_space<vmem>>[vector<16xi32>], vector<16xf32>,
        %get3A_1075 = arith.index_cast %add3A_1070 : i32 to index
        %get3A_1076 = arith.constant 0 : index
        %get3A_1077 = tpu.vector_load %arg14[%get3A_1075, %get3A_1076] {strides = array<i32>} : memref<128x32xf32, #tpu.memory_space<vmem>>, vector<16xf32>,
        %get3A_1078 = arith.index_cast %add3A_1070 : i32 to index
        %get3A_1079 = arith.constant 16 : index
        %get3A_1080 = tpu.vector_load %arg14[%get3A_1078, %get3A_1079] {strides = array<i32>} : memref<128x32xf32, #tpu.memory_space<vmem>>, vector<16xf32>,
        %mul3A_1081 = arith.mulf %gather3A_1074, %get3A_1077 : vector<16xf32>
        %add3A_1082 = arith.addf %add3A_1010, %mul3A_1081 : vector<16xf32>
        %mul3A_1083 = arith.mulf %gather3A_1074, %get3A_1080 : vector<16xf32>
        %add3A_1084 = arith.addf %add3A_1012, %mul3A_1083 : vector<16xf32>
        %mul3A_1085 = arith.constant 8 : i32
        %mul3A_1086 = arith.muli %scan3A_965, %mul3A_1085 : i32
        %add3A_1087 = arith.constant 6 : i32
        %add3A_1088 = arith.addi %mul3A_1086, %add3A_1087 : i32
        %add3A_1089 = arith.constant 6 : i32
        %add3A_1090 = vector.broadcast %add3A_1089 : i32 to vector<16xi32>
        %add3A_1091 = arith.addi %broadcast_in_dim3A_977, %add3A_1090 : vector<16xi32>
        %gather3A_1092 = tpu.vector_load_idx %arg8[%add3A_1091] : memref<40448xf32, #tpu.memory_space<vmem>>[vector<16xi32>], vector<16xf32>,
        %get3A_1093 = arith.index_cast %add3A_1088 : i32 to index
        %get3A_1094 = arith.constant 0 : index
        %get3A_1095 = tpu.vector_load %arg14[%get3A_1093, %get3A_1094] {strides = array<i32>} : memref<128x32xf32, #tpu.memory_space<vmem>>, vector<16xf32>,
        %get3A_1096 = arith.index_cast %add3A_1088 : i32 to index
        %get3A_1097 = arith.constant 16 : index
        %get3A_1098 = tpu.vector_load %arg14[%get3A_1096, %get3A_1097] {strides = array<i32>} : memref<128x32xf32, #tpu.memory_space<vmem>>, vector<16xf32>,
        %mul3A_1099 = arith.mulf %gather3A_1092, %get3A_1095 : vector<16xf32>
        %add3A_1100 = arith.addf %add3A_1028, %mul3A_1099 : vector<16xf32>
        %mul3A_1101 = arith.mulf %gather3A_1092, %get3A_1098 : vector<16xf32>
        %add3A_1102 = arith.addf %add3A_1030, %mul3A_1101 : vector<16xf32>
        %mul3A_1103 = arith.constant 8 : i32
        %mul3A_1104 = arith.muli %scan3A_965, %mul3A_1103 : i32
        %add3A_1105 = arith.constant 7 : i32
        %add3A_1106 = arith.addi %mul3A_1104, %add3A_1105 : i32
        %add3A_1107 = arith.constant 7 : i32
        %add3A_1108 = vector.broadcast %add3A_1107 : i32 to vector<16xi32>
        %add3A_1109 = arith.addi %broadcast_in_dim3A_977, %add3A_1108 : vector<16xi32>
        %gather3A_1110 = tpu.vector_load_idx %arg8[%add3A_1109] : memref<40448xf32, #tpu.memory_space<vmem>>[vector<16xi32>], vector<16xf32>,
        %get3A_1111 = arith.index_cast %add3A_1106 : i32 to index
        %get3A_1112 = arith.constant 0 : index
        %get3A_1113 = tpu.vector_load %arg14[%get3A_1111, %get3A_1112] {strides = array<i32>} : memref<128x32xf32, #tpu.memory_space<vmem>>, vector<16xf32>,
        %get3A_1114 = arith.index_cast %add3A_1106 : i32 to index
        %get3A_1115 = arith.constant 16 : index
        %get3A_1116 = tpu.vector_load %arg14[%get3A_1114, %get3A_1115] {strides = array<i32>} : memref<128x32xf32, #tpu.memory_space<vmem>>, vector<16xf32>,
        %mul3A_1117 = arith.mulf %gather3A_1110, %get3A_1113 : vector<16xf32>
        %add3A_1118 = arith.addf %add3A_1046, %mul3A_1117 : vector<16xf32>
        %mul3A_1119 = arith.mulf %gather3A_1110, %get3A_1116 : vector<16xf32>
        %add3A_1120 = arith.addf %add3A_1048, %mul3A_1119 : vector<16xf32>
        scf.yield %add3A_1064, %add3A_1066, %add3A_1082, %add3A_1084, %add3A_1100, %add3A_1102, %add3A_1118, %add3A_1120 : vector<16xf32>, vector<16xf32>, vector<16xf32>, vector<16xf32>, vector<16xf32>, vector<16xf32>, vector<16xf32>, vector<16xf32>
      }
      %scan3A_945 = arith.constant 16 : i32
      %add3A_946 = arith.addf %scan3A_944#0, %scan3A_944#2 : vector<16xf32>
      %add3A_947 = arith.addf %scan3A_944#4, %scan3A_944#6 : vector<16xf32>
      %add3A_948 = arith.addf %add3A_946, %add3A_947 : vector<16xf32>
      %add3A_949 = arith.addf %scan3A_944#1, %scan3A_944#3 : vector<16xf32>
      %add3A_950 = arith.addf %scan3A_944#5, %scan3A_944#7 : vector<16xf32>
      %add3A_951 = arith.addf %add3A_949, %add3A_950 : vector<16xf32>
      %max3A_952 = arith.maximumf %add3A_948, %broadcast_in_dim3A_11 : vector<16xf32>
      %mul3A_953 = arith.constant 32 : i32
      %mul3A_954 = arith.muli %add3A_937, %mul3A_953 : i32
      %swap3A_955 = arith.index_cast %mul3A_954 : i32 to index
      %swap3A_956 = tpu.vector_load %arg16[%swap3A_955] {strides = array<i32>} : memref<10112xf32, #tpu.memory_space<vmem>>, vector<16xf32>,
      tpu.vector_store %arg16[%swap3A_955], %max3A_952 {strides = array<i32>} : memref<10112xf32, #tpu.memory_space<vmem>>, vector<16xf32>,
      %max3A_957 = arith.maximumf %add3A_951, %broadcast_in_dim3A_11 : vector<16xf32>
      %mul3A_958 = arith.constant 32 : i32
      %mul3A_959 = arith.muli %add3A_937, %mul3A_958 : i32
      %add3A_960 = arith.constant 16 : i32
      %add3A_961 = arith.addi %mul3A_959, %add3A_960 : i32
      %swap3A_962 = arith.index_cast %add3A_961 : i32 to index
      %swap3A_963 = tpu.vector_load %arg16[%swap3A_962] {strides = array<i32>} : memref<10112xf32, #tpu.memory_space<vmem>>, vector<16xf32>,
      tpu.vector_store %arg16[%swap3A_962], %max3A_957 {strides = array<i32>} : memref<10112xf32, #tpu.memory_space<vmem>>, vector<16xf32>,
      %scan3A_964 = arith.constant 0 : i32
      scf.yield %scan3A_964 : i32
    }
    %scan3A_559 = arith.constant 52 : i32
    %dma_wait3A = arith.constant 0 : i32
    %dma_wait3A_560 = arith.constant 0 : i32
    %dma_wait3A_561 = tpu.memref_slice %arg9[%dma_wait3A, %dma_wait3A_560] : memref<128x32xf32, #tpu.memory_space<vmem>> -> memref<121x32xf32, #tpu.memory_space<vmem>>
    %dma_wait3A_562 = arith.constant 39936 : i32
    %dma_wait3A_563 = tpu.memref_slice %arg7[%dma_wait3A_562] : memref<40448xi32, #tpu.memory_space<vmem>> -> memref<121xi32, #tpu.memory_space<vmem>>
    %dma_wait3A_564 = arith.constant 0 : i32
    %dma_wait3A_565 = arith.constant 0 : i32
    %dma_wait3A_566 = tpu.memref_slice %arg2[%dma_wait3A_564, %dma_wait3A_565] : memref<410000x32xf32, #tpu.memory_space<hbm>> -> memref<410000x32xf32, #tpu.memory_space<hbm>>
    tpu.wait_indirect_dma semaphore(%arg17 : memref<!tpu.dma_semaphore, #tpu.memory_space<semaphore_mem>>) src(%dma_wait3A_566 : memref<410000x32xf32, #tpu.memory_space<hbm>>) dst(%dma_wait3A_561 : memref<121x32xf32, #tpu.memory_space<vmem>>)
    %scan3A_567 = arith.constant 0 : i32
    %scan3A_568 = arith.constant 16 : i32
    %scan3A_569 = arith.addi %scan3A_567, %scan3A_568 : i32
    %scan3A_570 = arith.constant 1 : i32
    %scan3A_571:8 = scf.for %scan3A_664 = %scan3A_567 to %scan3A_569 step %scan3A_570 iter_args(%scan3A_665 = %get3A_8, %scan3A_666 = %get3A_10, %scan3A_667 = %broadcast_in_dim3A_11, %scan3A_668 = %broadcast_in_dim3A_11, %scan3A_669 = %broadcast_in_dim3A_11, %scan3A_670 = %broadcast_in_dim3A_11, %scan3A_671 = %broadcast_in_dim3A_11, %scan3A_672 = %broadcast_in_dim3A_11) -> (vector<16xf32>, vector<16xf32>, vector<16xf32>, vector<16xf32>, vector<16xf32>, vector<16xf32>, vector<16xf32>, vector<16xf32>)  : i32 {
      %mul3A_673 = arith.constant 8 : i32
      %mul3A_674 = arith.muli %mul3A_673, %scan3A_664 : i32
      %add3A_675 = arith.constant 39936 : i32
      %add3A_676 = arith.addi %add3A_675, %mul3A_674 : i32
      %broadcast_in_dim3A_677 = vector.broadcast %add3A_676 : i32 to vector<16xi32>
      %mul3A_678 = arith.constant 8 : i32
      %mul3A_679 = arith.muli %scan3A_664, %mul3A_678 : i32
      %add3A_680 = arith.constant 0 : i32
      %add3A_681 = arith.addi %mul3A_679, %add3A_680 : i32
      %add3A_682 = arith.constant 0 : i32
      %add3A_683 = vector.broadcast %add3A_682 : i32 to vector<16xi32>
      %add3A_684 = arith.addi %broadcast_in_dim3A_677, %add3A_683 : vector<16xi32>
      %gather3A = tpu.vector_load_idx %arg8[%add3A_684] : memref<40448xf32, #tpu.memory_space<vmem>>[vector<16xi32>], vector<16xf32>,
      %get3A_685 = arith.index_cast %add3A_681 : i32 to index
      %get3A_686 = arith.constant 0 : index
      %get3A_687 = tpu.vector_load %arg9[%get3A_685, %get3A_686] {strides = array<i32>} : memref<128x32xf32, #tpu.memory_space<vmem>>, vector<16xf32>,
      %get3A_688 = arith.index_cast %add3A_681 : i32 to index
      %get3A_689 = arith.constant 16 : index
      %get3A_690 = tpu.vector_load %arg9[%get3A_688, %get3A_689] {strides = array<i32>} : memref<128x32xf32, #tpu.memory_space<vmem>>, vector<16xf32>,
      %mul3A_691 = arith.mulf %gather3A, %get3A_687 : vector<16xf32>
      %add3A_692 = arith.addf %scan3A_665, %mul3A_691 : vector<16xf32>
      %mul3A_693 = arith.mulf %gather3A, %get3A_690 : vector<16xf32>
      %add3A_694 = arith.addf %scan3A_666, %mul3A_693 : vector<16xf32>
      %mul3A_695 = arith.constant 8 : i32
      %mul3A_696 = arith.muli %scan3A_664, %mul3A_695 : i32
      %add3A_697 = arith.constant 1 : i32
      %add3A_698 = arith.addi %mul3A_696, %add3A_697 : i32
      %add3A_699 = arith.constant 1 : i32
      %add3A_700 = vector.broadcast %add3A_699 : i32 to vector<16xi32>
      %add3A_701 = arith.addi %broadcast_in_dim3A_677, %add3A_700 : vector<16xi32>
      %gather3A_702 = tpu.vector_load_idx %arg8[%add3A_701] : memref<40448xf32, #tpu.memory_space<vmem>>[vector<16xi32>], vector<16xf32>,
      %get3A_703 = arith.index_cast %add3A_698 : i32 to index
      %get3A_704 = arith.constant 0 : index
      %get3A_705 = tpu.vector_load %arg9[%get3A_703, %get3A_704] {strides = array<i32>} : memref<128x32xf32, #tpu.memory_space<vmem>>, vector<16xf32>,
      %get3A_706 = arith.index_cast %add3A_698 : i32 to index
      %get3A_707 = arith.constant 16 : index
      %get3A_708 = tpu.vector_load %arg9[%get3A_706, %get3A_707] {strides = array<i32>} : memref<128x32xf32, #tpu.memory_space<vmem>>, vector<16xf32>,
      %mul3A_709 = arith.mulf %gather3A_702, %get3A_705 : vector<16xf32>
      %add3A_710 = arith.addf %scan3A_667, %mul3A_709 : vector<16xf32>
      %mul3A_711 = arith.mulf %gather3A_702, %get3A_708 : vector<16xf32>
      %add3A_712 = arith.addf %scan3A_668, %mul3A_711 : vector<16xf32>
      %mul3A_713 = arith.constant 8 : i32
      %mul3A_714 = arith.muli %scan3A_664, %mul3A_713 : i32
      %add3A_715 = arith.constant 2 : i32
      %add3A_716 = arith.addi %mul3A_714, %add3A_715 : i32
      %add3A_717 = arith.constant 2 : i32
      %add3A_718 = vector.broadcast %add3A_717 : i32 to vector<16xi32>
      %add3A_719 = arith.addi %broadcast_in_dim3A_677, %add3A_718 : vector<16xi32>
      %gather3A_720 = tpu.vector_load_idx %arg8[%add3A_719] : memref<40448xf32, #tpu.memory_space<vmem>>[vector<16xi32>], vector<16xf32>,
      %get3A_721 = arith.index_cast %add3A_716 : i32 to index
      %get3A_722 = arith.constant 0 : index
      %get3A_723 = tpu.vector_load %arg9[%get3A_721, %get3A_722] {strides = array<i32>} : memref<128x32xf32, #tpu.memory_space<vmem>>, vector<16xf32>,
      %get3A_724 = arith.index_cast %add3A_716 : i32 to index
      %get3A_725 = arith.constant 16 : index
      %get3A_726 = tpu.vector_load %arg9[%get3A_724, %get3A_725] {strides = array<i32>} : memref<128x32xf32, #tpu.memory_space<vmem>>, vector<16xf32>,
      %mul3A_727 = arith.mulf %gather3A_720, %get3A_723 : vector<16xf32>
      %add3A_728 = arith.addf %scan3A_669, %mul3A_727 : vector<16xf32>
      %mul3A_729 = arith.mulf %gather3A_720, %get3A_726 : vector<16xf32>
      %add3A_730 = arith.addf %scan3A_670, %mul3A_729 : vector<16xf32>
      %mul3A_731 = arith.constant 8 : i32
      %mul3A_732 = arith.muli %scan3A_664, %mul3A_731 : i32
      %add3A_733 = arith.constant 3 : i32
      %add3A_734 = arith.addi %mul3A_732, %add3A_733 : i32
      %add3A_735 = arith.constant 3 : i32
      %add3A_736 = vector.broadcast %add3A_735 : i32 to vector<16xi32>
      %add3A_737 = arith.addi %broadcast_in_dim3A_677, %add3A_736 : vector<16xi32>
      %gather3A_738 = tpu.vector_load_idx %arg8[%add3A_737] : memref<40448xf32, #tpu.memory_space<vmem>>[vector<16xi32>], vector<16xf32>,
      %get3A_739 = arith.index_cast %add3A_734 : i32 to index
      %get3A_740 = arith.constant 0 : index
      %get3A_741 = tpu.vector_load %arg9[%get3A_739, %get3A_740] {strides = array<i32>} : memref<128x32xf32, #tpu.memory_space<vmem>>, vector<16xf32>,
      %get3A_742 = arith.index_cast %add3A_734 : i32 to index
      %get3A_743 = arith.constant 16 : index
      %get3A_744 = tpu.vector_load %arg9[%get3A_742, %get3A_743] {strides = array<i32>} : memref<128x32xf32, #tpu.memory_space<vmem>>, vector<16xf32>,
      %mul3A_745 = arith.mulf %gather3A_738, %get3A_741 : vector<16xf32>
      %add3A_746 = arith.addf %scan3A_671, %mul3A_745 : vector<16xf32>
      %mul3A_747 = arith.mulf %gather3A_738, %get3A_744 : vector<16xf32>
      %add3A_748 = arith.addf %scan3A_672, %mul3A_747 : vector<16xf32>
      %mul3A_749 = arith.constant 8 : i32
      %mul3A_750 = arith.muli %scan3A_664, %mul3A_749 : i32
      %add3A_751 = arith.constant 4 : i32
      %add3A_752 = arith.addi %mul3A_750, %add3A_751 : i32
      %add3A_753 = arith.constant 4 : i32
      %add3A_754 = vector.broadcast %add3A_753 : i32 to vector<16xi32>
      %add3A_755 = arith.addi %broadcast_in_dim3A_677, %add3A_754 : vector<16xi32>
      %gather3A_756 = tpu.vector_load_idx %arg8[%add3A_755] : memref<40448xf32, #tpu.memory_space<vmem>>[vector<16xi32>], vector<16xf32>,
      %get3A_757 = arith.index_cast %add3A_752 : i32 to index
      %get3A_758 = arith.constant 0 : index
      %get3A_759 = tpu.vector_load %arg9[%get3A_757, %get3A_758] {strides = array<i32>} : memref<128x32xf32, #tpu.memory_space<vmem>>, vector<16xf32>,
      %get3A_760 = arith.index_cast %add3A_752 : i32 to index
      %get3A_761 = arith.constant 16 : index
      %get3A_762 = tpu.vector_load %arg9[%get3A_760, %get3A_761] {strides = array<i32>} : memref<128x32xf32, #tpu.memory_space<vmem>>, vector<16xf32>,
      %mul3A_763 = arith.mulf %gather3A_756, %get3A_759 : vector<16xf32>
      %add3A_764 = arith.addf %add3A_692, %mul3A_763 : vector<16xf32>
      %mul3A_765 = arith.mulf %gather3A_756, %get3A_762 : vector<16xf32>
      %add3A_766 = arith.addf %add3A_694, %mul3A_765 : vector<16xf32>
      %mul3A_767 = arith.constant 8 : i32
      %mul3A_768 = arith.muli %scan3A_664, %mul3A_767 : i32
      %add3A_769 = arith.constant 5 : i32
      %add3A_770 = arith.addi %mul3A_768, %add3A_769 : i32
      %add3A_771 = arith.constant 5 : i32
      %add3A_772 = vector.broadcast %add3A_771 : i32 to vector<16xi32>
      %add3A_773 = arith.addi %broadcast_in_dim3A_677, %add3A_772 : vector<16xi32>
      %gather3A_774 = tpu.vector_load_idx %arg8[%add3A_773] : memref<40448xf32, #tpu.memory_space<vmem>>[vector<16xi32>], vector<16xf32>,
      %get3A_775 = arith.index_cast %add3A_770 : i32 to index
      %get3A_776 = arith.constant 0 : index
      %get3A_777 = tpu.vector_load %arg9[%get3A_775, %get3A_776] {strides = array<i32>} : memref<128x32xf32, #tpu.memory_space<vmem>>, vector<16xf32>,
      %get3A_778 = arith.index_cast %add3A_770 : i32 to index
      %get3A_779 = arith.constant 16 : index
      %get3A_780 = tpu.vector_load %arg9[%get3A_778, %get3A_779] {strides = array<i32>} : memref<128x32xf32, #tpu.memory_space<vmem>>, vector<16xf32>,
      %mul3A_781 = arith.mulf %gather3A_774, %get3A_777 : vector<16xf32>
      %add3A_782 = arith.addf %add3A_710, %mul3A_781 : vector<16xf32>
      %mul3A_783 = arith.mulf %gather3A_774, %get3A_780 : vector<16xf32>
      %add3A_784 = arith.addf %add3A_712, %mul3A_783 : vector<16xf32>
      %mul3A_785 = arith.constant 8 : i32
      %mul3A_786 = arith.muli %scan3A_664, %mul3A_785 : i32
      %add3A_787 = arith.constant 6 : i32
      %add3A_788 = arith.addi %mul3A_786, %add3A_787 : i32
      %add3A_789 = arith.constant 6 : i32
      %add3A_790 = vector.broadcast %add3A_789 : i32 to vector<16xi32>
      %add3A_791 = arith.addi %broadcast_in_dim3A_677, %add3A_790 : vector<16xi32>
      %gather3A_792 = tpu.vector_load_idx %arg8[%add3A_791] : memref<40448xf32, #tpu.memory_space<vmem>>[vector<16xi32>], vector<16xf32>,
      %get3A_793 = arith.index_cast %add3A_788 : i32 to index
      %get3A_794 = arith.constant 0 : index
      %get3A_795 = tpu.vector_load %arg9[%get3A_793, %get3A_794] {strides = array<i32>} : memref<128x32xf32, #tpu.memory_space<vmem>>, vector<16xf32>,
      %get3A_796 = arith.index_cast %add3A_788 : i32 to index
      %get3A_797 = arith.constant 16 : index
      %get3A_798 = tpu.vector_load %arg9[%get3A_796, %get3A_797] {strides = array<i32>} : memref<128x32xf32, #tpu.memory_space<vmem>>, vector<16xf32>,
      %mul3A_799 = arith.mulf %gather3A_792, %get3A_795 : vector<16xf32>
      %add3A_800 = arith.addf %add3A_728, %mul3A_799 : vector<16xf32>
      %mul3A_801 = arith.mulf %gather3A_792, %get3A_798 : vector<16xf32>
      %add3A_802 = arith.addf %add3A_730, %mul3A_801 : vector<16xf32>
      %mul3A_803 = arith.constant 8 : i32
      %mul3A_804 = arith.muli %scan3A_664, %mul3A_803 : i32
      %add3A_805 = arith.constant 7 : i32
      %add3A_806 = arith.addi %mul3A_804, %add3A_805 : i32
      %add3A_807 = arith.constant 7 : i32
      %add3A_808 = vector.broadcast %add3A_807 : i32 to vector<16xi32>
      %add3A_809 = arith.addi %broadcast_in_dim3A_677, %add3A_808 : vector<16xi32>
      %gather3A_810 = tpu.vector_load_idx %arg8[%add3A_809] : memref<40448xf32, #tpu.memory_space<vmem>>[vector<16xi32>], vector<16xf32>,
      %get3A_811 = arith.index_cast %add3A_806 : i32 to index
      %get3A_812 = arith.constant 0 : index
      %get3A_813 = tpu.vector_load %arg9[%get3A_811, %get3A_812] {strides = array<i32>} : memref<128x32xf32, #tpu.memory_space<vmem>>, vector<16xf32>,
      %get3A_814 = arith.index_cast %add3A_806 : i32 to index
      %get3A_815 = arith.constant 16 : index
      %get3A_816 = tpu.vector_load %arg9[%get3A_814, %get3A_815] {strides = array<i32>} : memref<128x32xf32, #tpu.memory_space<vmem>>, vector<16xf32>,
      %mul3A_817 = arith.mulf %gather3A_810, %get3A_813 : vector<16xf32>
      %add3A_818 = arith.addf %add3A_746, %mul3A_817 : vector<16xf32>
      %mul3A_819 = arith.mulf %gather3A_810, %get3A_816 : vector<16xf32>
      %add3A_820 = arith.addf %add3A_748, %mul3A_819 : vector<16xf32>
      scf.yield %add3A_764, %add3A_766, %add3A_782, %add3A_784, %add3A_800, %add3A_802, %add3A_818, %add3A_820 : vector<16xf32>, vector<16xf32>, vector<16xf32>, vector<16xf32>, vector<16xf32>, vector<16xf32>, vector<16xf32>, vector<16xf32>
    }
    %scan3A_572 = arith.constant 16 : i32
    %add3A_573 = arith.addf %scan3A_571#0, %scan3A_571#2 : vector<16xf32>
    %add3A_574 = arith.addf %scan3A_571#4, %scan3A_571#6 : vector<16xf32>
    %add3A_575 = arith.addf %add3A_573, %add3A_574 : vector<16xf32>
    %add3A_576 = arith.addf %scan3A_571#1, %scan3A_571#3 : vector<16xf32>
    %add3A_577 = arith.addf %scan3A_571#5, %scan3A_571#7 : vector<16xf32>
    %add3A_578 = arith.addf %add3A_576, %add3A_577 : vector<16xf32>
    %max3A = arith.maximumf %add3A_575, %broadcast_in_dim3A_11 : vector<16xf32>
    %swap3A_579 = arith.constant 9984 : index
    %swap3A_580 = tpu.vector_load %arg16[%swap3A_579] {strides = array<i32>} : memref<10112xf32, #tpu.memory_space<vmem>>, vector<16xf32>,
    tpu.vector_store %arg16[%swap3A_579], %max3A {strides = array<i32>} : memref<10112xf32, #tpu.memory_space<vmem>>, vector<16xf32>,
    %max3A_581 = arith.maximumf %add3A_578, %broadcast_in_dim3A_11 : vector<16xf32>
    %swap3A_582 = arith.constant 10000 : index
    %swap3A_583 = tpu.vector_load %arg16[%swap3A_582] {strides = array<i32>} : memref<10112xf32, #tpu.memory_space<vmem>>, vector<16xf32>,
    tpu.vector_store %arg16[%swap3A_582], %max3A_581 {strides = array<i32>} : memref<10112xf32, #tpu.memory_space<vmem>>, vector<16xf32>,
    %dma_wait3A_584 = arith.constant 0 : i32
    %dma_wait3A_585 = arith.constant 0 : i32
    %dma_wait3A_586 = tpu.memref_slice %arg10[%dma_wait3A_584, %dma_wait3A_585] : memref<128x32xf32, #tpu.memory_space<vmem>> -> memref<121x32xf32, #tpu.memory_space<vmem>>
    %dma_wait3A_587 = arith.constant 40064 : i32
    %dma_wait3A_588 = tpu.memref_slice %arg7[%dma_wait3A_587] : memref<40448xi32, #tpu.memory_space<vmem>> -> memref<121xi32, #tpu.memory_space<vmem>>
    %dma_wait3A_589 = arith.constant 0 : i32
    %dma_wait3A_590 = arith.constant 0 : i32
    %dma_wait3A_591 = tpu.memref_slice %arg2[%dma_wait3A_589, %dma_wait3A_590] : memref<410000x32xf32, #tpu.memory_space<hbm>> -> memref<410000x32xf32, #tpu.memory_space<hbm>>
    tpu.wait_indirect_dma semaphore(%arg18 : memref<!tpu.dma_semaphore, #tpu.memory_space<semaphore_mem>>) src(%dma_wait3A_591 : memref<410000x32xf32, #tpu.memory_space<hbm>>) dst(%dma_wait3A_586 : memref<121x32xf32, #tpu.memory_space<vmem>>)
    %scan3A_592 = arith.constant 0 : i32
    %scan3A_593 = arith.constant 16 : i32
    %scan3A_594 = arith.addi %scan3A_592, %scan3A_593 : i32
    %scan3A_595 = arith.constant 1 : i32
    %scan3A_596:8 = scf.for %scan3A_664 = %scan3A_592 to %scan3A_594 step %scan3A_595 iter_args(%scan3A_665 = %get3A_8, %scan3A_666 = %get3A_10, %scan3A_667 = %broadcast_in_dim3A_11, %scan3A_668 = %broadcast_in_dim3A_11, %scan3A_669 = %broadcast_in_dim3A_11, %scan3A_670 = %broadcast_in_dim3A_11, %scan3A_671 = %broadcast_in_dim3A_11, %scan3A_672 = %broadcast_in_dim3A_11) -> (vector<16xf32>, vector<16xf32>, vector<16xf32>, vector<16xf32>, vector<16xf32>, vector<16xf32>, vector<16xf32>, vector<16xf32>)  : i32 {
      %mul3A_673 = arith.constant 8 : i32
      %mul3A_674 = arith.muli %mul3A_673, %scan3A_664 : i32
      %add3A_675 = arith.constant 40064 : i32
      %add3A_676 = arith.addi %add3A_675, %mul3A_674 : i32
      %broadcast_in_dim3A_677 = vector.broadcast %add3A_676 : i32 to vector<16xi32>
      %mul3A_678 = arith.constant 8 : i32
      %mul3A_679 = arith.muli %scan3A_664, %mul3A_678 : i32
      %add3A_680 = arith.constant 0 : i32
      %add3A_681 = arith.addi %mul3A_679, %add3A_680 : i32
      %add3A_682 = arith.constant 0 : i32
      %add3A_683 = vector.broadcast %add3A_682 : i32 to vector<16xi32>
      %add3A_684 = arith.addi %broadcast_in_dim3A_677, %add3A_683 : vector<16xi32>
      %gather3A = tpu.vector_load_idx %arg8[%add3A_684] : memref<40448xf32, #tpu.memory_space<vmem>>[vector<16xi32>], vector<16xf32>,
      %get3A_685 = arith.index_cast %add3A_681 : i32 to index
      %get3A_686 = arith.constant 0 : index
      %get3A_687 = tpu.vector_load %arg10[%get3A_685, %get3A_686] {strides = array<i32>} : memref<128x32xf32, #tpu.memory_space<vmem>>, vector<16xf32>,
      %get3A_688 = arith.index_cast %add3A_681 : i32 to index
      %get3A_689 = arith.constant 16 : index
      %get3A_690 = tpu.vector_load %arg10[%get3A_688, %get3A_689] {strides = array<i32>} : memref<128x32xf32, #tpu.memory_space<vmem>>, vector<16xf32>,
      %mul3A_691 = arith.mulf %gather3A, %get3A_687 : vector<16xf32>
      %add3A_692 = arith.addf %scan3A_665, %mul3A_691 : vector<16xf32>
      %mul3A_693 = arith.mulf %gather3A, %get3A_690 : vector<16xf32>
      %add3A_694 = arith.addf %scan3A_666, %mul3A_693 : vector<16xf32>
      %mul3A_695 = arith.constant 8 : i32
      %mul3A_696 = arith.muli %scan3A_664, %mul3A_695 : i32
      %add3A_697 = arith.constant 1 : i32
      %add3A_698 = arith.addi %mul3A_696, %add3A_697 : i32
      %add3A_699 = arith.constant 1 : i32
      %add3A_700 = vector.broadcast %add3A_699 : i32 to vector<16xi32>
      %add3A_701 = arith.addi %broadcast_in_dim3A_677, %add3A_700 : vector<16xi32>
      %gather3A_702 = tpu.vector_load_idx %arg8[%add3A_701] : memref<40448xf32, #tpu.memory_space<vmem>>[vector<16xi32>], vector<16xf32>,
      %get3A_703 = arith.index_cast %add3A_698 : i32 to index
      %get3A_704 = arith.constant 0 : index
      %get3A_705 = tpu.vector_load %arg10[%get3A_703, %get3A_704] {strides = array<i32>} : memref<128x32xf32, #tpu.memory_space<vmem>>, vector<16xf32>,
      %get3A_706 = arith.index_cast %add3A_698 : i32 to index
      %get3A_707 = arith.constant 16 : index
      %get3A_708 = tpu.vector_load %arg10[%get3A_706, %get3A_707] {strides = array<i32>} : memref<128x32xf32, #tpu.memory_space<vmem>>, vector<16xf32>,
      %mul3A_709 = arith.mulf %gather3A_702, %get3A_705 : vector<16xf32>
      %add3A_710 = arith.addf %scan3A_667, %mul3A_709 : vector<16xf32>
      %mul3A_711 = arith.mulf %gather3A_702, %get3A_708 : vector<16xf32>
      %add3A_712 = arith.addf %scan3A_668, %mul3A_711 : vector<16xf32>
      %mul3A_713 = arith.constant 8 : i32
      %mul3A_714 = arith.muli %scan3A_664, %mul3A_713 : i32
      %add3A_715 = arith.constant 2 : i32
      %add3A_716 = arith.addi %mul3A_714, %add3A_715 : i32
      %add3A_717 = arith.constant 2 : i32
      %add3A_718 = vector.broadcast %add3A_717 : i32 to vector<16xi32>
      %add3A_719 = arith.addi %broadcast_in_dim3A_677, %add3A_718 : vector<16xi32>
      %gather3A_720 = tpu.vector_load_idx %arg8[%add3A_719] : memref<40448xf32, #tpu.memory_space<vmem>>[vector<16xi32>], vector<16xf32>,
      %get3A_721 = arith.index_cast %add3A_716 : i32 to index
      %get3A_722 = arith.constant 0 : index
      %get3A_723 = tpu.vector_load %arg10[%get3A_721, %get3A_722] {strides = array<i32>} : memref<128x32xf32, #tpu.memory_space<vmem>>, vector<16xf32>,
      %get3A_724 = arith.index_cast %add3A_716 : i32 to index
      %get3A_725 = arith.constant 16 : index
      %get3A_726 = tpu.vector_load %arg10[%get3A_724, %get3A_725] {strides = array<i32>} : memref<128x32xf32, #tpu.memory_space<vmem>>, vector<16xf32>,
      %mul3A_727 = arith.mulf %gather3A_720, %get3A_723 : vector<16xf32>
      %add3A_728 = arith.addf %scan3A_669, %mul3A_727 : vector<16xf32>
      %mul3A_729 = arith.mulf %gather3A_720, %get3A_726 : vector<16xf32>
      %add3A_730 = arith.addf %scan3A_670, %mul3A_729 : vector<16xf32>
      %mul3A_731 = arith.constant 8 : i32
      %mul3A_732 = arith.muli %scan3A_664, %mul3A_731 : i32
      %add3A_733 = arith.constant 3 : i32
      %add3A_734 = arith.addi %mul3A_732, %add3A_733 : i32
      %add3A_735 = arith.constant 3 : i32
      %add3A_736 = vector.broadcast %add3A_735 : i32 to vector<16xi32>
      %add3A_737 = arith.addi %broadcast_in_dim3A_677, %add3A_736 : vector<16xi32>
      %gather3A_738 = tpu.vector_load_idx %arg8[%add3A_737] : memref<40448xf32, #tpu.memory_space<vmem>>[vector<16xi32>], vector<16xf32>,
      %get3A_739 = arith.index_cast %add3A_734 : i32 to index
      %get3A_740 = arith.constant 0 : index
      %get3A_741 = tpu.vector_load %arg10[%get3A_739, %get3A_740] {strides = array<i32>} : memref<128x32xf32, #tpu.memory_space<vmem>>, vector<16xf32>,
      %get3A_742 = arith.index_cast %add3A_734 : i32 to index
      %get3A_743 = arith.constant 16 : index
      %get3A_744 = tpu.vector_load %arg10[%get3A_742, %get3A_743] {strides = array<i32>} : memref<128x32xf32, #tpu.memory_space<vmem>>, vector<16xf32>,
      %mul3A_745 = arith.mulf %gather3A_738, %get3A_741 : vector<16xf32>
      %add3A_746 = arith.addf %scan3A_671, %mul3A_745 : vector<16xf32>
      %mul3A_747 = arith.mulf %gather3A_738, %get3A_744 : vector<16xf32>
      %add3A_748 = arith.addf %scan3A_672, %mul3A_747 : vector<16xf32>
      %mul3A_749 = arith.constant 8 : i32
      %mul3A_750 = arith.muli %scan3A_664, %mul3A_749 : i32
      %add3A_751 = arith.constant 4 : i32
      %add3A_752 = arith.addi %mul3A_750, %add3A_751 : i32
      %add3A_753 = arith.constant 4 : i32
      %add3A_754 = vector.broadcast %add3A_753 : i32 to vector<16xi32>
      %add3A_755 = arith.addi %broadcast_in_dim3A_677, %add3A_754 : vector<16xi32>
      %gather3A_756 = tpu.vector_load_idx %arg8[%add3A_755] : memref<40448xf32, #tpu.memory_space<vmem>>[vector<16xi32>], vector<16xf32>,
      %get3A_757 = arith.index_cast %add3A_752 : i32 to index
      %get3A_758 = arith.constant 0 : index
      %get3A_759 = tpu.vector_load %arg10[%get3A_757, %get3A_758] {strides = array<i32>} : memref<128x32xf32, #tpu.memory_space<vmem>>, vector<16xf32>,
      %get3A_760 = arith.index_cast %add3A_752 : i32 to index
      %get3A_761 = arith.constant 16 : index
      %get3A_762 = tpu.vector_load %arg10[%get3A_760, %get3A_761] {strides = array<i32>} : memref<128x32xf32, #tpu.memory_space<vmem>>, vector<16xf32>,
      %mul3A_763 = arith.mulf %gather3A_756, %get3A_759 : vector<16xf32>
      %add3A_764 = arith.addf %add3A_692, %mul3A_763 : vector<16xf32>
      %mul3A_765 = arith.mulf %gather3A_756, %get3A_762 : vector<16xf32>
      %add3A_766 = arith.addf %add3A_694, %mul3A_765 : vector<16xf32>
      %mul3A_767 = arith.constant 8 : i32
      %mul3A_768 = arith.muli %scan3A_664, %mul3A_767 : i32
      %add3A_769 = arith.constant 5 : i32
      %add3A_770 = arith.addi %mul3A_768, %add3A_769 : i32
      %add3A_771 = arith.constant 5 : i32
      %add3A_772 = vector.broadcast %add3A_771 : i32 to vector<16xi32>
      %add3A_773 = arith.addi %broadcast_in_dim3A_677, %add3A_772 : vector<16xi32>
      %gather3A_774 = tpu.vector_load_idx %arg8[%add3A_773] : memref<40448xf32, #tpu.memory_space<vmem>>[vector<16xi32>], vector<16xf32>,
      %get3A_775 = arith.index_cast %add3A_770 : i32 to index
      %get3A_776 = arith.constant 0 : index
      %get3A_777 = tpu.vector_load %arg10[%get3A_775, %get3A_776] {strides = array<i32>} : memref<128x32xf32, #tpu.memory_space<vmem>>, vector<16xf32>,
      %get3A_778 = arith.index_cast %add3A_770 : i32 to index
      %get3A_779 = arith.constant 16 : index
      %get3A_780 = tpu.vector_load %arg10[%get3A_778, %get3A_779] {strides = array<i32>} : memref<128x32xf32, #tpu.memory_space<vmem>>, vector<16xf32>,
      %mul3A_781 = arith.mulf %gather3A_774, %get3A_777 : vector<16xf32>
      %add3A_782 = arith.addf %add3A_710, %mul3A_781 : vector<16xf32>
      %mul3A_783 = arith.mulf %gather3A_774, %get3A_780 : vector<16xf32>
      %add3A_784 = arith.addf %add3A_712, %mul3A_783 : vector<16xf32>
      %mul3A_785 = arith.constant 8 : i32
      %mul3A_786 = arith.muli %scan3A_664, %mul3A_785 : i32
      %add3A_787 = arith.constant 6 : i32
      %add3A_788 = arith.addi %mul3A_786, %add3A_787 : i32
      %add3A_789 = arith.constant 6 : i32
      %add3A_790 = vector.broadcast %add3A_789 : i32 to vector<16xi32>
      %add3A_791 = arith.addi %broadcast_in_dim3A_677, %add3A_790 : vector<16xi32>
      %gather3A_792 = tpu.vector_load_idx %arg8[%add3A_791] : memref<40448xf32, #tpu.memory_space<vmem>>[vector<16xi32>], vector<16xf32>,
      %get3A_793 = arith.index_cast %add3A_788 : i32 to index
      %get3A_794 = arith.constant 0 : index
      %get3A_795 = tpu.vector_load %arg10[%get3A_793, %get3A_794] {strides = array<i32>} : memref<128x32xf32, #tpu.memory_space<vmem>>, vector<16xf32>,
      %get3A_796 = arith.index_cast %add3A_788 : i32 to index
      %get3A_797 = arith.constant 16 : index
      %get3A_798 = tpu.vector_load %arg10[%get3A_796, %get3A_797] {strides = array<i32>} : memref<128x32xf32, #tpu.memory_space<vmem>>, vector<16xf32>,
      %mul3A_799 = arith.mulf %gather3A_792, %get3A_795 : vector<16xf32>
      %add3A_800 = arith.addf %add3A_728, %mul3A_799 : vector<16xf32>
      %mul3A_801 = arith.mulf %gather3A_792, %get3A_798 : vector<16xf32>
      %add3A_802 = arith.addf %add3A_730, %mul3A_801 : vector<16xf32>
      %mul3A_803 = arith.constant 8 : i32
      %mul3A_804 = arith.muli %scan3A_664, %mul3A_803 : i32
      %add3A_805 = arith.constant 7 : i32
      %add3A_806 = arith.addi %mul3A_804, %add3A_805 : i32
      %add3A_807 = arith.constant 7 : i32
      %add3A_808 = vector.broadcast %add3A_807 : i32 to vector<16xi32>
      %add3A_809 = arith.addi %broadcast_in_dim3A_677, %add3A_808 : vector<16xi32>
      %gather3A_810 = tpu.vector_load_idx %arg8[%add3A_809] : memref<40448xf32, #tpu.memory_space<vmem>>[vector<16xi32>], vector<16xf32>,
      %get3A_811 = arith.index_cast %add3A_806 : i32 to index
      %get3A_812 = arith.constant 0 : index
      %get3A_813 = tpu.vector_load %arg10[%get3A_811, %get3A_812] {strides = array<i32>} : memref<128x32xf32, #tpu.memory_space<vmem>>, vector<16xf32>,
      %get3A_814 = arith.index_cast %add3A_806 : i32 to index
      %get3A_815 = arith.constant 16 : index
      %get3A_816 = tpu.vector_load %arg10[%get3A_814, %get3A_815] {strides = array<i32>} : memref<128x32xf32, #tpu.memory_space<vmem>>, vector<16xf32>,
      %mul3A_817 = arith.mulf %gather3A_810, %get3A_813 : vector<16xf32>
      %add3A_818 = arith.addf %add3A_746, %mul3A_817 : vector<16xf32>
      %mul3A_819 = arith.mulf %gather3A_810, %get3A_816 : vector<16xf32>
      %add3A_820 = arith.addf %add3A_748, %mul3A_819 : vector<16xf32>
      scf.yield %add3A_764, %add3A_766, %add3A_782, %add3A_784, %add3A_800, %add3A_802, %add3A_818, %add3A_820 : vector<16xf32>, vector<16xf32>, vector<16xf32>, vector<16xf32>, vector<16xf32>, vector<16xf32>, vector<16xf32>, vector<16xf32>
    }
    %scan3A_597 = arith.constant 16 : i32
    %add3A_598 = arith.addf %scan3A_596#0, %scan3A_596#2 : vector<16xf32>
    %add3A_599 = arith.addf %scan3A_596#4, %scan3A_596#6 : vector<16xf32>
    %add3A_600 = arith.addf %add3A_598, %add3A_599 : vector<16xf32>
    %add3A_601 = arith.addf %scan3A_596#1, %scan3A_596#3 : vector<16xf32>
    %add3A_602 = arith.addf %scan3A_596#5, %scan3A_596#7 : vector<16xf32>
    %add3A_603 = arith.addf %add3A_601, %add3A_602 : vector<16xf32>
    %max3A_604 = arith.maximumf %add3A_600, %broadcast_in_dim3A_11 : vector<16xf32>
    %swap3A_605 = arith.constant 10016 : index
    %swap3A_606 = tpu.vector_load %arg16[%swap3A_605] {strides = array<i32>} : memref<10112xf32, #tpu.memory_space<vmem>>, vector<16xf32>,
    tpu.vector_store %arg16[%swap3A_605], %max3A_604 {strides = array<i32>} : memref<10112xf32, #tpu.memory_space<vmem>>, vector<16xf32>,
    %max3A_607 = arith.maximumf %add3A_603, %broadcast_in_dim3A_11 : vector<16xf32>
    %swap3A_608 = arith.constant 10032 : index
    %swap3A_609 = tpu.vector_load %arg16[%swap3A_608] {strides = array<i32>} : memref<10112xf32, #tpu.memory_space<vmem>>, vector<16xf32>,
    tpu.vector_store %arg16[%swap3A_608], %max3A_607 {strides = array<i32>} : memref<10112xf32, #tpu.memory_space<vmem>>, vector<16xf32>,
    %dma_wait3A_610 = arith.constant 0 : i32
    %dma_wait3A_611 = arith.constant 0 : i32
    %dma_wait3A_612 = tpu.memref_slice %arg11[%dma_wait3A_610, %dma_wait3A_611] : memref<128x32xf32, #tpu.memory_space<vmem>> -> memref<121x32xf32, #tpu.memory_space<vmem>>
    %dma_wait3A_613 = arith.constant 40192 : i32
    %dma_wait3A_614 = tpu.memref_slice %arg7[%dma_wait3A_613] : memref<40448xi32, #tpu.memory_space<vmem>> -> memref<121xi32, #tpu.memory_space<vmem>>
    %dma_wait3A_615 = arith.constant 0 : i32
    %dma_wait3A_616 = arith.constant 0 : i32
    %dma_wait3A_617 = tpu.memref_slice %arg2[%dma_wait3A_615, %dma_wait3A_616] : memref<410000x32xf32, #tpu.memory_space<hbm>> -> memref<410000x32xf32, #tpu.memory_space<hbm>>
    tpu.wait_indirect_dma semaphore(%arg19 : memref<!tpu.dma_semaphore, #tpu.memory_space<semaphore_mem>>) src(%dma_wait3A_617 : memref<410000x32xf32, #tpu.memory_space<hbm>>) dst(%dma_wait3A_612 : memref<121x32xf32, #tpu.memory_space<vmem>>)
    %scan3A_618 = arith.constant 0 : i32
    %scan3A_619 = arith.constant 16 : i32
    %scan3A_620 = arith.addi %scan3A_618, %scan3A_619 : i32
    %scan3A_621 = arith.constant 1 : i32
    %scan3A_622:8 = scf.for %scan3A_664 = %scan3A_618 to %scan3A_620 step %scan3A_621 iter_args(%scan3A_665 = %get3A_8, %scan3A_666 = %get3A_10, %scan3A_667 = %broadcast_in_dim3A_11, %scan3A_668 = %broadcast_in_dim3A_11, %scan3A_669 = %broadcast_in_dim3A_11, %scan3A_670 = %broadcast_in_dim3A_11, %scan3A_671 = %broadcast_in_dim3A_11, %scan3A_672 = %broadcast_in_dim3A_11) -> (vector<16xf32>, vector<16xf32>, vector<16xf32>, vector<16xf32>, vector<16xf32>, vector<16xf32>, vector<16xf32>, vector<16xf32>)  : i32 {
      %mul3A_673 = arith.constant 8 : i32
      %mul3A_674 = arith.muli %mul3A_673, %scan3A_664 : i32
      %add3A_675 = arith.constant 40192 : i32
      %add3A_676 = arith.addi %add3A_675, %mul3A_674 : i32
      %broadcast_in_dim3A_677 = vector.broadcast %add3A_676 : i32 to vector<16xi32>
      %mul3A_678 = arith.constant 8 : i32
      %mul3A_679 = arith.muli %scan3A_664, %mul3A_678 : i32
      %add3A_680 = arith.constant 0 : i32
      %add3A_681 = arith.addi %mul3A_679, %add3A_680 : i32
      %add3A_682 = arith.constant 0 : i32
      %add3A_683 = vector.broadcast %add3A_682 : i32 to vector<16xi32>
      %add3A_684 = arith.addi %broadcast_in_dim3A_677, %add3A_683 : vector<16xi32>
      %gather3A = tpu.vector_load_idx %arg8[%add3A_684] : memref<40448xf32, #tpu.memory_space<vmem>>[vector<16xi32>], vector<16xf32>,
      %get3A_685 = arith.index_cast %add3A_681 : i32 to index
      %get3A_686 = arith.constant 0 : index
      %get3A_687 = tpu.vector_load %arg11[%get3A_685, %get3A_686] {strides = array<i32>} : memref<128x32xf32, #tpu.memory_space<vmem>>, vector<16xf32>,
      %get3A_688 = arith.index_cast %add3A_681 : i32 to index
      %get3A_689 = arith.constant 16 : index
      %get3A_690 = tpu.vector_load %arg11[%get3A_688, %get3A_689] {strides = array<i32>} : memref<128x32xf32, #tpu.memory_space<vmem>>, vector<16xf32>,
      %mul3A_691 = arith.mulf %gather3A, %get3A_687 : vector<16xf32>
      %add3A_692 = arith.addf %scan3A_665, %mul3A_691 : vector<16xf32>
      %mul3A_693 = arith.mulf %gather3A, %get3A_690 : vector<16xf32>
      %add3A_694 = arith.addf %scan3A_666, %mul3A_693 : vector<16xf32>
      %mul3A_695 = arith.constant 8 : i32
      %mul3A_696 = arith.muli %scan3A_664, %mul3A_695 : i32
      %add3A_697 = arith.constant 1 : i32
      %add3A_698 = arith.addi %mul3A_696, %add3A_697 : i32
      %add3A_699 = arith.constant 1 : i32
      %add3A_700 = vector.broadcast %add3A_699 : i32 to vector<16xi32>
      %add3A_701 = arith.addi %broadcast_in_dim3A_677, %add3A_700 : vector<16xi32>
      %gather3A_702 = tpu.vector_load_idx %arg8[%add3A_701] : memref<40448xf32, #tpu.memory_space<vmem>>[vector<16xi32>], vector<16xf32>,
      %get3A_703 = arith.index_cast %add3A_698 : i32 to index
      %get3A_704 = arith.constant 0 : index
      %get3A_705 = tpu.vector_load %arg11[%get3A_703, %get3A_704] {strides = array<i32>} : memref<128x32xf32, #tpu.memory_space<vmem>>, vector<16xf32>,
      %get3A_706 = arith.index_cast %add3A_698 : i32 to index
      %get3A_707 = arith.constant 16 : index
      %get3A_708 = tpu.vector_load %arg11[%get3A_706, %get3A_707] {strides = array<i32>} : memref<128x32xf32, #tpu.memory_space<vmem>>, vector<16xf32>,
      %mul3A_709 = arith.mulf %gather3A_702, %get3A_705 : vector<16xf32>
      %add3A_710 = arith.addf %scan3A_667, %mul3A_709 : vector<16xf32>
      %mul3A_711 = arith.mulf %gather3A_702, %get3A_708 : vector<16xf32>
      %add3A_712 = arith.addf %scan3A_668, %mul3A_711 : vector<16xf32>
      %mul3A_713 = arith.constant 8 : i32
      %mul3A_714 = arith.muli %scan3A_664, %mul3A_713 : i32
      %add3A_715 = arith.constant 2 : i32
      %add3A_716 = arith.addi %mul3A_714, %add3A_715 : i32
      %add3A_717 = arith.constant 2 : i32
      %add3A_718 = vector.broadcast %add3A_717 : i32 to vector<16xi32>
      %add3A_719 = arith.addi %broadcast_in_dim3A_677, %add3A_718 : vector<16xi32>
      %gather3A_720 = tpu.vector_load_idx %arg8[%add3A_719] : memref<40448xf32, #tpu.memory_space<vmem>>[vector<16xi32>], vector<16xf32>,
      %get3A_721 = arith.index_cast %add3A_716 : i32 to index
      %get3A_722 = arith.constant 0 : index
      %get3A_723 = tpu.vector_load %arg11[%get3A_721, %get3A_722] {strides = array<i32>} : memref<128x32xf32, #tpu.memory_space<vmem>>, vector<16xf32>,
      %get3A_724 = arith.index_cast %add3A_716 : i32 to index
      %get3A_725 = arith.constant 16 : index
      %get3A_726 = tpu.vector_load %arg11[%get3A_724, %get3A_725] {strides = array<i32>} : memref<128x32xf32, #tpu.memory_space<vmem>>, vector<16xf32>,
      %mul3A_727 = arith.mulf %gather3A_720, %get3A_723 : vector<16xf32>
      %add3A_728 = arith.addf %scan3A_669, %mul3A_727 : vector<16xf32>
      %mul3A_729 = arith.mulf %gather3A_720, %get3A_726 : vector<16xf32>
      %add3A_730 = arith.addf %scan3A_670, %mul3A_729 : vector<16xf32>
      %mul3A_731 = arith.constant 8 : i32
      %mul3A_732 = arith.muli %scan3A_664, %mul3A_731 : i32
      %add3A_733 = arith.constant 3 : i32
      %add3A_734 = arith.addi %mul3A_732, %add3A_733 : i32
      %add3A_735 = arith.constant 3 : i32
      %add3A_736 = vector.broadcast %add3A_735 : i32 to vector<16xi32>
      %add3A_737 = arith.addi %broadcast_in_dim3A_677, %add3A_736 : vector<16xi32>
      %gather3A_738 = tpu.vector_load_idx %arg8[%add3A_737] : memref<40448xf32, #tpu.memory_space<vmem>>[vector<16xi32>], vector<16xf32>,
      %get3A_739 = arith.index_cast %add3A_734 : i32 to index
      %get3A_740 = arith.constant 0 : index
      %get3A_741 = tpu.vector_load %arg11[%get3A_739, %get3A_740] {strides = array<i32>} : memref<128x32xf32, #tpu.memory_space<vmem>>, vector<16xf32>,
      %get3A_742 = arith.index_cast %add3A_734 : i32 to index
      %get3A_743 = arith.constant 16 : index
      %get3A_744 = tpu.vector_load %arg11[%get3A_742, %get3A_743] {strides = array<i32>} : memref<128x32xf32, #tpu.memory_space<vmem>>, vector<16xf32>,
      %mul3A_745 = arith.mulf %gather3A_738, %get3A_741 : vector<16xf32>
      %add3A_746 = arith.addf %scan3A_671, %mul3A_745 : vector<16xf32>
      %mul3A_747 = arith.mulf %gather3A_738, %get3A_744 : vector<16xf32>
      %add3A_748 = arith.addf %scan3A_672, %mul3A_747 : vector<16xf32>
      %mul3A_749 = arith.constant 8 : i32
      %mul3A_750 = arith.muli %scan3A_664, %mul3A_749 : i32
      %add3A_751 = arith.constant 4 : i32
      %add3A_752 = arith.addi %mul3A_750, %add3A_751 : i32
      %add3A_753 = arith.constant 4 : i32
      %add3A_754 = vector.broadcast %add3A_753 : i32 to vector<16xi32>
      %add3A_755 = arith.addi %broadcast_in_dim3A_677, %add3A_754 : vector<16xi32>
      %gather3A_756 = tpu.vector_load_idx %arg8[%add3A_755] : memref<40448xf32, #tpu.memory_space<vmem>>[vector<16xi32>], vector<16xf32>,
      %get3A_757 = arith.index_cast %add3A_752 : i32 to index
      %get3A_758 = arith.constant 0 : index
      %get3A_759 = tpu.vector_load %arg11[%get3A_757, %get3A_758] {strides = array<i32>} : memref<128x32xf32, #tpu.memory_space<vmem>>, vector<16xf32>,
      %get3A_760 = arith.index_cast %add3A_752 : i32 to index
      %get3A_761 = arith.constant 16 : index
      %get3A_762 = tpu.vector_load %arg11[%get3A_760, %get3A_761] {strides = array<i32>} : memref<128x32xf32, #tpu.memory_space<vmem>>, vector<16xf32>,
      %mul3A_763 = arith.mulf %gather3A_756, %get3A_759 : vector<16xf32>
      %add3A_764 = arith.addf %add3A_692, %mul3A_763 : vector<16xf32>
      %mul3A_765 = arith.mulf %gather3A_756, %get3A_762 : vector<16xf32>
      %add3A_766 = arith.addf %add3A_694, %mul3A_765 : vector<16xf32>
      %mul3A_767 = arith.constant 8 : i32
      %mul3A_768 = arith.muli %scan3A_664, %mul3A_767 : i32
      %add3A_769 = arith.constant 5 : i32
      %add3A_770 = arith.addi %mul3A_768, %add3A_769 : i32
      %add3A_771 = arith.constant 5 : i32
      %add3A_772 = vector.broadcast %add3A_771 : i32 to vector<16xi32>
      %add3A_773 = arith.addi %broadcast_in_dim3A_677, %add3A_772 : vector<16xi32>
      %gather3A_774 = tpu.vector_load_idx %arg8[%add3A_773] : memref<40448xf32, #tpu.memory_space<vmem>>[vector<16xi32>], vector<16xf32>,
      %get3A_775 = arith.index_cast %add3A_770 : i32 to index
      %get3A_776 = arith.constant 0 : index
      %get3A_777 = tpu.vector_load %arg11[%get3A_775, %get3A_776] {strides = array<i32>} : memref<128x32xf32, #tpu.memory_space<vmem>>, vector<16xf32>,
      %get3A_778 = arith.index_cast %add3A_770 : i32 to index
      %get3A_779 = arith.constant 16 : index
      %get3A_780 = tpu.vector_load %arg11[%get3A_778, %get3A_779] {strides = array<i32>} : memref<128x32xf32, #tpu.memory_space<vmem>>, vector<16xf32>,
      %mul3A_781 = arith.mulf %gather3A_774, %get3A_777 : vector<16xf32>
      %add3A_782 = arith.addf %add3A_710, %mul3A_781 : vector<16xf32>
      %mul3A_783 = arith.mulf %gather3A_774, %get3A_780 : vector<16xf32>
      %add3A_784 = arith.addf %add3A_712, %mul3A_783 : vector<16xf32>
      %mul3A_785 = arith.constant 8 : i32
      %mul3A_786 = arith.muli %scan3A_664, %mul3A_785 : i32
      %add3A_787 = arith.constant 6 : i32
      %add3A_788 = arith.addi %mul3A_786, %add3A_787 : i32
      %add3A_789 = arith.constant 6 : i32
      %add3A_790 = vector.broadcast %add3A_789 : i32 to vector<16xi32>
      %add3A_791 = arith.addi %broadcast_in_dim3A_677, %add3A_790 : vector<16xi32>
      %gather3A_792 = tpu.vector_load_idx %arg8[%add3A_791] : memref<40448xf32, #tpu.memory_space<vmem>>[vector<16xi32>], vector<16xf32>,
      %get3A_793 = arith.index_cast %add3A_788 : i32 to index
      %get3A_794 = arith.constant 0 : index
      %get3A_795 = tpu.vector_load %arg11[%get3A_793, %get3A_794] {strides = array<i32>} : memref<128x32xf32, #tpu.memory_space<vmem>>, vector<16xf32>,
      %get3A_796 = arith.index_cast %add3A_788 : i32 to index
      %get3A_797 = arith.constant 16 : index
      %get3A_798 = tpu.vector_load %arg11[%get3A_796, %get3A_797] {strides = array<i32>} : memref<128x32xf32, #tpu.memory_space<vmem>>, vector<16xf32>,
      %mul3A_799 = arith.mulf %gather3A_792, %get3A_795 : vector<16xf32>
      %add3A_800 = arith.addf %add3A_728, %mul3A_799 : vector<16xf32>
      %mul3A_801 = arith.mulf %gather3A_792, %get3A_798 : vector<16xf32>
      %add3A_802 = arith.addf %add3A_730, %mul3A_801 : vector<16xf32>
      %mul3A_803 = arith.constant 8 : i32
      %mul3A_804 = arith.muli %scan3A_664, %mul3A_803 : i32
      %add3A_805 = arith.constant 7 : i32
      %add3A_806 = arith.addi %mul3A_804, %add3A_805 : i32
      %add3A_807 = arith.constant 7 : i32
      %add3A_808 = vector.broadcast %add3A_807 : i32 to vector<16xi32>
      %add3A_809 = arith.addi %broadcast_in_dim3A_677, %add3A_808 : vector<16xi32>
      %gather3A_810 = tpu.vector_load_idx %arg8[%add3A_809] : memref<40448xf32, #tpu.memory_space<vmem>>[vector<16xi32>], vector<16xf32>,
      %get3A_811 = arith.index_cast %add3A_806 : i32 to index
      %get3A_812 = arith.constant 0 : index
      %get3A_813 = tpu.vector_load %arg11[%get3A_811, %get3A_812] {strides = array<i32>} : memref<128x32xf32, #tpu.memory_space<vmem>>, vector<16xf32>,
      %get3A_814 = arith.index_cast %add3A_806 : i32 to index
      %get3A_815 = arith.constant 16 : index
      %get3A_816 = tpu.vector_load %arg11[%get3A_814, %get3A_815] {strides = array<i32>} : memref<128x32xf32, #tpu.memory_space<vmem>>, vector<16xf32>,
      %mul3A_817 = arith.mulf %gather3A_810, %get3A_813 : vector<16xf32>
      %add3A_818 = arith.addf %add3A_746, %mul3A_817 : vector<16xf32>
      %mul3A_819 = arith.mulf %gather3A_810, %get3A_816 : vector<16xf32>
      %add3A_820 = arith.addf %add3A_748, %mul3A_819 : vector<16xf32>
      scf.yield %add3A_764, %add3A_766, %add3A_782, %add3A_784, %add3A_800, %add3A_802, %add3A_818, %add3A_820 : vector<16xf32>, vector<16xf32>, vector<16xf32>, vector<16xf32>, vector<16xf32>, vector<16xf32>, vector<16xf32>, vector<16xf32>
    }
    %scan3A_623 = arith.constant 16 : i32
    %add3A_624 = arith.addf %scan3A_622#0, %scan3A_622#2 : vector<16xf32>
    %add3A_625 = arith.addf %scan3A_622#4, %scan3A_622#6 : vector<16xf32>
    %add3A_626 = arith.addf %add3A_624, %add3A_625 : vector<16xf32>
    %add3A_627 = arith.addf %scan3A_622#1, %scan3A_622#3 : vector<16xf32>
    %add3A_628 = arith.addf %scan3A_622#5, %scan3A_622#7 : vector<16xf32>
    %add3A_629 = arith.addf %add3A_627, %add3A_628 : vector<16xf32>
    %max3A_630 = arith.maximumf %add3A_626, %broadcast_in_dim3A_11 : vector<16xf32>
    %swap3A_631 = arith.constant 10048 : index
    %swap3A_632 = tpu.vector_load %arg16[%swap3A_631] {strides = array<i32>} : memref<10112xf32, #tpu.memory_space<vmem>>, vector<16xf32>,
    tpu.vector_store %arg16[%swap3A_631], %max3A_630 {strides = array<i32>} : memref<10112xf32, #tpu.memory_space<vmem>>, vector<16xf32>,
    %max3A_633 = arith.maximumf %add3A_629, %broadcast_in_dim3A_11 : vector<16xf32>
    %swap3A_634 = arith.constant 10064 : index
    %swap3A_635 = tpu.vector_load %arg16[%swap3A_634] {strides = array<i32>} : memref<10112xf32, #tpu.memory_space<vmem>>, vector<16xf32>,
    tpu.vector_store %arg16[%swap3A_634], %max3A_633 {strides = array<i32>} : memref<10112xf32, #tpu.memory_space<vmem>>, vector<16xf32>,
    %dma_wait3A_636 = arith.constant 0 : i32
    %dma_wait3A_637 = arith.constant 0 : i32
    %dma_wait3A_638 = tpu.memref_slice %arg12[%dma_wait3A_636, %dma_wait3A_637] : memref<128x32xf32, #tpu.memory_space<vmem>> -> memref<121x32xf32, #tpu.memory_space<vmem>>
    %dma_wait3A_639 = arith.constant 40320 : i32
    %dma_wait3A_640 = tpu.memref_slice %arg7[%dma_wait3A_639] : memref<40448xi32, #tpu.memory_space<vmem>> -> memref<121xi32, #tpu.memory_space<vmem>>
    %dma_wait3A_641 = arith.constant 0 : i32
    %dma_wait3A_642 = arith.constant 0 : i32
    %dma_wait3A_643 = tpu.memref_slice %arg2[%dma_wait3A_641, %dma_wait3A_642] : memref<410000x32xf32, #tpu.memory_space<hbm>> -> memref<410000x32xf32, #tpu.memory_space<hbm>>
    tpu.wait_indirect_dma semaphore(%arg20 : memref<!tpu.dma_semaphore, #tpu.memory_space<semaphore_mem>>) src(%dma_wait3A_643 : memref<410000x32xf32, #tpu.memory_space<hbm>>) dst(%dma_wait3A_638 : memref<121x32xf32, #tpu.memory_space<vmem>>)
    %scan3A_644 = arith.constant 0 : i32
    %scan3A_645 = arith.constant 16 : i32
    %scan3A_646 = arith.addi %scan3A_644, %scan3A_645 : i32
    %scan3A_647 = arith.constant 1 : i32
    %scan3A_648:8 = scf.for %scan3A_664 = %scan3A_644 to %scan3A_646 step %scan3A_647 iter_args(%scan3A_665 = %get3A_8, %scan3A_666 = %get3A_10, %scan3A_667 = %broadcast_in_dim3A_11, %scan3A_668 = %broadcast_in_dim3A_11, %scan3A_669 = %broadcast_in_dim3A_11, %scan3A_670 = %broadcast_in_dim3A_11, %scan3A_671 = %broadcast_in_dim3A_11, %scan3A_672 = %broadcast_in_dim3A_11) -> (vector<16xf32>, vector<16xf32>, vector<16xf32>, vector<16xf32>, vector<16xf32>, vector<16xf32>, vector<16xf32>, vector<16xf32>)  : i32 {
      %mul3A_673 = arith.constant 8 : i32
      %mul3A_674 = arith.muli %mul3A_673, %scan3A_664 : i32
      %add3A_675 = arith.constant 40320 : i32
      %add3A_676 = arith.addi %add3A_675, %mul3A_674 : i32
      %broadcast_in_dim3A_677 = vector.broadcast %add3A_676 : i32 to vector<16xi32>
      %mul3A_678 = arith.constant 8 : i32
      %mul3A_679 = arith.muli %scan3A_664, %mul3A_678 : i32
      %add3A_680 = arith.constant 0 : i32
      %add3A_681 = arith.addi %mul3A_679, %add3A_680 : i32
      %add3A_682 = arith.constant 0 : i32
      %add3A_683 = vector.broadcast %add3A_682 : i32 to vector<16xi32>
      %add3A_684 = arith.addi %broadcast_in_dim3A_677, %add3A_683 : vector<16xi32>
      %gather3A = tpu.vector_load_idx %arg8[%add3A_684] : memref<40448xf32, #tpu.memory_space<vmem>>[vector<16xi32>], vector<16xf32>,
      %get3A_685 = arith.index_cast %add3A_681 : i32 to index
      %get3A_686 = arith.constant 0 : index
      %get3A_687 = tpu.vector_load %arg12[%get3A_685, %get3A_686] {strides = array<i32>} : memref<128x32xf32, #tpu.memory_space<vmem>>, vector<16xf32>,
      %get3A_688 = arith.index_cast %add3A_681 : i32 to index
      %get3A_689 = arith.constant 16 : index
      %get3A_690 = tpu.vector_load %arg12[%get3A_688, %get3A_689] {strides = array<i32>} : memref<128x32xf32, #tpu.memory_space<vmem>>, vector<16xf32>,
      %mul3A_691 = arith.mulf %gather3A, %get3A_687 : vector<16xf32>
      %add3A_692 = arith.addf %scan3A_665, %mul3A_691 : vector<16xf32>
      %mul3A_693 = arith.mulf %gather3A, %get3A_690 : vector<16xf32>
      %add3A_694 = arith.addf %scan3A_666, %mul3A_693 : vector<16xf32>
      %mul3A_695 = arith.constant 8 : i32
      %mul3A_696 = arith.muli %scan3A_664, %mul3A_695 : i32
      %add3A_697 = arith.constant 1 : i32
      %add3A_698 = arith.addi %mul3A_696, %add3A_697 : i32
      %add3A_699 = arith.constant 1 : i32
      %add3A_700 = vector.broadcast %add3A_699 : i32 to vector<16xi32>
      %add3A_701 = arith.addi %broadcast_in_dim3A_677, %add3A_700 : vector<16xi32>
      %gather3A_702 = tpu.vector_load_idx %arg8[%add3A_701] : memref<40448xf32, #tpu.memory_space<vmem>>[vector<16xi32>], vector<16xf32>,
      %get3A_703 = arith.index_cast %add3A_698 : i32 to index
      %get3A_704 = arith.constant 0 : index
      %get3A_705 = tpu.vector_load %arg12[%get3A_703, %get3A_704] {strides = array<i32>} : memref<128x32xf32, #tpu.memory_space<vmem>>, vector<16xf32>,
      %get3A_706 = arith.index_cast %add3A_698 : i32 to index
      %get3A_707 = arith.constant 16 : index
      %get3A_708 = tpu.vector_load %arg12[%get3A_706, %get3A_707] {strides = array<i32>} : memref<128x32xf32, #tpu.memory_space<vmem>>, vector<16xf32>,
      %mul3A_709 = arith.mulf %gather3A_702, %get3A_705 : vector<16xf32>
      %add3A_710 = arith.addf %scan3A_667, %mul3A_709 : vector<16xf32>
      %mul3A_711 = arith.mulf %gather3A_702, %get3A_708 : vector<16xf32>
      %add3A_712 = arith.addf %scan3A_668, %mul3A_711 : vector<16xf32>
      %mul3A_713 = arith.constant 8 : i32
      %mul3A_714 = arith.muli %scan3A_664, %mul3A_713 : i32
      %add3A_715 = arith.constant 2 : i32
      %add3A_716 = arith.addi %mul3A_714, %add3A_715 : i32
      %add3A_717 = arith.constant 2 : i32
      %add3A_718 = vector.broadcast %add3A_717 : i32 to vector<16xi32>
      %add3A_719 = arith.addi %broadcast_in_dim3A_677, %add3A_718 : vector<16xi32>
      %gather3A_720 = tpu.vector_load_idx %arg8[%add3A_719] : memref<40448xf32, #tpu.memory_space<vmem>>[vector<16xi32>], vector<16xf32>,
      %get3A_721 = arith.index_cast %add3A_716 : i32 to index
      %get3A_722 = arith.constant 0 : index
      %get3A_723 = tpu.vector_load %arg12[%get3A_721, %get3A_722] {strides = array<i32>} : memref<128x32xf32, #tpu.memory_space<vmem>>, vector<16xf32>,
      %get3A_724 = arith.index_cast %add3A_716 : i32 to index
      %get3A_725 = arith.constant 16 : index
      %get3A_726 = tpu.vector_load %arg12[%get3A_724, %get3A_725] {strides = array<i32>} : memref<128x32xf32, #tpu.memory_space<vmem>>, vector<16xf32>,
      %mul3A_727 = arith.mulf %gather3A_720, %get3A_723 : vector<16xf32>
      %add3A_728 = arith.addf %scan3A_669, %mul3A_727 : vector<16xf32>
      %mul3A_729 = arith.mulf %gather3A_720, %get3A_726 : vector<16xf32>
      %add3A_730 = arith.addf %scan3A_670, %mul3A_729 : vector<16xf32>
      %mul3A_731 = arith.constant 8 : i32
      %mul3A_732 = arith.muli %scan3A_664, %mul3A_731 : i32
      %add3A_733 = arith.constant 3 : i32
      %add3A_734 = arith.addi %mul3A_732, %add3A_733 : i32
      %add3A_735 = arith.constant 3 : i32
      %add3A_736 = vector.broadcast %add3A_735 : i32 to vector<16xi32>
      %add3A_737 = arith.addi %broadcast_in_dim3A_677, %add3A_736 : vector<16xi32>
      %gather3A_738 = tpu.vector_load_idx %arg8[%add3A_737] : memref<40448xf32, #tpu.memory_space<vmem>>[vector<16xi32>], vector<16xf32>,
      %get3A_739 = arith.index_cast %add3A_734 : i32 to index
      %get3A_740 = arith.constant 0 : index
      %get3A_741 = tpu.vector_load %arg12[%get3A_739, %get3A_740] {strides = array<i32>} : memref<128x32xf32, #tpu.memory_space<vmem>>, vector<16xf32>,
      %get3A_742 = arith.index_cast %add3A_734 : i32 to index
      %get3A_743 = arith.constant 16 : index
      %get3A_744 = tpu.vector_load %arg12[%get3A_742, %get3A_743] {strides = array<i32>} : memref<128x32xf32, #tpu.memory_space<vmem>>, vector<16xf32>,
      %mul3A_745 = arith.mulf %gather3A_738, %get3A_741 : vector<16xf32>
      %add3A_746 = arith.addf %scan3A_671, %mul3A_745 : vector<16xf32>
      %mul3A_747 = arith.mulf %gather3A_738, %get3A_744 : vector<16xf32>
      %add3A_748 = arith.addf %scan3A_672, %mul3A_747 : vector<16xf32>
      %mul3A_749 = arith.constant 8 : i32
      %mul3A_750 = arith.muli %scan3A_664, %mul3A_749 : i32
      %add3A_751 = arith.constant 4 : i32
      %add3A_752 = arith.addi %mul3A_750, %add3A_751 : i32
      %add3A_753 = arith.constant 4 : i32
      %add3A_754 = vector.broadcast %add3A_753 : i32 to vector<16xi32>
      %add3A_755 = arith.addi %broadcast_in_dim3A_677, %add3A_754 : vector<16xi32>
      %gather3A_756 = tpu.vector_load_idx %arg8[%add3A_755] : memref<40448xf32, #tpu.memory_space<vmem>>[vector<16xi32>], vector<16xf32>,
      %get3A_757 = arith.index_cast %add3A_752 : i32 to index
      %get3A_758 = arith.constant 0 : index
      %get3A_759 = tpu.vector_load %arg12[%get3A_757, %get3A_758] {strides = array<i32>} : memref<128x32xf32, #tpu.memory_space<vmem>>, vector<16xf32>,
      %get3A_760 = arith.index_cast %add3A_752 : i32 to index
      %get3A_761 = arith.constant 16 : index
      %get3A_762 = tpu.vector_load %arg12[%get3A_760, %get3A_761] {strides = array<i32>} : memref<128x32xf32, #tpu.memory_space<vmem>>, vector<16xf32>,
      %mul3A_763 = arith.mulf %gather3A_756, %get3A_759 : vector<16xf32>
      %add3A_764 = arith.addf %add3A_692, %mul3A_763 : vector<16xf32>
      %mul3A_765 = arith.mulf %gather3A_756, %get3A_762 : vector<16xf32>
      %add3A_766 = arith.addf %add3A_694, %mul3A_765 : vector<16xf32>
      %mul3A_767 = arith.constant 8 : i32
      %mul3A_768 = arith.muli %scan3A_664, %mul3A_767 : i32
      %add3A_769 = arith.constant 5 : i32
      %add3A_770 = arith.addi %mul3A_768, %add3A_769 : i32
      %add3A_771 = arith.constant 5 : i32
      %add3A_772 = vector.broadcast %add3A_771 : i32 to vector<16xi32>
      %add3A_773 = arith.addi %broadcast_in_dim3A_677, %add3A_772 : vector<16xi32>
      %gather3A_774 = tpu.vector_load_idx %arg8[%add3A_773] : memref<40448xf32, #tpu.memory_space<vmem>>[vector<16xi32>], vector<16xf32>,
      %get3A_775 = arith.index_cast %add3A_770 : i32 to index
      %get3A_776 = arith.constant 0 : index
      %get3A_777 = tpu.vector_load %arg12[%get3A_775, %get3A_776] {strides = array<i32>} : memref<128x32xf32, #tpu.memory_space<vmem>>, vector<16xf32>,
      %get3A_778 = arith.index_cast %add3A_770 : i32 to index
      %get3A_779 = arith.constant 16 : index
      %get3A_780 = tpu.vector_load %arg12[%get3A_778, %get3A_779] {strides = array<i32>} : memref<128x32xf32, #tpu.memory_space<vmem>>, vector<16xf32>,
      %mul3A_781 = arith.mulf %gather3A_774, %get3A_777 : vector<16xf32>
      %add3A_782 = arith.addf %add3A_710, %mul3A_781 : vector<16xf32>
      %mul3A_783 = arith.mulf %gather3A_774, %get3A_780 : vector<16xf32>
      %add3A_784 = arith.addf %add3A_712, %mul3A_783 : vector<16xf32>
      %mul3A_785 = arith.constant 8 : i32
      %mul3A_786 = arith.muli %scan3A_664, %mul3A_785 : i32
      %add3A_787 = arith.constant 6 : i32
      %add3A_788 = arith.addi %mul3A_786, %add3A_787 : i32
      %add3A_789 = arith.constant 6 : i32
      %add3A_790 = vector.broadcast %add3A_789 : i32 to vector<16xi32>
      %add3A_791 = arith.addi %broadcast_in_dim3A_677, %add3A_790 : vector<16xi32>
      %gather3A_792 = tpu.vector_load_idx %arg8[%add3A_791] : memref<40448xf32, #tpu.memory_space<vmem>>[vector<16xi32>], vector<16xf32>,
      %get3A_793 = arith.index_cast %add3A_788 : i32 to index
      %get3A_794 = arith.constant 0 : index
      %get3A_795 = tpu.vector_load %arg12[%get3A_793, %get3A_794] {strides = array<i32>} : memref<128x32xf32, #tpu.memory_space<vmem>>, vector<16xf32>,
      %get3A_796 = arith.index_cast %add3A_788 : i32 to index
      %get3A_797 = arith.constant 16 : index
      %get3A_798 = tpu.vector_load %arg12[%get3A_796, %get3A_797] {strides = array<i32>} : memref<128x32xf32, #tpu.memory_space<vmem>>, vector<16xf32>,
      %mul3A_799 = arith.mulf %gather3A_792, %get3A_795 : vector<16xf32>
      %add3A_800 = arith.addf %add3A_728, %mul3A_799 : vector<16xf32>
      %mul3A_801 = arith.mulf %gather3A_792, %get3A_798 : vector<16xf32>
      %add3A_802 = arith.addf %add3A_730, %mul3A_801 : vector<16xf32>
      %mul3A_803 = arith.constant 8 : i32
      %mul3A_804 = arith.muli %scan3A_664, %mul3A_803 : i32
      %add3A_805 = arith.constant 7 : i32
      %add3A_806 = arith.addi %mul3A_804, %add3A_805 : i32
      %add3A_807 = arith.constant 7 : i32
      %add3A_808 = vector.broadcast %add3A_807 : i32 to vector<16xi32>
      %add3A_809 = arith.addi %broadcast_in_dim3A_677, %add3A_808 : vector<16xi32>
      %gather3A_810 = tpu.vector_load_idx %arg8[%add3A_809] : memref<40448xf32, #tpu.memory_space<vmem>>[vector<16xi32>], vector<16xf32>,
      %get3A_811 = arith.index_cast %add3A_806 : i32 to index
      %get3A_812 = arith.constant 0 : index
      %get3A_813 = tpu.vector_load %arg12[%get3A_811, %get3A_812] {strides = array<i32>} : memref<128x32xf32, #tpu.memory_space<vmem>>, vector<16xf32>,
      %get3A_814 = arith.index_cast %add3A_806 : i32 to index
      %get3A_815 = arith.constant 16 : index
      %get3A_816 = tpu.vector_load %arg12[%get3A_814, %get3A_815] {strides = array<i32>} : memref<128x32xf32, #tpu.memory_space<vmem>>, vector<16xf32>,
      %mul3A_817 = arith.mulf %gather3A_810, %get3A_813 : vector<16xf32>
      %add3A_818 = arith.addf %add3A_746, %mul3A_817 : vector<16xf32>
      %mul3A_819 = arith.mulf %gather3A_810, %get3A_816 : vector<16xf32>
      %add3A_820 = arith.addf %add3A_748, %mul3A_819 : vector<16xf32>
      scf.yield %add3A_764, %add3A_766, %add3A_782, %add3A_784, %add3A_800, %add3A_802, %add3A_818, %add3A_820 : vector<16xf32>, vector<16xf32>, vector<16xf32>, vector<16xf32>, vector<16xf32>, vector<16xf32>, vector<16xf32>, vector<16xf32>
    }
    %scan3A_649 = arith.constant 16 : i32
    %add3A_650 = arith.addf %scan3A_648#0, %scan3A_648#2 : vector<16xf32>
    %add3A_651 = arith.addf %scan3A_648#4, %scan3A_648#6 : vector<16xf32>
    %add3A_652 = arith.addf %add3A_650, %add3A_651 : vector<16xf32>
    %add3A_653 = arith.addf %scan3A_648#1, %scan3A_648#3 : vector<16xf32>
    %add3A_654 = arith.addf %scan3A_648#5, %scan3A_648#7 : vector<16xf32>
    %add3A_655 = arith.addf %add3A_653, %add3A_654 : vector<16xf32>
    %max3A_656 = arith.maximumf %add3A_652, %broadcast_in_dim3A_11 : vector<16xf32>
    %swap3A_657 = arith.constant 10080 : index
    %swap3A_658 = tpu.vector_load %arg16[%swap3A_657] {strides = array<i32>} : memref<10112xf32, #tpu.memory_space<vmem>>, vector<16xf32>,
    tpu.vector_store %arg16[%swap3A_657], %max3A_656 {strides = array<i32>} : memref<10112xf32, #tpu.memory_space<vmem>>, vector<16xf32>,
    %max3A_659 = arith.maximumf %add3A_655, %broadcast_in_dim3A_11 : vector<16xf32>
    %swap3A_660 = arith.constant 10096 : index
    %swap3A_661 = tpu.vector_load %arg16[%swap3A_660] {strides = array<i32>} : memref<10112xf32, #tpu.memory_space<vmem>>, vector<16xf32>,
    tpu.vector_store %arg16[%swap3A_660], %max3A_659 {strides = array<i32>} : memref<10112xf32, #tpu.memory_space<vmem>>, vector<16xf32>,
    %mul3A_662 = arith.constant 32 : i32
    %mul3A_663 = arith.muli %min3A_3, %mul3A_662 : i32
    "tpu.region"() ({
      %run_scoped3A = tpu.sem_alloc : memref<!tpu.dma_semaphore, #tpu.memory_space<semaphore_mem>>
      %dma_start3A_664 = tpu.memref_slice %arg6[%mul3A_663] : memref<320000xf32, #tpu.memory_space<hbm>> -> memref<10112xf32, #tpu.memory_space<hbm>>
      %dma_start3A_665 = tpu.memref_slice %arg6[%mul3A_663] : memref<320000xf32, #tpu.memory_space<hbm>> -> memref<10112xf32, #tpu.memory_space<hbm>>
      tpu.enqueue_dma source(%arg16 : memref<10112xf32, #tpu.memory_space<vmem>>) target(%dma_start3A_665 : memref<10112xf32, #tpu.memory_space<hbm>>) target_semaphore(%run_scoped3A : memref<!tpu.dma_semaphore, #tpu.memory_space<semaphore_mem>>)
      %dma_wait3A_666 = tpu.memref_slice %arg6[%mul3A_663] : memref<320000xf32, #tpu.memory_space<hbm>> -> memref<10112xf32, #tpu.memory_space<hbm>>
      %dma_wait3A_667 = tpu.memref_slice %arg6[%mul3A_663] : memref<320000xf32, #tpu.memory_space<hbm>> -> memref<10112xf32, #tpu.memory_space<hbm>>
      tpu.wait_dma2 semaphore(%run_scoped3A : memref<!tpu.dma_semaphore, #tpu.memory_space<semaphore_mem>>) src(%arg16 : memref<10112xf32, #tpu.memory_space<vmem>>) dst(%dma_wait3A_667 : memref<10112xf32, #tpu.memory_space<hbm>>)
      tpu.yield
    }) : () -> ()
    return
  }
}

module attributes {stable_mosaic.version = 14 : i64} {
  func.func @_project_body(%arg0: i32, %arg1: memref<1000x128xf32, #tpu.memory_space<vmem>>, %arg2: memref<128x1312xf32, #tpu.memory_space<vmem>>, %arg3: memref<1000x1312xf32, #tpu.memory_space<vmem>>) attributes {dimension_semantics = [#tpu.dimension_semantics<arbitrary>], iteration_bounds = array<i64: 10>, scalar_prefetch = 0 : i64, scratch_operands = 0 : i64, tpu.core_type = #tpu.core_type<tc>, window_params = [{transform_indices = @transform_0, window_bounds = array<i64: 1000, 128>}, {pipeline_mode = #tpu.pipeline_mode<synchronous>, transform_indices = @transform_1, window_bounds = array<i64: 128, 1312>}, {transform_indices = @transform_2, window_bounds = array<i64: 1000, 1312>}]} {
    %get3A = arith.constant 0 : index
    %get3A_0 = arith.constant 0 : index
    %get3A_1 = vector.load %arg1[%get3A, %get3A_0] : memref<1000x128xf32, #tpu.memory_space<vmem>>, vector<1000x128xf32>
    %get3A_2 = arith.constant 0 : index
    %get3A_3 = arith.constant 0 : index
    %get3A_4 = vector.load %arg2[%get3A_2, %get3A_3] : memref<128x1312xf32, #tpu.memory_space<vmem>>, vector<128x1312xf32>
    %dot_general3A = arith.constant dense<0.000000e+00> : vector<1000x1312xf32>
    %dot_general3A_5 = tpu.matmul %get3A_1, %get3A_4, %dot_general3A {dimension_numbers = #tpu.dot_dimension_numbers<[1], [0], [0], [1], [0, 0, 1, 1], [], []>, transpose_lhs_hint = false} : vector<1000x128xf32>, vector<128x1312xf32>, vector<1000x1312xf32> -> vector<1000x1312xf32>
    %swap3A = arith.constant 0 : index
    %swap3A_6 = arith.constant 0 : index
    %swap3A_7 = vector.load %arg3[%swap3A, %swap3A_6] : memref<1000x1312xf32, #tpu.memory_space<vmem>>, vector<1000x1312xf32>
    tpu.vector_store %arg3[%swap3A, %swap3A_6], %dot_general3A_5 {strides = array<i32>} : memref<1000x1312xf32, #tpu.memory_space<vmem>>, vector<1000x1312xf32>,
    return
  }
  func.func @transform_0(%arg0: i32) -> (i32, i32) {
    %c0_i32 = arith.constant 0 : i32
    %c0_i32_0 = arith.constant 0 : i32
    return %arg0, %c0_i32 : i32, i32
  }
  func.func @transform_1(%arg0: i32) -> (i32, i32) {
    %c0_i32 = arith.constant 0 : i32
    %c0_i32_0 = arith.constant 0 : i32
    %c0_i32_1 = arith.constant 0 : i32
    return %c0_i32, %c0_i32_0 : i32, i32
  }
  func.func @transform_2(%arg0: i32) -> (i32, i32) {
    %c0_i32 = arith.constant 0 : i32
    %c0_i32_0 = arith.constant 0 : i32
    return %arg0, %c0_i32 : i32, i32
  }
}

</mosaic_0001>

<sc_bundles>
// kernel: kernel.4.cloned.1.call-start
scs
__scs_entry_jumppad:
0x0: {  	(pc) =	sbr.rel $0x88, $3  }
0x1: {  	(tag) =	ssettag $0x0;
	lr =	simm.s32 $0x1  }
0x2: {  	[smem:$0x3F9C] =	sst lr;
	_ =	strace $0xD0000000  }
0x3: {  	_ = 	snop  }
0x4: {  	_ = 	snop  }
0x5: {  	_ = 	snop  }
0x6: {  	_ = 	snop  }
0x7: {  	_ = 	snop  }
__scs_overlays_trampoline_lowered:
0x8: {  	[smem:$0x3FAB] =	sst s0  }
0x9: {  	[smem:$0x3FAC] =	sst s1  }
0xa: {  	[smem:$0x3FAD] =	sst s2  }
0xb: {  	[smem:$0x3FAE] =	sst s3  }
0xc: {  	[smem:$0x3FAF] =	sst s4  }
0xd: {  	[smem:$0x3FB0] =	sst s5  }
0xe: {  	[smem:$0x3FB1] =	sst s6  }
0xf: {  	[smem:$0x3FB2] =	sst s7  }
0x10: {  	[smem:$0x3FB3] =	sst s8  }
0x11: {  	[smem:$0x3FB4] =	sst s9;
	s0 =	simm.s32 @!p0 $0x0  }
0x12: {  	s1 =	sld [smem:$0x3F9A];
	s0 =	simm.s32 @p0 $0x1  }
0x13: {  	[smem:$0x3FB5] =	sst s0;
	s0 =	simm.s32 @!p1 $0x0  }
0x14: {  	s2 =	sld [smem:$0x3F99];
	s0 =	simm.s32 @p1 $0x1  }
0x15: {  	[smem:$0x3FB6] =	sst s0;
	s0 =	simm.s32 @!p2 $0x0  }
0x16: {  	s3 =	sld [smem:$0x3FDB];
	s0 =	simm.s32 @p2 $0x1  }
0x17: {  	s4 =	simm.s32 $0x1BF5;
	[smem:$0x3FB8] =	sst s0  }
0x18: {  	s0 =	sld [smem:$0x3F9B];
	_ =	swait.ge [sflag:s4], $0x0  }
0x19: {  	s7 =	sld [smem:$0x3F9C]  }
0x1a: {  	s8 =	sadd.s32 $0xFFFFE003, lr  }
0x1b: {  	s9 =	sadd.s32 $0xFFFFFEF7, lr;
	s5 =	simm.s32 $0xFFFFFFFF;
	p2 =	slt.u32 s8, $0xFFFFF086  }
0x1c: {  	p1 =	slt.u32 s9, $0xF7A;
	s5 =	simm.s32 @!p2 $0x0  }
0x1d: {  	s5 =	simm.s32 @p1 $0x1;
	p0 =	seq.s32 s7, s2  }
0x1e: {  	s7 =	smul.u32 @!p0 $0xF7A, s2;
	p2 =	seq.s32 @!p0 s5, $0x0  }
0x1f: {  	s9 =	smul.u32 $0xF7A, s1;
	s8 =	simm.s32 @!p0 $0x1BF5;
	p2 =	por !p2, p0  }
0x20: {  	[sflag:s8] =	ssyncset.s32 @!p0 $0xFFFFF086;
	s6 =	sadd.s32 @!p0 s3, s7;
	s7 =	simm.s32 @!p0 $0x108  }
0x21: {  	s3 =	sadd.s32 s3, s9;
	s6 =	sadd.s32 @!p0 $0x88, s6;
	s7 =	simm.s32 @p2 $0x1082  }
0x22: {  	[simem:s7], [sflag:s8] =	dma.local @!p0 [hbm:s6], $0xF7A  }
0x23: {  	s9 =	sor.u32 $0xD0000000, s2;
	s6 =	simm.s32 $0x108;
	_ =	swait.ge @!p0 [sflag:s8], $0x0  }
0x24: {  	s3 =	sadd.s32 $0x88, s3;
	s6 =	simm.s32 @!p1 $0x1082;
	[sflag:s4] =	ssyncset.s32 $0xFFFFF086  }
0x25: {  	[simem:s6], [sflag:s4] =	dma.local [hbm:s3], $0xF7A  }
0x26: {  	[smem:$0x3F9C] =	sst s1;
	(tag) =	ssettag s2;
	_ =	strace s9  }
0x27: {  	s1 =	sld [smem:$0x3FAC]  }
0x28: {  	s2 =	sld [smem:$0x3FAD]  }
0x29: {  	s4 =	sld [smem:$0x3FAF]  }
0x2a: {  	p0 =	seq.s32 s5, $0x0;
	s5 =	sld [smem:$0x3FB0]  }
0x2b: {  	s6 =	sld [smem:$0x3FB1]  }
0x2c: {  	s7 =	sld [smem:$0x3FB2]  }
0x2d: {  	s3 =	simm.s32 $0x108;
	s8 =	sld [smem:$0x3FB3]  }
0x2e: {  	s3 =	simm.s32 @!p0 $0x1082;
	s9 =	sld [smem:$0x3FB4]  }
0x2f: {  	lr =	sadd.s32 s0, s3;
	s0 =	sld [smem:$0x3FAB]  }
0x30: {  	s3 =	sld [smem:$0x3FAE]  }
0x31: {  	[smem:$0x3FB7] =	sst s10  }
0x32: {  	s10 =	sld [smem:$0x3FB5];
	_ =	sdelay $0x3  }
0x33: {  	p0 =	seq.s32 s10, $0x1;
	s10 =	sld [smem:$0x3FB7];
	_ =	sdelay $0x3  }
0x34: {  	[smem:$0x3FB7] =	sst s10  }
0x35: {  	s10 =	sld [smem:$0x3FB6];
	_ =	sdelay $0x3  }
0x36: {  	p1 =	seq.s32 s10, $0x1;
	s10 =	sld [smem:$0x3FB7];
	_ =	sdelay $0x3  }
0x37: {  	[smem:$0x3FB7] =	sst s10  }
0x38: {  	s10 =	sld [smem:$0x3FB8]  }
0x39: {  	_ = 	snop;
	(pc) =	sbr.ind lr, $3  }
0x3a: {  	_ = 	snop  }
0x3b: {  	_ = 	snop  }
0x3c: {  	p2 =	seq.s32 s10, $0x1;
	s10 =	sld [smem:$0x3FB7]  }
0x3d: {  	_ =	shalt  }
0x3e: {  	_ =	shalt  }
0x3f: {  	_ =	shalt  }
0x40: {  	_ =	shalt  }
0x41: {  	_ =	shalt  }
0x42: {  	_ =	shalt  }
0x43: {  	_ =	shalt  }
0x44: {  	_ =	shalt  }
0x45: {  	_ =	shalt  }
0x46: {  	_ =	shalt  }
0x47: {  	_ =	shalt  }
0x48: {  	_ =	shalt  }
0x49: {  	_ =	shalt  }
0x4a: {  	_ =	shalt  }
0x4b: {  	_ =	shalt  }
0x4c: {  	_ =	shalt  }
0x4d: {  	_ =	shalt  }
0x4e: {  	_ =	shalt  }
0x4f: {  	_ =	shalt  }
0x50: {  	_ =	shalt  }
0x51: {  	_ =	shalt  }
0x52: {  	_ =	shalt  }
0x53: {  	_ =	shalt  }
0x54: {  	_ =	shalt  }
0x55: {  	_ =	shalt  }
0x56: {  	_ =	shalt  }
0x57: {  	_ =	shalt  }
0x58: {  	_ =	shalt  }
0x59: {  	_ =	shalt  }
0x5a: {  	_ =	shalt  }
0x5b: {  	_ =	shalt  }
0x5c: {  	_ =	shalt  }
0x5d: {  	_ =	shalt  }
0x5e: {  	_ =	shalt  }
0x5f: {  	_ =	shalt  }
0x60: {  	_ =	shalt  }
0x61: {  	_ =	shalt  }
0x62: {  	_ =	shalt  }
0x63: {  	_ =	shalt  }
0x64: {  	_ =	shalt  }
0x65: {  	_ =	shalt  }
0x66: {  	_ =	shalt  }
0x67: {  	_ =	shalt  }
0x68: {  	_ =	shalt  }
0x69: {  	_ =	shalt  }
0x6a: {  	_ =	shalt  }
0x6b: {  	_ =	shalt  }
0x6c: {  	_ =	shalt  }
0x6d: {  	_ =	shalt  }
0x6e: {  	_ =	shalt  }
0x6f: {  	_ =	shalt  }
0x70: {  	_ =	shalt  }
0x71: {  	_ =	shalt  }
0x72: {  	_ =	shalt  }
0x73: {  	_ =	shalt  }
0x74: {  	_ =	shalt  }
0x75: {  	_ =	shalt  }
0x76: {  	_ =	shalt  }
0x77: {  	_ =	shalt  }
0x78: {  	_ =	shalt  }
0x79: {  	_ =	shalt  }
0x7a: {  	_ =	shalt  }
0x7b: {  	_ =	shalt  }
0x7c: {  	_ =	shalt  }
0x7d: {  	_ =	shalt  }
0x7e: {  	_ =	shalt  }
0x7f: {  	_ =	shalt  }
0x80: {  	_ =	shalt  }
0x81: {  	_ =	shalt  }
0x82: {  	_ =	shalt  }
0x83: {  	_ =	shalt  }
0x84: {  	_ =	shalt  }
0x85: {  	_ =	shalt  }
0x86: {  	_ =	shalt  }
0x87: {  	_ =	shalt  }
.Lfunc_end0:
.L_simem_size_0:
called_computation_lowered:
.L_overlay_start_0:
0x88: {  	s2 =	sld [smem:$0x3FD9]  }
0x89: {  	s3 =	sld [smem:$0x3FFE];
	_ =	sdelay $0x1  }
0x8a: {  	s1 =	srdreg.scid  }
0x8b: {  	s0 =	sand.u32 $0x1, s1  }
0x8c: {  	s17 =	sshll.u32 s0, $0xA;
	s2 =	sadd.s32 s3, s2  }
0x8d: {  	s2 =	sadd.s32 s2, s17  }
0x8e: {  	[smem:$0x3FC3] =	sst s2  }
0x8f: {  	_ = 	snop  }
0x90: {  	s2 =	sld [smem:$0x3FD0];
	(tm) =	ssettm $0x1  }
0x91: {  	s18 =	sld [smem:$0x3FFB];
	_ =	sdelay $0x3  }
0x92: {  	_ =	strace s18  }
0x93: {  	s3 =	sld [smem:$0x3FFC];
	_ =	sdelay $0x3  }
0x94: {  	_ =	strace s3  }
0x95: {  	s3 =	sld [smem:$0x3FFD];
	_ =	sdelay $0x3  }
0x96: {  	_ =	strace s3  }
0x97: {  	_ =	strace $0x8FFFFFFF  }
0x98: {  	s19 =	sld [smem:$0x3FDB];
	_ =	sdelay $0x1  }
0x99: {  	s4 =	simm.s32 $_scs_section_size  }
0x9a: {  	s5 =	simm.s32 $_size__tile_overlayer_lowered;
	s6 =	simm.s32 $_tile_overlayer_lowered  }
0x9b: {  	s22 =	simm.s32 $0x1BFF;
	s21 =	sshll.u32 s6, $0x1;
	s3 =	sadd.s32 s4, s19  }
0x9c: {  	s7 =	simm.s32 $0x0;
	s20 =	sshll.u32 s5, $0x1;
	s5 =	sadd.s32 s21, s3  }
0x9d: {  	[timem:s7], [sflag:s22] =	dma.local [hbm:s5], s20  }
0x9e: {  	_ =	swait.ge [sflag:s22], s20  }
0x9f: {  	s4 =	ssub.s32 $0x0, s20;
	[sflag:s22] =	ssyncset.done $0x0  }
0xa0: {  	[sflag:s22] =	ssyncadd.s32 s4;
	_ =	sdelay $0x1  }
0xa1: {  	s23 =	simm.s32 $0x1B8B  }
0xa2: {  	_ =	swait.ge [sflag:s23], $0x1  }
0xa3: {  	[sflag:s23] =	ssyncset.done $0x0  }
0xa4: {  	s25 =	simm.s32 $0x1B8E;
	s24 =	sld [smem:$0x3FFE];
	[sflag:s23] =	ssyncadd.s32 $0xFFFFFFFF  }
0xa5: {  	s26 =	simm.s32 $execute0_lowered;
	[smem:$0x3FD2] =	sst s25  }
0xa6: {  	s5 =	sshll.u32 s26, $0x1;
	_ =	strace $0x80000046;
	[dreg:$0x1] =	wrdreg $0xFFFFFFFF  }
0xa7: {  	s28 =	simm.s32 $_size_execute0_lowered;
	s3 =	sadd.s32 s3, s5;
	[dreg:$0x0] =	wrdreg $0x0  }
0xa8: {  	s5 =	sshll.u32 s28, $0x1;
	[dreg:$0x2] =	wrdreg s3  }
0xa9: {  	[dreg:$0x3] =	wrdreg s5  }
0xaa: {  	[dreg:$0x4] =	wrdreg $0xC0  }
0xab: {  	_ =	task [dreg:s7], $0x5FFFF  }
0xac: {  	[dreg:$0x1] =	wrdreg $0xFFFFFFFF  }
0xad: {  	[dreg:$0x0] =	wrdreg $0x60  }
0xae: {  	[dreg:$0x2] =	wrdreg s24  }
0xaf: {  	[dreg:$0x3] =	wrdreg s2  }
0xb0: {  	[dreg:$0x4] =	wrdreg $0x9  }
0xb1: {  	_ =	task.clear_ibuf [dreg:s7], $0x5FFFF;
	_ =	strace $0x90000046  }
0xb2: {  	s29 =	simm.s32 $0x9;
	_ =	strace $0x80000048  }
0xb3: {  	_ =	swait.ge [sflag:s29], $0x1  }
0xb4: {  	[sflag:s29] =	ssyncadd.s32 $0xFFFFFFFF  }
0xb5: {  	_ =	strace $0x90000048  }
0xb6: {  	_ =	sfence  }
0xb7: {  	s30 =	sld [smem:$0x0];
	_ =	sdelay $0x2  }
0xb8: {  	s31 =	sshll.u32 s1, $0xD;
	s1 =	sshrl.u32 s1, $0x2  }
0xb9: {  	s3 =	sand.u32 $0x4000, s31;
	s1 =	sadd.s32 s1, s30  }
0xba: {  	s0 =	sor.u32 s3, s0;
	s1 =	sshll.u32 s1, $0x11  }
0xbb: {  	s0 =	sor.u32 s1, s0  }
0xbc: {  	s0 =	sadd.s32 $0x8F2B, s0  }
0xbd: {  	[sflag:s0] =	ssyncadd.remote.s32 $0x1  }
0xbe: {  	_ =	sfence.sel $0xFFFF  }
0xbf: {  	[dreg:$0x0] =	wrdreg $0xFFFFFFFF;
	(pc) =	sbr.abs _section_cstart, $3  }
0xc0: {  	[dreg:$0x1] =	wrdreg $0xFFFFFFFF  }
0xc1: {  	_ =	task.clear_ibuf [dreg:s7], $0x2FFFF;
	_ =	strace $0x9FFFFFFF  }
0xc2: {  	(tm) =	ssettm $0x7FFFFFFF  }
0xc3: {  	_ =	shalt  }
tec
execute0_lowered:
.L_overlay_start_1:
0x0: {  	(tag) =	ssettag $0x1  }
0x1: {  	s0 =	srdreg.scid;
	s1 =	rddreg [dreg:$0x0]  }
0x2: {  	s2 =	stileid.u32;
	s4 =	rddreg [dreg:$0x1];
	s9 =	simm.s32 $0x7  }
0x3: {  	s10 =	simm.s32 $0x9E00;
	s12 =	simm.s32 $0x79;
	s13 =	simm.s32 $0x13C00  }
0x4: {  	s14 =	simm.s32 $0x14C00;
	s15 =	simm.s32 $0x15C00;
	s16 =	simm.s32 $0x16C00  }
0x5: {  	s18 =	simm.s32 $0x18C00;
	s0 =	sand.u32 $0x1, s0;
	s2 =	sshll.u32 s2, $0x1  }
0x6: {  	s19 =	simm.s32 $0x1;
	s20 =	simm.s32 $0x2;
	s3 =	sor.u32 s0, s2  }
0x7: {  	s2 =	simm.s32 $0x0;
	s0 =	ssub.s32 $0x2, s0;
	s3 =	smul.u32 $0x13C, s3  }
0x8: {  	s21 =	simm.s32 $0x3;
	[smem:$0x7FF] =	sst s2;
	s28 =	sshrl.u32 s0, $0x1  }
0x9: {  	_ =	strace $0x80000047;
	s0 =	ssub.s32 s0, s28;
	s5 =	smin.u32 s3, $0x25D4  }
0xa: {  	s3 =	sadd.s32 $0x1AF000, s1;
	s0 =	smax.u32 s0, $0x1;
	s6 =	sshll.u32 s5, $0x4  }
0xb: {  	[dreg:$0x7] =	wrdreg s0;
	s6 =	sadd.s32 s6, s1;
	s1 =	sadd.s32 $0x4F800, s1  }
0xc: {  	s22 =	simm.s32 $0x4;
	[dreg:$0x3] =	wrdreg s1;
	s29 =	sadd.s32 $0x1400, s6  }
0xd: {  	s30 =	sshll.u32 s5, $0x2;
	s31 =	sadd.s32 $0x28600, s6;
	[dreg:$0x4] =	wrdreg s29  }
0xe: {  	s23 =	simm.s32 $0x5;
	s1 =	sadd.s32 s4, s30;
	[dreg:$0x5] =	wrdreg s31  }
0xf: {  	v0 =	vimm.f32 $0.0e+00;
	s24 =	simm.s32 $0x6;
	s26 =	simm.s32 $0x0;
	[dreg:$0x6] =	wrdreg s1  }
.LBB2_1:
0x10: {  	s0 =	rddreg [dreg:$0x4]  }
0x11: {  	[tilespmem:s2], [sflag:$0x7] =	stream.linear.gather [hbm4b:s0+s2], $0x9E00, $0x38;
	[tilespmem:$0x1C3A0] =	vst v63  }
0x12: {  	_ =	swait.ge [sflag:s9], $0x9E00  }
0x13: {  	[sflag:s9] =	ssyncset.done $0x0  }
0x14: {  	s11 =	rddreg [dreg:$0x5];
	[sflag:s9] =	ssyncadd.s32 $0xFFFF6200  }
0x15: {  	[tilespmem:s10], [sflag:$0x7] =	stream.linear.gather [hbm4b:s11+s2], $0x9E00, $0x38;
	[tilespmem:$0x1C3A0] =	vst v63  }
0x16: {  	_ =	swait.ge [sflag:s9], $0x9E00  }
0x17: {  	[sflag:s9] =	ssyncset.done $0x0  }
0x18: {  	s1 =	simm.s32 $0x19C00;
	s17 =	rddreg [dreg:$0x3];
	[sflag:s9] =	ssyncadd.s32 $0xFFFF6200  }
0x19: {  	[tilespmem:s1], [sflag:$0x7] =	stream.linear.gather [hbm4b:s17+s2], $0x20, $0x38;
	[tilespmem:$0x1C3A0] =	vst v63  }
0x1a: {  	_ =	swait.ge [sflag:s9], $0x20  }
0x1b: {  	[sflag:s9] =	ssyncset.done $0x0  }
0x1c: {  	[sflag:s9] =	ssyncadd.s32 $0xFFFFFFE0  }
0x1d: {  	[tilespmem:$0x14B20] =	vst v0  }
0x1e: {  	[tilespmem:$0x14B30] =	vst v0  }
0x1f: {  	[tilespmem:$0x14B40] =	vst v0  }
0x20: {  	[tilespmem:$0x14B50] =	vst v0  }
0x21: {  	[tilespmem:$0x14B60] =	vst v0  }
0x22: {  	[tilespmem:$0x14B70] =	vst v0  }
0x23: {  	[tilespmem:$0x14B80] =	vst v0  }
0x24: {  	[tilespmem:$0x14B90] =	vst v0  }
0x25: {  	[tilespmem:$0x14BA0] =	vst v0  }
0x26: {  	[tilespmem:$0x14BB0] =	vst v0  }
0x27: {  	[tilespmem:$0x14BC0] =	vst v0  }
0x28: {  	[tilespmem:$0x14BD0] =	vst v0  }
0x29: {  	[tilespmem:$0x14BE0] =	vst v0  }
0x2a: {  	[tilespmem:$0x14BF0] =	vst v0  }
0x2b: {  	[tilespmem:$0x15B20] =	vst v0  }
0x2c: {  	[tilespmem:$0x15B30] =	vst v0  }
0x2d: {  	[tilespmem:$0x15B40] =	vst v0  }
0x2e: {  	[tilespmem:$0x15B50] =	vst v0  }
0x2f: {  	[tilespmem:$0x15B60] =	vst v0  }
0x30: {  	[tilespmem:$0x15B70] =	vst v0  }
0x31: {  	[tilespmem:$0x15B80] =	vst v0  }
0x32: {  	[tilespmem:$0x15B90] =	vst v0  }
0x33: {  	[tilespmem:$0x15BA0] =	vst v0  }
0x34: {  	[tilespmem:$0x15BB0] =	vst v0  }
0x35: {  	[tilespmem:$0x15BC0] =	vst v0  }
0x36: {  	[tilespmem:$0x15BD0] =	vst v0  }
0x37: {  	[tilespmem:$0x15BE0] =	vst v0  }
0x38: {  	[tilespmem:$0x15BF0] =	vst v0  }
0x39: {  	[tilespmem:$0x16B20] =	vst v0  }
0x3a: {  	[tilespmem:$0x16B30] =	vst v0  }
0x3b: {  	[tilespmem:$0x16B40] =	vst v0  }
0x3c: {  	[tilespmem:$0x16B50] =	vst v0  }
0x3d: {  	[tilespmem:$0x16B60] =	vst v0  }
0x3e: {  	[tilespmem:$0x16B70] =	vst v0  }
0x3f: {  	[tilespmem:$0x16B80] =	vst v0  }
0x40: {  	[tilespmem:$0x16B90] =	vst v0  }
0x41: {  	[tilespmem:$0x16BA0] =	vst v0  }
0x42: {  	[tilespmem:$0x16BB0] =	vst v0  }
0x43: {  	[tilespmem:$0x16BC0] =	vst v0  }
0x44: {  	[tilespmem:$0x16BD0] =	vst v0  }
0x45: {  	[tilespmem:$0x16BE0] =	vst v0  }
0x46: {  	[tilespmem:$0x16BF0] =	vst v0  }
0x47: {  	[tilespmem:$0x17B20] =	vst v0  }
0x48: {  	[tilespmem:$0x17B30] =	vst v0  }
0x49: {  	[tilespmem:$0x17B40] =	vst v0  }
0x4a: {  	[tilespmem:$0x17B50] =	vst v0  }
0x4b: {  	[tilespmem:$0x17B60] =	vst v0  }
0x4c: {  	[tilespmem:$0x17B70] =	vst v0  }
0x4d: {  	[tilespmem:$0x17B80] =	vst v0  }
0x4e: {  	[tilespmem:$0x17B90] =	vst v0  }
0x4f: {  	[tilespmem:$0x17BA0] =	vst v0  }
0x50: {  	[tilespmem:$0x17BB0] =	vst v0  }
0x51: {  	[tilespmem:$0x17BC0] =	vst v0  }
0x52: {  	[tilespmem:$0x17BD0] =	vst v0  }
0x53: {  	[tilespmem:$0x17BE0] =	vst v0  }
0x54: {  	[tilespmem:$0x17BF0] =	vst v0  }
0x55: {  	[tilespmem:$0x18B20] =	vst v0  }
0x56: {  	[tilespmem:$0x18B30] =	vst v0  }
0x57: {  	[tilespmem:$0x18B40] =	vst v0  }
0x58: {  	[tilespmem:$0x18B50] =	vst v0  }
0x59: {  	[tilespmem:$0x18B60] =	vst v0  }
0x5a: {  	[tilespmem:$0x18B70] =	vst v0  }
0x5b: {  	[tilespmem:$0x18B80] =	vst v0  }
0x5c: {  	[tilespmem:$0x18B90] =	vst v0  }
0x5d: {  	[tilespmem:$0x18BA0] =	vst v0  }
0x5e: {  	[tilespmem:$0x18BB0] =	vst v0  }
0x5f: {  	[tilespmem:$0x18BC0] =	vst v0  }
0x60: {  	[tilespmem:$0x18BD0] =	vst v0  }
0x61: {  	[tilespmem:$0x18BE0] =	vst v0  }
0x62: {  	[tilespmem:$0x18BF0] =	vst v0  }
0x63: {  	[tilespmem:$0x19B20] =	vst v0  }
0x64: {  	[tilespmem:$0x19B30] =	vst v0  }
0x65: {  	[tilespmem:$0x19B40] =	vst v0  }
0x66: {  	[tilespmem:$0x19B50] =	vst v0  }
0x67: {  	[tilespmem:$0x19B60] =	vst v0  }
0x68: {  	[tilespmem:$0x19B70] =	vst v0  }
0x69: {  	[tilespmem:$0x19B80] =	vst v0  }
0x6a: {  	[tilespmem:$0x19B90] =	vst v0  }
0x6b: {  	[tilespmem:$0x19BA0] =	vst v0  }
0x6c: {  	[tilespmem:$0x19BB0] =	vst v0  }
0x6d: {  	[tilespmem:$0x19BC0] =	vst v0  }
0x6e: {  	[tilespmem:$0x19BD0] =	vst v0  }
0x6f: {  	[tilespmem:$0x19BE0] =	vst v0  }
0x70: {  	v1 =	vld [tilespmem:$0x19C00];
	[tilespmem:$0x19BF0] =	vst v0  }
0x71: {  	v2 =	vld [tilespmem:$0x19C10];
	[tilespmem:s13], [sflag:$0x1] =	stream.indirect.gather [hbm4b:s3+s12], $0x20, s2, s12, $0xb8  }
0x72: {  	s28 =	simm.s32 $0x80  }
0x73: {  	[tilespmem:s14], [sflag:$0x2] =	stream.indirect.gather [hbm4b:s3+s12], $0x20, s28, s12, $0xb8;
	[tilespmem:$0x1C3A0] =	vst v63  }
0x74: {  	s29 =	simm.s32 $0x100  }
0x75: {  	[tilespmem:s15], [sflag:$0x3] =	stream.indirect.gather [hbm4b:s3+s12], $0x20, s29, s12, $0xb8;
	[tilespmem:$0x1C3A0] =	vst v63  }
0x76: {  	s30 =	simm.s32 $0x180;
	s31 =	simm.s32 $0x200;
	s25 =	simm.s32 $0x17C00  }
0x77: {  	[tilespmem:s16], [sflag:$0x4] =	stream.indirect.gather [hbm4b:s3+s12], $0x20, s30, s12, $0xb8;
	[tilespmem:$0x1C3A0] =	vst v63  }
0x78: {  	s0 =	simm.s32 $0x0;
	s11 =	simm.s32 $0x0;
	s1 =	simm.s32 $0x280  }
0x79: {  	[tilespmem:s25], [sflag:$0x5] =	stream.indirect.gather [hbm4b:s3+s12], $0x20, s31, s12, $0xb8;
	[tilespmem:$0x1C3A0] =	vst v63  }
.LBB2_2:
0x7a: {  	s4 =	smul.u32 $0x6, s11;
	_ =	sdelay $0x1  }
0x7b: {  	s4 =	sadd.s32 $0x5, s4  }
0x7c: {  	s17 =	sshll.u32 s4, $0x7  }
0x7d: {  	s4 =	sand.u32 $0x3FFFFF80, s17  }
0x7e: {  	[tilespmem:s18], [sflag:$0x6] =	stream.indirect.gather [hbm4b:s3+s12], $0x20, s4, s12, $0xb8;
	[tilespmem:$0x1C3A0] =	vst v63  }
0x7f: {  	_ =	swait.ge [sflag:s19], $0xF20  }
0x80: {  	[sflag:s19] =	ssyncset.done $0x0  }
0x81: {  	s5 =	simm.s32 $0x13C80;
	[sflag:s19] =	ssyncadd.s32 $0xFFFFF0E0  }
0x82: {  	v9 =	vld [tilespmem:s5+$0x0]  }
0x83: {  	v10 =	vld [tilespmem:s5+$0x10]  }
0x84: {  	v11 =	vld [tilespmem:s5+$0x20]  }
0x85: {  	v14 =	vld [tilespmem:s5+$0x30]  }
0x86: {  	v15 =	vld [tilespmem:s5+$0x40]  }
0x87: {  	v16 =	vld [tilespmem:s5+$0x50]  }
0x88: {  	s25 =	sadd.s32 $0x0, s0;
	v21 =	vld [tilespmem:s5+$0xFFFFFF80]  }
0x89: {  	v23 =	vmov s25;
	v22 =	vld [tilespmem:s5+$0xFFFFFF90]  }
0x8a: {  	v5 =	vor.u32 $0x4, v23;
	v19 =	vld [tilespmem:s5+$0xFFFFFFA0]  }
0x8b: {  	v26 =	vor.u32 $0x5, v23;
	v20 =	vld [tilespmem:s5+$0xFFFFFFB0]  }
0x8c: {  	v27 =	vor.u32 $0x6, v23;
	v18 =	vld [tilespmem:s5+$0xFFFFFFC0]  }
0x8d: {  	v4 =	vimm.f32 $0.0e+00;
	v28 =	vor.u32 $0x1, v23;
	v17 =	vld [tilespmem:s5+$0xFFFFFFD0]  }
0x8e: {  	v8 =	vimm.f32 $0.0e+00;
	v3 =	vimm.f32 $0.0e+00;
	v29 =	vor.u32 $0x2, v23;
	v25 =	vld.idx.msk [tilespmem:v23+s10+$0x0], $0xffff  }
0x8f: {  	s6 =	simm.s32 $0x8;
	v12 =	vmovc v1;
	v13 =	vmovc v2;
	v7 =	vimm.f32 $0.0e+00;
	v6 =	vimm.f32 $0.0e+00;
	s4 =	smul.u32 $0x300, s11;
	v24 =	vld.idx.msk [tilespmem:v5+s10+$0x0], $0xffff;
	v5 =	vimm.f32 $0.0e+00  }
.LBB2_3:
0x90: {  	p0 =	sne.s32 s6, $0x78;
	v30 =	vor.u32 $0x3, v23;
	v26 =	vld.idx.msk [tilespmem:v26+s10+$0x0], $0xffff  }
0x91: {  	v27 =	vld.idx.msk [tilespmem:v27+s10+$0x0], $0xffff  }
0x92: {  	v23 =	vor.u32 $0x7, v23;
	v28 =	vld.idx.msk [tilespmem:v28+s10+$0x0], $0xffff  }
0x93: {  	v29 =	vld.idx.msk [tilespmem:v29+s10+$0x0], $0xffff  }
0x94: {  	v21 =	vmul.f32 v21, v25;
	v22 =	vmul.f32 v22, v25;
	v25 =	vld [tilespmem:s5+$0xFFFFFFE0]  }
0x95: {  	v31 =	vmul.f32 v9, v24;
	v24 =	vmul.f32 v10, v24;
	v30 =	vld.idx.msk [tilespmem:v30+s10+$0x0], $0xffff  }
0x96: {  	v33 =	vmul.f32 v11, v26;
	v14 =	vmul.f32 v14, v26;
	v32 =	vld [tilespmem:s5+$0xFFFFFFF0]  }
0x97: {  	v26 =	vmul.f32 v15, v27;
	v27 =	vmul.f32 v16, v27;
	v16 =	vld.idx.msk [tilespmem:v23+s10+$0x0], $0xffff  }
0x98: {  	v10 =	vmul.f32 v19, v28;
	v11 =	vmul.f32 v20, v28;
	v15 =	vld [tilespmem:s5+$0x60]  }
0x99: {  	v12 =	vadd.f32 v21, v12;
	v13 =	vadd.f32 v22, v13;
	v18 =	vmul.f32 v18, v29;
	v19 =	vld [tilespmem:s5+$0x70];
	s5 =	sadd.s32 $0x100, s5  }
0x9a: {  	v17 =	vmul.f32 v17, v29;
	v4 =	vadd.f32 v10, v4;
	v8 =	vadd.f32 v11, v8;
	v9 =	vld [tilespmem:s5+$0x0]  }
0x9b: {  	v12 =	vadd.f32 v31, v12;
	v13 =	vadd.f32 v24, v13;
	v20 =	vmul.f32 v25, v30;
	v10 =	vld [tilespmem:s5+$0x10]  }
0x9c: {  	v21 =	vmul.f32 v32, v30;
	v4 =	vadd.f32 v33, v4;
	v8 =	vadd.f32 v14, v8;
	v11 =	vld [tilespmem:s5+$0x20]  }
0x9d: {  	v3 =	vadd.f32 v18, v3;
	v5 =	vadd.f32 v17, v5;
	v14 =	vld [tilespmem:s5+$0x30];
	v17 =	vmul.f32 v15, v16  }
0x9e: {  	v7 =	vadd.f32 v20, v7;
	v6 =	vadd.f32 v21, v6;
	v15 =	vld [tilespmem:s5+$0x40];
	v18 =	vmul.f32 v19, v16  }
0x9f: {  	v3 =	vadd.f32 v26, v3;
	v5 =	vadd.f32 v27, v5;
	v16 =	vld [tilespmem:s5+$0x50]  }
0xa0: {  	s7 =	sadd.s32 s6, s0;
	v7 =	vadd.f32 v17, v7;
	v21 =	vld [tilespmem:s5+$0xFFFFFF80];
	v6 =	vadd.f32 v18, v6  }
0xa1: {  	v23 =	vmov s7;
	v22 =	vld [tilespmem:s5+$0xFFFFFF90]  }
0xa2: {  	v24 =	vor.u32 $0x4, v23;
	v19 =	vld [tilespmem:s5+$0xFFFFFFA0]  }
.Ltmp0:
0xa3: {  	v26 =	vor.u32 $0x5, v23;
	v20 =	vld [tilespmem:s5+$0xFFFFFFB0];
	(pc) =	sbr.rel @p0 .LBB2_3-.Ltmp0, $4  }
0xa4: {  	v27 =	vor.u32 $0x6, v23;
	v18 =	vld [tilespmem:s5+$0xFFFFFFC0]  }
0xa5: {  	v28 =	vor.u32 $0x1, v23;
	v17 =	vld [tilespmem:s5+$0xFFFFFFD0]  }
0xa6: {  	v29 =	vor.u32 $0x2, v23;
	v25 =	vld.idx.msk [tilespmem:v23+s10+$0x0], $0xffff  }
0xa7: {  	s6 =	sadd.s32 $0x8, s6;
	v24 =	vld.idx.msk [tilespmem:v24+s10+$0x0], $0xffff  }
0xa8: {  	_ =	sdelay $0x3  }
0xa9: {  	v26 =	vld.idx.msk [tilespmem:v26+s10+$0x0], $0xffff  }
0xaa: {  	v30 =	vor.u32 $0x3, v23;
	v27 =	vld.idx.msk [tilespmem:v27+s10+$0x0], $0xffff  }
0xab: {  	v28 =	vld.idx.msk [tilespmem:v28+s10+$0x0], $0xffff;
	v23 =	vor.u32 $0x7, v23  }
0xac: {  	v29 =	vld.idx.msk [tilespmem:v29+s10+$0x0], $0xffff  }
0xad: {  	v21 =	vmul.f32 v21, v25;
	v22 =	vmul.f32 v22, v25;
	v25 =	vld [tilespmem:s5+$0xFFFFFFE0]  }
0xae: {  	v9 =	vmul.f32 v9, v24;
	v10 =	vmul.f32 v10, v24;
	v24 =	vld [tilespmem:s5+$0xFFFFFFF0]  }
0xaf: {  	v30 =	vld.idx.msk [tilespmem:v30+s10+$0x0], $0xffff;
	v11 =	vmul.f32 v11, v26;
	v14 =	vmul.f32 v14, v26  }
0xb0: {  	v15 =	vmul.f32 v15, v27;
	v16 =	vmul.f32 v16, v27;
	v23 =	vld.idx.msk [tilespmem:v23+s10+$0x0], $0xffff  }
0xb1: {  	v19 =	vmul.f32 v19, v28;
	v20 =	vmul.f32 v20, v28;
	v26 =	vld [tilespmem:s5+$0x60]  }
0xb2: {  	v12 =	vadd.f32 v21, v12;
	v13 =	vadd.f32 v22, v13;
	v18 =	vmul.f32 v18, v29;
	v21 =	vld [tilespmem:s5+$0x70]  }
0xb3: {  	v17 =	vmul.f32 v17, v29;
	v4 =	vadd.f32 v19, v4;
	v8 =	vadd.f32 v20, v8  }
0xb4: {  	v9 =	vadd.f32 v9, v12;
	v10 =	vadd.f32 v10, v13;
	v19 =	vmul.f32 v25, v30  }
0xb5: {  	v3 =	vadd.f32 v18, v3;
	v5 =	vadd.f32 v17, v5;
	v12 =	vmul.f32 v24, v30  }
0xb6: {  	v4 =	vadd.f32 v11, v4;
	v11 =	vmul.f32 v26, v23;
	v7 =	vadd.f32 v19, v7  }
0xb7: {  	v8 =	vadd.f32 v14, v8;
	v6 =	vadd.f32 v12, v6;
	v12 =	vmul.f32 v21, v23  }
0xb8: {  	v3 =	vadd.f32 v15, v3;
	v7 =	vadd.f32 v11, v7  }
0xb9: {  	v5 =	vadd.f32 v16, v5;
	v6 =	vadd.f32 v12, v6  }
0xba: {  	v4 =	vadd.f32 v4, v9;
	v3 =	vadd.f32 v7, v3  }
0xbb: {  	v7 =	vadd.f32 v8, v10;
	v5 =	vadd.f32 v6, v5  }
0xbc: {  	v3 =	vadd.f32 v3, v4  }
0xbd: {  	s7 =	smul.u32 $0xC00, s11;
	v4 =	vadd.f32 v5, v7  }
0xbe: {  	s6 =	sshra.s32 s4, $0x2;
	v3 =	vmax.f32 v3, $0.0e+00  }
0xbf: {  	s25 =	sshra.s32 s7, $0x2;
	[tilespmem:s6+$0x19C20] =	vst v3;
	v3 =	vmax.f32 v4, $0.0e+00  }
0xc0: {  	s5 =	sadd.s32 $0x300, s25;
	[tilespmem:s6+$0x19C30] =	vst v3  }
0xc1: {  	[tilespmem:s13], [sflag:$0x1] =	stream.indirect.gather [hbm4b:s3+s12], $0x20, s5, s12, $0xb8;
	[tilespmem:$0x1C3A0] =	vst v63  }
0xc2: {  	_ =	swait.ge [sflag:s20], $0xF20  }
0xc3: {  	[sflag:s20] =	ssyncset.done $0x0  }
0xc4: {  	s6 =	simm.s32 $0x14C80;
	[sflag:s20] =	ssyncadd.s32 $0xFFFFF0E0  }
0xc5: {  	v9 =	vld [tilespmem:s6+$0x0]  }
0xc6: {  	v10 =	vld [tilespmem:s6+$0x10]  }
0xc7: {  	v11 =	vld [tilespmem:s6+$0x20]  }
0xc8: {  	v14 =	vld [tilespmem:s6+$0x30]  }
0xc9: {  	v15 =	vld [tilespmem:s6+$0x40]  }
0xca: {  	v16 =	vld [tilespmem:s6+$0x50]  }
0xcb: {  	s8 =	sadd.s32 $0x0, s28;
	v21 =	vld [tilespmem:s6+$0xFFFFFF80]  }
0xcc: {  	v23 =	vmov s8;
	v22 =	vld [tilespmem:s6+$0xFFFFFF90]  }
0xcd: {  	v5 =	vor.u32 $0x4, v23;
	v19 =	vld [tilespmem:s6+$0xFFFFFFA0]  }
0xce: {  	v26 =	vor.u32 $0x5, v23;
	v20 =	vld [tilespmem:s6+$0xFFFFFFB0]  }
0xcf: {  	v27 =	vor.u32 $0x6, v23;
	v18 =	vld [tilespmem:s6+$0xFFFFFFC0]  }
0xd0: {  	v28 =	vor.u32 $0x1, v23;
	v29 =	vor.u32 $0x2, v23;
	v17 =	vld [tilespmem:s6+$0xFFFFFFD0]  }
0xd1: {  	v8 =	vimm.f32 $0.0e+00;
	v6 =	vimm.f32 $0.0e+00;
	v7 =	vimm.f32 $0.0e+00;
	v25 =	vld.idx.msk [tilespmem:v23+s10+$0x0], $0xffff  }
0xd2: {  	s7 =	simm.s32 $0x8;
	v13 =	vmovc v2;
	v12 =	vmovc v1;
	v4 =	vimm.f32 $0.0e+00;
	v3 =	vimm.f32 $0.0e+00;
	s5 =	sor.u32 $0x80, s4;
	v24 =	vld.idx.msk [tilespmem:v5+s10+$0x0], $0xffff;
	v5 =	vimm.f32 $0.0e+00  }
.LBB2_5:
0xd3: {  	p0 =	sne.s32 s7, $0x78;
	v30 =	vor.u32 $0x3, v23;
	v26 =	vld.idx.msk [tilespmem:v26+s10+$0x0], $0xffff  }
0xd4: {  	v27 =	vld.idx.msk [tilespmem:v27+s10+$0x0], $0xffff  }
0xd5: {  	v23 =	vor.u32 $0x7, v23;
	v28 =	vld.idx.msk [tilespmem:v28+s10+$0x0], $0xffff  }
0xd6: {  	v29 =	vld.idx.msk [tilespmem:v29+s10+$0x0], $0xffff  }
0xd7: {  	v21 =	vmul.f32 v21, v25;
	v22 =	vmul.f32 v22, v25;
	v25 =	vld [tilespmem:s6+$0xFFFFFFE0]  }
0xd8: {  	v31 =	vmul.f32 v9, v24;
	v24 =	vmul.f32 v10, v24;
	v30 =	vld.idx.msk [tilespmem:v30+s10+$0x0], $0xffff  }
0xd9: {  	v33 =	vmul.f32 v11, v26;
	v14 =	vmul.f32 v14, v26;
	v32 =	vld [tilespmem:s6+$0xFFFFFFF0]  }
0xda: {  	v26 =	vmul.f32 v15, v27;
	v27 =	vmul.f32 v16, v27;
	v16 =	vld.idx.msk [tilespmem:v23+s10+$0x0], $0xffff  }
0xdb: {  	v10 =	vmul.f32 v19, v28;
	v11 =	vmul.f32 v20, v28;
	v15 =	vld [tilespmem:s6+$0x60]  }
0xdc: {  	v12 =	vadd.f32 v21, v12;
	v13 =	vadd.f32 v22, v13;
	v18 =	vmul.f32 v18, v29;
	v19 =	vld [tilespmem:s6+$0x70];
	s6 =	sadd.s32 $0x100, s6  }
0xdd: {  	v17 =	vmul.f32 v17, v29;
	v4 =	vadd.f32 v10, v4;
	v8 =	vadd.f32 v11, v8;
	v9 =	vld [tilespmem:s6+$0x0]  }
0xde: {  	v12 =	vadd.f32 v31, v12;
	v13 =	vadd.f32 v24, v13;
	v20 =	vmul.f32 v25, v30;
	v10 =	vld [tilespmem:s6+$0x10]  }
0xdf: {  	v21 =	vmul.f32 v32, v30;
	v4 =	vadd.f32 v33, v4;
	v8 =	vadd.f32 v14, v8;
	v11 =	vld [tilespmem:s6+$0x20]  }
0xe0: {  	v3 =	vadd.f32 v18, v3;
	v5 =	vadd.f32 v17, v5;
	v14 =	vld [tilespmem:s6+$0x30];
	v17 =	vmul.f32 v15, v16  }
0xe1: {  	v7 =	vadd.f32 v20, v7;
	v6 =	vadd.f32 v21, v6;
	v15 =	vld [tilespmem:s6+$0x40];
	v18 =	vmul.f32 v19, v16  }
0xe2: {  	v3 =	vadd.f32 v26, v3;
	v5 =	vadd.f32 v27, v5;
	v16 =	vld [tilespmem:s6+$0x50]  }
0xe3: {  	s8 =	sadd.s32 s7, s28;
	v7 =	vadd.f32 v17, v7;
	v21 =	vld [tilespmem:s6+$0xFFFFFF80];
	v6 =	vadd.f32 v18, v6  }
0xe4: {  	v23 =	vmov s8;
	v22 =	vld [tilespmem:s6+$0xFFFFFF90]  }
0xe5: {  	v24 =	vor.u32 $0x4, v23;
	v19 =	vld [tilespmem:s6+$0xFFFFFFA0]  }
.Ltmp1:
0xe6: {  	v26 =	vor.u32 $0x5, v23;
	v20 =	vld [tilespmem:s6+$0xFFFFFFB0];
	(pc) =	sbr.rel @p0 .LBB2_5-.Ltmp1, $4  }
0xe7: {  	v27 =	vor.u32 $0x6, v23;
	v18 =	vld [tilespmem:s6+$0xFFFFFFC0]  }
0xe8: {  	v28 =	vor.u32 $0x1, v23;
	v17 =	vld [tilespmem:s6+$0xFFFFFFD0]  }
0xe9: {  	v29 =	vor.u32 $0x2, v23;
	v25 =	vld.idx.msk [tilespmem:v23+s10+$0x0], $0xffff  }
0xea: {  	s7 =	sadd.s32 $0x8, s7;
	v24 =	vld.idx.msk [tilespmem:v24+s10+$0x0], $0xffff  }
0xeb: {  	_ =	sdelay $0x3  }
0xec: {  	v26 =	vld.idx.msk [tilespmem:v26+s10+$0x0], $0xffff  }
0xed: {  	v30 =	vor.u32 $0x3, v23;
	v27 =	vld.idx.msk [tilespmem:v27+s10+$0x0], $0xffff  }
0xee: {  	v28 =	vld.idx.msk [tilespmem:v28+s10+$0x0], $0xffff;
	v23 =	vor.u32 $0x7, v23  }
0xef: {  	v29 =	vld.idx.msk [tilespmem:v29+s10+$0x0], $0xffff  }
0xf0: {  	v21 =	vmul.f32 v21, v25;
	v22 =	vmul.f32 v22, v25;
	v25 =	vld [tilespmem:s6+$0xFFFFFFE0]  }
0xf1: {  	v9 =	vmul.f32 v9, v24;
	v10 =	vmul.f32 v10, v24;
	v24 =	vld [tilespmem:s6+$0xFFFFFFF0]  }
0xf2: {  	v30 =	vld.idx.msk [tilespmem:v30+s10+$0x0], $0xffff;
	v11 =	vmul.f32 v11, v26;
	v14 =	vmul.f32 v14, v26  }
0xf3: {  	v15 =	vmul.f32 v15, v27;
	v16 =	vmul.f32 v16, v27;
	v23 =	vld.idx.msk [tilespmem:v23+s10+$0x0], $0xffff  }
0xf4: {  	v19 =	vmul.f32 v19, v28;
	v20 =	vmul.f32 v20, v28;
	v26 =	vld [tilespmem:s6+$0x60]  }
0xf5: {  	v12 =	vadd.f32 v21, v12;
	v13 =	vadd.f32 v22, v13;
	v18 =	vmul.f32 v18, v29;
	v21 =	vld [tilespmem:s6+$0x70]  }
0xf6: {  	v17 =	vmul.f32 v17, v29;
	v4 =	vadd.f32 v19, v4;
	v8 =	vadd.f32 v20, v8  }
0xf7: {  	v9 =	vadd.f32 v9, v12;
	v10 =	vadd.f32 v10, v13;
	v19 =	vmul.f32 v25, v30  }
0xf8: {  	v3 =	vadd.f32 v18, v3;
	v5 =	vadd.f32 v17, v5;
	v12 =	vmul.f32 v24, v30  }
0xf9: {  	v4 =	vadd.f32 v11, v4;
	v11 =	vmul.f32 v26, v23;
	v7 =	vadd.f32 v19, v7  }
0xfa: {  	v8 =	vadd.f32 v14, v8;
	v6 =	vadd.f32 v12, v6;
	v12 =	vmul.f32 v21, v23  }
0xfb: {  	v3 =	vadd.f32 v15, v3;
	v7 =	vadd.f32 v11, v7  }
0xfc: {  	v5 =	vadd.f32 v16, v5;
	v6 =	vadd.f32 v12, v6  }
0xfd: {  	v4 =	vadd.f32 v4, v9;
	v3 =	vadd.f32 v7, v3  }
0xfe: {  	v7 =	vadd.f32 v8, v10;
	v5 =	vadd.f32 v6, v5  }
0xff: {  	v3 =	vadd.f32 v3, v4  }
0x100: {  	v4 =	vadd.f32 v5, v7  }
0x101: {  	s5 =	sshra.s32 s5, $0x2;
	v3 =	vmax.f32 v3, $0.0e+00  }
0x102: {  	[tilespmem:s5+$0x19C20] =	vst v3;
	v3 =	vmax.f32 v4, $0.0e+00  }
0x103: {  	s7 =	sadd.s32 $0x380, s25;
	[tilespmem:s5+$0x19C30] =	vst v3  }
0x104: {  	[tilespmem:s14], [sflag:$0x2] =	stream.indirect.gather [hbm4b:s3+s12], $0x20, s7, s12, $0xb8;
	[tilespmem:$0x1C3A0] =	vst v63  }
0x105: {  	_ =	swait.ge [sflag:s21], $0xF20  }
0x106: {  	[sflag:s21] =	ssyncset.done $0x0  }
0x107: {  	s6 =	simm.s32 $0x15C80;
	[sflag:s21] =	ssyncadd.s32 $0xFFFFF0E0  }
0x108: {  	v9 =	vld [tilespmem:s6+$0x0]  }
0x109: {  	v10 =	vld [tilespmem:s6+$0x10]  }
0x10a: {  	v11 =	vld [tilespmem:s6+$0x20]  }
0x10b: {  	v14 =	vld [tilespmem:s6+$0x30]  }
0x10c: {  	v15 =	vld [tilespmem:s6+$0x40]  }
0x10d: {  	v16 =	vld [tilespmem:s6+$0x50]  }
0x10e: {  	s8 =	sadd.s32 $0x0, s29;
	v21 =	vld [tilespmem:s6+$0xFFFFFF80]  }
0x10f: {  	v23 =	vmov s8;
	v22 =	vld [tilespmem:s6+$0xFFFFFF90]  }
0x110: {  	v5 =	vor.u32 $0x4, v23;
	v19 =	vld [tilespmem:s6+$0xFFFFFFA0]  }
0x111: {  	v26 =	vor.u32 $0x5, v23;
	v20 =	vld [tilespmem:s6+$0xFFFFFFB0]  }
0x112: {  	v27 =	vor.u32 $0x6, v23;
	v18 =	vld [tilespmem:s6+$0xFFFFFFC0]  }
0x113: {  	v28 =	vor.u32 $0x1, v23;
	v29 =	vor.u32 $0x2, v23;
	v17 =	vld [tilespmem:s6+$0xFFFFFFD0]  }
0x114: {  	v8 =	vimm.f32 $0.0e+00;
	v6 =	vimm.f32 $0.0e+00;
	v7 =	vimm.f32 $0.0e+00;
	v25 =	vld.idx.msk [tilespmem:v23+s10+$0x0], $0xffff  }
0x115: {  	v13 =	vmovc v2;
	v12 =	vmovc v1;
	v4 =	vimm.f32 $0.0e+00;
	v3 =	vimm.f32 $0.0e+00;
	s5 =	sadd.s32 $0x100, s4;
	s7 =	simm.s32 $0x8;
	v24 =	vld.idx.msk [tilespmem:v5+s10+$0x0], $0xffff;
	v5 =	vimm.f32 $0.0e+00  }
.LBB2_7:
0x116: {  	p0 =	sne.s32 s7, $0x78;
	v30 =	vor.u32 $0x3, v23;
	v26 =	vld.idx.msk [tilespmem:v26+s10+$0x0], $0xffff  }
0x117: {  	v27 =	vld.idx.msk [tilespmem:v27+s10+$0x0], $0xffff  }
0x118: {  	v23 =	vor.u32 $0x7, v23;
	v28 =	vld.idx.msk [tilespmem:v28+s10+$0x0], $0xffff  }
0x119: {  	v29 =	vld.idx.msk [tilespmem:v29+s10+$0x0], $0xffff  }
0x11a: {  	v21 =	vmul.f32 v21, v25;
	v22 =	vmul.f32 v22, v25;
	v25 =	vld [tilespmem:s6+$0xFFFFFFE0]  }
0x11b: {  	v31 =	vmul.f32 v9, v24;
	v24 =	vmul.f32 v10, v24;
	v30 =	vld.idx.msk [tilespmem:v30+s10+$0x0], $0xffff  }
0x11c: {  	v33 =	vmul.f32 v11, v26;
	v14 =	vmul.f32 v14, v26;
	v32 =	vld [tilespmem:s6+$0xFFFFFFF0]  }
0x11d: {  	v26 =	vmul.f32 v15, v27;
	v27 =	vmul.f32 v16, v27;
	v16 =	vld.idx.msk [tilespmem:v23+s10+$0x0], $0xffff  }
0x11e: {  	v10 =	vmul.f32 v19, v28;
	v11 =	vmul.f32 v20, v28;
	v15 =	vld [tilespmem:s6+$0x60]  }
0x11f: {  	v12 =	vadd.f32 v21, v12;
	v13 =	vadd.f32 v22, v13;
	v18 =	vmul.f32 v18, v29;
	v19 =	vld [tilespmem:s6+$0x70];
	s6 =	sadd.s32 $0x100, s6  }
0x120: {  	v17 =	vmul.f32 v17, v29;
	v4 =	vadd.f32 v10, v4;
	v8 =	vadd.f32 v11, v8;
	v9 =	vld [tilespmem:s6+$0x0]  }
0x121: {  	v12 =	vadd.f32 v31, v12;
	v13 =	vadd.f32 v24, v13;
	v20 =	vmul.f32 v25, v30;
	v10 =	vld [tilespmem:s6+$0x10]  }
0x122: {  	v21 =	vmul.f32 v32, v30;
	v4 =	vadd.f32 v33, v4;
	v8 =	vadd.f32 v14, v8;
	v11 =	vld [tilespmem:s6+$0x20]  }
0x123: {  	v3 =	vadd.f32 v18, v3;
	v5 =	vadd.f32 v17, v5;
	v14 =	vld [tilespmem:s6+$0x30];
	v17 =	vmul.f32 v15, v16  }
0x124: {  	v7 =	vadd.f32 v20, v7;
	v6 =	vadd.f32 v21, v6;
	v15 =	vld [tilespmem:s6+$0x40];
	v18 =	vmul.f32 v19, v16  }
0x125: {  	v3 =	vadd.f32 v26, v3;
	v5 =	vadd.f32 v27, v5;
	v16 =	vld [tilespmem:s6+$0x50]  }
0x126: {  	s8 =	sadd.s32 s7, s29;
	v7 =	vadd.f32 v17, v7;
	v21 =	vld [tilespmem:s6+$0xFFFFFF80];
	v6 =	vadd.f32 v18, v6  }
0x127: {  	v23 =	vmov s8;
	v22 =	vld [tilespmem:s6+$0xFFFFFF90]  }
0x128: {  	v24 =	vor.u32 $0x4, v23;
	v19 =	vld [tilespmem:s6+$0xFFFFFFA0]  }
.Ltmp2:
0x129: {  	v26 =	vor.u32 $0x5, v23;
	v20 =	vld [tilespmem:s6+$0xFFFFFFB0];
	(pc) =	sbr.rel @p0 .LBB2_7-.Ltmp2, $4  }
0x12a: {  	v27 =	vor.u32 $0x6, v23;
	v18 =	vld [tilespmem:s6+$0xFFFFFFC0]  }
0x12b: {  	v28 =	vor.u32 $0x1, v23;
	v17 =	vld [tilespmem:s6+$0xFFFFFFD0]  }
0x12c: {  	v29 =	vor.u32 $0x2, v23;
	v25 =	vld.idx.msk [tilespmem:v23+s10+$0x0], $0xffff  }
0x12d: {  	s7 =	sadd.s32 $0x8, s7;
	v24 =	vld.idx.msk [tilespmem:v24+s10+$0x0], $0xffff  }
0x12e: {  	_ =	sdelay $0x3  }
0x12f: {  	v26 =	vld.idx.msk [tilespmem:v26+s10+$0x0], $0xffff  }
0x130: {  	v30 =	vor.u32 $0x3, v23;
	v27 =	vld.idx.msk [tilespmem:v27+s10+$0x0], $0xffff  }
0x131: {  	v28 =	vld.idx.msk [tilespmem:v28+s10+$0x0], $0xffff;
	v23 =	vor.u32 $0x7, v23  }
0x132: {  	v29 =	vld.idx.msk [tilespmem:v29+s10+$0x0], $0xffff  }
0x133: {  	v21 =	vmul.f32 v21, v25;
	v22 =	vmul.f32 v22, v25;
	v25 =	vld [tilespmem:s6+$0xFFFFFFE0]  }
0x134: {  	v9 =	vmul.f32 v9, v24;
	v10 =	vmul.f32 v10, v24;
	v24 =	vld [tilespmem:s6+$0xFFFFFFF0]  }
0x135: {  	v30 =	vld.idx.msk [tilespmem:v30+s10+$0x0], $0xffff;
	v11 =	vmul.f32 v11, v26;
	v14 =	vmul.f32 v14, v26  }
0x136: {  	v15 =	vmul.f32 v15, v27;
	v16 =	vmul.f32 v16, v27;
	v23 =	vld.idx.msk [tilespmem:v23+s10+$0x0], $0xffff  }
0x137: {  	v19 =	vmul.f32 v19, v28;
	v20 =	vmul.f32 v20, v28;
	v26 =	vld [tilespmem:s6+$0x60]  }
0x138: {  	v12 =	vadd.f32 v21, v12;
	v13 =	vadd.f32 v22, v13;
	v18 =	vmul.f32 v18, v29;
	v21 =	vld [tilespmem:s6+$0x70]  }
0x139: {  	v17 =	vmul.f32 v17, v29;
	v4 =	vadd.f32 v19, v4;
	v8 =	vadd.f32 v20, v8  }
0x13a: {  	v9 =	vadd.f32 v9, v12;
	v10 =	vadd.f32 v10, v13;
	v19 =	vmul.f32 v25, v30  }
0x13b: {  	v3 =	vadd.f32 v18, v3;
	v5 =	vadd.f32 v17, v5;
	v12 =	vmul.f32 v24, v30  }
0x13c: {  	v4 =	vadd.f32 v11, v4;
	v11 =	vmul.f32 v26, v23;
	v7 =	vadd.f32 v19, v7  }
0x13d: {  	v8 =	vadd.f32 v14, v8;
	v6 =	vadd.f32 v12, v6;
	v12 =	vmul.f32 v21, v23  }
0x13e: {  	v3 =	vadd.f32 v15, v3;
	v7 =	vadd.f32 v11, v7  }
0x13f: {  	v5 =	vadd.f32 v16, v5;
	v6 =	vadd.f32 v12, v6  }
0x140: {  	v4 =	vadd.f32 v4, v9;
	v3 =	vadd.f32 v7, v3  }
0x141: {  	v7 =	vadd.f32 v8, v10;
	v5 =	vadd.f32 v6, v5  }
0x142: {  	v3 =	vadd.f32 v3, v4  }
0x143: {  	v4 =	vadd.f32 v5, v7  }
0x144: {  	s5 =	sshra.s32 s5, $0x2;
	v3 =	vmax.f32 v3, $0.0e+00  }
0x145: {  	[tilespmem:s5+$0x19C20] =	vst v3;
	v3 =	vmax.f32 v4, $0.0e+00  }
0x146: {  	s7 =	sadd.s32 $0x400, s25;
	[tilespmem:s5+$0x19C30] =	vst v3  }
0x147: {  	[tilespmem:s15], [sflag:$0x3] =	stream.indirect.gather [hbm4b:s3+s12], $0x20, s7, s12, $0xb8;
	[tilespmem:$0x1C3A0] =	vst v63  }
0x148: {  	_ =	swait.ge [sflag:s22], $0xF20  }
0x149: {  	[sflag:s22] =	ssyncset.done $0x0  }
0x14a: {  	s6 =	simm.s32 $0x16C80;
	[sflag:s22] =	ssyncadd.s32 $0xFFFFF0E0  }
0x14b: {  	v9 =	vld [tilespmem:s6+$0x0]  }
0x14c: {  	v10 =	vld [tilespmem:s6+$0x10]  }
0x14d: {  	v11 =	vld [tilespmem:s6+$0x20]  }
0x14e: {  	v14 =	vld [tilespmem:s6+$0x30]  }
0x14f: {  	v15 =	vld [tilespmem:s6+$0x40]  }
0x150: {  	v16 =	vld [tilespmem:s6+$0x50]  }
0x151: {  	s8 =	sadd.s32 $0x0, s30;
	v21 =	vld [tilespmem:s6+$0xFFFFFF80]  }
0x152: {  	v23 =	vmov s8;
	v22 =	vld [tilespmem:s6+$0xFFFFFF90]  }
0x153: {  	v5 =	vor.u32 $0x4, v23;
	v19 =	vld [tilespmem:s6+$0xFFFFFFA0]  }
0x154: {  	v26 =	vor.u32 $0x5, v23;
	v20 =	vld [tilespmem:s6+$0xFFFFFFB0]  }
0x155: {  	v27 =	vor.u32 $0x6, v23;
	v18 =	vld [tilespmem:s6+$0xFFFFFFC0]  }
0x156: {  	v28 =	vor.u32 $0x1, v23;
	v29 =	vor.u32 $0x2, v23;
	v17 =	vld [tilespmem:s6+$0xFFFFFFD0]  }
0x157: {  	v8 =	vimm.f32 $0.0e+00;
	v6 =	vimm.f32 $0.0e+00;
	v7 =	vimm.f32 $0.0e+00;
	v25 =	vld.idx.msk [tilespmem:v23+s10+$0x0], $0xffff  }
0x158: {  	v13 =	vmovc v2;
	v12 =	vmovc v1;
	v4 =	vimm.f32 $0.0e+00;
	v3 =	vimm.f32 $0.0e+00;
	s5 =	sadd.s32 $0x180, s4;
	s7 =	simm.s32 $0x8;
	v24 =	vld.idx.msk [tilespmem:v5+s10+$0x0], $0xffff;
	v5 =	vimm.f32 $0.0e+00  }
.LBB2_9:
0x159: {  	p0 =	sne.s32 s7, $0x78;
	v30 =	vor.u32 $0x3, v23;
	v26 =	vld.idx.msk [tilespmem:v26+s10+$0x0], $0xffff  }
0x15a: {  	v27 =	vld.idx.msk [tilespmem:v27+s10+$0x0], $0xffff  }
0x15b: {  	v23 =	vor.u32 $0x7, v23;
	v28 =	vld.idx.msk [tilespmem:v28+s10+$0x0], $0xffff  }
0x15c: {  	v29 =	vld.idx.msk [tilespmem:v29+s10+$0x0], $0xffff  }
0x15d: {  	v21 =	vmul.f32 v21, v25;
	v22 =	vmul.f32 v22, v25;
	v25 =	vld [tilespmem:s6+$0xFFFFFFE0]  }
0x15e: {  	v31 =	vmul.f32 v9, v24;
	v24 =	vmul.f32 v10, v24;
	v30 =	vld.idx.msk [tilespmem:v30+s10+$0x0], $0xffff  }
0x15f: {  	v33 =	vmul.f32 v11, v26;
	v14 =	vmul.f32 v14, v26;
	v32 =	vld [tilespmem:s6+$0xFFFFFFF0]  }
0x160: {  	v26 =	vmul.f32 v15, v27;
	v27 =	vmul.f32 v16, v27;
	v16 =	vld.idx.msk [tilespmem:v23+s10+$0x0], $0xffff  }
0x161: {  	v10 =	vmul.f32 v19, v28;
	v11 =	vmul.f32 v20, v28;
	v15 =	vld [tilespmem:s6+$0x60]  }
0x162: {  	v12 =	vadd.f32 v21, v12;
	v13 =	vadd.f32 v22, v13;
	v18 =	vmul.f32 v18, v29;
	v19 =	vld [tilespmem:s6+$0x70];
	s6 =	sadd.s32 $0x100, s6  }
0x163: {  	v17 =	vmul.f32 v17, v29;
	v4 =	vadd.f32 v10, v4;
	v8 =	vadd.f32 v11, v8;
	v9 =	vld [tilespmem:s6+$0x0]  }
0x164: {  	v12 =	vadd.f32 v31, v12;
	v13 =	vadd.f32 v24, v13;
	v20 =	vmul.f32 v25, v30;
	v10 =	vld [tilespmem:s6+$0x10]  }
0x165: {  	v21 =	vmul.f32 v32, v30;
	v4 =	vadd.f32 v33, v4;
	v8 =	vadd.f32 v14, v8;
	v11 =	vld [tilespmem:s6+$0x20]  }
0x166: {  	v3 =	vadd.f32 v18, v3;
	v5 =	vadd.f32 v17, v5;
	v14 =	vld [tilespmem:s6+$0x30];
	v17 =	vmul.f32 v15, v16  }
0x167: {  	v7 =	vadd.f32 v20, v7;
	v6 =	vadd.f32 v21, v6;
	v15 =	vld [tilespmem:s6+$0x40];
	v18 =	vmul.f32 v19, v16  }
0x168: {  	v3 =	vadd.f32 v26, v3;
	v5 =	vadd.f32 v27, v5;
	v16 =	vld [tilespmem:s6+$0x50]  }
0x169: {  	s8 =	sadd.s32 s7, s30;
	v7 =	vadd.f32 v17, v7;
	v21 =	vld [tilespmem:s6+$0xFFFFFF80];
	v6 =	vadd.f32 v18, v6  }
0x16a: {  	v23 =	vmov s8;
	v22 =	vld [tilespmem:s6+$0xFFFFFF90]  }
0x16b: {  	v24 =	vor.u32 $0x4, v23;
	v19 =	vld [tilespmem:s6+$0xFFFFFFA0]  }
.Ltmp3:
0x16c: {  	v26 =	vor.u32 $0x5, v23;
	v20 =	vld [tilespmem:s6+$0xFFFFFFB0];
	(pc) =	sbr.rel @p0 .LBB2_9-.Ltmp3, $4  }
0x16d: {  	v27 =	vor.u32 $0x6, v23;
	v18 =	vld [tilespmem:s6+$0xFFFFFFC0]  }
0x16e: {  	v28 =	vor.u32 $0x1, v23;
	v17 =	vld [tilespmem:s6+$0xFFFFFFD0]  }
0x16f: {  	v29 =	vor.u32 $0x2, v23;
	v25 =	vld.idx.msk [tilespmem:v23+s10+$0x0], $0xffff  }
0x170: {  	s7 =	sadd.s32 $0x8, s7;
	v24 =	vld.idx.msk [tilespmem:v24+s10+$0x0], $0xffff  }
0x171: {  	_ =	sdelay $0x3  }
0x172: {  	v26 =	vld.idx.msk [tilespmem:v26+s10+$0x0], $0xffff  }
0x173: {  	v30 =	vor.u32 $0x3, v23;
	v27 =	vld.idx.msk [tilespmem:v27+s10+$0x0], $0xffff  }
0x174: {  	v28 =	vld.idx.msk [tilespmem:v28+s10+$0x0], $0xffff;
	v23 =	vor.u32 $0x7, v23  }
0x175: {  	v29 =	vld.idx.msk [tilespmem:v29+s10+$0x0], $0xffff  }
0x176: {  	v21 =	vmul.f32 v21, v25;
	v22 =	vmul.f32 v22, v25;
	v25 =	vld [tilespmem:s6+$0xFFFFFFE0]  }
0x177: {  	v9 =	vmul.f32 v9, v24;
	v10 =	vmul.f32 v10, v24;
	v24 =	vld [tilespmem:s6+$0xFFFFFFF0]  }
0x178: {  	v30 =	vld.idx.msk [tilespmem:v30+s10+$0x0], $0xffff;
	v11 =	vmul.f32 v11, v26;
	v14 =	vmul.f32 v14, v26  }
0x179: {  	v15 =	vmul.f32 v15, v27;
	v16 =	vmul.f32 v16, v27;
	v23 =	vld.idx.msk [tilespmem:v23+s10+$0x0], $0xffff  }
0x17a: {  	v19 =	vmul.f32 v19, v28;
	v20 =	vmul.f32 v20, v28;
	v26 =	vld [tilespmem:s6+$0x60]  }
0x17b: {  	v12 =	vadd.f32 v21, v12;
	v13 =	vadd.f32 v22, v13;
	v18 =	vmul.f32 v18, v29;
	v21 =	vld [tilespmem:s6+$0x70]  }
0x17c: {  	v17 =	vmul.f32 v17, v29;
	v4 =	vadd.f32 v19, v4;
	v8 =	vadd.f32 v20, v8  }
0x17d: {  	v9 =	vadd.f32 v9, v12;
	v10 =	vadd.f32 v10, v13;
	v19 =	vmul.f32 v25, v30  }
0x17e: {  	v3 =	vadd.f32 v18, v3;
	v5 =	vadd.f32 v17, v5;
	v12 =	vmul.f32 v24, v30  }
0x17f: {  	v4 =	vadd.f32 v11, v4;
	v11 =	vmul.f32 v26, v23;
	v7 =	vadd.f32 v19, v7  }
0x180: {  	v8 =	vadd.f32 v14, v8;
	v6 =	vadd.f32 v12, v6;
	v12 =	vmul.f32 v21, v23  }
0x181: {  	v3 =	vadd.f32 v15, v3;
	v7 =	vadd.f32 v11, v7  }
0x182: {  	v5 =	vadd.f32 v16, v5;
	v6 =	vadd.f32 v12, v6  }
0x183: {  	v4 =	vadd.f32 v4, v9;
	v3 =	vadd.f32 v7, v3  }
0x184: {  	v7 =	vadd.f32 v8, v10;
	v5 =	vadd.f32 v6, v5  }
0x185: {  	v3 =	vadd.f32 v3, v4  }
0x186: {  	v4 =	vadd.f32 v5, v7  }
0x187: {  	s5 =	sshra.s32 s5, $0x2;
	v3 =	vmax.f32 v3, $0.0e+00  }
0x188: {  	[tilespmem:s5+$0x19C20] =	vst v3;
	v3 =	vmax.f32 v4, $0.0e+00  }
0x189: {  	s7 =	sadd.s32 $0x480, s25;
	[tilespmem:s5+$0x19C30] =	vst v3  }
0x18a: {  	[tilespmem:s16], [sflag:$0x4] =	stream.indirect.gather [hbm4b:s3+s12], $0x20, s7, s12, $0xb8;
	[tilespmem:$0x1C3A0] =	vst v63  }
0x18b: {  	_ =	swait.ge [sflag:s23], $0xF20  }
0x18c: {  	[sflag:s23] =	ssyncset.done $0x0  }
0x18d: {  	s5 =	simm.s32 $0x17C80;
	[sflag:s23] =	ssyncadd.s32 $0xFFFFF0E0  }
0x18e: {  	v9 =	vld [tilespmem:s5+$0x0]  }
0x18f: {  	v10 =	vld [tilespmem:s5+$0x10]  }
0x190: {  	v11 =	vld [tilespmem:s5+$0x20]  }
0x191: {  	v14 =	vld [tilespmem:s5+$0x30]  }
0x192: {  	v15 =	vld [tilespmem:s5+$0x40]  }
0x193: {  	v16 =	vld [tilespmem:s5+$0x50]  }
0x194: {  	s8 =	sadd.s32 $0x0, s31;
	v21 =	vld [tilespmem:s5+$0xFFFFFF80]  }
0x195: {  	v23 =	vmov s8;
	v22 =	vld [tilespmem:s5+$0xFFFFFF90]  }
0x196: {  	v5 =	vor.u32 $0x4, v23;
	v19 =	vld [tilespmem:s5+$0xFFFFFFA0]  }
0x197: {  	v26 =	vor.u32 $0x5, v23;
	v20 =	vld [tilespmem:s5+$0xFFFFFFB0]  }
0x198: {  	v27 =	vor.u32 $0x6, v23;
	v18 =	vld [tilespmem:s5+$0xFFFFFFC0]  }
0x199: {  	v28 =	vor.u32 $0x1, v23;
	v29 =	vor.u32 $0x2, v23;
	v17 =	vld [tilespmem:s5+$0xFFFFFFD0]  }
0x19a: {  	v8 =	vimm.f32 $0.0e+00;
	v6 =	vimm.f32 $0.0e+00;
	v7 =	vimm.f32 $0.0e+00;
	v25 =	vld.idx.msk [tilespmem:v23+s10+$0x0], $0xffff  }
0x19b: {  	s4 =	sadd.s32 $0x200, s4;
	s6 =	simm.s32 $0x8;
	v13 =	vmovc v2;
	v12 =	vmovc v1;
	v4 =	vimm.f32 $0.0e+00;
	v3 =	vimm.f32 $0.0e+00;
	v24 =	vld.idx.msk [tilespmem:v5+s10+$0x0], $0xffff;
	v5 =	vimm.f32 $0.0e+00  }
.LBB2_11:
0x19c: {  	p0 =	sne.s32 s6, $0x78;
	v30 =	vor.u32 $0x3, v23;
	v26 =	vld.idx.msk [tilespmem:v26+s10+$0x0], $0xffff  }
0x19d: {  	v27 =	vld.idx.msk [tilespmem:v27+s10+$0x0], $0xffff  }
0x19e: {  	v23 =	vor.u32 $0x7, v23;
	v28 =	vld.idx.msk [tilespmem:v28+s10+$0x0], $0xffff  }
0x19f: {  	v29 =	vld.idx.msk [tilespmem:v29+s10+$0x0], $0xffff  }
0x1a0: {  	v21 =	vmul.f32 v21, v25;
	v22 =	vmul.f32 v22, v25;
	v25 =	vld [tilespmem:s5+$0xFFFFFFE0]  }
0x1a1: {  	v31 =	vmul.f32 v9, v24;
	v24 =	vmul.f32 v10, v24;
	v30 =	vld.idx.msk [tilespmem:v30+s10+$0x0], $0xffff  }
0x1a2: {  	v33 =	vmul.f32 v11, v26;
	v14 =	vmul.f32 v14, v26;
	v32 =	vld [tilespmem:s5+$0xFFFFFFF0]  }
0x1a3: {  	v26 =	vmul.f32 v15, v27;
	v27 =	vmul.f32 v16, v27;
	v16 =	vld.idx.msk [tilespmem:v23+s10+$0x0], $0xffff  }
0x1a4: {  	v10 =	vmul.f32 v19, v28;
	v11 =	vmul.f32 v20, v28;
	v15 =	vld [tilespmem:s5+$0x60]  }
0x1a5: {  	v12 =	vadd.f32 v21, v12;
	v13 =	vadd.f32 v22, v13;
	v18 =	vmul.f32 v18, v29;
	v19 =	vld [tilespmem:s5+$0x70];
	s5 =	sadd.s32 $0x100, s5  }
0x1a6: {  	v17 =	vmul.f32 v17, v29;
	v4 =	vadd.f32 v10, v4;
	v8 =	vadd.f32 v11, v8;
	v9 =	vld [tilespmem:s5+$0x0]  }
0x1a7: {  	v12 =	vadd.f32 v31, v12;
	v13 =	vadd.f32 v24, v13;
	v20 =	vmul.f32 v25, v30;
	v10 =	vld [tilespmem:s5+$0x10]  }
0x1a8: {  	v21 =	vmul.f32 v32, v30;
	v4 =	vadd.f32 v33, v4;
	v8 =	vadd.f32 v14, v8;
	v11 =	vld [tilespmem:s5+$0x20]  }
0x1a9: {  	v3 =	vadd.f32 v18, v3;
	v5 =	vadd.f32 v17, v5;
	v14 =	vld [tilespmem:s5+$0x30];
	v17 =	vmul.f32 v15, v16  }
0x1aa: {  	v7 =	vadd.f32 v20, v7;
	v6 =	vadd.f32 v21, v6;
	v15 =	vld [tilespmem:s5+$0x40];
	v18 =	vmul.f32 v19, v16  }
0x1ab: {  	v3 =	vadd.f32 v26, v3;
	v5 =	vadd.f32 v27, v5;
	v16 =	vld [tilespmem:s5+$0x50]  }
0x1ac: {  	s7 =	sadd.s32 s6, s31;
	v7 =	vadd.f32 v17, v7;
	v21 =	vld [tilespmem:s5+$0xFFFFFF80];
	v6 =	vadd.f32 v18, v6  }
0x1ad: {  	v23 =	vmov s7;
	v22 =	vld [tilespmem:s5+$0xFFFFFF90]  }
0x1ae: {  	v24 =	vor.u32 $0x4, v23;
	v19 =	vld [tilespmem:s5+$0xFFFFFFA0]  }
.Ltmp4:
0x1af: {  	v26 =	vor.u32 $0x5, v23;
	v20 =	vld [tilespmem:s5+$0xFFFFFFB0];
	(pc) =	sbr.rel @p0 .LBB2_11-.Ltmp4, $4  }
0x1b0: {  	v27 =	vor.u32 $0x6, v23;
	v18 =	vld [tilespmem:s5+$0xFFFFFFC0]  }
0x1b1: {  	v28 =	vor.u32 $0x1, v23;
	v17 =	vld [tilespmem:s5+$0xFFFFFFD0]  }
0x1b2: {  	v29 =	vor.u32 $0x2, v23;
	v25 =	vld.idx.msk [tilespmem:v23+s10+$0x0], $0xffff  }
0x1b3: {  	s6 =	sadd.s32 $0x8, s6;
	v24 =	vld.idx.msk [tilespmem:v24+s10+$0x0], $0xffff  }
0x1b4: {  	_ =	sdelay $0x3  }
0x1b5: {  	v26 =	vld.idx.msk [tilespmem:v26+s10+$0x0], $0xffff  }
0x1b6: {  	v30 =	vor.u32 $0x3, v23;
	v27 =	vld.idx.msk [tilespmem:v27+s10+$0x0], $0xffff  }
0x1b7: {  	v28 =	vld.idx.msk [tilespmem:v28+s10+$0x0], $0xffff;
	v23 =	vor.u32 $0x7, v23  }
0x1b8: {  	v29 =	vld.idx.msk [tilespmem:v29+s10+$0x0], $0xffff  }
0x1b9: {  	v21 =	vmul.f32 v21, v25;
	v22 =	vmul.f32 v22, v25;
	v25 =	vld [tilespmem:s5+$0xFFFFFFE0]  }
0x1ba: {  	v9 =	vmul.f32 v9, v24;
	v10 =	vmul.f32 v10, v24;
	v24 =	vld [tilespmem:s5+$0xFFFFFFF0]  }
0x1bb: {  	v30 =	vld.idx.msk [tilespmem:v30+s10+$0x0], $0xffff;
	v11 =	vmul.f32 v11, v26;
	v14 =	vmul.f32 v14, v26  }
0x1bc: {  	v15 =	vmul.f32 v15, v27;
	v16 =	vmul.f32 v16, v27;
	v23 =	vld.idx.msk [tilespmem:v23+s10+$0x0], $0xffff  }
0x1bd: {  	v19 =	vmul.f32 v19, v28;
	v20 =	vmul.f32 v20, v28;
	v26 =	vld [tilespmem:s5+$0x60]  }
0x1be: {  	v12 =	vadd.f32 v21, v12;
	v13 =	vadd.f32 v22, v13;
	v18 =	vmul.f32 v18, v29;
	v21 =	vld [tilespmem:s5+$0x70]  }
0x1bf: {  	v17 =	vmul.f32 v17, v29;
	v4 =	vadd.f32 v19, v4;
	v8 =	vadd.f32 v20, v8  }
0x1c0: {  	v9 =	vadd.f32 v9, v12;
	v10 =	vadd.f32 v10, v13;
	v19 =	vmul.f32 v25, v30  }
0x1c1: {  	v3 =	vadd.f32 v18, v3;
	v5 =	vadd.f32 v17, v5;
	v12 =	vmul.f32 v24, v30  }
0x1c2: {  	v4 =	vadd.f32 v11, v4;
	v11 =	vmul.f32 v26, v23;
	v7 =	vadd.f32 v19, v7  }
0x1c3: {  	v8 =	vadd.f32 v14, v8;
	v6 =	vadd.f32 v12, v6;
	v12 =	vmul.f32 v21, v23  }
0x1c4: {  	v3 =	vadd.f32 v15, v3;
	v7 =	vadd.f32 v11, v7  }
0x1c5: {  	v5 =	vadd.f32 v16, v5;
	v6 =	vadd.f32 v12, v6  }
0x1c6: {  	v4 =	vadd.f32 v4, v9;
	v3 =	vadd.f32 v7, v3  }
0x1c7: {  	v7 =	vadd.f32 v8, v10;
	v5 =	vadd.f32 v6, v5  }
0x1c8: {  	v3 =	vadd.f32 v3, v4  }
0x1c9: {  	v4 =	vadd.f32 v5, v7  }
0x1ca: {  	s4 =	sshra.s32 s4, $0x2;
	v3 =	vmax.f32 v3, $0.0e+00  }
0x1cb: {  	p0 =	seq.s32 s11, $0x33;
	[tilespmem:s4+$0x19C20] =	vst v3;
	v3 =	vmax.f32 v4, $0.0e+00  }
0x1cc: {  	s6 =	simm.s32 @!p0 $0x17C00;
	s5 =	simm.s32 @!p0 $0x79;
	[tilespmem:s4+$0x19C30] =	vst v3;
	s4 =	sadd.s32 @!p0 $0x500, s25  }
0x1cd: {  	[tilespmem:s6], [sflag:$0x5] =	stream.indirect.gather @!p0 [hbm4b:s3+s5], $0x20, s4, s5, $0xb8;
	[tilespmem:$0x1C3A0] =	vst v63  }
0x1ce: {  	_ =	swait.ge [sflag:s24], $0xF20  }
0x1cf: {  	[sflag:s24] =	ssyncset.done $0x0  }
0x1d0: {  	s4 =	simm.s32 $0x18C80;
	[sflag:s24] =	ssyncadd.s32 $0xFFFFF0E0  }
0x1d1: {  	v9 =	vld [tilespmem:s4+$0x0]  }
0x1d2: {  	v10 =	vld [tilespmem:s4+$0x10]  }
0x1d3: {  	v11 =	vld [tilespmem:s4+$0x20]  }
0x1d4: {  	v14 =	vld [tilespmem:s4+$0x30]  }
0x1d5: {  	v15 =	vld [tilespmem:s4+$0x40]  }
0x1d6: {  	v16 =	vld [tilespmem:s4+$0x50]  }
0x1d7: {  	s25 =	sadd.s32 $0x0, s1;
	v21 =	vld [tilespmem:s4+$0xFFFFFF80]  }
0x1d8: {  	v23 =	vmov s25;
	v22 =	vld [tilespmem:s4+$0xFFFFFF90]  }
0x1d9: {  	v5 =	vor.u32 $0x4, v23;
	v19 =	vld [tilespmem:s4+$0xFFFFFFA0]  }
0x1da: {  	v26 =	vor.u32 $0x5, v23;
	v20 =	vld [tilespmem:s4+$0xFFFFFFB0]  }
0x1db: {  	v27 =	vor.u32 $0x6, v23;
	v18 =	vld [tilespmem:s4+$0xFFFFFFC0]  }
0x1dc: {  	v8 =	vimm.f32 $0.0e+00;
	v28 =	vor.u32 $0x1, v23;
	v17 =	vld [tilespmem:s4+$0xFFFFFFD0]  }
0x1dd: {  	v6 =	vimm.f32 $0.0e+00;
	v7 =	vimm.f32 $0.0e+00;
	v29 =	vor.u32 $0x2, v23;
	v25 =	vld.idx.msk [tilespmem:v23+s10+$0x0], $0xffff  }
0x1de: {  	v13 =	vmovc v2;
	v12 =	vmovc v1;
	v4 =	vimm.f32 $0.0e+00;
	v3 =	vimm.f32 $0.0e+00;
	s5 =	simm.s32 $0x8;
	v24 =	vld.idx.msk [tilespmem:v5+s10+$0x0], $0xffff;
	v5 =	vimm.f32 $0.0e+00  }
.LBB2_13:
0x1df: {  	p0 =	sne.s32 s5, $0x78;
	v30 =	vor.u32 $0x3, v23;
	v26 =	vld.idx.msk [tilespmem:v26+s10+$0x0], $0xffff  }
0x1e0: {  	v27 =	vld.idx.msk [tilespmem:v27+s10+$0x0], $0xffff  }
0x1e1: {  	v23 =	vor.u32 $0x7, v23;
	v28 =	vld.idx.msk [tilespmem:v28+s10+$0x0], $0xffff  }
0x1e2: {  	v29 =	vld.idx.msk [tilespmem:v29+s10+$0x0], $0xffff  }
0x1e3: {  	v21 =	vmul.f32 v21, v25;
	v22 =	vmul.f32 v22, v25;
	v25 =	vld [tilespmem:s4+$0xFFFFFFE0]  }
0x1e4: {  	v31 =	vmul.f32 v9, v24;
	v24 =	vmul.f32 v10, v24;
	v30 =	vld.idx.msk [tilespmem:v30+s10+$0x0], $0xffff  }
0x1e5: {  	v33 =	vmul.f32 v11, v26;
	v14 =	vmul.f32 v14, v26;
	v32 =	vld [tilespmem:s4+$0xFFFFFFF0]  }
0x1e6: {  	v26 =	vmul.f32 v15, v27;
	v27 =	vmul.f32 v16, v27;
	v16 =	vld.idx.msk [tilespmem:v23+s10+$0x0], $0xffff  }
0x1e7: {  	v10 =	vmul.f32 v19, v28;
	v11 =	vmul.f32 v20, v28;
	v15 =	vld [tilespmem:s4+$0x60]  }
0x1e8: {  	v12 =	vadd.f32 v21, v12;
	v13 =	vadd.f32 v22, v13;
	v18 =	vmul.f32 v18, v29;
	v19 =	vld [tilespmem:s4+$0x70];
	s4 =	sadd.s32 $0x100, s4  }
0x1e9: {  	v17 =	vmul.f32 v17, v29;
	v4 =	vadd.f32 v10, v4;
	v8 =	vadd.f32 v11, v8;
	v9 =	vld [tilespmem:s4+$0x0]  }
0x1ea: {  	v12 =	vadd.f32 v31, v12;
	v13 =	vadd.f32 v24, v13;
	v20 =	vmul.f32 v25, v30;
	v10 =	vld [tilespmem:s4+$0x10]  }
0x1eb: {  	v21 =	vmul.f32 v32, v30;
	v4 =	vadd.f32 v33, v4;
	v8 =	vadd.f32 v14, v8;
	v11 =	vld [tilespmem:s4+$0x20]  }
0x1ec: {  	v3 =	vadd.f32 v18, v3;
	v5 =	vadd.f32 v17, v5;
	v14 =	vld [tilespmem:s4+$0x30];
	v17 =	vmul.f32 v15, v16  }
0x1ed: {  	v7 =	vadd.f32 v20, v7;
	v6 =	vadd.f32 v21, v6;
	v15 =	vld [tilespmem:s4+$0x40];
	v18 =	vmul.f32 v19, v16  }
0x1ee: {  	v3 =	vadd.f32 v26, v3;
	v5 =	vadd.f32 v27, v5;
	v16 =	vld [tilespmem:s4+$0x50]  }
0x1ef: {  	s6 =	sadd.s32 s5, s1;
	v7 =	vadd.f32 v17, v7;
	v21 =	vld [tilespmem:s4+$0xFFFFFF80];
	v6 =	vadd.f32 v18, v6  }
0x1f0: {  	v23 =	vmov s6;
	v22 =	vld [tilespmem:s4+$0xFFFFFF90]  }
0x1f1: {  	v24 =	vor.u32 $0x4, v23;
	v19 =	vld [tilespmem:s4+$0xFFFFFFA0]  }
.Ltmp5:
0x1f2: {  	v26 =	vor.u32 $0x5, v23;
	v20 =	vld [tilespmem:s4+$0xFFFFFFB0];
	(pc) =	sbr.rel @p0 .LBB2_13-.Ltmp5, $4  }
0x1f3: {  	v27 =	vor.u32 $0x6, v23;
	v18 =	vld [tilespmem:s4+$0xFFFFFFC0]  }
0x1f4: {  	v28 =	vor.u32 $0x1, v23;
	v17 =	vld [tilespmem:s4+$0xFFFFFFD0]  }
0x1f5: {  	v29 =	vor.u32 $0x2, v23;
	v25 =	vld.idx.msk [tilespmem:v23+s10+$0x0], $0xffff  }
0x1f6: {  	s5 =	sadd.s32 $0x8, s5;
	v24 =	vld.idx.msk [tilespmem:v24+s10+$0x0], $0xffff  }
0x1f7: {  	_ =	sdelay $0x3  }
0x1f8: {  	v26 =	vld.idx.msk [tilespmem:v26+s10+$0x0], $0xffff  }
0x1f9: {  	v30 =	vor.u32 $0x3, v23;
	v27 =	vld.idx.msk [tilespmem:v27+s10+$0x0], $0xffff  }
0x1fa: {  	v28 =	vld.idx.msk [tilespmem:v28+s10+$0x0], $0xffff  }
0x1fb: {  	v53 =	vor.u32 $0x7, v23;
	v29 =	vld.idx.msk [tilespmem:v29+s10+$0x0], $0xffff  }
0x1fc: {  	v54 =	vld [tilespmem:s4+$0xFFFFFFE0];
	v21 =	vmul.f32 v21, v25;
	v22 =	vmul.f32 v22, v25  }
0x1fd: {  	v55 =	vld [tilespmem:s4+$0xFFFFFFF0];
	v9 =	vmul.f32 v9, v24;
	v10 =	vmul.f32 v10, v24  }
0x1fe: {  	v30 =	vld.idx.msk [tilespmem:v30+s10+$0x0], $0xffff;
	v11 =	vmul.f32 v11, v26;
	v14 =	vmul.f32 v14, v26  }
0x1ff: {  	v56 =	vld [tilespmem:s4+$0x60];
	v15 =	vmul.f32 v15, v27;
	v16 =	vmul.f32 v16, v27  }
0x200: {  	v23 =	vld.idx.msk [tilespmem:v53+s10+$0x0], $0xffff;
	v19 =	vmul.f32 v19, v28;
	v20 =	vmul.f32 v20, v28  }
0x201: {  	v57 =	vld [tilespmem:s4+$0x70];
	v12 =	vadd.f32 v21, v12;
	v13 =	vadd.f32 v22, v13;
	v18 =	vmul.f32 v18, v29  }
0x202: {  	v17 =	vmul.f32 v17, v29;
	v4 =	vadd.f32 v19, v4;
	v8 =	vadd.f32 v20, v8  }
0x203: {  	v9 =	vadd.f32 v9, v12;
	v10 =	vadd.f32 v10, v13;
	v58 =	vmul.f32 v54, v30  }
0x204: {  	v3 =	vadd.f32 v18, v3;
	v5 =	vadd.f32 v17, v5;
	v59 =	vmul.f32 v55, v30  }
0x205: {  	v4 =	vadd.f32 v11, v4;
	v60 =	vmul.f32 v56, v23;
	v7 =	vadd.f32 v58, v7  }
0x206: {  	v8 =	vadd.f32 v14, v8;
	v61 =	vmul.f32 v57, v23;
	v6 =	vadd.f32 v59, v6  }
0x207: {  	v3 =	vadd.f32 v15, v3;
	v7 =	vadd.f32 v60, v7  }
0x208: {  	v5 =	vadd.f32 v16, v5;
	v6 =	vadd.f32 v61, v6  }
0x209: {  	s11 =	sadd.s32 $0x1, s11;
	v4 =	vadd.f32 v4, v9;
	v3 =	vadd.f32 v7, v3  }
0x20a: {  	p0 =	sne.s32 s11, $0x34;
	v62 =	vadd.f32 v8, v10;
	v5 =	vadd.f32 v6, v5  }
.Ltmp6:
0x20b: {  	v3 =	vadd.f32 v3, v4;
	(pc) =	sbr.rel @p0 .LBB2_2-.Ltmp6, $4  }
0x20c: {  	v63 =	vadd.f32 v5, v62  }
0x20d: {  	s25 =	sshrl.u32 s17, $0x2;
	v3 =	vmax.f32 v3, $0.0e+00  }
0x20e: {  	s0 =	sadd.s32 $0x300, s0;
	s28 =	sadd.s32 $0x300, s28;
	s29 =	sadd.s32 $0x300, s29;
	[tilespmem:s25+$0x19C20] =	vst v3;
	v3 =	vmax.f32 v63, $0.0e+00  }
0x20f: {  	s30 =	sadd.s32 $0x300, s30;
	s31 =	sadd.s32 $0x300, s31;
	s1 =	sadd.s32 $0x300, s1;
	[tilespmem:s25+$0x19C30] =	vst v3  }
0x210: {  	_ =	swait.ge [sflag:s19], $0xF20  }
0x211: {  	[sflag:s19] =	ssyncset.done $0x0  }
0x212: {  	s0 =	simm.s32 $0x13C80;
	[sflag:s19] =	ssyncadd.s32 $0xFFFFF0E0  }
0x213: {  	v9 =	vld [tilespmem:s0+$0x0]  }
0x214: {  	v10 =	vld [tilespmem:s0+$0x10]  }
0x215: {  	v11 =	vld [tilespmem:s0+$0x20]  }
0x216: {  	v14 =	vld [tilespmem:s0+$0x30]  }
0x217: {  	v15 =	vld [tilespmem:s0+$0x40]  }
0x218: {  	v16 =	vld [tilespmem:s0+$0x50]  }
0x219: {  	s1 =	simm.s32 $0x9C00;
	v21 =	vld [tilespmem:s0+$0xFFFFFF80]  }
0x21a: {  	v23 =	vmov s1;
	v22 =	vld [tilespmem:s0+$0xFFFFFF90]  }
0x21b: {  	v3 =	vor.u32 $0x4, v23;
	v19 =	vld [tilespmem:s0+$0xFFFFFFA0]  }
0x21c: {  	v5 =	vor.u32 $0x5, v23;
	v20 =	vld [tilespmem:s0+$0xFFFFFFB0]  }
0x21d: {  	v28 =	vor.u32 $0x6, v23;
	v18 =	vld [tilespmem:s0+$0xFFFFFFC0]  }
0x21e: {  	v29 =	vor.u32 $0x1, v23;
	v17 =	vld [tilespmem:s0+$0xFFFFFFD0]  }
0x21f: {  	v4 =	vimm.f32 $0.0e+00;
	v30 =	vor.u32 $0x2, v23;
	v26 =	vld.idx.msk [tilespmem:v23+s10+$0x0], $0xffff  }
0x220: {  	v8 =	vimm.f32 $0.0e+00;
	v7 =	vimm.f32 $0.0e+00;
	v6 =	vimm.f32 $0.0e+00;
	v24 =	vld.idx.msk [tilespmem:v3+s10+$0x0], $0xffff  }
0x221: {  	v12 =	vmovc v1;
	v13 =	vmovc v2;
	s1 =	simm.s32 $0x9C08;
	v27 =	vor.u32 $0x3, v23;
	v3 =	vimm.f32 $0.0e+00;
	v25 =	vld.idx.msk [tilespmem:v5+s10+$0x0], $0xffff;
	v5 =	vimm.f32 $0.0e+00  }
.LBB2_16:
0x222: {  	p0 =	sne.s32 s1, $0x9C78;
	v28 =	vld.idx.msk [tilespmem:v28+s10+$0x0], $0xffff  }
0x223: {  	v23 =	vor.u32 $0x7, v23;
	v29 =	vld.idx.msk [tilespmem:v29+s10+$0x0], $0xffff  }
0x224: {  	v30 =	vld.idx.msk [tilespmem:v30+s10+$0x0], $0xffff  }
0x225: {  	v21 =	vmul.f32 v21, v26;
	v22 =	vmul.f32 v22, v26;
	v26 =	vld [tilespmem:s0+$0xFFFFFFE0]  }
0x226: {  	v31 =	vmul.f32 v9, v24;
	v24 =	vmul.f32 v10, v24;
	v27 =	vld.idx.msk [tilespmem:v27+s10+$0x0], $0xffff  }
0x227: {  	v33 =	vmul.f32 v11, v25;
	v14 =	vmul.f32 v14, v25;
	v32 =	vld [tilespmem:s0+$0xFFFFFFF0]  }
0x228: {  	v25 =	vmul.f32 v15, v28;
	v28 =	vmul.f32 v16, v28;
	v16 =	vld.idx.msk [tilespmem:v23+s10+$0x0], $0xffff  }
0x229: {  	v10 =	vmul.f32 v19, v29;
	v11 =	vmul.f32 v20, v29;
	v15 =	vld [tilespmem:s0+$0x60]  }
0x22a: {  	v12 =	vadd.f32 v21, v12;
	v13 =	vadd.f32 v22, v13;
	v18 =	vmul.f32 v18, v30;
	v19 =	vld [tilespmem:s0+$0x70];
	s0 =	sadd.s32 $0x100, s0  }
0x22b: {  	v17 =	vmul.f32 v17, v30;
	v4 =	vadd.f32 v10, v4;
	v8 =	vadd.f32 v11, v8;
	v9 =	vld [tilespmem:s0+$0x0]  }
0x22c: {  	v12 =	vadd.f32 v31, v12;
	v13 =	vadd.f32 v24, v13;
	v20 =	vmul.f32 v26, v27;
	v10 =	vld [tilespmem:s0+$0x10]  }
0x22d: {  	v21 =	vmul.f32 v32, v27;
	v4 =	vadd.f32 v33, v4;
	v8 =	vadd.f32 v14, v8;
	v11 =	vld [tilespmem:s0+$0x20]  }
0x22e: {  	v3 =	vadd.f32 v18, v3;
	v5 =	vadd.f32 v17, v5;
	v14 =	vld [tilespmem:s0+$0x30];
	v17 =	vmul.f32 v15, v16  }
0x22f: {  	v7 =	vadd.f32 v20, v7;
	v6 =	vadd.f32 v21, v6;
	v15 =	vld [tilespmem:s0+$0x40];
	v18 =	vmul.f32 v19, v16  }
0x230: {  	v3 =	vadd.f32 v25, v3;
	v5 =	vadd.f32 v28, v5;
	v16 =	vld [tilespmem:s0+$0x50]  }
0x231: {  	v7 =	vadd.f32 v17, v7;
	v21 =	vld [tilespmem:s0+$0xFFFFFF80];
	v6 =	vadd.f32 v18, v6  }
0x232: {  	v23 =	vmov s1;
	v22 =	vld [tilespmem:s0+$0xFFFFFF90]  }
0x233: {  	v24 =	vor.u32 $0x4, v23;
	v19 =	vld [tilespmem:s0+$0xFFFFFFA0]  }
0x234: {  	v25 =	vor.u32 $0x5, v23;
	v20 =	vld [tilespmem:s0+$0xFFFFFFB0]  }
.Ltmp7:
0x235: {  	v28 =	vor.u32 $0x6, v23;
	v18 =	vld [tilespmem:s0+$0xFFFFFFC0];
	(pc) =	sbr.rel @p0 .LBB2_16-.Ltmp7, $4  }
0x236: {  	v29 =	vor.u32 $0x1, v23;
	v17 =	vld [tilespmem:s0+$0xFFFFFFD0]  }
0x237: {  	v30 =	vor.u32 $0x2, v23;
	v26 =	vld.idx.msk [tilespmem:v23+s10+$0x0], $0xffff  }
0x238: {  	v24 =	vld.idx.msk [tilespmem:v24+s10+$0x0], $0xffff  }
0x239: {  	s1 =	sadd.s32 $0x8, s1;
	v27 =	vor.u32 $0x3, v23;
	v25 =	vld.idx.msk [tilespmem:v25+s10+$0x0], $0xffff  }
0x23a: {  	_ =	sdelay $0x3  }
0x23b: {  	v28 =	vld.idx.msk [tilespmem:v28+s10+$0x0], $0xffff  }
0x23c: {  	v29 =	vld.idx.msk [tilespmem:v29+s10+$0x0], $0xffff  }
0x23d: {  	v23 =	vor.u32 $0x7, v23;
	v30 =	vld.idx.msk [tilespmem:v30+s10+$0x0], $0xffff  }
0x23e: {  	v27 =	vld.idx.msk [tilespmem:v27+s10+$0x0], $0xffff;
	v21 =	vmul.f32 v21, v26  }
0x23f: {  	v22 =	vmul.f32 v22, v26;
	v26 =	vld [tilespmem:s0+$0xFFFFFFE0];
	v9 =	vmul.f32 v9, v24  }
0x240: {  	v10 =	vmul.f32 v10, v24;
	v24 =	vld [tilespmem:s0+$0xFFFFFFF0];
	v11 =	vmul.f32 v11, v25  }
0x241: {  	v14 =	vmul.f32 v14, v25;
	v25 =	vld [tilespmem:s0+$0x60];
	v12 =	vadd.f32 v21, v12;
	v15 =	vmul.f32 v15, v28  }
0x242: {  	v13 =	vadd.f32 v22, v13;
	v16 =	vmul.f32 v16, v28;
	v23 =	vld.idx.msk [tilespmem:v23+s10+$0x0], $0xffff;
	v19 =	vmul.f32 v19, v29  }
0x243: {  	v21 =	vld [tilespmem:s0+$0x70];
	v20 =	vmul.f32 v20, v29;
	v18 =	vmul.f32 v18, v30  }
0x244: {  	v17 =	vmul.f32 v17, v30;
	v9 =	vadd.f32 v9, v12;
	v10 =	vadd.f32 v10, v13  }
0x245: {  	v4 =	vadd.f32 v19, v4;
	v8 =	vadd.f32 v20, v8;
	v19 =	vmul.f32 v26, v27  }
0x246: {  	v3 =	vadd.f32 v18, v3;
	v5 =	vadd.f32 v17, v5;
	v12 =	vmul.f32 v24, v27  }
0x247: {  	v4 =	vadd.f32 v11, v4;
	v7 =	vadd.f32 v19, v7;
	v11 =	vmul.f32 v25, v23  }
0x248: {  	v8 =	vadd.f32 v14, v8;
	v6 =	vadd.f32 v12, v6;
	v12 =	vmul.f32 v21, v23  }
0x249: {  	v3 =	vadd.f32 v15, v3;
	v7 =	vadd.f32 v11, v7  }
0x24a: {  	v5 =	vadd.f32 v16, v5;
	v6 =	vadd.f32 v12, v6  }
0x24b: {  	v4 =	vadd.f32 v4, v9;
	v3 =	vadd.f32 v7, v3  }
0x24c: {  	v7 =	vadd.f32 v8, v10;
	v5 =	vadd.f32 v6, v5  }
0x24d: {  	v3 =	vadd.f32 v3, v4  }
0x24e: {  	v4 =	vadd.f32 v5, v7  }
0x24f: {  	v3 =	vmax.f32 v3, $0.0e+00  }
0x250: {  	[tilespmem:$0x1C320] =	vst v3;
	v3 =	vmax.f32 v4, $0.0e+00  }
0x251: {  	[tilespmem:$0x1C330] =	vst v3  }
0x252: {  	_ =	swait.ge [sflag:s20], $0xF20  }
0x253: {  	[sflag:s20] =	ssyncset.done $0x0  }
0x254: {  	s0 =	simm.s32 $0x14C80;
	[sflag:s20] =	ssyncadd.s32 $0xFFFFF0E0  }
0x255: {  	v9 =	vld [tilespmem:s0+$0x0]  }
0x256: {  	v10 =	vld [tilespmem:s0+$0x10]  }
0x257: {  	v11 =	vld [tilespmem:s0+$0x20]  }
0x258: {  	v14 =	vld [tilespmem:s0+$0x30]  }
0x259: {  	v15 =	vld [tilespmem:s0+$0x40]  }
0x25a: {  	v16 =	vld [tilespmem:s0+$0x50]  }
0x25b: {  	s1 =	simm.s32 $0x9C80;
	v21 =	vld [tilespmem:s0+$0xFFFFFF80]  }
0x25c: {  	v23 =	vmov s1;
	v22 =	vld [tilespmem:s0+$0xFFFFFF90]  }
0x25d: {  	v5 =	vor.u32 $0x5, v23;
	v19 =	vld [tilespmem:s0+$0xFFFFFFA0]  }
0x25e: {  	v3 =	vor.u32 $0x4, v23;
	v20 =	vld [tilespmem:s0+$0xFFFFFFB0]  }
0x25f: {  	v28 =	vor.u32 $0x6, v23;
	v18 =	vld [tilespmem:s0+$0xFFFFFFC0]  }
0x260: {  	v29 =	vor.u32 $0x1, v23;
	v17 =	vld [tilespmem:s0+$0xFFFFFFD0]  }
0x261: {  	v30 =	vor.u32 $0x2, v23;
	v27 =	vor.u32 $0x3, v23;
	v26 =	vld.idx.msk [tilespmem:v23+s10+$0x0], $0xffff  }
0x262: {  	v8 =	vimm.f32 $0.0e+00;
	v6 =	vimm.f32 $0.0e+00;
	v7 =	vimm.f32 $0.0e+00;
	v25 =	vld.idx.msk [tilespmem:v5+s10+$0x0], $0xffff  }
0x263: {  	v13 =	vmovc v2;
	s1 =	simm.s32 $0x9C88;
	v12 =	vmovc v1;
	v4 =	vimm.f32 $0.0e+00;
	v5 =	vimm.f32 $0.0e+00;
	v24 =	vld.idx.msk [tilespmem:v3+s10+$0x0], $0xffff;
	v3 =	vimm.f32 $0.0e+00  }
.LBB2_18:
0x264: {  	p0 =	sne.s32 s1, $0x9CF8;
	v28 =	vld.idx.msk [tilespmem:v28+s10+$0x0], $0xffff  }
0x265: {  	v23 =	vor.u32 $0x7, v23;
	v29 =	vld.idx.msk [tilespmem:v29+s10+$0x0], $0xffff  }
0x266: {  	v30 =	vld.idx.msk [tilespmem:v30+s10+$0x0], $0xffff  }
0x267: {  	v21 =	vmul.f32 v21, v26;
	v22 =	vmul.f32 v22, v26;
	v26 =	vld [tilespmem:s0+$0xFFFFFFE0]  }
0x268: {  	v31 =	vmul.f32 v9, v24;
	v24 =	vmul.f32 v10, v24;
	v27 =	vld.idx.msk [tilespmem:v27+s10+$0x0], $0xffff  }
0x269: {  	v33 =	vmul.f32 v11, v25;
	v14 =	vmul.f32 v14, v25;
	v32 =	vld [tilespmem:s0+$0xFFFFFFF0]  }
0x26a: {  	v25 =	vmul.f32 v15, v28;
	v28 =	vmul.f32 v16, v28;
	v16 =	vld.idx.msk [tilespmem:v23+s10+$0x0], $0xffff  }
0x26b: {  	v10 =	vmul.f32 v19, v29;
	v11 =	vmul.f32 v20, v29;
	v15 =	vld [tilespmem:s0+$0x60]  }
0x26c: {  	v12 =	vadd.f32 v21, v12;
	v13 =	vadd.f32 v22, v13;
	v18 =	vmul.f32 v18, v30;
	v19 =	vld [tilespmem:s0+$0x70];
	s0 =	sadd.s32 $0x100, s0  }
0x26d: {  	v17 =	vmul.f32 v17, v30;
	v4 =	vadd.f32 v10, v4;
	v8 =	vadd.f32 v11, v8;
	v9 =	vld [tilespmem:s0+$0x0]  }
0x26e: {  	v12 =	vadd.f32 v31, v12;
	v13 =	vadd.f32 v24, v13;
	v20 =	vmul.f32 v26, v27;
	v10 =	vld [tilespmem:s0+$0x10]  }
0x26f: {  	v21 =	vmul.f32 v32, v27;
	v4 =	vadd.f32 v33, v4;
	v8 =	vadd.f32 v14, v8;
	v11 =	vld [tilespmem:s0+$0x20]  }
0x270: {  	v3 =	vadd.f32 v18, v3;
	v5 =	vadd.f32 v17, v5;
	v14 =	vld [tilespmem:s0+$0x30];
	v17 =	vmul.f32 v15, v16  }
0x271: {  	v7 =	vadd.f32 v20, v7;
	v6 =	vadd.f32 v21, v6;
	v15 =	vld [tilespmem:s0+$0x40];
	v18 =	vmul.f32 v19, v16  }
0x272: {  	v3 =	vadd.f32 v25, v3;
	v5 =	vadd.f32 v28, v5;
	v16 =	vld [tilespmem:s0+$0x50]  }
0x273: {  	v7 =	vadd.f32 v17, v7;
	v21 =	vld [tilespmem:s0+$0xFFFFFF80];
	v6 =	vadd.f32 v18, v6  }
0x274: {  	v23 =	vmov s1;
	v22 =	vld [tilespmem:s0+$0xFFFFFF90]  }
0x275: {  	v24 =	vor.u32 $0x4, v23;
	v19 =	vld [tilespmem:s0+$0xFFFFFFA0]  }
0x276: {  	v25 =	vor.u32 $0x5, v23;
	v20 =	vld [tilespmem:s0+$0xFFFFFFB0]  }
.Ltmp8:
0x277: {  	v28 =	vor.u32 $0x6, v23;
	v18 =	vld [tilespmem:s0+$0xFFFFFFC0];
	(pc) =	sbr.rel @p0 .LBB2_18-.Ltmp8, $4  }
0x278: {  	v29 =	vor.u32 $0x1, v23;
	v17 =	vld [tilespmem:s0+$0xFFFFFFD0]  }
0x279: {  	v30 =	vor.u32 $0x2, v23;
	v26 =	vld.idx.msk [tilespmem:v23+s10+$0x0], $0xffff  }
0x27a: {  	v24 =	vld.idx.msk [tilespmem:v24+s10+$0x0], $0xffff  }
0x27b: {  	s1 =	sadd.s32 $0x8, s1;
	v27 =	vor.u32 $0x3, v23;
	v25 =	vld.idx.msk [tilespmem:v25+s10+$0x0], $0xffff  }
0x27c: {  	_ =	sdelay $0x3  }
0x27d: {  	v28 =	vld.idx.msk [tilespmem:v28+s10+$0x0], $0xffff  }
0x27e: {  	v29 =	vld.idx.msk [tilespmem:v29+s10+$0x0], $0xffff  }
0x27f: {  	v23 =	vor.u32 $0x7, v23;
	v30 =	vld.idx.msk [tilespmem:v30+s10+$0x0], $0xffff  }
0x280: {  	v27 =	vld.idx.msk [tilespmem:v27+s10+$0x0], $0xffff;
	v21 =	vmul.f32 v21, v26  }
0x281: {  	v22 =	vmul.f32 v22, v26;
	v26 =	vld [tilespmem:s0+$0xFFFFFFE0];
	v9 =	vmul.f32 v9, v24  }
0x282: {  	v10 =	vmul.f32 v10, v24;
	v24 =	vld [tilespmem:s0+$0xFFFFFFF0];
	v11 =	vmul.f32 v11, v25  }
0x283: {  	v14 =	vmul.f32 v14, v25;
	v25 =	vld [tilespmem:s0+$0x60];
	v12 =	vadd.f32 v21, v12;
	v15 =	vmul.f32 v15, v28  }
0x284: {  	v13 =	vadd.f32 v22, v13;
	v16 =	vmul.f32 v16, v28;
	v23 =	vld.idx.msk [tilespmem:v23+s10+$0x0], $0xffff;
	v19 =	vmul.f32 v19, v29  }
0x285: {  	v21 =	vld [tilespmem:s0+$0x70];
	v20 =	vmul.f32 v20, v29;
	v18 =	vmul.f32 v18, v30  }
0x286: {  	v17 =	vmul.f32 v17, v30;
	v9 =	vadd.f32 v9, v12;
	v10 =	vadd.f32 v10, v13  }
0x287: {  	v4 =	vadd.f32 v19, v4;
	v8 =	vadd.f32 v20, v8;
	v19 =	vmul.f32 v26, v27  }
0x288: {  	v3 =	vadd.f32 v18, v3;
	v5 =	vadd.f32 v17, v5;
	v12 =	vmul.f32 v24, v27  }
0x289: {  	v4 =	vadd.f32 v11, v4;
	v7 =	vadd.f32 v19, v7;
	v11 =	vmul.f32 v25, v23  }
0x28a: {  	v8 =	vadd.f32 v14, v8;
	v6 =	vadd.f32 v12, v6;
	v12 =	vmul.f32 v21, v23  }
0x28b: {  	v3 =	vadd.f32 v15, v3;
	v7 =	vadd.f32 v11, v7  }
0x28c: {  	v5 =	vadd.f32 v16, v5;
	v6 =	vadd.f32 v12, v6  }
0x28d: {  	v4 =	vadd.f32 v4, v9;
	v3 =	vadd.f32 v7, v3  }
0x28e: {  	v7 =	vadd.f32 v8, v10;
	v5 =	vadd.f32 v6, v5  }
0x28f: {  	v3 =	vadd.f32 v3, v4  }
0x290: {  	v4 =	vadd.f32 v5, v7  }
0x291: {  	v3 =	vmax.f32 v3, $0.0e+00  }
0x292: {  	[tilespmem:$0x1C340] =	vst v3;
	v3 =	vmax.f32 v4, $0.0e+00  }
0x293: {  	[tilespmem:$0x1C350] =	vst v3  }
0x294: {  	_ =	swait.ge [sflag:s21], $0xF20  }
0x295: {  	[sflag:s21] =	ssyncset.done $0x0  }
0x296: {  	s0 =	simm.s32 $0x15C80;
	[sflag:s21] =	ssyncadd.s32 $0xFFFFF0E0  }
0x297: {  	v9 =	vld [tilespmem:s0+$0x0]  }
0x298: {  	v10 =	vld [tilespmem:s0+$0x10]  }
0x299: {  	v11 =	vld [tilespmem:s0+$0x20]  }
0x29a: {  	v14 =	vld [tilespmem:s0+$0x30]  }
0x29b: {  	v15 =	vld [tilespmem:s0+$0x40]  }
0x29c: {  	v16 =	vld [tilespmem:s0+$0x50]  }
0x29d: {  	s1 =	simm.s32 $0x9D00;
	v21 =	vld [tilespmem:s0+$0xFFFFFF80]  }
0x29e: {  	v23 =	vmov s1;
	v22 =	vld [tilespmem:s0+$0xFFFFFF90]  }
0x29f: {  	v5 =	vor.u32 $0x5, v23;
	v19 =	vld [tilespmem:s0+$0xFFFFFFA0]  }
0x2a0: {  	v3 =	vor.u32 $0x4, v23;
	v20 =	vld [tilespmem:s0+$0xFFFFFFB0]  }
0x2a1: {  	v28 =	vor.u32 $0x6, v23;
	v18 =	vld [tilespmem:s0+$0xFFFFFFC0]  }
0x2a2: {  	v29 =	vor.u32 $0x1, v23;
	v17 =	vld [tilespmem:s0+$0xFFFFFFD0]  }
0x2a3: {  	v30 =	vor.u32 $0x2, v23;
	v27 =	vor.u32 $0x3, v23;
	v26 =	vld.idx.msk [tilespmem:v23+s10+$0x0], $0xffff  }
0x2a4: {  	v8 =	vimm.f32 $0.0e+00;
	v6 =	vimm.f32 $0.0e+00;
	v7 =	vimm.f32 $0.0e+00;
	v25 =	vld.idx.msk [tilespmem:v5+s10+$0x0], $0xffff  }
0x2a5: {  	v13 =	vmovc v2;
	s1 =	simm.s32 $0x9D08;
	v12 =	vmovc v1;
	v4 =	vimm.f32 $0.0e+00;
	v5 =	vimm.f32 $0.0e+00;
	v24 =	vld.idx.msk [tilespmem:v3+s10+$0x0], $0xffff;
	v3 =	vimm.f32 $0.0e+00  }
.LBB2_20:
0x2a6: {  	p0 =	sne.s32 s1, $0x9D78;
	v28 =	vld.idx.msk [tilespmem:v28+s10+$0x0], $0xffff  }
0x2a7: {  	v23 =	vor.u32 $0x7, v23;
	v29 =	vld.idx.msk [tilespmem:v29+s10+$0x0], $0xffff  }
0x2a8: {  	v30 =	vld.idx.msk [tilespmem:v30+s10+$0x0], $0xffff  }
0x2a9: {  	v21 =	vmul.f32 v21, v26;
	v22 =	vmul.f32 v22, v26;
	v26 =	vld [tilespmem:s0+$0xFFFFFFE0]  }
0x2aa: {  	v31 =	vmul.f32 v9, v24;
	v24 =	vmul.f32 v10, v24;
	v27 =	vld.idx.msk [tilespmem:v27+s10+$0x0], $0xffff  }
0x2ab: {  	v33 =	vmul.f32 v11, v25;
	v14 =	vmul.f32 v14, v25;
	v32 =	vld [tilespmem:s0+$0xFFFFFFF0]  }
0x2ac: {  	v25 =	vmul.f32 v15, v28;
	v28 =	vmul.f32 v16, v28;
	v16 =	vld.idx.msk [tilespmem:v23+s10+$0x0], $0xffff  }
0x2ad: {  	v10 =	vmul.f32 v19, v29;
	v11 =	vmul.f32 v20, v29;
	v15 =	vld [tilespmem:s0+$0x60]  }
0x2ae: {  	v12 =	vadd.f32 v21, v12;
	v13 =	vadd.f32 v22, v13;
	v18 =	vmul.f32 v18, v30;
	v19 =	vld [tilespmem:s0+$0x70];
	s0 =	sadd.s32 $0x100, s0  }
0x2af: {  	v17 =	vmul.f32 v17, v30;
	v4 =	vadd.f32 v10, v4;
	v8 =	vadd.f32 v11, v8;
	v9 =	vld [tilespmem:s0+$0x0]  }
0x2b0: {  	v12 =	vadd.f32 v31, v12;
	v13 =	vadd.f32 v24, v13;
	v20 =	vmul.f32 v26, v27;
	v10 =	vld [tilespmem:s0+$0x10]  }
0x2b1: {  	v21 =	vmul.f32 v32, v27;
	v4 =	vadd.f32 v33, v4;
	v8 =	vadd.f32 v14, v8;
	v11 =	vld [tilespmem:s0+$0x20]  }
0x2b2: {  	v3 =	vadd.f32 v18, v3;
	v5 =	vadd.f32 v17, v5;
	v14 =	vld [tilespmem:s0+$0x30];
	v17 =	vmul.f32 v15, v16  }
0x2b3: {  	v7 =	vadd.f32 v20, v7;
	v6 =	vadd.f32 v21, v6;
	v15 =	vld [tilespmem:s0+$0x40];
	v18 =	vmul.f32 v19, v16  }
0x2b4: {  	v3 =	vadd.f32 v25, v3;
	v5 =	vadd.f32 v28, v5;
	v16 =	vld [tilespmem:s0+$0x50]  }
0x2b5: {  	v7 =	vadd.f32 v17, v7;
	v21 =	vld [tilespmem:s0+$0xFFFFFF80];
	v6 =	vadd.f32 v18, v6  }
0x2b6: {  	v23 =	vmov s1;
	v22 =	vld [tilespmem:s0+$0xFFFFFF90]  }
0x2b7: {  	v24 =	vor.u32 $0x4, v23;
	v19 =	vld [tilespmem:s0+$0xFFFFFFA0]  }
0x2b8: {  	v25 =	vor.u32 $0x5, v23;
	v20 =	vld [tilespmem:s0+$0xFFFFFFB0]  }
.Ltmp9:
0x2b9: {  	v28 =	vor.u32 $0x6, v23;
	v18 =	vld [tilespmem:s0+$0xFFFFFFC0];
	(pc) =	sbr.rel @p0 .LBB2_20-.Ltmp9, $4  }
0x2ba: {  	v29 =	vor.u32 $0x1, v23;
	v17 =	vld [tilespmem:s0+$0xFFFFFFD0]  }
0x2bb: {  	v30 =	vor.u32 $0x2, v23;
	v26 =	vld.idx.msk [tilespmem:v23+s10+$0x0], $0xffff  }
0x2bc: {  	v24 =	vld.idx.msk [tilespmem:v24+s10+$0x0], $0xffff  }
0x2bd: {  	s1 =	sadd.s32 $0x8, s1;
	v27 =	vor.u32 $0x3, v23;
	v25 =	vld.idx.msk [tilespmem:v25+s10+$0x0], $0xffff  }
0x2be: {  	_ =	sdelay $0x3  }
0x2bf: {  	v28 =	vld.idx.msk [tilespmem:v28+s10+$0x0], $0xffff  }
0x2c0: {  	v29 =	vld.idx.msk [tilespmem:v29+s10+$0x0], $0xffff  }
0x2c1: {  	v23 =	vor.u32 $0x7, v23;
	v30 =	vld.idx.msk [tilespmem:v30+s10+$0x0], $0xffff  }
0x2c2: {  	v27 =	vld.idx.msk [tilespmem:v27+s10+$0x0], $0xffff;
	v21 =	vmul.f32 v21, v26  }
0x2c3: {  	v22 =	vmul.f32 v22, v26;
	v26 =	vld [tilespmem:s0+$0xFFFFFFE0];
	v9 =	vmul.f32 v9, v24  }
0x2c4: {  	v10 =	vmul.f32 v10, v24;
	v24 =	vld [tilespmem:s0+$0xFFFFFFF0];
	v11 =	vmul.f32 v11, v25  }
0x2c5: {  	v14 =	vmul.f32 v14, v25;
	v25 =	vld [tilespmem:s0+$0x60];
	v12 =	vadd.f32 v21, v12;
	v15 =	vmul.f32 v15, v28  }
0x2c6: {  	v13 =	vadd.f32 v22, v13;
	v16 =	vmul.f32 v16, v28;
	v23 =	vld.idx.msk [tilespmem:v23+s10+$0x0], $0xffff;
	v19 =	vmul.f32 v19, v29  }
0x2c7: {  	v21 =	vld [tilespmem:s0+$0x70];
	v20 =	vmul.f32 v20, v29;
	v18 =	vmul.f32 v18, v30  }
0x2c8: {  	v17 =	vmul.f32 v17, v30;
	v9 =	vadd.f32 v9, v12;
	v10 =	vadd.f32 v10, v13  }
0x2c9: {  	v4 =	vadd.f32 v19, v4;
	v8 =	vadd.f32 v20, v8;
	v19 =	vmul.f32 v26, v27  }
0x2ca: {  	v3 =	vadd.f32 v18, v3;
	v5 =	vadd.f32 v17, v5;
	v12 =	vmul.f32 v24, v27  }
0x2cb: {  	v4 =	vadd.f32 v11, v4;
	v7 =	vadd.f32 v19, v7;
	v11 =	vmul.f32 v25, v23  }
0x2cc: {  	v8 =	vadd.f32 v14, v8;
	v6 =	vadd.f32 v12, v6;
	v12 =	vmul.f32 v21, v23  }
0x2cd: {  	v3 =	vadd.f32 v15, v3;
	v7 =	vadd.f32 v11, v7  }
0x2ce: {  	v5 =	vadd.f32 v16, v5;
	v6 =	vadd.f32 v12, v6  }
0x2cf: {  	v4 =	vadd.f32 v4, v9;
	v3 =	vadd.f32 v7, v3  }
0x2d0: {  	v7 =	vadd.f32 v8, v10;
	v5 =	vadd.f32 v6, v5  }
0x2d1: {  	v3 =	vadd.f32 v3, v4  }
0x2d2: {  	v4 =	vadd.f32 v5, v7  }
0x2d3: {  	v3 =	vmax.f32 v3, $0.0e+00  }
0x2d4: {  	[tilespmem:$0x1C360] =	vst v3;
	v3 =	vmax.f32 v4, $0.0e+00  }
0x2d5: {  	[tilespmem:$0x1C370] =	vst v3  }
0x2d6: {  	_ =	swait.ge [sflag:s22], $0xF20  }
0x2d7: {  	[sflag:s22] =	ssyncset.done $0x0  }
0x2d8: {  	s0 =	simm.s32 $0x16C80;
	[sflag:s22] =	ssyncadd.s32 $0xFFFFF0E0  }
0x2d9: {  	v9 =	vld [tilespmem:s0+$0x0]  }
0x2da: {  	v10 =	vld [tilespmem:s0+$0x10]  }
0x2db: {  	v11 =	vld [tilespmem:s0+$0x20]  }
0x2dc: {  	v12 =	vld [tilespmem:s0+$0x30]  }
0x2dd: {  	v13 =	vld [tilespmem:s0+$0x40]  }
0x2de: {  	v14 =	vld [tilespmem:s0+$0x50]  }
0x2df: {  	s1 =	simm.s32 $0x9D80;
	v19 =	vld [tilespmem:s0+$0xFFFFFF80]  }
0x2e0: {  	v21 =	vmov s1;
	v20 =	vld [tilespmem:s0+$0xFFFFFF90]  }
0x2e1: {  	v4 =	vor.u32 $0x5, v21;
	v17 =	vld [tilespmem:s0+$0xFFFFFFA0]  }
0x2e2: {  	v3 =	vor.u32 $0x4, v21;
	v18 =	vld [tilespmem:s0+$0xFFFFFFB0]  }
0x2e3: {  	v26 =	vor.u32 $0x6, v21;
	v16 =	vld [tilespmem:s0+$0xFFFFFFC0]  }
0x2e4: {  	v27 =	vor.u32 $0x1, v21;
	v15 =	vld [tilespmem:s0+$0xFFFFFFD0]  }
0x2e5: {  	v28 =	vor.u32 $0x2, v21;
	v25 =	vor.u32 $0x3, v21;
	v24 =	vld.idx.msk [tilespmem:v21+s10+$0x0], $0xffff  }
0x2e6: {  	v6 =	vimm.f32 $0.0e+00;
	v8 =	vimm.f32 $0.0e+00;
	v7 =	vimm.f32 $0.0e+00;
	v23 =	vld.idx.msk [tilespmem:v4+s10+$0x0], $0xffff  }
0x2e7: {  	s1 =	simm.s32 $0x9D88;
	v5 =	vimm.f32 $0.0e+00;
	v4 =	vimm.f32 $0.0e+00;
	v22 =	vld.idx.msk [tilespmem:v3+s10+$0x0], $0xffff;
	v3 =	vimm.f32 $0.0e+00  }
.LBB2_22:
0x2e8: {  	p0 =	sne.s32 s1, $0x9DF8;
	v26 =	vld.idx.msk [tilespmem:v26+s10+$0x0], $0xffff  }
0x2e9: {  	v21 =	vor.u32 $0x7, v21;
	v27 =	vld.idx.msk [tilespmem:v27+s10+$0x0], $0xffff  }
0x2ea: {  	v28 =	vld.idx.msk [tilespmem:v28+s10+$0x0], $0xffff  }
0x2eb: {  	v19 =	vmul.f32 v19, v24;
	v20 =	vmul.f32 v20, v24;
	v24 =	vld [tilespmem:s0+$0xFFFFFFE0]  }
0x2ec: {  	v29 =	vmul.f32 v9, v22;
	v22 =	vmul.f32 v10, v22;
	v25 =	vld.idx.msk [tilespmem:v25+s10+$0x0], $0xffff  }
0x2ed: {  	v31 =	vmul.f32 v11, v23;
	v12 =	vmul.f32 v12, v23;
	v30 =	vld [tilespmem:s0+$0xFFFFFFF0]  }
0x2ee: {  	v23 =	vmul.f32 v13, v26;
	v26 =	vmul.f32 v14, v26;
	v14 =	vld.idx.msk [tilespmem:v21+s10+$0x0], $0xffff  }
0x2ef: {  	v10 =	vmul.f32 v17, v27;
	v11 =	vmul.f32 v18, v27;
	v13 =	vld [tilespmem:s0+$0x60]  }
0x2f0: {  	v1 =	vadd.f32 v19, v1;
	v2 =	vadd.f32 v20, v2;
	v16 =	vmul.f32 v16, v28;
	v17 =	vld [tilespmem:s0+$0x70];
	s0 =	sadd.s32 $0x100, s0  }
0x2f1: {  	v15 =	vmul.f32 v15, v28;
	v6 =	vadd.f32 v10, v6;
	v8 =	vadd.f32 v11, v8;
	v9 =	vld [tilespmem:s0+$0x0]  }
0x2f2: {  	v1 =	vadd.f32 v29, v1;
	v2 =	vadd.f32 v22, v2;
	v18 =	vmul.f32 v24, v25;
	v10 =	vld [tilespmem:s0+$0x10]  }
0x2f3: {  	v19 =	vmul.f32 v30, v25;
	v6 =	vadd.f32 v31, v6;
	v8 =	vadd.f32 v12, v8;
	v11 =	vld [tilespmem:s0+$0x20]  }
0x2f4: {  	v3 =	vadd.f32 v16, v3;
	v4 =	vadd.f32 v15, v4;
	v12 =	vld [tilespmem:s0+$0x30];
	v15 =	vmul.f32 v13, v14  }
0x2f5: {  	v7 =	vadd.f32 v18, v7;
	v5 =	vadd.f32 v19, v5;
	v13 =	vld [tilespmem:s0+$0x40];
	v16 =	vmul.f32 v17, v14  }
0x2f6: {  	v3 =	vadd.f32 v23, v3;
	v4 =	vadd.f32 v26, v4;
	v14 =	vld [tilespmem:s0+$0x50]  }
0x2f7: {  	v7 =	vadd.f32 v15, v7;
	v19 =	vld [tilespmem:s0+$0xFFFFFF80];
	v5 =	vadd.f32 v16, v5  }
0x2f8: {  	v21 =	vmov s1;
	v20 =	vld [tilespmem:s0+$0xFFFFFF90]  }
0x2f9: {  	v22 =	vor.u32 $0x4, v21;
	v17 =	vld [tilespmem:s0+$0xFFFFFFA0]  }
0x2fa: {  	v23 =	vor.u32 $0x5, v21;
	v18 =	vld [tilespmem:s0+$0xFFFFFFB0]  }
.Ltmp10:
0x2fb: {  	v26 =	vor.u32 $0x6, v21;
	v16 =	vld [tilespmem:s0+$0xFFFFFFC0];
	(pc) =	sbr.rel @p0 .LBB2_22-.Ltmp10, $4  }
0x2fc: {  	v27 =	vor.u32 $0x1, v21;
	v15 =	vld [tilespmem:s0+$0xFFFFFFD0]  }
0x2fd: {  	v28 =	vor.u32 $0x2, v21;
	v24 =	vld.idx.msk [tilespmem:v21+s10+$0x0], $0xffff  }
0x2fe: {  	v22 =	vld.idx.msk [tilespmem:v22+s10+$0x0], $0xffff  }
0x2ff: {  	s1 =	sadd.s32 $0x8, s1;
	v25 =	vor.u32 $0x3, v21;
	v23 =	vld.idx.msk [tilespmem:v23+s10+$0x0], $0xffff  }
0x300: {  	_ =	sdelay $0x3  }
0x301: {  	v26 =	vld.idx.msk [tilespmem:v26+s10+$0x0], $0xffff  }
0x302: {  	v27 =	vld.idx.msk [tilespmem:v27+s10+$0x0], $0xffff  }
0x303: {  	v21 =	vor.u32 $0x7, v21;
	v28 =	vld.idx.msk [tilespmem:v28+s10+$0x0], $0xffff  }
0x304: {  	v56 =	vld [tilespmem:s0+$0xFFFFFFE0];
	v19 =	vmul.f32 v19, v24  }
0x305: {  	v25 =	vld.idx.msk [tilespmem:v25+s10+$0x0], $0xffff;
	v20 =	vmul.f32 v20, v24;
	v9 =	vmul.f32 v9, v22  }
0x306: {  	v57 =	vld [tilespmem:s0+$0xFFFFFFF0];
	v10 =	vmul.f32 v10, v22;
	v11 =	vmul.f32 v11, v23  }
0x307: {  	v58 =	vld [tilespmem:s0+$0x60];
	v12 =	vmul.f32 v12, v23;
	v1 =	vadd.f32 v19, v1;
	v13 =	vmul.f32 v13, v26  }
0x308: {  	v2 =	vadd.f32 v20, v2;
	v21 =	vld.idx.msk [tilespmem:v21+s10+$0x0], $0xffff;
	v17 =	vmul.f32 v17, v27;
	v18 =	vmul.f32 v18, v27  }
0x309: {  	v59 =	vld [tilespmem:s0+$0x70];
	v16 =	vmul.f32 v16, v28;
	v15 =	vmul.f32 v15, v28  }
0x30a: {  	v60 =	vmul.f32 v56, v25;
	v1 =	vadd.f32 v9, v1;
	v2 =	vadd.f32 v10, v2  }
0x30b: {  	v61 =	vmul.f32 v57, v25;
	v6 =	vadd.f32 v17, v6;
	v8 =	vadd.f32 v18, v8  }
0x30c: {  	v14 =	vmul.f32 v14, v26;
	v3 =	vadd.f32 v16, v3;
	v7 =	vadd.f32 v60, v7  }
0x30d: {  	v4 =	vadd.f32 v15, v4;
	v5 =	vadd.f32 v61, v5;
	v62 =	vmul.f32 v58, v21  }
0x30e: {  	v6 =	vadd.f32 v11, v6;
	v8 =	vadd.f32 v12, v8;
	v63 =	vmul.f32 v59, v21  }
0x30f: {  	v3 =	vadd.f32 v13, v3;
	v7 =	vadd.f32 v62, v7  }
0x310: {  	v4 =	vadd.f32 v14, v4;
	v5 =	vadd.f32 v63, v5  }
0x311: {  	v1 =	vadd.f32 v6, v1;
	v3 =	vadd.f32 v7, v3  }
0x312: {  	v2 =	vadd.f32 v8, v2;
	v4 =	vadd.f32 v5, v4  }
0x313: {  	v1 =	vadd.f32 v3, v1  }
0x314: {  	v2 =	vadd.f32 v4, v2  }
0x315: {  	v1 =	vmax.f32 v1, $0.0e+00  }
0x316: {  	[tilespmem:$0x1C380] =	vst v1;
	v1 =	vmax.f32 v2, $0.0e+00  }
0x317: {  	s30 =	rddreg [dreg:$0x6];
	s1 =	simm.s32 $0x19C20;
	[tilespmem:$0x1C390] =	vst v1  }
0x318: {  	[hbm4b:s30+s2] =	stream.linear.scatter [tilespmem:s1], [sflag:$0x7], $0x2780, $0x38;
	[tilespmem:$0x1C3A0] =	vst v63  }
0x319: {  	_ =	swait.ge [sflag:s9], $0x2780  }
0x31a: {  	s26 =	sadd.s32 $0x1, s26;
	s31 =	rddreg [dreg:$0x7]  }
0x31b: {  	p0 =	sne.s32 s26, s31  }
.Ltmp11:
0x31c: {  	_ = 	snop;
	(pc) =	sbr.rel @p0 .LBB2_1-.Ltmp11, $3  }
0x31d: {  	_ =	sdelay $0x1  }
0x31e: {  	[sflag:s9] =	ssyncset.done $0x0  }
0x31f: {  	[sflag:s9] =	ssyncadd.s32 $0xFFFFD880  }
0x320: {  	_ =	sfence.sel $0x180000  }
0x321: {  	[bflag:$0x0] =	sbarrier.arrive $0xFFFF  }
0x322: {  	_ =	strace $0x90000047  }
0x323: {  	s0 =	stileid.u32;
	[bflag:$0x2] =	sbarrier.arrive $0xFFFF  }
0x324: {  	p0 =	sne.s32 s0, $0x0;
	s0 =	rddreg [dreg:$0x2]  }
0x325: {  	s0 =	sadd.s32 @!p0 $0x100000, s0  }
0x326: {  	[sflag:s0] =	ssyncadd.tile.s32 @!p0 $0x1;
	_ =	shalt  }
.Lfunc_end2:
_tile_overlayer_lowered:
.L_overlay_start_2:
0x327: {  	(tag) =	ssettag $0x2  }
0x328: {  	s0 =	rddreg [dreg:$0x0];
	s2 =	stileid.u32  }
0x329: {  	s1 =	rddreg [dreg:$0x1];
	p0 =	sne.s32 s2, $0x0  }
0x32a: {  	s3 =	rddreg [dreg:$0x2];
	[bflag:$0x3] =	sbarrier.arrive $0xFFFF;
	s2 =	simm.s32 @!p0 $0x1C07  }
0x32b: {  	[timem:s3], [sflag:s2] =	dma.local @!p0 [hbm:s0], s1  }
0x32c: {  	s0 =	simm.s32 @!p0 $0x7  }
0x32d: {  	_ =	swait.ge @!p0 [sflag:s0], s1  }
0x32e: {  	s1 =	ssub.s32 @!p0 $0x0, s1;
	[sflag:s0] =	ssyncset.done @!p0 $0x0  }
0x32f: {  	[sflag:s0] =	ssyncadd.s32 @!p0 s1  }
0x330: {  	[bflag:$0x3] =	sbarrier.arrive $0xFFFF  }
0x331: {  	_ =	shalt  }

</sc_bundles>
